<compile_context>
chip_gen: v7x
topology: tpu7x:2x2x1
jax: 0.10.2.dev20260603
libtpu: 0.0.44.dev20260713+nightly
codegen_flags: <defaults>
</compile_context>

<pallas_src>
import functools

import jax
import jax.numpy as jnp
from jax import lax
from jax.experimental import pallas as pl
from jax.experimental.pallas import tpu as pltpu
from jax.experimental.pallas import tpu_sc as plsc

VOCAB = 1000000
N_PROMPT = 64
D = 64
DP = 128
REPLACING_ID = 0
LANES = 16
NC, NS = 2, 16
NW = NC * NS
CHUNK = 256
NBUF = 3


def _make_kernel(n_tok: int):
  assert n_tok % (NW * CHUNK) == 0
  per_w = n_tok // NW
  n_groups = per_w // LANES
  n_chunks = per_w // CHUNK

  mesh = plsc.VectorSubcoreMesh(core_axis_name="c", subcore_axis_name="s")

  @functools.partial(
      pl.kernel,
      out_type=jax.ShapeDtypeStruct((n_tok, D), jnp.float32),
      mesh=mesh,
      compiler_params=pltpu.CompilerParams(
          needs_layout_passes=False, use_tc_tiling_on_sc=False),
      scratch_types=[
          pltpu.VMEM((per_w,), jnp.int32),
          pltpu.VMEM((per_w,), jnp.int32),
          pltpu.VMEM((NBUF, CHUNK, DP), jnp.float32),
          pltpu.VMEM((LANES, D), jnp.float32),
          pltpu.SemaphoreType.DMA((NBUF,)),
          pltpu.SemaphoreType.DMA((NBUF,)),
          pltpu.SemaphoreType.DMA,
      ],
  )
  def k(ids_hbm, table_hbm, prompt_hbm, out_hbm, ids_v, idx_v, rows_v,
        prow_v, g_sems, o_sems, p_sem):
    wid = lax.axis_index("s") * NC + lax.axis_index("c")
    base = wid * per_w
    lane = lax.iota(jnp.int32, LANES)

    pltpu.sync_copy(ids_hbm.at[pl.ds(base, per_w)], ids_v)

    def p1(j, pacc):
      ids = ids_v[pl.ds(j * LANES, LANES)]
      is_p = ids >= VOCAB
      idx_v[pl.ds(j * LANES, LANES)] = jnp.where(is_p, REPLACING_ID, ids)
      return pacc + is_p.astype(jnp.int32)

    pacc = lax.fori_loop(0, n_groups, p1, jnp.zeros((LANES,), jnp.int32))
    n_prompt = jnp.sum(pacc)

    def _gather(c, b):
      return pltpu.make_async_copy(
          table_hbm.at[idx_v.at[pl.ds(c * CHUNK, CHUNK)]],
          rows_v.at[b], g_sems.at[b])

    def _out(c, b):
      return pltpu.make_async_copy(
          rows_v.at[b, :, pl.ds(0, D)],
          out_hbm.at[pl.ds(base + c * CHUNK, CHUNK)], o_sems.at[b])

    for c in range(n_chunks):
      b = c % NBUF
      if c >= NBUF:
        _out(c - NBUF, b).wait()
      _gather(c, b).start()
      if c >= 1:
        pb = (c - 1) % NBUF
        _gather(c - 1, pb).wait()
        _out(c - 1, pb).start()
    lb = (n_chunks - 1) % NBUF
    _gather(n_chunks - 1, lb).wait()
    _out(n_chunks - 1, lb).start()
    for c in range(n_chunks - NBUF + 1, n_chunks):
      _out(c, c % NBUF).wait()
    _out(n_chunks - NBUF, (n_chunks - NBUF) % NBUF).wait()

    @pl.when(n_prompt > 0)
    def _prompt_pass():
      @pl.loop(0, n_groups)
      def _p3(j):
        ids = ids_v[pl.ds(j * LANES, LANES)]
        is_p = ids >= VOCAB

        @pl.when(jnp.sum(is_p.astype(jnp.int32)) > 0)
        def _fixup():
          rel = jnp.minimum(ids - VOCAB, N_PROMPT - 1)
          pos = base + j * LANES + lane
          combo = jnp.where(is_p, pos * N_PROMPT + rel, -1)
          fill = jnp.max(combo)
          rel16 = jnp.where(is_p, rel, fill & (N_PROMPT - 1))
          pos16 = jnp.where(is_p, pos, fill >> 6)
          pltpu.async_copy(prompt_hbm.at[rel16], prow_v, p_sem).wait()
          pltpu.async_copy(prow_v, out_hbm.at[pos16], p_sem).wait()

  return k


def kernel(input_ids, labels, table, prompt_table):
  B, L = input_ids.shape
  n_tok = B * L
  ids_flat = input_ids.reshape(n_tok).astype(jnp.int32)
  table_p = jnp.pad(table, ((0, 0), (0, DP - D)))
  out = _make_kernel(n_tok)(ids_flat, table_p, prompt_table)
  return out.reshape(B, L, D)

# --- scband reference (transcript-rebuilt; emitter-appended) ---
"""Pipeline reference for scband-ptuning-wrapper-55104430408193 (READ-ONLY COPY).

The authoritative reference and input builder live on the scoring server;
editing this copy changes nothing except your own understanding.
"""

import jax, jax.numpy as jnp
import numpy as np

VOCAB = 1000000
N_PROMPT = 64
D = 64
B = 16384
L = 20
REPLACING_ID = 0


def setup_inputs(seed: int = 0) -> dict:
    key = jax.random.key(seed)
    k1, k2, k3, k4 = jax.random.split(key, 4)
    input_ids = jax.random.randint(k1, (B, L), 0, VOCAB + N_PROMPT, dtype=jnp.int64) if jax.config.jax_enable_x64 else jax.random.randint(k1, (B, L), 0, VOCAB + N_PROMPT, dtype=jnp.int32)
    labels = jax.random.randint(k2, (B, L), 0, VOCAB, dtype=input_ids.dtype)
    table = jax.random.normal(k3, (VOCAB, D), dtype=jnp.float32) * 0.02
    prompt_table = jax.random.normal(k4, (N_PROMPT, D), dtype=jnp.float32) * 0.02
    return {"input_ids": input_ids, "labels": labels, "table": table, "prompt_table": prompt_table}


def reference(input_ids, labels, table, prompt_table):
    # prompt_token_fn default branch: t >= model vocab size
    prompt_masks = input_ids >= VOCAB
    # replace prompt tokens with replacing_token_id so the base embedding can run
    input_ids_ = jnp.where(prompt_masks, REPLACING_ID, input_ids)
    inputs_embeds = jnp.take(table, input_ids_, axis=0)
    # prompt encoder lookup: relative ids into the (trainable) prompt embedding
    rel_ids = jnp.clip(input_ids - VOCAB, 0, N_PROMPT - 1)
    prompt_embeds = jnp.take(prompt_table, rel_ids, axis=0)
    # scatter-overwrite prompt positions with prompt-encoder embeddings
    inputs_embeds = jnp.where(prompt_masks[..., None], prompt_embeds, inputs_embeds)
    return inputs_embeds

if __name__ == "__main__":
    import jax
    _d = setup_inputs()
    print(jax.jit(kernel)(*tuple(_d.values())))

</pallas_src>

<mosaic_0001>
#map = affine_map<(d0, d1) -> (0)>
#map1 = affine_map<(d0, d1) -> (0, 0)>
module attributes {stable_mosaic.version = 14 : i64} {
  func.func @k(%arg0: i32, %arg1: i32, %arg2: memref<327680xi32, #tpu.memory_space<hbm>>, %arg3: memref<1000000x128xf32, #tpu.memory_space<hbm>>, %arg4: memref<64x64xf32, #tpu.memory_space<hbm>>, %arg5: memref<327680x64xf32, #tpu.memory_space<hbm>>, %arg6: memref<10240xi32, #tpu.memory_space<vmem>>, %arg7: memref<10240xi32, #tpu.memory_space<vmem>>, %arg8: memref<3x256x128xf32, #tpu.memory_space<vmem>>, %arg9: memref<16x64xf32, #tpu.memory_space<vmem>>, %arg10: memref<3x!tpu.dma_semaphore, #tpu.memory_space<semaphore_mem>>, %arg11: memref<3x!tpu.dma_semaphore, #tpu.memory_space<semaphore_mem>>, %arg12: memref<!tpu.dma_semaphore, #tpu.memory_space<semaphore_mem>>) attributes {dimension_semantics = [#tpu.dimension_semantics<core_parallel>, #tpu.dimension_semantics<subcore_parallel>], iteration_bounds = array<i64: 2, 16>, scalar_prefetch = 0 : i64, scratch_operands = 7 : i64, tpu.core_type = #tpu.core_type<sc_vector_subcore>, window_params = [{transform_indices = #map}, {transform_indices = #map1}, {transform_indices = #map1}, {transform_indices = #map1}]} {
    %mul3A = arith.constant 2 : i32
    %mul3A_0 = arith.muli %arg1, %mul3A : i32
    %add3A = arith.addi %mul3A_0, %arg0 : i32
    %mul3A_1 = arith.constant 10240 : i32
    %mul3A_2 = arith.muli %add3A, %mul3A_1 : i32
    %iota3A = tpu.iota {dimensions = array<i32: 0>} : vector<16xi32>
    "tpu.region"() ({
      %run_scoped3A = tpu.sem_alloc : memref<!tpu.dma_semaphore, #tpu.memory_space<semaphore_mem>>
      %dma_start3A_2492 = tpu.memref_slice %arg2[%mul3A_2] : memref<327680xi32, #tpu.memory_space<hbm>> -> memref<10240xi32, #tpu.memory_space<hbm>>
      %dma_start3A_2493 = tpu.memref_slice %arg2[%mul3A_2] : memref<327680xi32, #tpu.memory_space<hbm>> -> memref<10240xi32, #tpu.memory_space<hbm>>
      tpu.enqueue_dma source(%dma_start3A_2493 : memref<10240xi32, #tpu.memory_space<hbm>>) target(%arg6 : memref<10240xi32, #tpu.memory_space<vmem>>) target_semaphore(%run_scoped3A : memref<!tpu.dma_semaphore, #tpu.memory_space<semaphore_mem>>)
      %dma_wait3A_2494 = tpu.memref_slice %arg2[%mul3A_2] : memref<327680xi32, #tpu.memory_space<hbm>> -> memref<10240xi32, #tpu.memory_space<hbm>>
      %dma_wait3A_2495 = tpu.memref_slice %arg2[%mul3A_2] : memref<327680xi32, #tpu.memory_space<hbm>> -> memref<10240xi32, #tpu.memory_space<hbm>>
      tpu.wait_dma2 semaphore(%run_scoped3A : memref<!tpu.dma_semaphore, #tpu.memory_space<semaphore_mem>>) src(%dma_wait3A_2495 : memref<10240xi32, #tpu.memory_space<hbm>>) dst(%arg6 : memref<10240xi32, #tpu.memory_space<vmem>>)
      tpu.yield
    }) : () -> ()
    %broadcast_in_dim3A = arith.constant 0 : i32
    %broadcast_in_dim3A_3 = vector.broadcast %broadcast_in_dim3A : i32 to vector<16xi32>
    %scan3A = arith.constant 0 : i32
    %scan3A_4 = arith.constant 640 : i32
    %scan3A_5 = arith.addi %scan3A, %scan3A_4 : i32
    %scan3A_6 = arith.constant 1 : i32
    %scan3A_7 = scf.for %scan3A_2492 = %scan3A to %scan3A_5 step %scan3A_6 iter_args(%scan3A_2493 = %broadcast_in_dim3A_3) -> (vector<16xi32>)  : i32 {
      %mul3A_2494 = arith.constant 16 : i32
      %mul3A_2495 = arith.muli %scan3A_2492, %mul3A_2494 : i32
      %get3A = arith.index_cast %mul3A_2495 : i32 to index
      %get3A_2496 = tpu.vector_load %arg6[%get3A] {strides = array<i32>} : memref<10240xi32, #tpu.memory_space<vmem>>, vector<16xi32>,
      %ge3A = arith.constant 1000000 : i32
      %ge3A_2497 = vector.broadcast %ge3A : i32 to vector<16xi32>
      %ge3A_2498 = arith.cmpi sge, %get3A_2496, %ge3A_2497 : vector<16xi32>
      %jit3A = arith.constant 0 : i32
      %broadcast_in_dim3A_2499 = vector.broadcast %jit3A : i32 to vector<16xi32>
      %select_n3A = arith.select %ge3A_2498, %broadcast_in_dim3A_2499, %get3A_2496 : vector<16xi1>, vector<16xi32>
      %mul3A_2500 = arith.constant 16 : i32
      %mul3A_2501 = arith.muli %scan3A_2492, %mul3A_2500 : i32
      %swap3A = arith.index_cast %mul3A_2501 : i32 to index
      %swap3A_2502 = tpu.vector_load %arg7[%swap3A] {strides = array<i32>} : memref<10240xi32, #tpu.memory_space<vmem>>, vector<16xi32>,
      tpu.vector_store %arg7[%swap3A], %select_n3A {strides = array<i32>} : memref<10240xi32, #tpu.memory_space<vmem>>, vector<16xi32>,
      %convert_element_type3A_2503 = arith.extui %ge3A_2498 : vector<16xi1> to vector<16xi32>
      %add3A_2504 = arith.addi %scan3A_2493, %convert_element_type3A_2503 : vector<16xi32>
      scf.yield %add3A_2504 : vector<16xi32>
    }
    %scan3A_8 = arith.constant 640 : i32
    %reduce_sum3A = arith.constant true
    %reduce_sum3A_9 = vector.broadcast %reduce_sum3A : i1 to vector<16xi1>
    %reduce_sum3A_10 = tpu.scan <sum>, %scan3A_7 masked %reduce_sum3A_9 : vector<16xi32>, vector<16xi1> -> vector<16xi32>
    %reduce_sum3A_11 = vector.extract %reduce_sum3A_10[15] : i32 from vector<16xi32>
    %dma_start3A = arith.constant 0 : i32
    %dma_start3A_12 = arith.constant 0 : i32
    %dma_start3A_13 = arith.constant 0 : i32
    %dma_start3A_14 = arith.constant 0 : i32
    %dma_start3A_15 = tpu.memref_slice %arg8[%dma_start3A, %dma_start3A_13, %dma_start3A_14] : memref<3x256x128xf32, #tpu.memory_space<vmem>> -> memref<1x256x128xf32, #tpu.memory_space<vmem>>
    %dma_start3A_16 = tpu.memref_squeeze %dma_start3A_15 : memref<1x256x128xf32, #tpu.memory_space<vmem>> -> memref<256x128xf32, #tpu.memory_space<vmem>>
    %dma_start3A_17 = arith.constant 0 : i32
    %dma_start3A_18 = tpu.memref_slice %arg7[%dma_start3A_17] : memref<10240xi32, #tpu.memory_space<vmem>> -> memref<256xi32, #tpu.memory_space<vmem>>
    %dma_start3A_19 = arith.constant 0 : i32
    %dma_start3A_20 = arith.constant 0 : i32
    %dma_start3A_21 = tpu.memref_slice %arg3[%dma_start3A_19, %dma_start3A_20] : memref<1000000x128xf32, #tpu.memory_space<hbm>> -> memref<1000000x128xf32, #tpu.memory_space<hbm>>
    %dma_start3A_22 = tpu.memref_slice %arg10[%dma_start3A_12] : memref<3x!tpu.dma_semaphore, #tpu.memory_space<semaphore_mem>> -> memref<1x!tpu.dma_semaphore, #tpu.memory_space<semaphore_mem>>
    %dma_start3A_23 = tpu.memref_squeeze %dma_start3A_22 : memref<1x!tpu.dma_semaphore, #tpu.memory_space<semaphore_mem>> -> memref<!tpu.dma_semaphore, #tpu.memory_space<semaphore_mem>>
    tpu.enqueue_indirect_dma source(%dma_start3A_21 : memref<1000000x128xf32, #tpu.memory_space<hbm>>) target(%dma_start3A_16 : memref<256x128xf32, #tpu.memory_space<vmem>>) offsets(%dma_start3A_18 : memref<256xi32, #tpu.memory_space<vmem>>) semaphore(%dma_start3A_23 : memref<!tpu.dma_semaphore, #tpu.memory_space<semaphore_mem>>)
    %dma_start3A_24 = arith.constant 1 : i32
    %dma_start3A_25 = arith.constant 1 : i32
    %dma_start3A_26 = arith.constant 0 : i32
    %dma_start3A_27 = arith.constant 0 : i32
    %dma_start3A_28 = tpu.memref_slice %arg8[%dma_start3A_24, %dma_start3A_26, %dma_start3A_27] : memref<3x256x128xf32, #tpu.memory_space<vmem>> -> memref<1x256x128xf32, #tpu.memory_space<vmem>>
    %dma_start3A_29 = tpu.memref_squeeze %dma_start3A_28 : memref<1x256x128xf32, #tpu.memory_space<vmem>> -> memref<256x128xf32, #tpu.memory_space<vmem>>
    %dma_start3A_30 = arith.constant 256 : i32
    %dma_start3A_31 = tpu.memref_slice %arg7[%dma_start3A_30] : memref<10240xi32, #tpu.memory_space<vmem>> -> memref<256xi32, #tpu.memory_space<vmem>>
    %dma_start3A_32 = arith.constant 0 : i32
    %dma_start3A_33 = arith.constant 0 : i32
    %dma_start3A_34 = tpu.memref_slice %arg3[%dma_start3A_32, %dma_start3A_33] : memref<1000000x128xf32, #tpu.memory_space<hbm>> -> memref<1000000x128xf32, #tpu.memory_space<hbm>>
    %dma_start3A_35 = tpu.memref_slice %arg10[%dma_start3A_25] : memref<3x!tpu.dma_semaphore, #tpu.memory_space<semaphore_mem>> -> memref<1x!tpu.dma_semaphore, #tpu.memory_space<semaphore_mem>>
    %dma_start3A_36 = tpu.memref_squeeze %dma_start3A_35 : memref<1x!tpu.dma_semaphore, #tpu.memory_space<semaphore_mem>> -> memref<!tpu.dma_semaphore, #tpu.memory_space<semaphore_mem>>
    tpu.enqueue_indirect_dma source(%dma_start3A_34 : memref<1000000x128xf32, #tpu.memory_space<hbm>>) target(%dma_start3A_29 : memref<256x128xf32, #tpu.memory_space<vmem>>) offsets(%dma_start3A_31 : memref<256xi32, #tpu.memory_space<vmem>>) semaphore(%dma_start3A_36 : memref<!tpu.dma_semaphore, #tpu.memory_space<semaphore_mem>>)
    %dma_wait3A = arith.constant 0 : i32
    %dma_wait3A_37 = arith.constant 0 : i32
    %dma_wait3A_38 = arith.constant 0 : i32
    %dma_wait3A_39 = arith.constant 0 : i32
    %dma_wait3A_40 = tpu.memref_slice %arg8[%dma_wait3A, %dma_wait3A_38, %dma_wait3A_39] : memref<3x256x128xf32, #tpu.memory_space<vmem>> -> memref<1x256x128xf32, #tpu.memory_space<vmem>>
    %dma_wait3A_41 = tpu.memref_squeeze %dma_wait3A_40 : memref<1x256x128xf32, #tpu.memory_space<vmem>> -> memref<256x128xf32, #tpu.memory_space<vmem>>
    %dma_wait3A_42 = arith.constant 0 : i32
    %dma_wait3A_43 = tpu.memref_slice %arg7[%dma_wait3A_42] : memref<10240xi32, #tpu.memory_space<vmem>> -> memref<256xi32, #tpu.memory_space<vmem>>
    %dma_wait3A_44 = arith.constant 0 : i32
    %dma_wait3A_45 = arith.constant 0 : i32
    %dma_wait3A_46 = tpu.memref_slice %arg3[%dma_wait3A_44, %dma_wait3A_45] : memref<1000000x128xf32, #tpu.memory_space<hbm>> -> memref<1000000x128xf32, #tpu.memory_space<hbm>>
    %dma_wait3A_47 = tpu.memref_slice %arg10[%dma_wait3A_37] : memref<3x!tpu.dma_semaphore, #tpu.memory_space<semaphore_mem>> -> memref<1x!tpu.dma_semaphore, #tpu.memory_space<semaphore_mem>>
    %dma_wait3A_48 = tpu.memref_squeeze %dma_wait3A_47 : memref<1x!tpu.dma_semaphore, #tpu.memory_space<semaphore_mem>> -> memref<!tpu.dma_semaphore, #tpu.memory_space<semaphore_mem>>
    tpu.wait_indirect_dma semaphore(%dma_wait3A_48 : memref<!tpu.dma_semaphore, #tpu.memory_space<semaphore_mem>>) src(%dma_wait3A_46 : memref<1000000x128xf32, #tpu.memory_space<hbm>>) dst(%dma_wait3A_41 : memref<256x128xf32, #tpu.memory_space<vmem>>)
    %add3A_49 = arith.constant 0 : i32
    %add3A_50 = arith.addi %mul3A_2, %add3A_49 : i32
    %dma_start3A_51 = arith.constant 0 : i32
    %dma_start3A_52 = arith.constant 0 : i32
    %dma_start3A_53 = arith.constant 0 : i32
    %dma_start3A_54 = arith.constant 0 : i32
    %dma_start3A_55 = tpu.memref_slice %arg8[%dma_start3A_51, %dma_start3A_53, %dma_start3A_54] : memref<3x256x128xf32, #tpu.memory_space<vmem>> -> memref<1x256x64xf32, #tpu.memory_space<vmem>>
    %dma_start3A_56 = tpu.memref_squeeze %dma_start3A_55 : memref<1x256x64xf32, #tpu.memory_space<vmem>> -> memref<256x64xf32, #tpu.memory_space<vmem>>
    %dma_start3A_57 = arith.constant 0 : i32
    %dma_start3A_58 = tpu.memref_slice %arg5[%add3A_50, %dma_start3A_57] : memref<327680x64xf32, #tpu.memory_space<hbm>> -> memref<256x64xf32, #tpu.memory_space<hbm>>
    %dma_start3A_59 = tpu.memref_slice %arg11[%dma_start3A_52] : memref<3x!tpu.dma_semaphore, #tpu.memory_space<semaphore_mem>> -> memref<1x!tpu.dma_semaphore, #tpu.memory_space<semaphore_mem>>
    %dma_start3A_60 = tpu.memref_squeeze %dma_start3A_59 : memref<1x!tpu.dma_semaphore, #tpu.memory_space<semaphore_mem>> -> memref<!tpu.dma_semaphore, #tpu.memory_space<semaphore_mem>>
    %dma_start3A_61 = arith.constant 0 : i32
    %dma_start3A_62 = tpu.memref_slice %arg5[%add3A_50, %dma_start3A_61] : memref<327680x64xf32, #tpu.memory_space<hbm>> -> memref<256x64xf32, #tpu.memory_space<hbm>>
    %dma_start3A_63 = arith.constant 0 : i32
    %dma_start3A_64 = arith.constant 0 : i32
    %dma_start3A_65 = tpu.memref_slice %arg8[%dma_start3A_51, %dma_start3A_63, %dma_start3A_64] : memref<3x256x128xf32, #tpu.memory_space<vmem>> -> memref<1x256x64xf32, #tpu.memory_space<vmem>>
    %dma_start3A_66 = tpu.memref_squeeze %dma_start3A_65 : memref<1x256x64xf32, #tpu.memory_space<vmem>> -> memref<256x64xf32, #tpu.memory_space<vmem>>
    tpu.enqueue_dma source(%dma_start3A_66 : memref<256x64xf32, #tpu.memory_space<vmem>>) target(%dma_start3A_62 : memref<256x64xf32, #tpu.memory_space<hbm>>) target_semaphore(%dma_start3A_60 : memref<!tpu.dma_semaphore, #tpu.memory_space<semaphore_mem>>)
    %dma_start3A_67 = arith.constant 2 : i32
    %dma_start3A_68 = arith.constant 2 : i32
    %dma_start3A_69 = arith.constant 0 : i32
    %dma_start3A_70 = arith.constant 0 : i32
    %dma_start3A_71 = tpu.memref_slice %arg8[%dma_start3A_67, %dma_start3A_69, %dma_start3A_70] : memref<3x256x128xf32, #tpu.memory_space<vmem>> -> memref<1x256x128xf32, #tpu.memory_space<vmem>>
    %dma_start3A_72 = tpu.memref_squeeze %dma_start3A_71 : memref<1x256x128xf32, #tpu.memory_space<vmem>> -> memref<256x128xf32, #tpu.memory_space<vmem>>
    %dma_start3A_73 = arith.constant 512 : i32
    %dma_start3A_74 = tpu.memref_slice %arg7[%dma_start3A_73] : memref<10240xi32, #tpu.memory_space<vmem>> -> memref<256xi32, #tpu.memory_space<vmem>>
    %dma_start3A_75 = arith.constant 0 : i32
    %dma_start3A_76 = arith.constant 0 : i32
    %dma_start3A_77 = tpu.memref_slice %arg3[%dma_start3A_75, %dma_start3A_76] : memref<1000000x128xf32, #tpu.memory_space<hbm>> -> memref<1000000x128xf32, #tpu.memory_space<hbm>>
    %dma_start3A_78 = tpu.memref_slice %arg10[%dma_start3A_68] : memref<3x!tpu.dma_semaphore, #tpu.memory_space<semaphore_mem>> -> memref<1x!tpu.dma_semaphore, #tpu.memory_space<semaphore_mem>>
    %dma_start3A_79 = tpu.memref_squeeze %dma_start3A_78 : memref<1x!tpu.dma_semaphore, #tpu.memory_space<semaphore_mem>> -> memref<!tpu.dma_semaphore, #tpu.memory_space<semaphore_mem>>
    tpu.enqueue_indirect_dma source(%dma_start3A_77 : memref<1000000x128xf32, #tpu.memory_space<hbm>>) target(%dma_start3A_72 : memref<256x128xf32, #tpu.memory_space<vmem>>) offsets(%dma_start3A_74 : memref<256xi32, #tpu.memory_space<vmem>>) semaphore(%dma_start3A_79 : memref<!tpu.dma_semaphore, #tpu.memory_space<semaphore_mem>>)
    %dma_wait3A_80 = arith.constant 1 : i32
    %dma_wait3A_81 = arith.constant 1 : i32
    %dma_wait3A_82 = arith.constant 0 : i32
    %dma_wait3A_83 = arith.constant 0 : i32
    %dma_wait3A_84 = tpu.memref_slice %arg8[%dma_wait3A_80, %dma_wait3A_82, %dma_wait3A_83] : memref<3x256x128xf32, #tpu.memory_space<vmem>> -> memref<1x256x128xf32, #tpu.memory_space<vmem>>
    %dma_wait3A_85 = tpu.memref_squeeze %dma_wait3A_84 : memref<1x256x128xf32, #tpu.memory_space<vmem>> -> memref<256x128xf32, #tpu.memory_space<vmem>>
    %dma_wait3A_86 = arith.constant 256 : i32
    %dma_wait3A_87 = tpu.memref_slice %arg7[%dma_wait3A_86] : memref<10240xi32, #tpu.memory_space<vmem>> -> memref<256xi32, #tpu.memory_space<vmem>>
    %dma_wait3A_88 = arith.constant 0 : i32
    %dma_wait3A_89 = arith.constant 0 : i32
    %dma_wait3A_90 = tpu.memref_slice %arg3[%dma_wait3A_88, %dma_wait3A_89] : memref<1000000x128xf32, #tpu.memory_space<hbm>> -> memref<1000000x128xf32, #tpu.memory_space<hbm>>
    %dma_wait3A_91 = tpu.memref_slice %arg10[%dma_wait3A_81] : memref<3x!tpu.dma_semaphore, #tpu.memory_space<semaphore_mem>> -> memref<1x!tpu.dma_semaphore, #tpu.memory_space<semaphore_mem>>
    %dma_wait3A_92 = tpu.memref_squeeze %dma_wait3A_91 : memref<1x!tpu.dma_semaphore, #tpu.memory_space<semaphore_mem>> -> memref<!tpu.dma_semaphore, #tpu.memory_space<semaphore_mem>>
    tpu.wait_indirect_dma semaphore(%dma_wait3A_92 : memref<!tpu.dma_semaphore, #tpu.memory_space<semaphore_mem>>) src(%dma_wait3A_90 : memref<1000000x128xf32, #tpu.memory_space<hbm>>) dst(%dma_wait3A_85 : memref<256x128xf32, #tpu.memory_space<vmem>>)
    %add3A_93 = arith.constant 256 : i32
    %add3A_94 = arith.addi %mul3A_2, %add3A_93 : i32
    %dma_start3A_95 = arith.constant 1 : i32
    %dma_start3A_96 = arith.constant 1 : i32
    %dma_start3A_97 = arith.constant 0 : i32
    %dma_start3A_98 = arith.constant 0 : i32
    %dma_start3A_99 = tpu.memref_slice %arg8[%dma_start3A_95, %dma_start3A_97, %dma_start3A_98] : memref<3x256x128xf32, #tpu.memory_space<vmem>> -> memref<1x256x64xf32, #tpu.memory_space<vmem>>
    %dma_start3A_100 = tpu.memref_squeeze %dma_start3A_99 : memref<1x256x64xf32, #tpu.memory_space<vmem>> -> memref<256x64xf32, #tpu.memory_space<vmem>>
    %dma_start3A_101 = arith.constant 0 : i32
    %dma_start3A_102 = tpu.memref_slice %arg5[%add3A_94, %dma_start3A_101] : memref<327680x64xf32, #tpu.memory_space<hbm>> -> memref<256x64xf32, #tpu.memory_space<hbm>>
    %dma_start3A_103 = tpu.memref_slice %arg11[%dma_start3A_96] : memref<3x!tpu.dma_semaphore, #tpu.memory_space<semaphore_mem>> -> memref<1x!tpu.dma_semaphore, #tpu.memory_space<semaphore_mem>>
    %dma_start3A_104 = tpu.memref_squeeze %dma_start3A_103 : memref<1x!tpu.dma_semaphore, #tpu.memory_space<semaphore_mem>> -> memref<!tpu.dma_semaphore, #tpu.memory_space<semaphore_mem>>
    %dma_start3A_105 = arith.constant 0 : i32
    %dma_start3A_106 = tpu.memref_slice %arg5[%add3A_94, %dma_start3A_105] : memref<327680x64xf32, #tpu.memory_space<hbm>> -> memref<256x64xf32, #tpu.memory_space<hbm>>
    %dma_start3A_107 = arith.constant 0 : i32
    %dma_start3A_108 = arith.constant 0 : i32
    %dma_start3A_109 = tpu.memref_slice %arg8[%dma_start3A_95, %dma_start3A_107, %dma_start3A_108] : memref<3x256x128xf32, #tpu.memory_space<vmem>> -> memref<1x256x64xf32, #tpu.memory_space<vmem>>
    %dma_start3A_110 = tpu.memref_squeeze %dma_start3A_109 : memref<1x256x64xf32, #tpu.memory_space<vmem>> -> memref<256x64xf32, #tpu.memory_space<vmem>>
    tpu.enqueue_dma source(%dma_start3A_110 : memref<256x64xf32, #tpu.memory_space<vmem>>) target(%dma_start3A_106 : memref<256x64xf32, #tpu.memory_space<hbm>>) target_semaphore(%dma_start3A_104 : memref<!tpu.dma_semaphore, #tpu.memory_space<semaphore_mem>>)
    %add3A_111 = arith.constant 0 : i32
    %add3A_112 = arith.addi %mul3A_2, %add3A_111 : i32
    %dma_wait3A_113 = arith.constant 0 : i32
    %dma_wait3A_114 = arith.constant 0 : i32
    %dma_wait3A_115 = arith.constant 0 : i32
    %dma_wait3A_116 = arith.constant 0 : i32
    %dma_wait3A_117 = tpu.memref_slice %arg8[%dma_wait3A_113, %dma_wait3A_115, %dma_wait3A_116] : memref<3x256x128xf32, #tpu.memory_space<vmem>> -> memref<1x256x64xf32, #tpu.memory_space<vmem>>
    %dma_wait3A_118 = tpu.memref_squeeze %dma_wait3A_117 : memref<1x256x64xf32, #tpu.memory_space<vmem>> -> memref<256x64xf32, #tpu.memory_space<vmem>>
    %dma_wait3A_119 = arith.constant 0 : i32
    %dma_wait3A_120 = tpu.memref_slice %arg5[%add3A_112, %dma_wait3A_119] : memref<327680x64xf32, #tpu.memory_space<hbm>> -> memref<256x64xf32, #tpu.memory_space<hbm>>
    %dma_wait3A_121 = tpu.memref_slice %arg11[%dma_wait3A_114] : memref<3x!tpu.dma_semaphore, #tpu.memory_space<semaphore_mem>> -> memref<1x!tpu.dma_semaphore, #tpu.memory_space<semaphore_mem>>
    %dma_wait3A_122 = tpu.memref_squeeze %dma_wait3A_121 : memref<1x!tpu.dma_semaphore, #tpu.memory_space<semaphore_mem>> -> memref<!tpu.dma_semaphore, #tpu.memory_space<semaphore_mem>>
    %dma_wait3A_123 = arith.constant 0 : i32
    %dma_wait3A_124 = tpu.memref_slice %arg5[%add3A_112, %dma_wait3A_123] : memref<327680x64xf32, #tpu.memory_space<hbm>> -> memref<256x64xf32, #tpu.memory_space<hbm>>
    %dma_wait3A_125 = arith.constant 0 : i32
    %dma_wait3A_126 = arith.constant 0 : i32
    %dma_wait3A_127 = tpu.memref_slice %arg8[%dma_wait3A_113, %dma_wait3A_125, %dma_wait3A_126] : memref<3x256x128xf32, #tpu.memory_space<vmem>> -> memref<1x256x64xf32, #tpu.memory_space<vmem>>
    %dma_wait3A_128 = tpu.memref_squeeze %dma_wait3A_127 : memref<1x256x64xf32, #tpu.memory_space<vmem>> -> memref<256x64xf32, #tpu.memory_space<vmem>>
    tpu.wait_dma2 semaphore(%dma_wait3A_122 : memref<!tpu.dma_semaphore, #tpu.memory_space<semaphore_mem>>) src(%dma_wait3A_128 : memref<256x64xf32, #tpu.memory_space<vmem>>) dst(%dma_wait3A_124 : memref<256x64xf32, #tpu.memory_space<hbm>>)
    %dma_start3A_129 = arith.constant 0 : i32
    %dma_start3A_130 = arith.constant 0 : i32
    %dma_start3A_131 = arith.constant 0 : i32
    %dma_start3A_132 = arith.constant 0 : i32
    %dma_start3A_133 = tpu.memref_slice %arg8[%dma_start3A_129, %dma_start3A_131, %dma_start3A_132] : memref<3x256x128xf32, #tpu.memory_space<vmem>> -> memref<1x256x128xf32, #tpu.memory_space<vmem>>
    %dma_start3A_134 = tpu.memref_squeeze %dma_start3A_133 : memref<1x256x128xf32, #tpu.memory_space<vmem>> -> memref<256x128xf32, #tpu.memory_space<vmem>>
    %dma_start3A_135 = arith.constant 768 : i32
    %dma_start3A_136 = tpu.memref_slice %arg7[%dma_start3A_135] : memref<10240xi32, #tpu.memory_space<vmem>> -> memref<256xi32, #tpu.memory_space<vmem>>
    %dma_start3A_137 = arith.constant 0 : i32
    %dma_start3A_138 = arith.constant 0 : i32
    %dma_start3A_139 = tpu.memref_slice %arg3[%dma_start3A_137, %dma_start3A_138] : memref<1000000x128xf32, #tpu.memory_space<hbm>> -> memref<1000000x128xf32, #tpu.memory_space<hbm>>
    %dma_start3A_140 = tpu.memref_slice %arg10[%dma_start3A_130] : memref<3x!tpu.dma_semaphore, #tpu.memory_space<semaphore_mem>> -> memref<1x!tpu.dma_semaphore, #tpu.memory_space<semaphore_mem>>
    %dma_start3A_141 = tpu.memref_squeeze %dma_start3A_140 : memref<1x!tpu.dma_semaphore, #tpu.memory_space<semaphore_mem>> -> memref<!tpu.dma_semaphore, #tpu.memory_space<semaphore_mem>>
    tpu.enqueue_indirect_dma source(%dma_start3A_139 : memref<1000000x128xf32, #tpu.memory_space<hbm>>) target(%dma_start3A_134 : memref<256x128xf32, #tpu.memory_space<vmem>>) offsets(%dma_start3A_136 : memref<256xi32, #tpu.memory_space<vmem>>) semaphore(%dma_start3A_141 : memref<!tpu.dma_semaphore, #tpu.memory_space<semaphore_mem>>)
    %dma_wait3A_142 = arith.constant 2 : i32
    %dma_wait3A_143 = arith.constant 2 : i32
    %dma_wait3A_144 = arith.constant 0 : i32
    %dma_wait3A_145 = arith.constant 0 : i32
    %dma_wait3A_146 = tpu.memref_slice %arg8[%dma_wait3A_142, %dma_wait3A_144, %dma_wait3A_145] : memref<3x256x128xf32, #tpu.memory_space<vmem>> -> memref<1x256x128xf32, #tpu.memory_space<vmem>>
    %dma_wait3A_147 = tpu.memref_squeeze %dma_wait3A_146 : memref<1x256x128xf32, #tpu.memory_space<vmem>> -> memref<256x128xf32, #tpu.memory_space<vmem>>
    %dma_wait3A_148 = arith.constant 512 : i32
    %dma_wait3A_149 = tpu.memref_slice %arg7[%dma_wait3A_148] : memref<10240xi32, #tpu.memory_space<vmem>> -> memref<256xi32, #tpu.memory_space<vmem>>
    %dma_wait3A_150 = arith.constant 0 : i32
    %dma_wait3A_151 = arith.constant 0 : i32
    %dma_wait3A_152 = tpu.memref_slice %arg3[%dma_wait3A_150, %dma_wait3A_151] : memref<1000000x128xf32, #tpu.memory_space<hbm>> -> memref<1000000x128xf32, #tpu.memory_space<hbm>>
    %dma_wait3A_153 = tpu.memref_slice %arg10[%dma_wait3A_143] : memref<3x!tpu.dma_semaphore, #tpu.memory_space<semaphore_mem>> -> memref<1x!tpu.dma_semaphore, #tpu.memory_space<semaphore_mem>>
    %dma_wait3A_154 = tpu.memref_squeeze %dma_wait3A_153 : memref<1x!tpu.dma_semaphore, #tpu.memory_space<semaphore_mem>> -> memref<!tpu.dma_semaphore, #tpu.memory_space<semaphore_mem>>
    tpu.wait_indirect_dma semaphore(%dma_wait3A_154 : memref<!tpu.dma_semaphore, #tpu.memory_space<semaphore_mem>>) src(%dma_wait3A_152 : memref<1000000x128xf32, #tpu.memory_space<hbm>>) dst(%dma_wait3A_147 : memref<256x128xf32, #tpu.memory_space<vmem>>)
    %add3A_155 = arith.constant 512 : i32
    %add3A_156 = arith.addi %mul3A_2, %add3A_155 : i32
    %dma_start3A_157 = arith.constant 2 : i32
    %dma_start3A_158 = arith.constant 2 : i32
    %dma_start3A_159 = arith.constant 0 : i32
    %dma_start3A_160 = arith.constant 0 : i32
    %dma_start3A_161 = tpu.memref_slice %arg8[%dma_start3A_157, %dma_start3A_159, %dma_start3A_160] : memref<3x256x128xf32, #tpu.memory_space<vmem>> -> memref<1x256x64xf32, #tpu.memory_space<vmem>>
    %dma_start3A_162 = tpu.memref_squeeze %dma_start3A_161 : memref<1x256x64xf32, #tpu.memory_space<vmem>> -> memref<256x64xf32, #tpu.memory_space<vmem>>
    %dma_start3A_163 = arith.constant 0 : i32
    %dma_start3A_164 = tpu.memref_slice %arg5[%add3A_156, %dma_start3A_163] : memref<327680x64xf32, #tpu.memory_space<hbm>> -> memref<256x64xf32, #tpu.memory_space<hbm>>
    %dma_start3A_165 = tpu.memref_slice %arg11[%dma_start3A_158] : memref<3x!tpu.dma_semaphore, #tpu.memory_space<semaphore_mem>> -> memref<1x!tpu.dma_semaphore, #tpu.memory_space<semaphore_mem>>
    %dma_start3A_166 = tpu.memref_squeeze %dma_start3A_165 : memref<1x!tpu.dma_semaphore, #tpu.memory_space<semaphore_mem>> -> memref<!tpu.dma_semaphore, #tpu.memory_space<semaphore_mem>>
    %dma_start3A_167 = arith.constant 0 : i32
    %dma_start3A_168 = tpu.memref_slice %arg5[%add3A_156, %dma_start3A_167] : memref<327680x64xf32, #tpu.memory_space<hbm>> -> memref<256x64xf32, #tpu.memory_space<hbm>>
    %dma_start3A_169 = arith.constant 0 : i32
    %dma_start3A_170 = arith.constant 0 : i32
    %dma_start3A_171 = tpu.memref_slice %arg8[%dma_start3A_157, %dma_start3A_169, %dma_start3A_170] : memref<3x256x128xf32, #tpu.memory_space<vmem>> -> memref<1x256x64xf32, #tpu.memory_space<vmem>>
    %dma_start3A_172 = tpu.memref_squeeze %dma_start3A_171 : memref<1x256x64xf32, #tpu.memory_space<vmem>> -> memref<256x64xf32, #tpu.memory_space<vmem>>
    tpu.enqueue_dma source(%dma_start3A_172 : memref<256x64xf32, #tpu.memory_space<vmem>>) target(%dma_start3A_168 : memref<256x64xf32, #tpu.memory_space<hbm>>) target_semaphore(%dma_start3A_166 : memref<!tpu.dma_semaphore, #tpu.memory_space<semaphore_mem>>)
    %add3A_173 = arith.constant 256 : i32
    %add3A_174 = arith.addi %mul3A_2, %add3A_173 : i32
    %dma_wait3A_175 = arith.constant 1 : i32
    %dma_wait3A_176 = arith.constant 1 : i32
    %dma_wait3A_177 = arith.constant 0 : i32
    %dma_wait3A_178 = arith.constant 0 : i32
    %dma_wait3A_179 = tpu.memref_slice %arg8[%dma_wait3A_175, %dma_wait3A_177, %dma_wait3A_178] : memref<3x256x128xf32, #tpu.memory_space<vmem>> -> memref<1x256x64xf32, #tpu.memory_space<vmem>>
    %dma_wait3A_180 = tpu.memref_squeeze %dma_wait3A_179 : memref<1x256x64xf32, #tpu.memory_space<vmem>> -> memref<256x64xf32, #tpu.memory_space<vmem>>
    %dma_wait3A_181 = arith.constant 0 : i32
    %dma_wait3A_182 = tpu.memref_slice %arg5[%add3A_174, %dma_wait3A_181] : memref<327680x64xf32, #tpu.memory_space<hbm>> -> memref<256x64xf32, #tpu.memory_space<hbm>>
    %dma_wait3A_183 = tpu.memref_slice %arg11[%dma_wait3A_176] : memref<3x!tpu.dma_semaphore, #tpu.memory_space<semaphore_mem>> -> memref<1x!tpu.dma_semaphore, #tpu.memory_space<semaphore_mem>>
    %dma_wait3A_184 = tpu.memref_squeeze %dma_wait3A_183 : memref<1x!tpu.dma_semaphore, #tpu.memory_space<semaphore_mem>> -> memref<!tpu.dma_semaphore, #tpu.memory_space<semaphore_mem>>
    %dma_wait3A_185 = arith.constant 0 : i32
    %dma_wait3A_186 = tpu.memref_slice %arg5[%add3A_174, %dma_wait3A_185] : memref<327680x64xf32, #tpu.memory_space<hbm>> -> memref<256x64xf32, #tpu.memory_space<hbm>>
    %dma_wait3A_187 = arith.constant 0 : i32
    %dma_wait3A_188 = arith.constant 0 : i32
    %dma_wait3A_189 = tpu.memref_slice %arg8[%dma_wait3A_175, %dma_wait3A_187, %dma_wait3A_188] : memref<3x256x128xf32, #tpu.memory_space<vmem>> -> memref<1x256x64xf32, #tpu.memory_space<vmem>>
    %dma_wait3A_190 = tpu.memref_squeeze %dma_wait3A_189 : memref<1x256x64xf32, #tpu.memory_space<vmem>> -> memref<256x64xf32, #tpu.memory_space<vmem>>
    tpu.wait_dma2 semaphore(%dma_wait3A_184 : memref<!tpu.dma_semaphore, #tpu.memory_space<semaphore_mem>>) src(%dma_wait3A_190 : memref<256x64xf32, #tpu.memory_space<vmem>>) dst(%dma_wait3A_186 : memref<256x64xf32, #tpu.memory_space<hbm>>)
    %dma_start3A_191 = arith.constant 1 : i32
    %dma_start3A_192 = arith.constant 1 : i32
    %dma_start3A_193 = arith.constant 0 : i32
    %dma_start3A_194 = arith.constant 0 : i32
    %dma_start3A_195 = tpu.memref_slice %arg8[%dma_start3A_191, %dma_start3A_193, %dma_start3A_194] : memref<3x256x128xf32, #tpu.memory_space<vmem>> -> memref<1x256x128xf32, #tpu.memory_space<vmem>>
    %dma_start3A_196 = tpu.memref_squeeze %dma_start3A_195 : memref<1x256x128xf32, #tpu.memory_space<vmem>> -> memref<256x128xf32, #tpu.memory_space<vmem>>
    %dma_start3A_197 = arith.constant 1024 : i32
    %dma_start3A_198 = tpu.memref_slice %arg7[%dma_start3A_197] : memref<10240xi32, #tpu.memory_space<vmem>> -> memref<256xi32, #tpu.memory_space<vmem>>
    %dma_start3A_199 = arith.constant 0 : i32
    %dma_start3A_200 = arith.constant 0 : i32
    %dma_start3A_201 = tpu.memref_slice %arg3[%dma_start3A_199, %dma_start3A_200] : memref<1000000x128xf32, #tpu.memory_space<hbm>> -> memref<1000000x128xf32, #tpu.memory_space<hbm>>
    %dma_start3A_202 = tpu.memref_slice %arg10[%dma_start3A_192] : memref<3x!tpu.dma_semaphore, #tpu.memory_space<semaphore_mem>> -> memref<1x!tpu.dma_semaphore, #tpu.memory_space<semaphore_mem>>
    %dma_start3A_203 = tpu.memref_squeeze %dma_start3A_202 : memref<1x!tpu.dma_semaphore, #tpu.memory_space<semaphore_mem>> -> memref<!tpu.dma_semaphore, #tpu.memory_space<semaphore_mem>>
    tpu.enqueue_indirect_dma source(%dma_start3A_201 : memref<1000000x128xf32, #tpu.memory_space<hbm>>) target(%dma_start3A_196 : memref<256x128xf32, #tpu.memory_space<vmem>>) offsets(%dma_start3A_198 : memref<256xi32, #tpu.memory_space<vmem>>) semaphore(%dma_start3A_203 : memref<!tpu.dma_semaphore, #tpu.memory_space<semaphore_mem>>)
    %dma_wait3A_204 = arith.constant 0 : i32
    %dma_wait3A_205 = arith.constant 0 : i32
    %dma_wait3A_206 = arith.constant 0 : i32
    %dma_wait3A_207 = arith.constant 0 : i32
    %dma_wait3A_208 = tpu.memref_slice %arg8[%dma_wait3A_204, %dma_wait3A_206, %dma_wait3A_207] : memref<3x256x128xf32, #tpu.memory_space<vmem>> -> memref<1x256x128xf32, #tpu.memory_space<vmem>>
    %dma_wait3A_209 = tpu.memref_squeeze %dma_wait3A_208 : memref<1x256x128xf32, #tpu.memory_space<vmem>> -> memref<256x128xf32, #tpu.memory_space<vmem>>
    %dma_wait3A_210 = arith.constant 768 : i32
    %dma_wait3A_211 = tpu.memref_slice %arg7[%dma_wait3A_210] : memref<10240xi32, #tpu.memory_space<vmem>> -> memref<256xi32, #tpu.memory_space<vmem>>
    %dma_wait3A_212 = arith.constant 0 : i32
    %dma_wait3A_213 = arith.constant 0 : i32
    %dma_wait3A_214 = tpu.memref_slice %arg3[%dma_wait3A_212, %dma_wait3A_213] : memref<1000000x128xf32, #tpu.memory_space<hbm>> -> memref<1000000x128xf32, #tpu.memory_space<hbm>>
    %dma_wait3A_215 = tpu.memref_slice %arg10[%dma_wait3A_205] : memref<3x!tpu.dma_semaphore, #tpu.memory_space<semaphore_mem>> -> memref<1x!tpu.dma_semaphore, #tpu.memory_space<semaphore_mem>>
    %dma_wait3A_216 = tpu.memref_squeeze %dma_wait3A_215 : memref<1x!tpu.dma_semaphore, #tpu.memory_space<semaphore_mem>> -> memref<!tpu.dma_semaphore, #tpu.memory_space<semaphore_mem>>
    tpu.wait_indirect_dma semaphore(%dma_wait3A_216 : memref<!tpu.dma_semaphore, #tpu.memory_space<semaphore_mem>>) src(%dma_wait3A_214 : memref<1000000x128xf32, #tpu.memory_space<hbm>>) dst(%dma_wait3A_209 : memref<256x128xf32, #tpu.memory_space<vmem>>)
    %add3A_217 = arith.constant 768 : i32
    %add3A_218 = arith.addi %mul3A_2, %add3A_217 : i32
    %dma_start3A_219 = arith.constant 0 : i32
    %dma_start3A_220 = arith.constant 0 : i32
    %dma_start3A_221 = arith.constant 0 : i32
    %dma_start3A_222 = arith.constant 0 : i32
    %dma_start3A_223 = tpu.memref_slice %arg8[%dma_start3A_219, %dma_start3A_221, %dma_start3A_222] : memref<3x256x128xf32, #tpu.memory_space<vmem>> -> memref<1x256x64xf32, #tpu.memory_space<vmem>>
    %dma_start3A_224 = tpu.memref_squeeze %dma_start3A_223 : memref<1x256x64xf32, #tpu.memory_space<vmem>> -> memref<256x64xf32, #tpu.memory_space<vmem>>
    %dma_start3A_225 = arith.constant 0 : i32
    %dma_start3A_226 = tpu.memref_slice %arg5[%add3A_218, %dma_start3A_225] : memref<327680x64xf32, #tpu.memory_space<hbm>> -> memref<256x64xf32, #tpu.memory_space<hbm>>
    %dma_start3A_227 = tpu.memref_slice %arg11[%dma_start3A_220] : memref<3x!tpu.dma_semaphore, #tpu.memory_space<semaphore_mem>> -> memref<1x!tpu.dma_semaphore, #tpu.memory_space<semaphore_mem>>
    %dma_start3A_228 = tpu.memref_squeeze %dma_start3A_227 : memref<1x!tpu.dma_semaphore, #tpu.memory_space<semaphore_mem>> -> memref<!tpu.dma_semaphore, #tpu.memory_space<semaphore_mem>>
    %dma_start3A_229 = arith.constant 0 : i32
    %dma_start3A_230 = tpu.memref_slice %arg5[%add3A_218, %dma_start3A_229] : memref<327680x64xf32, #tpu.memory_space<hbm>> -> memref<256x64xf32, #tpu.memory_space<hbm>>
    %dma_start3A_231 = arith.constant 0 : i32
    %dma_start3A_232 = arith.constant 0 : i32
    %dma_start3A_233 = tpu.memref_slice %arg8[%dma_start3A_219, %dma_start3A_231, %dma_start3A_232] : memref<3x256x128xf32, #tpu.memory_space<vmem>> -> memref<1x256x64xf32, #tpu.memory_space<vmem>>
    %dma_start3A_234 = tpu.memref_squeeze %dma_start3A_233 : memref<1x256x64xf32, #tpu.memory_space<vmem>> -> memref<256x64xf32, #tpu.memory_space<vmem>>
    tpu.enqueue_dma source(%dma_start3A_234 : memref<256x64xf32, #tpu.memory_space<vmem>>) target(%dma_start3A_230 : memref<256x64xf32, #tpu.memory_space<hbm>>) target_semaphore(%dma_start3A_228 : memref<!tpu.dma_semaphore, #tpu.memory_space<semaphore_mem>>)
    %add3A_235 = arith.constant 512 : i32
    %add3A_236 = arith.addi %mul3A_2, %add3A_235 : i32
    %dma_wait3A_237 = arith.constant 2 : i32
    %dma_wait3A_238 = arith.constant 2 : i32
    %dma_wait3A_239 = arith.constant 0 : i32
    %dma_wait3A_240 = arith.constant 0 : i32
    %dma_wait3A_241 = tpu.memref_slice %arg8[%dma_wait3A_237, %dma_wait3A_239, %dma_wait3A_240] : memref<3x256x128xf32, #tpu.memory_space<vmem>> -> memref<1x256x64xf32, #tpu.memory_space<vmem>>
    %dma_wait3A_242 = tpu.memref_squeeze %dma_wait3A_241 : memref<1x256x64xf32, #tpu.memory_space<vmem>> -> memref<256x64xf32, #tpu.memory_space<vmem>>
    %dma_wait3A_243 = arith.constant 0 : i32
    %dma_wait3A_244 = tpu.memref_slice %arg5[%add3A_236, %dma_wait3A_243] : memref<327680x64xf32, #tpu.memory_space<hbm>> -> memref<256x64xf32, #tpu.memory_space<hbm>>
    %dma_wait3A_245 = tpu.memref_slice %arg11[%dma_wait3A_238] : memref<3x!tpu.dma_semaphore, #tpu.memory_space<semaphore_mem>> -> memref<1x!tpu.dma_semaphore, #tpu.memory_space<semaphore_mem>>
    %dma_wait3A_246 = tpu.memref_squeeze %dma_wait3A_245 : memref<1x!tpu.dma_semaphore, #tpu.memory_space<semaphore_mem>> -> memref<!tpu.dma_semaphore, #tpu.memory_space<semaphore_mem>>
    %dma_wait3A_247 = arith.constant 0 : i32
    %dma_wait3A_248 = tpu.memref_slice %arg5[%add3A_236, %dma_wait3A_247] : memref<327680x64xf32, #tpu.memory_space<hbm>> -> memref<256x64xf32, #tpu.memory_space<hbm>>
    %dma_wait3A_249 = arith.constant 0 : i32
    %dma_wait3A_250 = arith.constant 0 : i32
    %dma_wait3A_251 = tpu.memref_slice %arg8[%dma_wait3A_237, %dma_wait3A_249, %dma_wait3A_250] : memref<3x256x128xf32, #tpu.memory_space<vmem>> -> memref<1x256x64xf32, #tpu.memory_space<vmem>>
    %dma_wait3A_252 = tpu.memref_squeeze %dma_wait3A_251 : memref<1x256x64xf32, #tpu.memory_space<vmem>> -> memref<256x64xf32, #tpu.memory_space<vmem>>
    tpu.wait_dma2 semaphore(%dma_wait3A_246 : memref<!tpu.dma_semaphore, #tpu.memory_space<semaphore_mem>>) src(%dma_wait3A_252 : memref<256x64xf32, #tpu.memory_space<vmem>>) dst(%dma_wait3A_248 : memref<256x64xf32, #tpu.memory_space<hbm>>)
    %dma_start3A_253 = arith.constant 2 : i32
    %dma_start3A_254 = arith.constant 2 : i32
    %dma_start3A_255 = arith.constant 0 : i32
    %dma_start3A_256 = arith.constant 0 : i32
    %dma_start3A_257 = tpu.memref_slice %arg8[%dma_start3A_253, %dma_start3A_255, %dma_start3A_256] : memref<3x256x128xf32, #tpu.memory_space<vmem>> -> memref<1x256x128xf32, #tpu.memory_space<vmem>>
    %dma_start3A_258 = tpu.memref_squeeze %dma_start3A_257 : memref<1x256x128xf32, #tpu.memory_space<vmem>> -> memref<256x128xf32, #tpu.memory_space<vmem>>
    %dma_start3A_259 = arith.constant 1280 : i32
    %dma_start3A_260 = tpu.memref_slice %arg7[%dma_start3A_259] : memref<10240xi32, #tpu.memory_space<vmem>> -> memref<256xi32, #tpu.memory_space<vmem>>
    %dma_start3A_261 = arith.constant 0 : i32
    %dma_start3A_262 = arith.constant 0 : i32
    %dma_start3A_263 = tpu.memref_slice %arg3[%dma_start3A_261, %dma_start3A_262] : memref<1000000x128xf32, #tpu.memory_space<hbm>> -> memref<1000000x128xf32, #tpu.memory_space<hbm>>
    %dma_start3A_264 = tpu.memref_slice %arg10[%dma_start3A_254] : memref<3x!tpu.dma_semaphore, #tpu.memory_space<semaphore_mem>> -> memref<1x!tpu.dma_semaphore, #tpu.memory_space<semaphore_mem>>
    %dma_start3A_265 = tpu.memref_squeeze %dma_start3A_264 : memref<1x!tpu.dma_semaphore, #tpu.memory_space<semaphore_mem>> -> memref<!tpu.dma_semaphore, #tpu.memory_space<semaphore_mem>>
    tpu.enqueue_indirect_dma source(%dma_start3A_263 : memref<1000000x128xf32, #tpu.memory_space<hbm>>) target(%dma_start3A_258 : memref<256x128xf32, #tpu.memory_space<vmem>>) offsets(%dma_start3A_260 : memref<256xi32, #tpu.memory_space<vmem>>) semaphore(%dma_start3A_265 : memref<!tpu.dma_semaphore, #tpu.memory_space<semaphore_mem>>)
    %dma_wait3A_266 = arith.constant 1 : i32
    %dma_wait3A_267 = arith.constant 1 : i32
    %dma_wait3A_268 = arith.constant 0 : i32
    %dma_wait3A_269 = arith.constant 0 : i32
    %dma_wait3A_270 = tpu.memref_slice %arg8[%dma_wait3A_266, %dma_wait3A_268, %dma_wait3A_269] : memref<3x256x128xf32, #tpu.memory_space<vmem>> -> memref<1x256x128xf32, #tpu.memory_space<vmem>>
    %dma_wait3A_271 = tpu.memref_squeeze %dma_wait3A_270 : memref<1x256x128xf32, #tpu.memory_space<vmem>> -> memref<256x128xf32, #tpu.memory_space<vmem>>
    %dma_wait3A_272 = arith.constant 1024 : i32
    %dma_wait3A_273 = tpu.memref_slice %arg7[%dma_wait3A_272] : memref<10240xi32, #tpu.memory_space<vmem>> -> memref<256xi32, #tpu.memory_space<vmem>>
    %dma_wait3A_274 = arith.constant 0 : i32
    %dma_wait3A_275 = arith.constant 0 : i32
    %dma_wait3A_276 = tpu.memref_slice %arg3[%dma_wait3A_274, %dma_wait3A_275] : memref<1000000x128xf32, #tpu.memory_space<hbm>> -> memref<1000000x128xf32, #tpu.memory_space<hbm>>
    %dma_wait3A_277 = tpu.memref_slice %arg10[%dma_wait3A_267] : memref<3x!tpu.dma_semaphore, #tpu.memory_space<semaphore_mem>> -> memref<1x!tpu.dma_semaphore, #tpu.memory_space<semaphore_mem>>
    %dma_wait3A_278 = tpu.memref_squeeze %dma_wait3A_277 : memref<1x!tpu.dma_semaphore, #tpu.memory_space<semaphore_mem>> -> memref<!tpu.dma_semaphore, #tpu.memory_space<semaphore_mem>>
    tpu.wait_indirect_dma semaphore(%dma_wait3A_278 : memref<!tpu.dma_semaphore, #tpu.memory_space<semaphore_mem>>) src(%dma_wait3A_276 : memref<1000000x128xf32, #tpu.memory_space<hbm>>) dst(%dma_wait3A_271 : memref<256x128xf32, #tpu.memory_space<vmem>>)
    %add3A_279 = arith.constant 1024 : i32
    %add3A_280 = arith.addi %mul3A_2, %add3A_279 : i32
    %dma_start3A_281 = arith.constant 1 : i32
    %dma_start3A_282 = arith.constant 1 : i32
    %dma_start3A_283 = arith.constant 0 : i32
    %dma_start3A_284 = arith.constant 0 : i32
    %dma_start3A_285 = tpu.memref_slice %arg8[%dma_start3A_281, %dma_start3A_283, %dma_start3A_284] : memref<3x256x128xf32, #tpu.memory_space<vmem>> -> memref<1x256x64xf32, #tpu.memory_space<vmem>>
    %dma_start3A_286 = tpu.memref_squeeze %dma_start3A_285 : memref<1x256x64xf32, #tpu.memory_space<vmem>> -> memref<256x64xf32, #tpu.memory_space<vmem>>
    %dma_start3A_287 = arith.constant 0 : i32
    %dma_start3A_288 = tpu.memref_slice %arg5[%add3A_280, %dma_start3A_287] : memref<327680x64xf32, #tpu.memory_space<hbm>> -> memref<256x64xf32, #tpu.memory_space<hbm>>
    %dma_start3A_289 = tpu.memref_slice %arg11[%dma_start3A_282] : memref<3x!tpu.dma_semaphore, #tpu.memory_space<semaphore_mem>> -> memref<1x!tpu.dma_semaphore, #tpu.memory_space<semaphore_mem>>
    %dma_start3A_290 = tpu.memref_squeeze %dma_start3A_289 : memref<1x!tpu.dma_semaphore, #tpu.memory_space<semaphore_mem>> -> memref<!tpu.dma_semaphore, #tpu.memory_space<semaphore_mem>>
    %dma_start3A_291 = arith.constant 0 : i32
    %dma_start3A_292 = tpu.memref_slice %arg5[%add3A_280, %dma_start3A_291] : memref<327680x64xf32, #tpu.memory_space<hbm>> -> memref<256x64xf32, #tpu.memory_space<hbm>>
    %dma_start3A_293 = arith.constant 0 : i32
    %dma_start3A_294 = arith.constant 0 : i32
    %dma_start3A_295 = tpu.memref_slice %arg8[%dma_start3A_281, %dma_start3A_293, %dma_start3A_294] : memref<3x256x128xf32, #tpu.memory_space<vmem>> -> memref<1x256x64xf32, #tpu.memory_space<vmem>>
    %dma_start3A_296 = tpu.memref_squeeze %dma_start3A_295 : memref<1x256x64xf32, #tpu.memory_space<vmem>> -> memref<256x64xf32, #tpu.memory_space<vmem>>
    tpu.enqueue_dma source(%dma_start3A_296 : memref<256x64xf32, #tpu.memory_space<vmem>>) target(%dma_start3A_292 : memref<256x64xf32, #tpu.memory_space<hbm>>) target_semaphore(%dma_start3A_290 : memref<!tpu.dma_semaphore, #tpu.memory_space<semaphore_mem>>)
    %add3A_297 = arith.constant 768 : i32
    %add3A_298 = arith.addi %mul3A_2, %add3A_297 : i32
    %dma_wait3A_299 = arith.constant 0 : i32
    %dma_wait3A_300 = arith.constant 0 : i32
    %dma_wait3A_301 = arith.constant 0 : i32
    %dma_wait3A_302 = arith.constant 0 : i32
    %dma_wait3A_303 = tpu.memref_slice %arg8[%dma_wait3A_299, %dma_wait3A_301, %dma_wait3A_302] : memref<3x256x128xf32, #tpu.memory_space<vmem>> -> memref<1x256x64xf32, #tpu.memory_space<vmem>>
    %dma_wait3A_304 = tpu.memref_squeeze %dma_wait3A_303 : memref<1x256x64xf32, #tpu.memory_space<vmem>> -> memref<256x64xf32, #tpu.memory_space<vmem>>
    %dma_wait3A_305 = arith.constant 0 : i32
    %dma_wait3A_306 = tpu.memref_slice %arg5[%add3A_298, %dma_wait3A_305] : memref<327680x64xf32, #tpu.memory_space<hbm>> -> memref<256x64xf32, #tpu.memory_space<hbm>>
    %dma_wait3A_307 = tpu.memref_slice %arg11[%dma_wait3A_300] : memref<3x!tpu.dma_semaphore, #tpu.memory_space<semaphore_mem>> -> memref<1x!tpu.dma_semaphore, #tpu.memory_space<semaphore_mem>>
    %dma_wait3A_308 = tpu.memref_squeeze %dma_wait3A_307 : memref<1x!tpu.dma_semaphore, #tpu.memory_space<semaphore_mem>> -> memref<!tpu.dma_semaphore, #tpu.memory_space<semaphore_mem>>
    %dma_wait3A_309 = arith.constant 0 : i32
    %dma_wait3A_310 = tpu.memref_slice %arg5[%add3A_298, %dma_wait3A_309] : memref<327680x64xf32, #tpu.memory_space<hbm>> -> memref<256x64xf32, #tpu.memory_space<hbm>>
    %dma_wait3A_311 = arith.constant 0 : i32
    %dma_wait3A_312 = arith.constant 0 : i32
    %dma_wait3A_313 = tpu.memref_slice %arg8[%dma_wait3A_299, %dma_wait3A_311, %dma_wait3A_312] : memref<3x256x128xf32, #tpu.memory_space<vmem>> -> memref<1x256x64xf32, #tpu.memory_space<vmem>>
    %dma_wait3A_314 = tpu.memref_squeeze %dma_wait3A_313 : memref<1x256x64xf32, #tpu.memory_space<vmem>> -> memref<256x64xf32, #tpu.memory_space<vmem>>
    tpu.wait_dma2 semaphore(%dma_wait3A_308 : memref<!tpu.dma_semaphore, #tpu.memory_space<semaphore_mem>>) src(%dma_wait3A_314 : memref<256x64xf32, #tpu.memory_space<vmem>>) dst(%dma_wait3A_310 : memref<256x64xf32, #tpu.memory_space<hbm>>)
    %dma_start3A_315 = arith.constant 0 : i32
    %dma_start3A_316 = arith.constant 0 : i32
    %dma_start3A_317 = arith.constant 0 : i32
    %dma_start3A_318 = arith.constant 0 : i32
    %dma_start3A_319 = tpu.memref_slice %arg8[%dma_start3A_315, %dma_start3A_317, %dma_start3A_318] : memref<3x256x128xf32, #tpu.memory_space<vmem>> -> memref<1x256x128xf32, #tpu.memory_space<vmem>>
    %dma_start3A_320 = tpu.memref_squeeze %dma_start3A_319 : memref<1x256x128xf32, #tpu.memory_space<vmem>> -> memref<256x128xf32, #tpu.memory_space<vmem>>
    %dma_start3A_321 = arith.constant 1536 : i32
    %dma_start3A_322 = tpu.memref_slice %arg7[%dma_start3A_321] : memref<10240xi32, #tpu.memory_space<vmem>> -> memref<256xi32, #tpu.memory_space<vmem>>
    %dma_start3A_323 = arith.constant 0 : i32
    %dma_start3A_324 = arith.constant 0 : i32
    %dma_start3A_325 = tpu.memref_slice %arg3[%dma_start3A_323, %dma_start3A_324] : memref<1000000x128xf32, #tpu.memory_space<hbm>> -> memref<1000000x128xf32, #tpu.memory_space<hbm>>
    %dma_start3A_326 = tpu.memref_slice %arg10[%dma_start3A_316] : memref<3x!tpu.dma_semaphore, #tpu.memory_space<semaphore_mem>> -> memref<1x!tpu.dma_semaphore, #tpu.memory_space<semaphore_mem>>
    %dma_start3A_327 = tpu.memref_squeeze %dma_start3A_326 : memref<1x!tpu.dma_semaphore, #tpu.memory_space<semaphore_mem>> -> memref<!tpu.dma_semaphore, #tpu.memory_space<semaphore_mem>>
    tpu.enqueue_indirect_dma source(%dma_start3A_325 : memref<1000000x128xf32, #tpu.memory_space<hbm>>) target(%dma_start3A_320 : memref<256x128xf32, #tpu.memory_space<vmem>>) offsets(%dma_start3A_322 : memref<256xi32, #tpu.memory_space<vmem>>) semaphore(%dma_start3A_327 : memref<!tpu.dma_semaphore, #tpu.memory_space<semaphore_mem>>)
    %dma_wait3A_328 = arith.constant 2 : i32
    %dma_wait3A_329 = arith.constant 2 : i32
    %dma_wait3A_330 = arith.constant 0 : i32
    %dma_wait3A_331 = arith.constant 0 : i32
    %dma_wait3A_332 = tpu.memref_slice %arg8[%dma_wait3A_328, %dma_wait3A_330, %dma_wait3A_331] : memref<3x256x128xf32, #tpu.memory_space<vmem>> -> memref<1x256x128xf32, #tpu.memory_space<vmem>>
    %dma_wait3A_333 = tpu.memref_squeeze %dma_wait3A_332 : memref<1x256x128xf32, #tpu.memory_space<vmem>> -> memref<256x128xf32, #tpu.memory_space<vmem>>
    %dma_wait3A_334 = arith.constant 1280 : i32
    %dma_wait3A_335 = tpu.memref_slice %arg7[%dma_wait3A_334] : memref<10240xi32, #tpu.memory_space<vmem>> -> memref<256xi32, #tpu.memory_space<vmem>>
    %dma_wait3A_336 = arith.constant 0 : i32
    %dma_wait3A_337 = arith.constant 0 : i32
    %dma_wait3A_338 = tpu.memref_slice %arg3[%dma_wait3A_336, %dma_wait3A_337] : memref<1000000x128xf32, #tpu.memory_space<hbm>> -> memref<1000000x128xf32, #tpu.memory_space<hbm>>
    %dma_wait3A_339 = tpu.memref_slice %arg10[%dma_wait3A_329] : memref<3x!tpu.dma_semaphore, #tpu.memory_space<semaphore_mem>> -> memref<1x!tpu.dma_semaphore, #tpu.memory_space<semaphore_mem>>
    %dma_wait3A_340 = tpu.memref_squeeze %dma_wait3A_339 : memref<1x!tpu.dma_semaphore, #tpu.memory_space<semaphore_mem>> -> memref<!tpu.dma_semaphore, #tpu.memory_space<semaphore_mem>>
    tpu.wait_indirect_dma semaphore(%dma_wait3A_340 : memref<!tpu.dma_semaphore, #tpu.memory_space<semaphore_mem>>) src(%dma_wait3A_338 : memref<1000000x128xf32, #tpu.memory_space<hbm>>) dst(%dma_wait3A_333 : memref<256x128xf32, #tpu.memory_space<vmem>>)
    %add3A_341 = arith.constant 1280 : i32
    %add3A_342 = arith.addi %mul3A_2, %add3A_341 : i32
    %dma_start3A_343 = arith.constant 2 : i32
    %dma_start3A_344 = arith.constant 2 : i32
    %dma_start3A_345 = arith.constant 0 : i32
    %dma_start3A_346 = arith.constant 0 : i32
    %dma_start3A_347 = tpu.memref_slice %arg8[%dma_start3A_343, %dma_start3A_345, %dma_start3A_346] : memref<3x256x128xf32, #tpu.memory_space<vmem>> -> memref<1x256x64xf32, #tpu.memory_space<vmem>>
    %dma_start3A_348 = tpu.memref_squeeze %dma_start3A_347 : memref<1x256x64xf32, #tpu.memory_space<vmem>> -> memref<256x64xf32, #tpu.memory_space<vmem>>
    %dma_start3A_349 = arith.constant 0 : i32
    %dma_start3A_350 = tpu.memref_slice %arg5[%add3A_342, %dma_start3A_349] : memref<327680x64xf32, #tpu.memory_space<hbm>> -> memref<256x64xf32, #tpu.memory_space<hbm>>
    %dma_start3A_351 = tpu.memref_slice %arg11[%dma_start3A_344] : memref<3x!tpu.dma_semaphore, #tpu.memory_space<semaphore_mem>> -> memref<1x!tpu.dma_semaphore, #tpu.memory_space<semaphore_mem>>
    %dma_start3A_352 = tpu.memref_squeeze %dma_start3A_351 : memref<1x!tpu.dma_semaphore, #tpu.memory_space<semaphore_mem>> -> memref<!tpu.dma_semaphore, #tpu.memory_space<semaphore_mem>>
    %dma_start3A_353 = arith.constant 0 : i32
    %dma_start3A_354 = tpu.memref_slice %arg5[%add3A_342, %dma_start3A_353] : memref<327680x64xf32, #tpu.memory_space<hbm>> -> memref<256x64xf32, #tpu.memory_space<hbm>>
    %dma_start3A_355 = arith.constant 0 : i32
    %dma_start3A_356 = arith.constant 0 : i32
    %dma_start3A_357 = tpu.memref_slice %arg8[%dma_start3A_343, %dma_start3A_355, %dma_start3A_356] : memref<3x256x128xf32, #tpu.memory_space<vmem>> -> memref<1x256x64xf32, #tpu.memory_space<vmem>>
    %dma_start3A_358 = tpu.memref_squeeze %dma_start3A_357 : memref<1x256x64xf32, #tpu.memory_space<vmem>> -> memref<256x64xf32, #tpu.memory_space<vmem>>
    tpu.enqueue_dma source(%dma_start3A_358 : memref<256x64xf32, #tpu.memory_space<vmem>>) target(%dma_start3A_354 : memref<256x64xf32, #tpu.memory_space<hbm>>) target_semaphore(%dma_start3A_352 : memref<!tpu.dma_semaphore, #tpu.memory_space<semaphore_mem>>)
    %add3A_359 = arith.constant 1024 : i32
    %add3A_360 = arith.addi %mul3A_2, %add3A_359 : i32
    %dma_wait3A_361 = arith.constant 1 : i32
    %dma_wait3A_362 = arith.constant 1 : i32
    %dma_wait3A_363 = arith.constant 0 : i32
    %dma_wait3A_364 = arith.constant 0 : i32
    %dma_wait3A_365 = tpu.memref_slice %arg8[%dma_wait3A_361, %dma_wait3A_363, %dma_wait3A_364] : memref<3x256x128xf32, #tpu.memory_space<vmem>> -> memref<1x256x64xf32, #tpu.memory_space<vmem>>
    %dma_wait3A_366 = tpu.memref_squeeze %dma_wait3A_365 : memref<1x256x64xf32, #tpu.memory_space<vmem>> -> memref<256x64xf32, #tpu.memory_space<vmem>>
    %dma_wait3A_367 = arith.constant 0 : i32
    %dma_wait3A_368 = tpu.memref_slice %arg5[%add3A_360, %dma_wait3A_367] : memref<327680x64xf32, #tpu.memory_space<hbm>> -> memref<256x64xf32, #tpu.memory_space<hbm>>
    %dma_wait3A_369 = tpu.memref_slice %arg11[%dma_wait3A_362] : memref<3x!tpu.dma_semaphore, #tpu.memory_space<semaphore_mem>> -> memref<1x!tpu.dma_semaphore, #tpu.memory_space<semaphore_mem>>
    %dma_wait3A_370 = tpu.memref_squeeze %dma_wait3A_369 : memref<1x!tpu.dma_semaphore, #tpu.memory_space<semaphore_mem>> -> memref<!tpu.dma_semaphore, #tpu.memory_space<semaphore_mem>>
    %dma_wait3A_371 = arith.constant 0 : i32
    %dma_wait3A_372 = tpu.memref_slice %arg5[%add3A_360, %dma_wait3A_371] : memref<327680x64xf32, #tpu.memory_space<hbm>> -> memref<256x64xf32, #tpu.memory_space<hbm>>
    %dma_wait3A_373 = arith.constant 0 : i32
    %dma_wait3A_374 = arith.constant 0 : i32
    %dma_wait3A_375 = tpu.memref_slice %arg8[%dma_wait3A_361, %dma_wait3A_373, %dma_wait3A_374] : memref<3x256x128xf32, #tpu.memory_space<vmem>> -> memref<1x256x64xf32, #tpu.memory_space<vmem>>
    %dma_wait3A_376 = tpu.memref_squeeze %dma_wait3A_375 : memref<1x256x64xf32, #tpu.memory_space<vmem>> -> memref<256x64xf32, #tpu.memory_space<vmem>>
    tpu.wait_dma2 semaphore(%dma_wait3A_370 : memref<!tpu.dma_semaphore, #tpu.memory_space<semaphore_mem>>) src(%dma_wait3A_376 : memref<256x64xf32, #tpu.memory_space<vmem>>) dst(%dma_wait3A_372 : memref<256x64xf32, #tpu.memory_space<hbm>>)
    %dma_start3A_377 = arith.constant 1 : i32
    %dma_start3A_378 = arith.constant 1 : i32
    %dma_start3A_379 = arith.constant 0 : i32
    %dma_start3A_380 = arith.constant 0 : i32
    %dma_start3A_381 = tpu.memref_slice %arg8[%dma_start3A_377, %dma_start3A_379, %dma_start3A_380] : memref<3x256x128xf32, #tpu.memory_space<vmem>> -> memref<1x256x128xf32, #tpu.memory_space<vmem>>
    %dma_start3A_382 = tpu.memref_squeeze %dma_start3A_381 : memref<1x256x128xf32, #tpu.memory_space<vmem>> -> memref<256x128xf32, #tpu.memory_space<vmem>>
    %dma_start3A_383 = arith.constant 1792 : i32
    %dma_start3A_384 = tpu.memref_slice %arg7[%dma_start3A_383] : memref<10240xi32, #tpu.memory_space<vmem>> -> memref<256xi32, #tpu.memory_space<vmem>>
    %dma_start3A_385 = arith.constant 0 : i32
    %dma_start3A_386 = arith.constant 0 : i32
    %dma_start3A_387 = tpu.memref_slice %arg3[%dma_start3A_385, %dma_start3A_386] : memref<1000000x128xf32, #tpu.memory_space<hbm>> -> memref<1000000x128xf32, #tpu.memory_space<hbm>>
    %dma_start3A_388 = tpu.memref_slice %arg10[%dma_start3A_378] : memref<3x!tpu.dma_semaphore, #tpu.memory_space<semaphore_mem>> -> memref<1x!tpu.dma_semaphore, #tpu.memory_space<semaphore_mem>>
    %dma_start3A_389 = tpu.memref_squeeze %dma_start3A_388 : memref<1x!tpu.dma_semaphore, #tpu.memory_space<semaphore_mem>> -> memref<!tpu.dma_semaphore, #tpu.memory_space<semaphore_mem>>
    tpu.enqueue_indirect_dma source(%dma_start3A_387 : memref<1000000x128xf32, #tpu.memory_space<hbm>>) target(%dma_start3A_382 : memref<256x128xf32, #tpu.memory_space<vmem>>) offsets(%dma_start3A_384 : memref<256xi32, #tpu.memory_space<vmem>>) semaphore(%dma_start3A_389 : memref<!tpu.dma_semaphore, #tpu.memory_space<semaphore_mem>>)
    %dma_wait3A_390 = arith.constant 0 : i32
    %dma_wait3A_391 = arith.constant 0 : i32
    %dma_wait3A_392 = arith.constant 0 : i32
    %dma_wait3A_393 = arith.constant 0 : i32
    %dma_wait3A_394 = tpu.memref_slice %arg8[%dma_wait3A_390, %dma_wait3A_392, %dma_wait3A_393] : memref<3x256x128xf32, #tpu.memory_space<vmem>> -> memref<1x256x128xf32, #tpu.memory_space<vmem>>
    %dma_wait3A_395 = tpu.memref_squeeze %dma_wait3A_394 : memref<1x256x128xf32, #tpu.memory_space<vmem>> -> memref<256x128xf32, #tpu.memory_space<vmem>>
    %dma_wait3A_396 = arith.constant 1536 : i32
    %dma_wait3A_397 = tpu.memref_slice %arg7[%dma_wait3A_396] : memref<10240xi32, #tpu.memory_space<vmem>> -> memref<256xi32, #tpu.memory_space<vmem>>
    %dma_wait3A_398 = arith.constant 0 : i32
    %dma_wait3A_399 = arith.constant 0 : i32
    %dma_wait3A_400 = tpu.memref_slice %arg3[%dma_wait3A_398, %dma_wait3A_399] : memref<1000000x128xf32, #tpu.memory_space<hbm>> -> memref<1000000x128xf32, #tpu.memory_space<hbm>>
    %dma_wait3A_401 = tpu.memref_slice %arg10[%dma_wait3A_391] : memref<3x!tpu.dma_semaphore, #tpu.memory_space<semaphore_mem>> -> memref<1x!tpu.dma_semaphore, #tpu.memory_space<semaphore_mem>>
    %dma_wait3A_402 = tpu.memref_squeeze %dma_wait3A_401 : memref<1x!tpu.dma_semaphore, #tpu.memory_space<semaphore_mem>> -> memref<!tpu.dma_semaphore, #tpu.memory_space<semaphore_mem>>
    tpu.wait_indirect_dma semaphore(%dma_wait3A_402 : memref<!tpu.dma_semaphore, #tpu.memory_space<semaphore_mem>>) src(%dma_wait3A_400 : memref<1000000x128xf32, #tpu.memory_space<hbm>>) dst(%dma_wait3A_395 : memref<256x128xf32, #tpu.memory_space<vmem>>)
    %add3A_403 = arith.constant 1536 : i32
    %add3A_404 = arith.addi %mul3A_2, %add3A_403 : i32
    %dma_start3A_405 = arith.constant 0 : i32
    %dma_start3A_406 = arith.constant 0 : i32
    %dma_start3A_407 = arith.constant 0 : i32
    %dma_start3A_408 = arith.constant 0 : i32
    %dma_start3A_409 = tpu.memref_slice %arg8[%dma_start3A_405, %dma_start3A_407, %dma_start3A_408] : memref<3x256x128xf32, #tpu.memory_space<vmem>> -> memref<1x256x64xf32, #tpu.memory_space<vmem>>
    %dma_start3A_410 = tpu.memref_squeeze %dma_start3A_409 : memref<1x256x64xf32, #tpu.memory_space<vmem>> -> memref<256x64xf32, #tpu.memory_space<vmem>>
    %dma_start3A_411 = arith.constant 0 : i32
    %dma_start3A_412 = tpu.memref_slice %arg5[%add3A_404, %dma_start3A_411] : memref<327680x64xf32, #tpu.memory_space<hbm>> -> memref<256x64xf32, #tpu.memory_space<hbm>>
    %dma_start3A_413 = tpu.memref_slice %arg11[%dma_start3A_406] : memref<3x!tpu.dma_semaphore, #tpu.memory_space<semaphore_mem>> -> memref<1x!tpu.dma_semaphore, #tpu.memory_space<semaphore_mem>>
    %dma_start3A_414 = tpu.memref_squeeze %dma_start3A_413 : memref<1x!tpu.dma_semaphore, #tpu.memory_space<semaphore_mem>> -> memref<!tpu.dma_semaphore, #tpu.memory_space<semaphore_mem>>
    %dma_start3A_415 = arith.constant 0 : i32
    %dma_start3A_416 = tpu.memref_slice %arg5[%add3A_404, %dma_start3A_415] : memref<327680x64xf32, #tpu.memory_space<hbm>> -> memref<256x64xf32, #tpu.memory_space<hbm>>
    %dma_start3A_417 = arith.constant 0 : i32
    %dma_start3A_418 = arith.constant 0 : i32
    %dma_start3A_419 = tpu.memref_slice %arg8[%dma_start3A_405, %dma_start3A_417, %dma_start3A_418] : memref<3x256x128xf32, #tpu.memory_space<vmem>> -> memref<1x256x64xf32, #tpu.memory_space<vmem>>
    %dma_start3A_420 = tpu.memref_squeeze %dma_start3A_419 : memref<1x256x64xf32, #tpu.memory_space<vmem>> -> memref<256x64xf32, #tpu.memory_space<vmem>>
    tpu.enqueue_dma source(%dma_start3A_420 : memref<256x64xf32, #tpu.memory_space<vmem>>) target(%dma_start3A_416 : memref<256x64xf32, #tpu.memory_space<hbm>>) target_semaphore(%dma_start3A_414 : memref<!tpu.dma_semaphore, #tpu.memory_space<semaphore_mem>>)
    %add3A_421 = arith.constant 1280 : i32
    %add3A_422 = arith.addi %mul3A_2, %add3A_421 : i32
    %dma_wait3A_423 = arith.constant 2 : i32
    %dma_wait3A_424 = arith.constant 2 : i32
    %dma_wait3A_425 = arith.constant 0 : i32
    %dma_wait3A_426 = arith.constant 0 : i32
    %dma_wait3A_427 = tpu.memref_slice %arg8[%dma_wait3A_423, %dma_wait3A_425, %dma_wait3A_426] : memref<3x256x128xf32, #tpu.memory_space<vmem>> -> memref<1x256x64xf32, #tpu.memory_space<vmem>>
    %dma_wait3A_428 = tpu.memref_squeeze %dma_wait3A_427 : memref<1x256x64xf32, #tpu.memory_space<vmem>> -> memref<256x64xf32, #tpu.memory_space<vmem>>
    %dma_wait3A_429 = arith.constant 0 : i32
    %dma_wait3A_430 = tpu.memref_slice %arg5[%add3A_422, %dma_wait3A_429] : memref<327680x64xf32, #tpu.memory_space<hbm>> -> memref<256x64xf32, #tpu.memory_space<hbm>>
    %dma_wait3A_431 = tpu.memref_slice %arg11[%dma_wait3A_424] : memref<3x!tpu.dma_semaphore, #tpu.memory_space<semaphore_mem>> -> memref<1x!tpu.dma_semaphore, #tpu.memory_space<semaphore_mem>>
    %dma_wait3A_432 = tpu.memref_squeeze %dma_wait3A_431 : memref<1x!tpu.dma_semaphore, #tpu.memory_space<semaphore_mem>> -> memref<!tpu.dma_semaphore, #tpu.memory_space<semaphore_mem>>
    %dma_wait3A_433 = arith.constant 0 : i32
    %dma_wait3A_434 = tpu.memref_slice %arg5[%add3A_422, %dma_wait3A_433] : memref<327680x64xf32, #tpu.memory_space<hbm>> -> memref<256x64xf32, #tpu.memory_space<hbm>>
    %dma_wait3A_435 = arith.constant 0 : i32
    %dma_wait3A_436 = arith.constant 0 : i32
    %dma_wait3A_437 = tpu.memref_slice %arg8[%dma_wait3A_423, %dma_wait3A_435, %dma_wait3A_436] : memref<3x256x128xf32, #tpu.memory_space<vmem>> -> memref<1x256x64xf32, #tpu.memory_space<vmem>>
    %dma_wait3A_438 = tpu.memref_squeeze %dma_wait3A_437 : memref<1x256x64xf32, #tpu.memory_space<vmem>> -> memref<256x64xf32, #tpu.memory_space<vmem>>
    tpu.wait_dma2 semaphore(%dma_wait3A_432 : memref<!tpu.dma_semaphore, #tpu.memory_space<semaphore_mem>>) src(%dma_wait3A_438 : memref<256x64xf32, #tpu.memory_space<vmem>>) dst(%dma_wait3A_434 : memref<256x64xf32, #tpu.memory_space<hbm>>)
    %dma_start3A_439 = arith.constant 2 : i32
    %dma_start3A_440 = arith.constant 2 : i32
    %dma_start3A_441 = arith.constant 0 : i32
    %dma_start3A_442 = arith.constant 0 : i32
    %dma_start3A_443 = tpu.memref_slice %arg8[%dma_start3A_439, %dma_start3A_441, %dma_start3A_442] : memref<3x256x128xf32, #tpu.memory_space<vmem>> -> memref<1x256x128xf32, #tpu.memory_space<vmem>>
    %dma_start3A_444 = tpu.memref_squeeze %dma_start3A_443 : memref<1x256x128xf32, #tpu.memory_space<vmem>> -> memref<256x128xf32, #tpu.memory_space<vmem>>
    %dma_start3A_445 = arith.constant 2048 : i32
    %dma_start3A_446 = tpu.memref_slice %arg7[%dma_start3A_445] : memref<10240xi32, #tpu.memory_space<vmem>> -> memref<256xi32, #tpu.memory_space<vmem>>
    %dma_start3A_447 = arith.constant 0 : i32
    %dma_start3A_448 = arith.constant 0 : i32
    %dma_start3A_449 = tpu.memref_slice %arg3[%dma_start3A_447, %dma_start3A_448] : memref<1000000x128xf32, #tpu.memory_space<hbm>> -> memref<1000000x128xf32, #tpu.memory_space<hbm>>
    %dma_start3A_450 = tpu.memref_slice %arg10[%dma_start3A_440] : memref<3x!tpu.dma_semaphore, #tpu.memory_space<semaphore_mem>> -> memref<1x!tpu.dma_semaphore, #tpu.memory_space<semaphore_mem>>
    %dma_start3A_451 = tpu.memref_squeeze %dma_start3A_450 : memref<1x!tpu.dma_semaphore, #tpu.memory_space<semaphore_mem>> -> memref<!tpu.dma_semaphore, #tpu.memory_space<semaphore_mem>>
    tpu.enqueue_indirect_dma source(%dma_start3A_449 : memref<1000000x128xf32, #tpu.memory_space<hbm>>) target(%dma_start3A_444 : memref<256x128xf32, #tpu.memory_space<vmem>>) offsets(%dma_start3A_446 : memref<256xi32, #tpu.memory_space<vmem>>) semaphore(%dma_start3A_451 : memref<!tpu.dma_semaphore, #tpu.memory_space<semaphore_mem>>)
    %dma_wait3A_452 = arith.constant 1 : i32
    %dma_wait3A_453 = arith.constant 1 : i32
    %dma_wait3A_454 = arith.constant 0 : i32
    %dma_wait3A_455 = arith.constant 0 : i32
    %dma_wait3A_456 = tpu.memref_slice %arg8[%dma_wait3A_452, %dma_wait3A_454, %dma_wait3A_455] : memref<3x256x128xf32, #tpu.memory_space<vmem>> -> memref<1x256x128xf32, #tpu.memory_space<vmem>>
    %dma_wait3A_457 = tpu.memref_squeeze %dma_wait3A_456 : memref<1x256x128xf32, #tpu.memory_space<vmem>> -> memref<256x128xf32, #tpu.memory_space<vmem>>
    %dma_wait3A_458 = arith.constant 1792 : i32
    %dma_wait3A_459 = tpu.memref_slice %arg7[%dma_wait3A_458] : memref<10240xi32, #tpu.memory_space<vmem>> -> memref<256xi32, #tpu.memory_space<vmem>>
    %dma_wait3A_460 = arith.constant 0 : i32
    %dma_wait3A_461 = arith.constant 0 : i32
    %dma_wait3A_462 = tpu.memref_slice %arg3[%dma_wait3A_460, %dma_wait3A_461] : memref<1000000x128xf32, #tpu.memory_space<hbm>> -> memref<1000000x128xf32, #tpu.memory_space<hbm>>
    %dma_wait3A_463 = tpu.memref_slice %arg10[%dma_wait3A_453] : memref<3x!tpu.dma_semaphore, #tpu.memory_space<semaphore_mem>> -> memref<1x!tpu.dma_semaphore, #tpu.memory_space<semaphore_mem>>
    %dma_wait3A_464 = tpu.memref_squeeze %dma_wait3A_463 : memref<1x!tpu.dma_semaphore, #tpu.memory_space<semaphore_mem>> -> memref<!tpu.dma_semaphore, #tpu.memory_space<semaphore_mem>>
    tpu.wait_indirect_dma semaphore(%dma_wait3A_464 : memref<!tpu.dma_semaphore, #tpu.memory_space<semaphore_mem>>) src(%dma_wait3A_462 : memref<1000000x128xf32, #tpu.memory_space<hbm>>) dst(%dma_wait3A_457 : memref<256x128xf32, #tpu.memory_space<vmem>>)
    %add3A_465 = arith.constant 1792 : i32
    %add3A_466 = arith.addi %mul3A_2, %add3A_465 : i32
    %dma_start3A_467 = arith.constant 1 : i32
    %dma_start3A_468 = arith.constant 1 : i32
    %dma_start3A_469 = arith.constant 0 : i32
    %dma_start3A_470 = arith.constant 0 : i32
    %dma_start3A_471 = tpu.memref_slice %arg8[%dma_start3A_467, %dma_start3A_469, %dma_start3A_470] : memref<3x256x128xf32, #tpu.memory_space<vmem>> -> memref<1x256x64xf32, #tpu.memory_space<vmem>>
    %dma_start3A_472 = tpu.memref_squeeze %dma_start3A_471 : memref<1x256x64xf32, #tpu.memory_space<vmem>> -> memref<256x64xf32, #tpu.memory_space<vmem>>
    %dma_start3A_473 = arith.constant 0 : i32
    %dma_start3A_474 = tpu.memref_slice %arg5[%add3A_466, %dma_start3A_473] : memref<327680x64xf32, #tpu.memory_space<hbm>> -> memref<256x64xf32, #tpu.memory_space<hbm>>
    %dma_start3A_475 = tpu.memref_slice %arg11[%dma_start3A_468] : memref<3x!tpu.dma_semaphore, #tpu.memory_space<semaphore_mem>> -> memref<1x!tpu.dma_semaphore, #tpu.memory_space<semaphore_mem>>
    %dma_start3A_476 = tpu.memref_squeeze %dma_start3A_475 : memref<1x!tpu.dma_semaphore, #tpu.memory_space<semaphore_mem>> -> memref<!tpu.dma_semaphore, #tpu.memory_space<semaphore_mem>>
    %dma_start3A_477 = arith.constant 0 : i32
    %dma_start3A_478 = tpu.memref_slice %arg5[%add3A_466, %dma_start3A_477] : memref<327680x64xf32, #tpu.memory_space<hbm>> -> memref<256x64xf32, #tpu.memory_space<hbm>>
    %dma_start3A_479 = arith.constant 0 : i32
    %dma_start3A_480 = arith.constant 0 : i32
    %dma_start3A_481 = tpu.memref_slice %arg8[%dma_start3A_467, %dma_start3A_479, %dma_start3A_480] : memref<3x256x128xf32, #tpu.memory_space<vmem>> -> memref<1x256x64xf32, #tpu.memory_space<vmem>>
    %dma_start3A_482 = tpu.memref_squeeze %dma_start3A_481 : memref<1x256x64xf32, #tpu.memory_space<vmem>> -> memref<256x64xf32, #tpu.memory_space<vmem>>
    tpu.enqueue_dma source(%dma_start3A_482 : memref<256x64xf32, #tpu.memory_space<vmem>>) target(%dma_start3A_478 : memref<256x64xf32, #tpu.memory_space<hbm>>) target_semaphore(%dma_start3A_476 : memref<!tpu.dma_semaphore, #tpu.memory_space<semaphore_mem>>)
    %add3A_483 = arith.constant 1536 : i32
    %add3A_484 = arith.addi %mul3A_2, %add3A_483 : i32
    %dma_wait3A_485 = arith.constant 0 : i32
    %dma_wait3A_486 = arith.constant 0 : i32
    %dma_wait3A_487 = arith.constant 0 : i32
    %dma_wait3A_488 = arith.constant 0 : i32
    %dma_wait3A_489 = tpu.memref_slice %arg8[%dma_wait3A_485, %dma_wait3A_487, %dma_wait3A_488] : memref<3x256x128xf32, #tpu.memory_space<vmem>> -> memref<1x256x64xf32, #tpu.memory_space<vmem>>
    %dma_wait3A_490 = tpu.memref_squeeze %dma_wait3A_489 : memref<1x256x64xf32, #tpu.memory_space<vmem>> -> memref<256x64xf32, #tpu.memory_space<vmem>>
    %dma_wait3A_491 = arith.constant 0 : i32
    %dma_wait3A_492 = tpu.memref_slice %arg5[%add3A_484, %dma_wait3A_491] : memref<327680x64xf32, #tpu.memory_space<hbm>> -> memref<256x64xf32, #tpu.memory_space<hbm>>
    %dma_wait3A_493 = tpu.memref_slice %arg11[%dma_wait3A_486] : memref<3x!tpu.dma_semaphore, #tpu.memory_space<semaphore_mem>> -> memref<1x!tpu.dma_semaphore, #tpu.memory_space<semaphore_mem>>
    %dma_wait3A_494 = tpu.memref_squeeze %dma_wait3A_493 : memref<1x!tpu.dma_semaphore, #tpu.memory_space<semaphore_mem>> -> memref<!tpu.dma_semaphore, #tpu.memory_space<semaphore_mem>>
    %dma_wait3A_495 = arith.constant 0 : i32
    %dma_wait3A_496 = tpu.memref_slice %arg5[%add3A_484, %dma_wait3A_495] : memref<327680x64xf32, #tpu.memory_space<hbm>> -> memref<256x64xf32, #tpu.memory_space<hbm>>
    %dma_wait3A_497 = arith.constant 0 : i32
    %dma_wait3A_498 = arith.constant 0 : i32
    %dma_wait3A_499 = tpu.memref_slice %arg8[%dma_wait3A_485, %dma_wait3A_497, %dma_wait3A_498] : memref<3x256x128xf32, #tpu.memory_space<vmem>> -> memref<1x256x64xf32, #tpu.memory_space<vmem>>
    %dma_wait3A_500 = tpu.memref_squeeze %dma_wait3A_499 : memref<1x256x64xf32, #tpu.memory_space<vmem>> -> memref<256x64xf32, #tpu.memory_space<vmem>>
    tpu.wait_dma2 semaphore(%dma_wait3A_494 : memref<!tpu.dma_semaphore, #tpu.memory_space<semaphore_mem>>) src(%dma_wait3A_500 : memref<256x64xf32, #tpu.memory_space<vmem>>) dst(%dma_wait3A_496 : memref<256x64xf32, #tpu.memory_space<hbm>>)
    %dma_start3A_501 = arith.constant 0 : i32
    %dma_start3A_502 = arith.constant 0 : i32
    %dma_start3A_503 = arith.constant 0 : i32
    %dma_start3A_504 = arith.constant 0 : i32
    %dma_start3A_505 = tpu.memref_slice %arg8[%dma_start3A_501, %dma_start3A_503, %dma_start3A_504] : memref<3x256x128xf32, #tpu.memory_space<vmem>> -> memref<1x256x128xf32, #tpu.memory_space<vmem>>
    %dma_start3A_506 = tpu.memref_squeeze %dma_start3A_505 : memref<1x256x128xf32, #tpu.memory_space<vmem>> -> memref<256x128xf32, #tpu.memory_space<vmem>>
    %dma_start3A_507 = arith.constant 2304 : i32
    %dma_start3A_508 = tpu.memref_slice %arg7[%dma_start3A_507] : memref<10240xi32, #tpu.memory_space<vmem>> -> memref<256xi32, #tpu.memory_space<vmem>>
    %dma_start3A_509 = arith.constant 0 : i32
    %dma_start3A_510 = arith.constant 0 : i32
    %dma_start3A_511 = tpu.memref_slice %arg3[%dma_start3A_509, %dma_start3A_510] : memref<1000000x128xf32, #tpu.memory_space<hbm>> -> memref<1000000x128xf32, #tpu.memory_space<hbm>>
    %dma_start3A_512 = tpu.memref_slice %arg10[%dma_start3A_502] : memref<3x!tpu.dma_semaphore, #tpu.memory_space<semaphore_mem>> -> memref<1x!tpu.dma_semaphore, #tpu.memory_space<semaphore_mem>>
    %dma_start3A_513 = tpu.memref_squeeze %dma_start3A_512 : memref<1x!tpu.dma_semaphore, #tpu.memory_space<semaphore_mem>> -> memref<!tpu.dma_semaphore, #tpu.memory_space<semaphore_mem>>
    tpu.enqueue_indirect_dma source(%dma_start3A_511 : memref<1000000x128xf32, #tpu.memory_space<hbm>>) target(%dma_start3A_506 : memref<256x128xf32, #tpu.memory_space<vmem>>) offsets(%dma_start3A_508 : memref<256xi32, #tpu.memory_space<vmem>>) semaphore(%dma_start3A_513 : memref<!tpu.dma_semaphore, #tpu.memory_space<semaphore_mem>>)
    %dma_wait3A_514 = arith.constant 2 : i32
    %dma_wait3A_515 = arith.constant 2 : i32
    %dma_wait3A_516 = arith.constant 0 : i32
    %dma_wait3A_517 = arith.constant 0 : i32
    %dma_wait3A_518 = tpu.memref_slice %arg8[%dma_wait3A_514, %dma_wait3A_516, %dma_wait3A_517] : memref<3x256x128xf32, #tpu.memory_space<vmem>> -> memref<1x256x128xf32, #tpu.memory_space<vmem>>
    %dma_wait3A_519 = tpu.memref_squeeze %dma_wait3A_518 : memref<1x256x128xf32, #tpu.memory_space<vmem>> -> memref<256x128xf32, #tpu.memory_space<vmem>>
    %dma_wait3A_520 = arith.constant 2048 : i32
    %dma_wait3A_521 = tpu.memref_slice %arg7[%dma_wait3A_520] : memref<10240xi32, #tpu.memory_space<vmem>> -> memref<256xi32, #tpu.memory_space<vmem>>
    %dma_wait3A_522 = arith.constant 0 : i32
    %dma_wait3A_523 = arith.constant 0 : i32
    %dma_wait3A_524 = tpu.memref_slice %arg3[%dma_wait3A_522, %dma_wait3A_523] : memref<1000000x128xf32, #tpu.memory_space<hbm>> -> memref<1000000x128xf32, #tpu.memory_space<hbm>>
    %dma_wait3A_525 = tpu.memref_slice %arg10[%dma_wait3A_515] : memref<3x!tpu.dma_semaphore, #tpu.memory_space<semaphore_mem>> -> memref<1x!tpu.dma_semaphore, #tpu.memory_space<semaphore_mem>>
    %dma_wait3A_526 = tpu.memref_squeeze %dma_wait3A_525 : memref<1x!tpu.dma_semaphore, #tpu.memory_space<semaphore_mem>> -> memref<!tpu.dma_semaphore, #tpu.memory_space<semaphore_mem>>
    tpu.wait_indirect_dma semaphore(%dma_wait3A_526 : memref<!tpu.dma_semaphore, #tpu.memory_space<semaphore_mem>>) src(%dma_wait3A_524 : memref<1000000x128xf32, #tpu.memory_space<hbm>>) dst(%dma_wait3A_519 : memref<256x128xf32, #tpu.memory_space<vmem>>)
    %add3A_527 = arith.constant 2048 : i32
    %add3A_528 = arith.addi %mul3A_2, %add3A_527 : i32
    %dma_start3A_529 = arith.constant 2 : i32
    %dma_start3A_530 = arith.constant 2 : i32
    %dma_start3A_531 = arith.constant 0 : i32
    %dma_start3A_532 = arith.constant 0 : i32
    %dma_start3A_533 = tpu.memref_slice %arg8[%dma_start3A_529, %dma_start3A_531, %dma_start3A_532] : memref<3x256x128xf32, #tpu.memory_space<vmem>> -> memref<1x256x64xf32, #tpu.memory_space<vmem>>
    %dma_start3A_534 = tpu.memref_squeeze %dma_start3A_533 : memref<1x256x64xf32, #tpu.memory_space<vmem>> -> memref<256x64xf32, #tpu.memory_space<vmem>>
    %dma_start3A_535 = arith.constant 0 : i32
    %dma_start3A_536 = tpu.memref_slice %arg5[%add3A_528, %dma_start3A_535] : memref<327680x64xf32, #tpu.memory_space<hbm>> -> memref<256x64xf32, #tpu.memory_space<hbm>>
    %dma_start3A_537 = tpu.memref_slice %arg11[%dma_start3A_530] : memref<3x!tpu.dma_semaphore, #tpu.memory_space<semaphore_mem>> -> memref<1x!tpu.dma_semaphore, #tpu.memory_space<semaphore_mem>>
    %dma_start3A_538 = tpu.memref_squeeze %dma_start3A_537 : memref<1x!tpu.dma_semaphore, #tpu.memory_space<semaphore_mem>> -> memref<!tpu.dma_semaphore, #tpu.memory_space<semaphore_mem>>
    %dma_start3A_539 = arith.constant 0 : i32
    %dma_start3A_540 = tpu.memref_slice %arg5[%add3A_528, %dma_start3A_539] : memref<327680x64xf32, #tpu.memory_space<hbm>> -> memref<256x64xf32, #tpu.memory_space<hbm>>
    %dma_start3A_541 = arith.constant 0 : i32
    %dma_start3A_542 = arith.constant 0 : i32
    %dma_start3A_543 = tpu.memref_slice %arg8[%dma_start3A_529, %dma_start3A_541, %dma_start3A_542] : memref<3x256x128xf32, #tpu.memory_space<vmem>> -> memref<1x256x64xf32, #tpu.memory_space<vmem>>
    %dma_start3A_544 = tpu.memref_squeeze %dma_start3A_543 : memref<1x256x64xf32, #tpu.memory_space<vmem>> -> memref<256x64xf32, #tpu.memory_space<vmem>>
    tpu.enqueue_dma source(%dma_start3A_544 : memref<256x64xf32, #tpu.memory_space<vmem>>) target(%dma_start3A_540 : memref<256x64xf32, #tpu.memory_space<hbm>>) target_semaphore(%dma_start3A_538 : memref<!tpu.dma_semaphore, #tpu.memory_space<semaphore_mem>>)
    %add3A_545 = arith.constant 1792 : i32
    %add3A_546 = arith.addi %mul3A_2, %add3A_545 : i32
    %dma_wait3A_547 = arith.constant 1 : i32
    %dma_wait3A_548 = arith.constant 1 : i32
    %dma_wait3A_549 = arith.constant 0 : i32
    %dma_wait3A_550 = arith.constant 0 : i32
    %dma_wait3A_551 = tpu.memref_slice %arg8[%dma_wait3A_547, %dma_wait3A_549, %dma_wait3A_550] : memref<3x256x128xf32, #tpu.memory_space<vmem>> -> memref<1x256x64xf32, #tpu.memory_space<vmem>>
    %dma_wait3A_552 = tpu.memref_squeeze %dma_wait3A_551 : memref<1x256x64xf32, #tpu.memory_space<vmem>> -> memref<256x64xf32, #tpu.memory_space<vmem>>
    %dma_wait3A_553 = arith.constant 0 : i32
    %dma_wait3A_554 = tpu.memref_slice %arg5[%add3A_546, %dma_wait3A_553] : memref<327680x64xf32, #tpu.memory_space<hbm>> -> memref<256x64xf32, #tpu.memory_space<hbm>>
    %dma_wait3A_555 = tpu.memref_slice %arg11[%dma_wait3A_548] : memref<3x!tpu.dma_semaphore, #tpu.memory_space<semaphore_mem>> -> memref<1x!tpu.dma_semaphore, #tpu.memory_space<semaphore_mem>>
    %dma_wait3A_556 = tpu.memref_squeeze %dma_wait3A_555 : memref<1x!tpu.dma_semaphore, #tpu.memory_space<semaphore_mem>> -> memref<!tpu.dma_semaphore, #tpu.memory_space<semaphore_mem>>
    %dma_wait3A_557 = arith.constant 0 : i32
    %dma_wait3A_558 = tpu.memref_slice %arg5[%add3A_546, %dma_wait3A_557] : memref<327680x64xf32, #tpu.memory_space<hbm>> -> memref<256x64xf32, #tpu.memory_space<hbm>>
    %dma_wait3A_559 = arith.constant 0 : i32
    %dma_wait3A_560 = arith.constant 0 : i32
    %dma_wait3A_561 = tpu.memref_slice %arg8[%dma_wait3A_547, %dma_wait3A_559, %dma_wait3A_560] : memref<3x256x128xf32, #tpu.memory_space<vmem>> -> memref<1x256x64xf32, #tpu.memory_space<vmem>>
    %dma_wait3A_562 = tpu.memref_squeeze %dma_wait3A_561 : memref<1x256x64xf32, #tpu.memory_space<vmem>> -> memref<256x64xf32, #tpu.memory_space<vmem>>
    tpu.wait_dma2 semaphore(%dma_wait3A_556 : memref<!tpu.dma_semaphore, #tpu.memory_space<semaphore_mem>>) src(%dma_wait3A_562 : memref<256x64xf32, #tpu.memory_space<vmem>>) dst(%dma_wait3A_558 : memref<256x64xf32, #tpu.memory_space<hbm>>)
    %dma_start3A_563 = arith.constant 1 : i32
    %dma_start3A_564 = arith.constant 1 : i32
    %dma_start3A_565 = arith.constant 0 : i32
    %dma_start3A_566 = arith.constant 0 : i32
    %dma_start3A_567 = tpu.memref_slice %arg8[%dma_start3A_563, %dma_start3A_565, %dma_start3A_566] : memref<3x256x128xf32, #tpu.memory_space<vmem>> -> memref<1x256x128xf32, #tpu.memory_space<vmem>>
    %dma_start3A_568 = tpu.memref_squeeze %dma_start3A_567 : memref<1x256x128xf32, #tpu.memory_space<vmem>> -> memref<256x128xf32, #tpu.memory_space<vmem>>
    %dma_start3A_569 = arith.constant 2560 : i32
    %dma_start3A_570 = tpu.memref_slice %arg7[%dma_start3A_569] : memref<10240xi32, #tpu.memory_space<vmem>> -> memref<256xi32, #tpu.memory_space<vmem>>
    %dma_start3A_571 = arith.constant 0 : i32
    %dma_start3A_572 = arith.constant 0 : i32
    %dma_start3A_573 = tpu.memref_slice %arg3[%dma_start3A_571, %dma_start3A_572] : memref<1000000x128xf32, #tpu.memory_space<hbm>> -> memref<1000000x128xf32, #tpu.memory_space<hbm>>
    %dma_start3A_574 = tpu.memref_slice %arg10[%dma_start3A_564] : memref<3x!tpu.dma_semaphore, #tpu.memory_space<semaphore_mem>> -> memref<1x!tpu.dma_semaphore, #tpu.memory_space<semaphore_mem>>
    %dma_start3A_575 = tpu.memref_squeeze %dma_start3A_574 : memref<1x!tpu.dma_semaphore, #tpu.memory_space<semaphore_mem>> -> memref<!tpu.dma_semaphore, #tpu.memory_space<semaphore_mem>>
    tpu.enqueue_indirect_dma source(%dma_start3A_573 : memref<1000000x128xf32, #tpu.memory_space<hbm>>) target(%dma_start3A_568 : memref<256x128xf32, #tpu.memory_space<vmem>>) offsets(%dma_start3A_570 : memref<256xi32, #tpu.memory_space<vmem>>) semaphore(%dma_start3A_575 : memref<!tpu.dma_semaphore, #tpu.memory_space<semaphore_mem>>)
    %dma_wait3A_576 = arith.constant 0 : i32
    %dma_wait3A_577 = arith.constant 0 : i32
    %dma_wait3A_578 = arith.constant 0 : i32
    %dma_wait3A_579 = arith.constant 0 : i32
    %dma_wait3A_580 = tpu.memref_slice %arg8[%dma_wait3A_576, %dma_wait3A_578, %dma_wait3A_579] : memref<3x256x128xf32, #tpu.memory_space<vmem>> -> memref<1x256x128xf32, #tpu.memory_space<vmem>>
    %dma_wait3A_581 = tpu.memref_squeeze %dma_wait3A_580 : memref<1x256x128xf32, #tpu.memory_space<vmem>> -> memref<256x128xf32, #tpu.memory_space<vmem>>
    %dma_wait3A_582 = arith.constant 2304 : i32
    %dma_wait3A_583 = tpu.memref_slice %arg7[%dma_wait3A_582] : memref<10240xi32, #tpu.memory_space<vmem>> -> memref<256xi32, #tpu.memory_space<vmem>>
    %dma_wait3A_584 = arith.constant 0 : i32
    %dma_wait3A_585 = arith.constant 0 : i32
    %dma_wait3A_586 = tpu.memref_slice %arg3[%dma_wait3A_584, %dma_wait3A_585] : memref<1000000x128xf32, #tpu.memory_space<hbm>> -> memref<1000000x128xf32, #tpu.memory_space<hbm>>
    %dma_wait3A_587 = tpu.memref_slice %arg10[%dma_wait3A_577] : memref<3x!tpu.dma_semaphore, #tpu.memory_space<semaphore_mem>> -> memref<1x!tpu.dma_semaphore, #tpu.memory_space<semaphore_mem>>
    %dma_wait3A_588 = tpu.memref_squeeze %dma_wait3A_587 : memref<1x!tpu.dma_semaphore, #tpu.memory_space<semaphore_mem>> -> memref<!tpu.dma_semaphore, #tpu.memory_space<semaphore_mem>>
    tpu.wait_indirect_dma semaphore(%dma_wait3A_588 : memref<!tpu.dma_semaphore, #tpu.memory_space<semaphore_mem>>) src(%dma_wait3A_586 : memref<1000000x128xf32, #tpu.memory_space<hbm>>) dst(%dma_wait3A_581 : memref<256x128xf32, #tpu.memory_space<vmem>>)
    %add3A_589 = arith.constant 2304 : i32
    %add3A_590 = arith.addi %mul3A_2, %add3A_589 : i32
    %dma_start3A_591 = arith.constant 0 : i32
    %dma_start3A_592 = arith.constant 0 : i32
    %dma_start3A_593 = arith.constant 0 : i32
    %dma_start3A_594 = arith.constant 0 : i32
    %dma_start3A_595 = tpu.memref_slice %arg8[%dma_start3A_591, %dma_start3A_593, %dma_start3A_594] : memref<3x256x128xf32, #tpu.memory_space<vmem>> -> memref<1x256x64xf32, #tpu.memory_space<vmem>>
    %dma_start3A_596 = tpu.memref_squeeze %dma_start3A_595 : memref<1x256x64xf32, #tpu.memory_space<vmem>> -> memref<256x64xf32, #tpu.memory_space<vmem>>
    %dma_start3A_597 = arith.constant 0 : i32
    %dma_start3A_598 = tpu.memref_slice %arg5[%add3A_590, %dma_start3A_597] : memref<327680x64xf32, #tpu.memory_space<hbm>> -> memref<256x64xf32, #tpu.memory_space<hbm>>
    %dma_start3A_599 = tpu.memref_slice %arg11[%dma_start3A_592] : memref<3x!tpu.dma_semaphore, #tpu.memory_space<semaphore_mem>> -> memref<1x!tpu.dma_semaphore, #tpu.memory_space<semaphore_mem>>
    %dma_start3A_600 = tpu.memref_squeeze %dma_start3A_599 : memref<1x!tpu.dma_semaphore, #tpu.memory_space<semaphore_mem>> -> memref<!tpu.dma_semaphore, #tpu.memory_space<semaphore_mem>>
    %dma_start3A_601 = arith.constant 0 : i32
    %dma_start3A_602 = tpu.memref_slice %arg5[%add3A_590, %dma_start3A_601] : memref<327680x64xf32, #tpu.memory_space<hbm>> -> memref<256x64xf32, #tpu.memory_space<hbm>>
    %dma_start3A_603 = arith.constant 0 : i32
    %dma_start3A_604 = arith.constant 0 : i32
    %dma_start3A_605 = tpu.memref_slice %arg8[%dma_start3A_591, %dma_start3A_603, %dma_start3A_604] : memref<3x256x128xf32, #tpu.memory_space<vmem>> -> memref<1x256x64xf32, #tpu.memory_space<vmem>>
    %dma_start3A_606 = tpu.memref_squeeze %dma_start3A_605 : memref<1x256x64xf32, #tpu.memory_space<vmem>> -> memref<256x64xf32, #tpu.memory_space<vmem>>
    tpu.enqueue_dma source(%dma_start3A_606 : memref<256x64xf32, #tpu.memory_space<vmem>>) target(%dma_start3A_602 : memref<256x64xf32, #tpu.memory_space<hbm>>) target_semaphore(%dma_start3A_600 : memref<!tpu.dma_semaphore, #tpu.memory_space<semaphore_mem>>)
    %add3A_607 = arith.constant 2048 : i32
    %add3A_608 = arith.addi %mul3A_2, %add3A_607 : i32
    %dma_wait3A_609 = arith.constant 2 : i32
    %dma_wait3A_610 = arith.constant 2 : i32
    %dma_wait3A_611 = arith.constant 0 : i32
    %dma_wait3A_612 = arith.constant 0 : i32
    %dma_wait3A_613 = tpu.memref_slice %arg8[%dma_wait3A_609, %dma_wait3A_611, %dma_wait3A_612] : memref<3x256x128xf32, #tpu.memory_space<vmem>> -> memref<1x256x64xf32, #tpu.memory_space<vmem>>
    %dma_wait3A_614 = tpu.memref_squeeze %dma_wait3A_613 : memref<1x256x64xf32, #tpu.memory_space<vmem>> -> memref<256x64xf32, #tpu.memory_space<vmem>>
    %dma_wait3A_615 = arith.constant 0 : i32
    %dma_wait3A_616 = tpu.memref_slice %arg5[%add3A_608, %dma_wait3A_615] : memref<327680x64xf32, #tpu.memory_space<hbm>> -> memref<256x64xf32, #tpu.memory_space<hbm>>
    %dma_wait3A_617 = tpu.memref_slice %arg11[%dma_wait3A_610] : memref<3x!tpu.dma_semaphore, #tpu.memory_space<semaphore_mem>> -> memref<1x!tpu.dma_semaphore, #tpu.memory_space<semaphore_mem>>
    %dma_wait3A_618 = tpu.memref_squeeze %dma_wait3A_617 : memref<1x!tpu.dma_semaphore, #tpu.memory_space<semaphore_mem>> -> memref<!tpu.dma_semaphore, #tpu.memory_space<semaphore_mem>>
    %dma_wait3A_619 = arith.constant 0 : i32
    %dma_wait3A_620 = tpu.memref_slice %arg5[%add3A_608, %dma_wait3A_619] : memref<327680x64xf32, #tpu.memory_space<hbm>> -> memref<256x64xf32, #tpu.memory_space<hbm>>
    %dma_wait3A_621 = arith.constant 0 : i32
    %dma_wait3A_622 = arith.constant 0 : i32
    %dma_wait3A_623 = tpu.memref_slice %arg8[%dma_wait3A_609, %dma_wait3A_621, %dma_wait3A_622] : memref<3x256x128xf32, #tpu.memory_space<vmem>> -> memref<1x256x64xf32, #tpu.memory_space<vmem>>
    %dma_wait3A_624 = tpu.memref_squeeze %dma_wait3A_623 : memref<1x256x64xf32, #tpu.memory_space<vmem>> -> memref<256x64xf32, #tpu.memory_space<vmem>>
    tpu.wait_dma2 semaphore(%dma_wait3A_618 : memref<!tpu.dma_semaphore, #tpu.memory_space<semaphore_mem>>) src(%dma_wait3A_624 : memref<256x64xf32, #tpu.memory_space<vmem>>) dst(%dma_wait3A_620 : memref<256x64xf32, #tpu.memory_space<hbm>>)
    %dma_start3A_625 = arith.constant 2 : i32
    %dma_start3A_626 = arith.constant 2 : i32
    %dma_start3A_627 = arith.constant 0 : i32
    %dma_start3A_628 = arith.constant 0 : i32
    %dma_start3A_629 = tpu.memref_slice %arg8[%dma_start3A_625, %dma_start3A_627, %dma_start3A_628] : memref<3x256x128xf32, #tpu.memory_space<vmem>> -> memref<1x256x128xf32, #tpu.memory_space<vmem>>
    %dma_start3A_630 = tpu.memref_squeeze %dma_start3A_629 : memref<1x256x128xf32, #tpu.memory_space<vmem>> -> memref<256x128xf32, #tpu.memory_space<vmem>>
    %dma_start3A_631 = arith.constant 2816 : i32
    %dma_start3A_632 = tpu.memref_slice %arg7[%dma_start3A_631] : memref<10240xi32, #tpu.memory_space<vmem>> -> memref<256xi32, #tpu.memory_space<vmem>>
    %dma_start3A_633 = arith.constant 0 : i32
    %dma_start3A_634 = arith.constant 0 : i32
    %dma_start3A_635 = tpu.memref_slice %arg3[%dma_start3A_633, %dma_start3A_634] : memref<1000000x128xf32, #tpu.memory_space<hbm>> -> memref<1000000x128xf32, #tpu.memory_space<hbm>>
    %dma_start3A_636 = tpu.memref_slice %arg10[%dma_start3A_626] : memref<3x!tpu.dma_semaphore, #tpu.memory_space<semaphore_mem>> -> memref<1x!tpu.dma_semaphore, #tpu.memory_space<semaphore_mem>>
    %dma_start3A_637 = tpu.memref_squeeze %dma_start3A_636 : memref<1x!tpu.dma_semaphore, #tpu.memory_space<semaphore_mem>> -> memref<!tpu.dma_semaphore, #tpu.memory_space<semaphore_mem>>
    tpu.enqueue_indirect_dma source(%dma_start3A_635 : memref<1000000x128xf32, #tpu.memory_space<hbm>>) target(%dma_start3A_630 : memref<256x128xf32, #tpu.memory_space<vmem>>) offsets(%dma_start3A_632 : memref<256xi32, #tpu.memory_space<vmem>>) semaphore(%dma_start3A_637 : memref<!tpu.dma_semaphore, #tpu.memory_space<semaphore_mem>>)
    %dma_wait3A_638 = arith.constant 1 : i32
    %dma_wait3A_639 = arith.constant 1 : i32
    %dma_wait3A_640 = arith.constant 0 : i32
    %dma_wait3A_641 = arith.constant 0 : i32
    %dma_wait3A_642 = tpu.memref_slice %arg8[%dma_wait3A_638, %dma_wait3A_640, %dma_wait3A_641] : memref<3x256x128xf32, #tpu.memory_space<vmem>> -> memref<1x256x128xf32, #tpu.memory_space<vmem>>
    %dma_wait3A_643 = tpu.memref_squeeze %dma_wait3A_642 : memref<1x256x128xf32, #tpu.memory_space<vmem>> -> memref<256x128xf32, #tpu.memory_space<vmem>>
    %dma_wait3A_644 = arith.constant 2560 : i32
    %dma_wait3A_645 = tpu.memref_slice %arg7[%dma_wait3A_644] : memref<10240xi32, #tpu.memory_space<vmem>> -> memref<256xi32, #tpu.memory_space<vmem>>
    %dma_wait3A_646 = arith.constant 0 : i32
    %dma_wait3A_647 = arith.constant 0 : i32
    %dma_wait3A_648 = tpu.memref_slice %arg3[%dma_wait3A_646, %dma_wait3A_647] : memref<1000000x128xf32, #tpu.memory_space<hbm>> -> memref<1000000x128xf32, #tpu.memory_space<hbm>>
    %dma_wait3A_649 = tpu.memref_slice %arg10[%dma_wait3A_639] : memref<3x!tpu.dma_semaphore, #tpu.memory_space<semaphore_mem>> -> memref<1x!tpu.dma_semaphore, #tpu.memory_space<semaphore_mem>>
    %dma_wait3A_650 = tpu.memref_squeeze %dma_wait3A_649 : memref<1x!tpu.dma_semaphore, #tpu.memory_space<semaphore_mem>> -> memref<!tpu.dma_semaphore, #tpu.memory_space<semaphore_mem>>
    tpu.wait_indirect_dma semaphore(%dma_wait3A_650 : memref<!tpu.dma_semaphore, #tpu.memory_space<semaphore_mem>>) src(%dma_wait3A_648 : memref<1000000x128xf32, #tpu.memory_space<hbm>>) dst(%dma_wait3A_643 : memref<256x128xf32, #tpu.memory_space<vmem>>)
    %add3A_651 = arith.constant 2560 : i32
    %add3A_652 = arith.addi %mul3A_2, %add3A_651 : i32
    %dma_start3A_653 = arith.constant 1 : i32
    %dma_start3A_654 = arith.constant 1 : i32
    %dma_start3A_655 = arith.constant 0 : i32
    %dma_start3A_656 = arith.constant 0 : i32
    %dma_start3A_657 = tpu.memref_slice %arg8[%dma_start3A_653, %dma_start3A_655, %dma_start3A_656] : memref<3x256x128xf32, #tpu.memory_space<vmem>> -> memref<1x256x64xf32, #tpu.memory_space<vmem>>
    %dma_start3A_658 = tpu.memref_squeeze %dma_start3A_657 : memref<1x256x64xf32, #tpu.memory_space<vmem>> -> memref<256x64xf32, #tpu.memory_space<vmem>>
    %dma_start3A_659 = arith.constant 0 : i32
    %dma_start3A_660 = tpu.memref_slice %arg5[%add3A_652, %dma_start3A_659] : memref<327680x64xf32, #tpu.memory_space<hbm>> -> memref<256x64xf32, #tpu.memory_space<hbm>>
    %dma_start3A_661 = tpu.memref_slice %arg11[%dma_start3A_654] : memref<3x!tpu.dma_semaphore, #tpu.memory_space<semaphore_mem>> -> memref<1x!tpu.dma_semaphore, #tpu.memory_space<semaphore_mem>>
    %dma_start3A_662 = tpu.memref_squeeze %dma_start3A_661 : memref<1x!tpu.dma_semaphore, #tpu.memory_space<semaphore_mem>> -> memref<!tpu.dma_semaphore, #tpu.memory_space<semaphore_mem>>
    %dma_start3A_663 = arith.constant 0 : i32
    %dma_start3A_664 = tpu.memref_slice %arg5[%add3A_652, %dma_start3A_663] : memref<327680x64xf32, #tpu.memory_space<hbm>> -> memref<256x64xf32, #tpu.memory_space<hbm>>
    %dma_start3A_665 = arith.constant 0 : i32
    %dma_start3A_666 = arith.constant 0 : i32
    %dma_start3A_667 = tpu.memref_slice %arg8[%dma_start3A_653, %dma_start3A_665, %dma_start3A_666] : memref<3x256x128xf32, #tpu.memory_space<vmem>> -> memref<1x256x64xf32, #tpu.memory_space<vmem>>
    %dma_start3A_668 = tpu.memref_squeeze %dma_start3A_667 : memref<1x256x64xf32, #tpu.memory_space<vmem>> -> memref<256x64xf32, #tpu.memory_space<vmem>>
    tpu.enqueue_dma source(%dma_start3A_668 : memref<256x64xf32, #tpu.memory_space<vmem>>) target(%dma_start3A_664 : memref<256x64xf32, #tpu.memory_space<hbm>>) target_semaphore(%dma_start3A_662 : memref<!tpu.dma_semaphore, #tpu.memory_space<semaphore_mem>>)
    %add3A_669 = arith.constant 2304 : i32
    %add3A_670 = arith.addi %mul3A_2, %add3A_669 : i32
    %dma_wait3A_671 = arith.constant 0 : i32
    %dma_wait3A_672 = arith.constant 0 : i32
    %dma_wait3A_673 = arith.constant 0 : i32
    %dma_wait3A_674 = arith.constant 0 : i32
    %dma_wait3A_675 = tpu.memref_slice %arg8[%dma_wait3A_671, %dma_wait3A_673, %dma_wait3A_674] : memref<3x256x128xf32, #tpu.memory_space<vmem>> -> memref<1x256x64xf32, #tpu.memory_space<vmem>>
    %dma_wait3A_676 = tpu.memref_squeeze %dma_wait3A_675 : memref<1x256x64xf32, #tpu.memory_space<vmem>> -> memref<256x64xf32, #tpu.memory_space<vmem>>
    %dma_wait3A_677 = arith.constant 0 : i32
    %dma_wait3A_678 = tpu.memref_slice %arg5[%add3A_670, %dma_wait3A_677] : memref<327680x64xf32, #tpu.memory_space<hbm>> -> memref<256x64xf32, #tpu.memory_space<hbm>>
    %dma_wait3A_679 = tpu.memref_slice %arg11[%dma_wait3A_672] : memref<3x!tpu.dma_semaphore, #tpu.memory_space<semaphore_mem>> -> memref<1x!tpu.dma_semaphore, #tpu.memory_space<semaphore_mem>>
    %dma_wait3A_680 = tpu.memref_squeeze %dma_wait3A_679 : memref<1x!tpu.dma_semaphore, #tpu.memory_space<semaphore_mem>> -> memref<!tpu.dma_semaphore, #tpu.memory_space<semaphore_mem>>
    %dma_wait3A_681 = arith.constant 0 : i32
    %dma_wait3A_682 = tpu.memref_slice %arg5[%add3A_670, %dma_wait3A_681] : memref<327680x64xf32, #tpu.memory_space<hbm>> -> memref<256x64xf32, #tpu.memory_space<hbm>>
    %dma_wait3A_683 = arith.constant 0 : i32
    %dma_wait3A_684 = arith.constant 0 : i32
    %dma_wait3A_685 = tpu.memref_slice %arg8[%dma_wait3A_671, %dma_wait3A_683, %dma_wait3A_684] : memref<3x256x128xf32, #tpu.memory_space<vmem>> -> memref<1x256x64xf32, #tpu.memory_space<vmem>>
    %dma_wait3A_686 = tpu.memref_squeeze %dma_wait3A_685 : memref<1x256x64xf32, #tpu.memory_space<vmem>> -> memref<256x64xf32, #tpu.memory_space<vmem>>
    tpu.wait_dma2 semaphore(%dma_wait3A_680 : memref<!tpu.dma_semaphore, #tpu.memory_space<semaphore_mem>>) src(%dma_wait3A_686 : memref<256x64xf32, #tpu.memory_space<vmem>>) dst(%dma_wait3A_682 : memref<256x64xf32, #tpu.memory_space<hbm>>)
    %dma_start3A_687 = arith.constant 0 : i32
    %dma_start3A_688 = arith.constant 0 : i32
    %dma_start3A_689 = arith.constant 0 : i32
    %dma_start3A_690 = arith.constant 0 : i32
    %dma_start3A_691 = tpu.memref_slice %arg8[%dma_start3A_687, %dma_start3A_689, %dma_start3A_690] : memref<3x256x128xf32, #tpu.memory_space<vmem>> -> memref<1x256x128xf32, #tpu.memory_space<vmem>>
    %dma_start3A_692 = tpu.memref_squeeze %dma_start3A_691 : memref<1x256x128xf32, #tpu.memory_space<vmem>> -> memref<256x128xf32, #tpu.memory_space<vmem>>
    %dma_start3A_693 = arith.constant 3072 : i32
    %dma_start3A_694 = tpu.memref_slice %arg7[%dma_start3A_693] : memref<10240xi32, #tpu.memory_space<vmem>> -> memref<256xi32, #tpu.memory_space<vmem>>
    %dma_start3A_695 = arith.constant 0 : i32
    %dma_start3A_696 = arith.constant 0 : i32
    %dma_start3A_697 = tpu.memref_slice %arg3[%dma_start3A_695, %dma_start3A_696] : memref<1000000x128xf32, #tpu.memory_space<hbm>> -> memref<1000000x128xf32, #tpu.memory_space<hbm>>
    %dma_start3A_698 = tpu.memref_slice %arg10[%dma_start3A_688] : memref<3x!tpu.dma_semaphore, #tpu.memory_space<semaphore_mem>> -> memref<1x!tpu.dma_semaphore, #tpu.memory_space<semaphore_mem>>
    %dma_start3A_699 = tpu.memref_squeeze %dma_start3A_698 : memref<1x!tpu.dma_semaphore, #tpu.memory_space<semaphore_mem>> -> memref<!tpu.dma_semaphore, #tpu.memory_space<semaphore_mem>>
    tpu.enqueue_indirect_dma source(%dma_start3A_697 : memref<1000000x128xf32, #tpu.memory_space<hbm>>) target(%dma_start3A_692 : memref<256x128xf32, #tpu.memory_space<vmem>>) offsets(%dma_start3A_694 : memref<256xi32, #tpu.memory_space<vmem>>) semaphore(%dma_start3A_699 : memref<!tpu.dma_semaphore, #tpu.memory_space<semaphore_mem>>)
    %dma_wait3A_700 = arith.constant 2 : i32
    %dma_wait3A_701 = arith.constant 2 : i32
    %dma_wait3A_702 = arith.constant 0 : i32
    %dma_wait3A_703 = arith.constant 0 : i32
    %dma_wait3A_704 = tpu.memref_slice %arg8[%dma_wait3A_700, %dma_wait3A_702, %dma_wait3A_703] : memref<3x256x128xf32, #tpu.memory_space<vmem>> -> memref<1x256x128xf32, #tpu.memory_space<vmem>>
    %dma_wait3A_705 = tpu.memref_squeeze %dma_wait3A_704 : memref<1x256x128xf32, #tpu.memory_space<vmem>> -> memref<256x128xf32, #tpu.memory_space<vmem>>
    %dma_wait3A_706 = arith.constant 2816 : i32
    %dma_wait3A_707 = tpu.memref_slice %arg7[%dma_wait3A_706] : memref<10240xi32, #tpu.memory_space<vmem>> -> memref<256xi32, #tpu.memory_space<vmem>>
    %dma_wait3A_708 = arith.constant 0 : i32
    %dma_wait3A_709 = arith.constant 0 : i32
    %dma_wait3A_710 = tpu.memref_slice %arg3[%dma_wait3A_708, %dma_wait3A_709] : memref<1000000x128xf32, #tpu.memory_space<hbm>> -> memref<1000000x128xf32, #tpu.memory_space<hbm>>
    %dma_wait3A_711 = tpu.memref_slice %arg10[%dma_wait3A_701] : memref<3x!tpu.dma_semaphore, #tpu.memory_space<semaphore_mem>> -> memref<1x!tpu.dma_semaphore, #tpu.memory_space<semaphore_mem>>
    %dma_wait3A_712 = tpu.memref_squeeze %dma_wait3A_711 : memref<1x!tpu.dma_semaphore, #tpu.memory_space<semaphore_mem>> -> memref<!tpu.dma_semaphore, #tpu.memory_space<semaphore_mem>>
    tpu.wait_indirect_dma semaphore(%dma_wait3A_712 : memref<!tpu.dma_semaphore, #tpu.memory_space<semaphore_mem>>) src(%dma_wait3A_710 : memref<1000000x128xf32, #tpu.memory_space<hbm>>) dst(%dma_wait3A_705 : memref<256x128xf32, #tpu.memory_space<vmem>>)
    %add3A_713 = arith.constant 2816 : i32
    %add3A_714 = arith.addi %mul3A_2, %add3A_713 : i32
    %dma_start3A_715 = arith.constant 2 : i32
    %dma_start3A_716 = arith.constant 2 : i32
    %dma_start3A_717 = arith.constant 0 : i32
    %dma_start3A_718 = arith.constant 0 : i32
    %dma_start3A_719 = tpu.memref_slice %arg8[%dma_start3A_715, %dma_start3A_717, %dma_start3A_718] : memref<3x256x128xf32, #tpu.memory_space<vmem>> -> memref<1x256x64xf32, #tpu.memory_space<vmem>>
    %dma_start3A_720 = tpu.memref_squeeze %dma_start3A_719 : memref<1x256x64xf32, #tpu.memory_space<vmem>> -> memref<256x64xf32, #tpu.memory_space<vmem>>
    %dma_start3A_721 = arith.constant 0 : i32
    %dma_start3A_722 = tpu.memref_slice %arg5[%add3A_714, %dma_start3A_721] : memref<327680x64xf32, #tpu.memory_space<hbm>> -> memref<256x64xf32, #tpu.memory_space<hbm>>
    %dma_start3A_723 = tpu.memref_slice %arg11[%dma_start3A_716] : memref<3x!tpu.dma_semaphore, #tpu.memory_space<semaphore_mem>> -> memref<1x!tpu.dma_semaphore, #tpu.memory_space<semaphore_mem>>
    %dma_start3A_724 = tpu.memref_squeeze %dma_start3A_723 : memref<1x!tpu.dma_semaphore, #tpu.memory_space<semaphore_mem>> -> memref<!tpu.dma_semaphore, #tpu.memory_space<semaphore_mem>>
    %dma_start3A_725 = arith.constant 0 : i32
    %dma_start3A_726 = tpu.memref_slice %arg5[%add3A_714, %dma_start3A_725] : memref<327680x64xf32, #tpu.memory_space<hbm>> -> memref<256x64xf32, #tpu.memory_space<hbm>>
    %dma_start3A_727 = arith.constant 0 : i32
    %dma_start3A_728 = arith.constant 0 : i32
    %dma_start3A_729 = tpu.memref_slice %arg8[%dma_start3A_715, %dma_start3A_727, %dma_start3A_728] : memref<3x256x128xf32, #tpu.memory_space<vmem>> -> memref<1x256x64xf32, #tpu.memory_space<vmem>>
    %dma_start3A_730 = tpu.memref_squeeze %dma_start3A_729 : memref<1x256x64xf32, #tpu.memory_space<vmem>> -> memref<256x64xf32, #tpu.memory_space<vmem>>
    tpu.enqueue_dma source(%dma_start3A_730 : memref<256x64xf32, #tpu.memory_space<vmem>>) target(%dma_start3A_726 : memref<256x64xf32, #tpu.memory_space<hbm>>) target_semaphore(%dma_start3A_724 : memref<!tpu.dma_semaphore, #tpu.memory_space<semaphore_mem>>)
    %add3A_731 = arith.constant 2560 : i32
    %add3A_732 = arith.addi %mul3A_2, %add3A_731 : i32
    %dma_wait3A_733 = arith.constant 1 : i32
    %dma_wait3A_734 = arith.constant 1 : i32
    %dma_wait3A_735 = arith.constant 0 : i32
    %dma_wait3A_736 = arith.constant 0 : i32
    %dma_wait3A_737 = tpu.memref_slice %arg8[%dma_wait3A_733, %dma_wait3A_735, %dma_wait3A_736] : memref<3x256x128xf32, #tpu.memory_space<vmem>> -> memref<1x256x64xf32, #tpu.memory_space<vmem>>
    %dma_wait3A_738 = tpu.memref_squeeze %dma_wait3A_737 : memref<1x256x64xf32, #tpu.memory_space<vmem>> -> memref<256x64xf32, #tpu.memory_space<vmem>>
    %dma_wait3A_739 = arith.constant 0 : i32
    %dma_wait3A_740 = tpu.memref_slice %arg5[%add3A_732, %dma_wait3A_739] : memref<327680x64xf32, #tpu.memory_space<hbm>> -> memref<256x64xf32, #tpu.memory_space<hbm>>
    %dma_wait3A_741 = tpu.memref_slice %arg11[%dma_wait3A_734] : memref<3x!tpu.dma_semaphore, #tpu.memory_space<semaphore_mem>> -> memref<1x!tpu.dma_semaphore, #tpu.memory_space<semaphore_mem>>
    %dma_wait3A_742 = tpu.memref_squeeze %dma_wait3A_741 : memref<1x!tpu.dma_semaphore, #tpu.memory_space<semaphore_mem>> -> memref<!tpu.dma_semaphore, #tpu.memory_space<semaphore_mem>>
    %dma_wait3A_743 = arith.constant 0 : i32
    %dma_wait3A_744 = tpu.memref_slice %arg5[%add3A_732, %dma_wait3A_743] : memref<327680x64xf32, #tpu.memory_space<hbm>> -> memref<256x64xf32, #tpu.memory_space<hbm>>
    %dma_wait3A_745 = arith.constant 0 : i32
    %dma_wait3A_746 = arith.constant 0 : i32
    %dma_wait3A_747 = tpu.memref_slice %arg8[%dma_wait3A_733, %dma_wait3A_745, %dma_wait3A_746] : memref<3x256x128xf32, #tpu.memory_space<vmem>> -> memref<1x256x64xf32, #tpu.memory_space<vmem>>
    %dma_wait3A_748 = tpu.memref_squeeze %dma_wait3A_747 : memref<1x256x64xf32, #tpu.memory_space<vmem>> -> memref<256x64xf32, #tpu.memory_space<vmem>>
    tpu.wait_dma2 semaphore(%dma_wait3A_742 : memref<!tpu.dma_semaphore, #tpu.memory_space<semaphore_mem>>) src(%dma_wait3A_748 : memref<256x64xf32, #tpu.memory_space<vmem>>) dst(%dma_wait3A_744 : memref<256x64xf32, #tpu.memory_space<hbm>>)
    %dma_start3A_749 = arith.constant 1 : i32
    %dma_start3A_750 = arith.constant 1 : i32
    %dma_start3A_751 = arith.constant 0 : i32
    %dma_start3A_752 = arith.constant 0 : i32
    %dma_start3A_753 = tpu.memref_slice %arg8[%dma_start3A_749, %dma_start3A_751, %dma_start3A_752] : memref<3x256x128xf32, #tpu.memory_space<vmem>> -> memref<1x256x128xf32, #tpu.memory_space<vmem>>
    %dma_start3A_754 = tpu.memref_squeeze %dma_start3A_753 : memref<1x256x128xf32, #tpu.memory_space<vmem>> -> memref<256x128xf32, #tpu.memory_space<vmem>>
    %dma_start3A_755 = arith.constant 3328 : i32
    %dma_start3A_756 = tpu.memref_slice %arg7[%dma_start3A_755] : memref<10240xi32, #tpu.memory_space<vmem>> -> memref<256xi32, #tpu.memory_space<vmem>>
    %dma_start3A_757 = arith.constant 0 : i32
    %dma_start3A_758 = arith.constant 0 : i32
    %dma_start3A_759 = tpu.memref_slice %arg3[%dma_start3A_757, %dma_start3A_758] : memref<1000000x128xf32, #tpu.memory_space<hbm>> -> memref<1000000x128xf32, #tpu.memory_space<hbm>>
    %dma_start3A_760 = tpu.memref_slice %arg10[%dma_start3A_750] : memref<3x!tpu.dma_semaphore, #tpu.memory_space<semaphore_mem>> -> memref<1x!tpu.dma_semaphore, #tpu.memory_space<semaphore_mem>>
    %dma_start3A_761 = tpu.memref_squeeze %dma_start3A_760 : memref<1x!tpu.dma_semaphore, #tpu.memory_space<semaphore_mem>> -> memref<!tpu.dma_semaphore, #tpu.memory_space<semaphore_mem>>
    tpu.enqueue_indirect_dma source(%dma_start3A_759 : memref<1000000x128xf32, #tpu.memory_space<hbm>>) target(%dma_start3A_754 : memref<256x128xf32, #tpu.memory_space<vmem>>) offsets(%dma_start3A_756 : memref<256xi32, #tpu.memory_space<vmem>>) semaphore(%dma_start3A_761 : memref<!tpu.dma_semaphore, #tpu.memory_space<semaphore_mem>>)
    %dma_wait3A_762 = arith.constant 0 : i32
    %dma_wait3A_763 = arith.constant 0 : i32
    %dma_wait3A_764 = arith.constant 0 : i32
    %dma_wait3A_765 = arith.constant 0 : i32
    %dma_wait3A_766 = tpu.memref_slice %arg8[%dma_wait3A_762, %dma_wait3A_764, %dma_wait3A_765] : memref<3x256x128xf32, #tpu.memory_space<vmem>> -> memref<1x256x128xf32, #tpu.memory_space<vmem>>
    %dma_wait3A_767 = tpu.memref_squeeze %dma_wait3A_766 : memref<1x256x128xf32, #tpu.memory_space<vmem>> -> memref<256x128xf32, #tpu.memory_space<vmem>>
    %dma_wait3A_768 = arith.constant 3072 : i32
    %dma_wait3A_769 = tpu.memref_slice %arg7[%dma_wait3A_768] : memref<10240xi32, #tpu.memory_space<vmem>> -> memref<256xi32, #tpu.memory_space<vmem>>
    %dma_wait3A_770 = arith.constant 0 : i32
    %dma_wait3A_771 = arith.constant 0 : i32
    %dma_wait3A_772 = tpu.memref_slice %arg3[%dma_wait3A_770, %dma_wait3A_771] : memref<1000000x128xf32, #tpu.memory_space<hbm>> -> memref<1000000x128xf32, #tpu.memory_space<hbm>>
    %dma_wait3A_773 = tpu.memref_slice %arg10[%dma_wait3A_763] : memref<3x!tpu.dma_semaphore, #tpu.memory_space<semaphore_mem>> -> memref<1x!tpu.dma_semaphore, #tpu.memory_space<semaphore_mem>>
    %dma_wait3A_774 = tpu.memref_squeeze %dma_wait3A_773 : memref<1x!tpu.dma_semaphore, #tpu.memory_space<semaphore_mem>> -> memref<!tpu.dma_semaphore, #tpu.memory_space<semaphore_mem>>
    tpu.wait_indirect_dma semaphore(%dma_wait3A_774 : memref<!tpu.dma_semaphore, #tpu.memory_space<semaphore_mem>>) src(%dma_wait3A_772 : memref<1000000x128xf32, #tpu.memory_space<hbm>>) dst(%dma_wait3A_767 : memref<256x128xf32, #tpu.memory_space<vmem>>)
    %add3A_775 = arith.constant 3072 : i32
    %add3A_776 = arith.addi %mul3A_2, %add3A_775 : i32
    %dma_start3A_777 = arith.constant 0 : i32
    %dma_start3A_778 = arith.constant 0 : i32
    %dma_start3A_779 = arith.constant 0 : i32
    %dma_start3A_780 = arith.constant 0 : i32
    %dma_start3A_781 = tpu.memref_slice %arg8[%dma_start3A_777, %dma_start3A_779, %dma_start3A_780] : memref<3x256x128xf32, #tpu.memory_space<vmem>> -> memref<1x256x64xf32, #tpu.memory_space<vmem>>
    %dma_start3A_782 = tpu.memref_squeeze %dma_start3A_781 : memref<1x256x64xf32, #tpu.memory_space<vmem>> -> memref<256x64xf32, #tpu.memory_space<vmem>>
    %dma_start3A_783 = arith.constant 0 : i32
    %dma_start3A_784 = tpu.memref_slice %arg5[%add3A_776, %dma_start3A_783] : memref<327680x64xf32, #tpu.memory_space<hbm>> -> memref<256x64xf32, #tpu.memory_space<hbm>>
    %dma_start3A_785 = tpu.memref_slice %arg11[%dma_start3A_778] : memref<3x!tpu.dma_semaphore, #tpu.memory_space<semaphore_mem>> -> memref<1x!tpu.dma_semaphore, #tpu.memory_space<semaphore_mem>>
    %dma_start3A_786 = tpu.memref_squeeze %dma_start3A_785 : memref<1x!tpu.dma_semaphore, #tpu.memory_space<semaphore_mem>> -> memref<!tpu.dma_semaphore, #tpu.memory_space<semaphore_mem>>
    %dma_start3A_787 = arith.constant 0 : i32
    %dma_start3A_788 = tpu.memref_slice %arg5[%add3A_776, %dma_start3A_787] : memref<327680x64xf32, #tpu.memory_space<hbm>> -> memref<256x64xf32, #tpu.memory_space<hbm>>
    %dma_start3A_789 = arith.constant 0 : i32
    %dma_start3A_790 = arith.constant 0 : i32
    %dma_start3A_791 = tpu.memref_slice %arg8[%dma_start3A_777, %dma_start3A_789, %dma_start3A_790] : memref<3x256x128xf32, #tpu.memory_space<vmem>> -> memref<1x256x64xf32, #tpu.memory_space<vmem>>
    %dma_start3A_792 = tpu.memref_squeeze %dma_start3A_791 : memref<1x256x64xf32, #tpu.memory_space<vmem>> -> memref<256x64xf32, #tpu.memory_space<vmem>>
    tpu.enqueue_dma source(%dma_start3A_792 : memref<256x64xf32, #tpu.memory_space<vmem>>) target(%dma_start3A_788 : memref<256x64xf32, #tpu.memory_space<hbm>>) target_semaphore(%dma_start3A_786 : memref<!tpu.dma_semaphore, #tpu.memory_space<semaphore_mem>>)
    %add3A_793 = arith.constant 2816 : i32
    %add3A_794 = arith.addi %mul3A_2, %add3A_793 : i32
    %dma_wait3A_795 = arith.constant 2 : i32
    %dma_wait3A_796 = arith.constant 2 : i32
    %dma_wait3A_797 = arith.constant 0 : i32
    %dma_wait3A_798 = arith.constant 0 : i32
    %dma_wait3A_799 = tpu.memref_slice %arg8[%dma_wait3A_795, %dma_wait3A_797, %dma_wait3A_798] : memref<3x256x128xf32, #tpu.memory_space<vmem>> -> memref<1x256x64xf32, #tpu.memory_space<vmem>>
    %dma_wait3A_800 = tpu.memref_squeeze %dma_wait3A_799 : memref<1x256x64xf32, #tpu.memory_space<vmem>> -> memref<256x64xf32, #tpu.memory_space<vmem>>
    %dma_wait3A_801 = arith.constant 0 : i32
    %dma_wait3A_802 = tpu.memref_slice %arg5[%add3A_794, %dma_wait3A_801] : memref<327680x64xf32, #tpu.memory_space<hbm>> -> memref<256x64xf32, #tpu.memory_space<hbm>>
    %dma_wait3A_803 = tpu.memref_slice %arg11[%dma_wait3A_796] : memref<3x!tpu.dma_semaphore, #tpu.memory_space<semaphore_mem>> -> memref<1x!tpu.dma_semaphore, #tpu.memory_space<semaphore_mem>>
    %dma_wait3A_804 = tpu.memref_squeeze %dma_wait3A_803 : memref<1x!tpu.dma_semaphore, #tpu.memory_space<semaphore_mem>> -> memref<!tpu.dma_semaphore, #tpu.memory_space<semaphore_mem>>
    %dma_wait3A_805 = arith.constant 0 : i32
    %dma_wait3A_806 = tpu.memref_slice %arg5[%add3A_794, %dma_wait3A_805] : memref<327680x64xf32, #tpu.memory_space<hbm>> -> memref<256x64xf32, #tpu.memory_space<hbm>>
    %dma_wait3A_807 = arith.constant 0 : i32
    %dma_wait3A_808 = arith.constant 0 : i32
    %dma_wait3A_809 = tpu.memref_slice %arg8[%dma_wait3A_795, %dma_wait3A_807, %dma_wait3A_808] : memref<3x256x128xf32, #tpu.memory_space<vmem>> -> memref<1x256x64xf32, #tpu.memory_space<vmem>>
    %dma_wait3A_810 = tpu.memref_squeeze %dma_wait3A_809 : memref<1x256x64xf32, #tpu.memory_space<vmem>> -> memref<256x64xf32, #tpu.memory_space<vmem>>
    tpu.wait_dma2 semaphore(%dma_wait3A_804 : memref<!tpu.dma_semaphore, #tpu.memory_space<semaphore_mem>>) src(%dma_wait3A_810 : memref<256x64xf32, #tpu.memory_space<vmem>>) dst(%dma_wait3A_806 : memref<256x64xf32, #tpu.memory_space<hbm>>)
    %dma_start3A_811 = arith.constant 2 : i32
    %dma_start3A_812 = arith.constant 2 : i32
    %dma_start3A_813 = arith.constant 0 : i32
    %dma_start3A_814 = arith.constant 0 : i32
    %dma_start3A_815 = tpu.memref_slice %arg8[%dma_start3A_811, %dma_start3A_813, %dma_start3A_814] : memref<3x256x128xf32, #tpu.memory_space<vmem>> -> memref<1x256x128xf32, #tpu.memory_space<vmem>>
    %dma_start3A_816 = tpu.memref_squeeze %dma_start3A_815 : memref<1x256x128xf32, #tpu.memory_space<vmem>> -> memref<256x128xf32, #tpu.memory_space<vmem>>
    %dma_start3A_817 = arith.constant 3584 : i32
    %dma_start3A_818 = tpu.memref_slice %arg7[%dma_start3A_817] : memref<10240xi32, #tpu.memory_space<vmem>> -> memref<256xi32, #tpu.memory_space<vmem>>
    %dma_start3A_819 = arith.constant 0 : i32
    %dma_start3A_820 = arith.constant 0 : i32
    %dma_start3A_821 = tpu.memref_slice %arg3[%dma_start3A_819, %dma_start3A_820] : memref<1000000x128xf32, #tpu.memory_space<hbm>> -> memref<1000000x128xf32, #tpu.memory_space<hbm>>
    %dma_start3A_822 = tpu.memref_slice %arg10[%dma_start3A_812] : memref<3x!tpu.dma_semaphore, #tpu.memory_space<semaphore_mem>> -> memref<1x!tpu.dma_semaphore, #tpu.memory_space<semaphore_mem>>
    %dma_start3A_823 = tpu.memref_squeeze %dma_start3A_822 : memref<1x!tpu.dma_semaphore, #tpu.memory_space<semaphore_mem>> -> memref<!tpu.dma_semaphore, #tpu.memory_space<semaphore_mem>>
    tpu.enqueue_indirect_dma source(%dma_start3A_821 : memref<1000000x128xf32, #tpu.memory_space<hbm>>) target(%dma_start3A_816 : memref<256x128xf32, #tpu.memory_space<vmem>>) offsets(%dma_start3A_818 : memref<256xi32, #tpu.memory_space<vmem>>) semaphore(%dma_start3A_823 : memref<!tpu.dma_semaphore, #tpu.memory_space<semaphore_mem>>)
    %dma_wait3A_824 = arith.constant 1 : i32
    %dma_wait3A_825 = arith.constant 1 : i32
    %dma_wait3A_826 = arith.constant 0 : i32
    %dma_wait3A_827 = arith.constant 0 : i32
    %dma_wait3A_828 = tpu.memref_slice %arg8[%dma_wait3A_824, %dma_wait3A_826, %dma_wait3A_827] : memref<3x256x128xf32, #tpu.memory_space<vmem>> -> memref<1x256x128xf32, #tpu.memory_space<vmem>>
    %dma_wait3A_829 = tpu.memref_squeeze %dma_wait3A_828 : memref<1x256x128xf32, #tpu.memory_space<vmem>> -> memref<256x128xf32, #tpu.memory_space<vmem>>
    %dma_wait3A_830 = arith.constant 3328 : i32
    %dma_wait3A_831 = tpu.memref_slice %arg7[%dma_wait3A_830] : memref<10240xi32, #tpu.memory_space<vmem>> -> memref<256xi32, #tpu.memory_space<vmem>>
    %dma_wait3A_832 = arith.constant 0 : i32
    %dma_wait3A_833 = arith.constant 0 : i32
    %dma_wait3A_834 = tpu.memref_slice %arg3[%dma_wait3A_832, %dma_wait3A_833] : memref<1000000x128xf32, #tpu.memory_space<hbm>> -> memref<1000000x128xf32, #tpu.memory_space<hbm>>
    %dma_wait3A_835 = tpu.memref_slice %arg10[%dma_wait3A_825] : memref<3x!tpu.dma_semaphore, #tpu.memory_space<semaphore_mem>> -> memref<1x!tpu.dma_semaphore, #tpu.memory_space<semaphore_mem>>
    %dma_wait3A_836 = tpu.memref_squeeze %dma_wait3A_835 : memref<1x!tpu.dma_semaphore, #tpu.memory_space<semaphore_mem>> -> memref<!tpu.dma_semaphore, #tpu.memory_space<semaphore_mem>>
    tpu.wait_indirect_dma semaphore(%dma_wait3A_836 : memref<!tpu.dma_semaphore, #tpu.memory_space<semaphore_mem>>) src(%dma_wait3A_834 : memref<1000000x128xf32, #tpu.memory_space<hbm>>) dst(%dma_wait3A_829 : memref<256x128xf32, #tpu.memory_space<vmem>>)
    %add3A_837 = arith.constant 3328 : i32
    %add3A_838 = arith.addi %mul3A_2, %add3A_837 : i32
    %dma_start3A_839 = arith.constant 1 : i32
    %dma_start3A_840 = arith.constant 1 : i32
    %dma_start3A_841 = arith.constant 0 : i32
    %dma_start3A_842 = arith.constant 0 : i32
    %dma_start3A_843 = tpu.memref_slice %arg8[%dma_start3A_839, %dma_start3A_841, %dma_start3A_842] : memref<3x256x128xf32, #tpu.memory_space<vmem>> -> memref<1x256x64xf32, #tpu.memory_space<vmem>>
    %dma_start3A_844 = tpu.memref_squeeze %dma_start3A_843 : memref<1x256x64xf32, #tpu.memory_space<vmem>> -> memref<256x64xf32, #tpu.memory_space<vmem>>
    %dma_start3A_845 = arith.constant 0 : i32
    %dma_start3A_846 = tpu.memref_slice %arg5[%add3A_838, %dma_start3A_845] : memref<327680x64xf32, #tpu.memory_space<hbm>> -> memref<256x64xf32, #tpu.memory_space<hbm>>
    %dma_start3A_847 = tpu.memref_slice %arg11[%dma_start3A_840] : memref<3x!tpu.dma_semaphore, #tpu.memory_space<semaphore_mem>> -> memref<1x!tpu.dma_semaphore, #tpu.memory_space<semaphore_mem>>
    %dma_start3A_848 = tpu.memref_squeeze %dma_start3A_847 : memref<1x!tpu.dma_semaphore, #tpu.memory_space<semaphore_mem>> -> memref<!tpu.dma_semaphore, #tpu.memory_space<semaphore_mem>>
    %dma_start3A_849 = arith.constant 0 : i32
    %dma_start3A_850 = tpu.memref_slice %arg5[%add3A_838, %dma_start3A_849] : memref<327680x64xf32, #tpu.memory_space<hbm>> -> memref<256x64xf32, #tpu.memory_space<hbm>>
    %dma_start3A_851 = arith.constant 0 : i32
    %dma_start3A_852 = arith.constant 0 : i32
    %dma_start3A_853 = tpu.memref_slice %arg8[%dma_start3A_839, %dma_start3A_851, %dma_start3A_852] : memref<3x256x128xf32, #tpu.memory_space<vmem>> -> memref<1x256x64xf32, #tpu.memory_space<vmem>>
    %dma_start3A_854 = tpu.memref_squeeze %dma_start3A_853 : memref<1x256x64xf32, #tpu.memory_space<vmem>> -> memref<256x64xf32, #tpu.memory_space<vmem>>
    tpu.enqueue_dma source(%dma_start3A_854 : memref<256x64xf32, #tpu.memory_space<vmem>>) target(%dma_start3A_850 : memref<256x64xf32, #tpu.memory_space<hbm>>) target_semaphore(%dma_start3A_848 : memref<!tpu.dma_semaphore, #tpu.memory_space<semaphore_mem>>)
    %add3A_855 = arith.constant 3072 : i32
    %add3A_856 = arith.addi %mul3A_2, %add3A_855 : i32
    %dma_wait3A_857 = arith.constant 0 : i32
    %dma_wait3A_858 = arith.constant 0 : i32
    %dma_wait3A_859 = arith.constant 0 : i32
    %dma_wait3A_860 = arith.constant 0 : i32
    %dma_wait3A_861 = tpu.memref_slice %arg8[%dma_wait3A_857, %dma_wait3A_859, %dma_wait3A_860] : memref<3x256x128xf32, #tpu.memory_space<vmem>> -> memref<1x256x64xf32, #tpu.memory_space<vmem>>
    %dma_wait3A_862 = tpu.memref_squeeze %dma_wait3A_861 : memref<1x256x64xf32, #tpu.memory_space<vmem>> -> memref<256x64xf32, #tpu.memory_space<vmem>>
    %dma_wait3A_863 = arith.constant 0 : i32
    %dma_wait3A_864 = tpu.memref_slice %arg5[%add3A_856, %dma_wait3A_863] : memref<327680x64xf32, #tpu.memory_space<hbm>> -> memref<256x64xf32, #tpu.memory_space<hbm>>
    %dma_wait3A_865 = tpu.memref_slice %arg11[%dma_wait3A_858] : memref<3x!tpu.dma_semaphore, #tpu.memory_space<semaphore_mem>> -> memref<1x!tpu.dma_semaphore, #tpu.memory_space<semaphore_mem>>
    %dma_wait3A_866 = tpu.memref_squeeze %dma_wait3A_865 : memref<1x!tpu.dma_semaphore, #tpu.memory_space<semaphore_mem>> -> memref<!tpu.dma_semaphore, #tpu.memory_space<semaphore_mem>>
    %dma_wait3A_867 = arith.constant 0 : i32
    %dma_wait3A_868 = tpu.memref_slice %arg5[%add3A_856, %dma_wait3A_867] : memref<327680x64xf32, #tpu.memory_space<hbm>> -> memref<256x64xf32, #tpu.memory_space<hbm>>
    %dma_wait3A_869 = arith.constant 0 : i32
    %dma_wait3A_870 = arith.constant 0 : i32
    %dma_wait3A_871 = tpu.memref_slice %arg8[%dma_wait3A_857, %dma_wait3A_869, %dma_wait3A_870] : memref<3x256x128xf32, #tpu.memory_space<vmem>> -> memref<1x256x64xf32, #tpu.memory_space<vmem>>
    %dma_wait3A_872 = tpu.memref_squeeze %dma_wait3A_871 : memref<1x256x64xf32, #tpu.memory_space<vmem>> -> memref<256x64xf32, #tpu.memory_space<vmem>>
    tpu.wait_dma2 semaphore(%dma_wait3A_866 : memref<!tpu.dma_semaphore, #tpu.memory_space<semaphore_mem>>) src(%dma_wait3A_872 : memref<256x64xf32, #tpu.memory_space<vmem>>) dst(%dma_wait3A_868 : memref<256x64xf32, #tpu.memory_space<hbm>>)
    %dma_start3A_873 = arith.constant 0 : i32
    %dma_start3A_874 = arith.constant 0 : i32
    %dma_start3A_875 = arith.constant 0 : i32
    %dma_start3A_876 = arith.constant 0 : i32
    %dma_start3A_877 = tpu.memref_slice %arg8[%dma_start3A_873, %dma_start3A_875, %dma_start3A_876] : memref<3x256x128xf32, #tpu.memory_space<vmem>> -> memref<1x256x128xf32, #tpu.memory_space<vmem>>
    %dma_start3A_878 = tpu.memref_squeeze %dma_start3A_877 : memref<1x256x128xf32, #tpu.memory_space<vmem>> -> memref<256x128xf32, #tpu.memory_space<vmem>>
    %dma_start3A_879 = arith.constant 3840 : i32
    %dma_start3A_880 = tpu.memref_slice %arg7[%dma_start3A_879] : memref<10240xi32, #tpu.memory_space<vmem>> -> memref<256xi32, #tpu.memory_space<vmem>>
    %dma_start3A_881 = arith.constant 0 : i32
    %dma_start3A_882 = arith.constant 0 : i32
    %dma_start3A_883 = tpu.memref_slice %arg3[%dma_start3A_881, %dma_start3A_882] : memref<1000000x128xf32, #tpu.memory_space<hbm>> -> memref<1000000x128xf32, #tpu.memory_space<hbm>>
    %dma_start3A_884 = tpu.memref_slice %arg10[%dma_start3A_874] : memref<3x!tpu.dma_semaphore, #tpu.memory_space<semaphore_mem>> -> memref<1x!tpu.dma_semaphore, #tpu.memory_space<semaphore_mem>>
    %dma_start3A_885 = tpu.memref_squeeze %dma_start3A_884 : memref<1x!tpu.dma_semaphore, #tpu.memory_space<semaphore_mem>> -> memref<!tpu.dma_semaphore, #tpu.memory_space<semaphore_mem>>
    tpu.enqueue_indirect_dma source(%dma_start3A_883 : memref<1000000x128xf32, #tpu.memory_space<hbm>>) target(%dma_start3A_878 : memref<256x128xf32, #tpu.memory_space<vmem>>) offsets(%dma_start3A_880 : memref<256xi32, #tpu.memory_space<vmem>>) semaphore(%dma_start3A_885 : memref<!tpu.dma_semaphore, #tpu.memory_space<semaphore_mem>>)
    %dma_wait3A_886 = arith.constant 2 : i32
    %dma_wait3A_887 = arith.constant 2 : i32
    %dma_wait3A_888 = arith.constant 0 : i32
    %dma_wait3A_889 = arith.constant 0 : i32
    %dma_wait3A_890 = tpu.memref_slice %arg8[%dma_wait3A_886, %dma_wait3A_888, %dma_wait3A_889] : memref<3x256x128xf32, #tpu.memory_space<vmem>> -> memref<1x256x128xf32, #tpu.memory_space<vmem>>
    %dma_wait3A_891 = tpu.memref_squeeze %dma_wait3A_890 : memref<1x256x128xf32, #tpu.memory_space<vmem>> -> memref<256x128xf32, #tpu.memory_space<vmem>>
    %dma_wait3A_892 = arith.constant 3584 : i32
    %dma_wait3A_893 = tpu.memref_slice %arg7[%dma_wait3A_892] : memref<10240xi32, #tpu.memory_space<vmem>> -> memref<256xi32, #tpu.memory_space<vmem>>
    %dma_wait3A_894 = arith.constant 0 : i32
    %dma_wait3A_895 = arith.constant 0 : i32
    %dma_wait3A_896 = tpu.memref_slice %arg3[%dma_wait3A_894, %dma_wait3A_895] : memref<1000000x128xf32, #tpu.memory_space<hbm>> -> memref<1000000x128xf32, #tpu.memory_space<hbm>>
    %dma_wait3A_897 = tpu.memref_slice %arg10[%dma_wait3A_887] : memref<3x!tpu.dma_semaphore, #tpu.memory_space<semaphore_mem>> -> memref<1x!tpu.dma_semaphore, #tpu.memory_space<semaphore_mem>>
    %dma_wait3A_898 = tpu.memref_squeeze %dma_wait3A_897 : memref<1x!tpu.dma_semaphore, #tpu.memory_space<semaphore_mem>> -> memref<!tpu.dma_semaphore, #tpu.memory_space<semaphore_mem>>
    tpu.wait_indirect_dma semaphore(%dma_wait3A_898 : memref<!tpu.dma_semaphore, #tpu.memory_space<semaphore_mem>>) src(%dma_wait3A_896 : memref<1000000x128xf32, #tpu.memory_space<hbm>>) dst(%dma_wait3A_891 : memref<256x128xf32, #tpu.memory_space<vmem>>)
    %add3A_899 = arith.constant 3584 : i32
    %add3A_900 = arith.addi %mul3A_2, %add3A_899 : i32
    %dma_start3A_901 = arith.constant 2 : i32
    %dma_start3A_902 = arith.constant 2 : i32
    %dma_start3A_903 = arith.constant 0 : i32
    %dma_start3A_904 = arith.constant 0 : i32
    %dma_start3A_905 = tpu.memref_slice %arg8[%dma_start3A_901, %dma_start3A_903, %dma_start3A_904] : memref<3x256x128xf32, #tpu.memory_space<vmem>> -> memref<1x256x64xf32, #tpu.memory_space<vmem>>
    %dma_start3A_906 = tpu.memref_squeeze %dma_start3A_905 : memref<1x256x64xf32, #tpu.memory_space<vmem>> -> memref<256x64xf32, #tpu.memory_space<vmem>>
    %dma_start3A_907 = arith.constant 0 : i32
    %dma_start3A_908 = tpu.memref_slice %arg5[%add3A_900, %dma_start3A_907] : memref<327680x64xf32, #tpu.memory_space<hbm>> -> memref<256x64xf32, #tpu.memory_space<hbm>>
    %dma_start3A_909 = tpu.memref_slice %arg11[%dma_start3A_902] : memref<3x!tpu.dma_semaphore, #tpu.memory_space<semaphore_mem>> -> memref<1x!tpu.dma_semaphore, #tpu.memory_space<semaphore_mem>>
    %dma_start3A_910 = tpu.memref_squeeze %dma_start3A_909 : memref<1x!tpu.dma_semaphore, #tpu.memory_space<semaphore_mem>> -> memref<!tpu.dma_semaphore, #tpu.memory_space<semaphore_mem>>
    %dma_start3A_911 = arith.constant 0 : i32
    %dma_start3A_912 = tpu.memref_slice %arg5[%add3A_900, %dma_start3A_911] : memref<327680x64xf32, #tpu.memory_space<hbm>> -> memref<256x64xf32, #tpu.memory_space<hbm>>
    %dma_start3A_913 = arith.constant 0 : i32
    %dma_start3A_914 = arith.constant 0 : i32
    %dma_start3A_915 = tpu.memref_slice %arg8[%dma_start3A_901, %dma_start3A_913, %dma_start3A_914] : memref<3x256x128xf32, #tpu.memory_space<vmem>> -> memref<1x256x64xf32, #tpu.memory_space<vmem>>
    %dma_start3A_916 = tpu.memref_squeeze %dma_start3A_915 : memref<1x256x64xf32, #tpu.memory_space<vmem>> -> memref<256x64xf32, #tpu.memory_space<vmem>>
    tpu.enqueue_dma source(%dma_start3A_916 : memref<256x64xf32, #tpu.memory_space<vmem>>) target(%dma_start3A_912 : memref<256x64xf32, #tpu.memory_space<hbm>>) target_semaphore(%dma_start3A_910 : memref<!tpu.dma_semaphore, #tpu.memory_space<semaphore_mem>>)
    %add3A_917 = arith.constant 3328 : i32
    %add3A_918 = arith.addi %mul3A_2, %add3A_917 : i32
    %dma_wait3A_919 = arith.constant 1 : i32
    %dma_wait3A_920 = arith.constant 1 : i32
    %dma_wait3A_921 = arith.constant 0 : i32
    %dma_wait3A_922 = arith.constant 0 : i32
    %dma_wait3A_923 = tpu.memref_slice %arg8[%dma_wait3A_919, %dma_wait3A_921, %dma_wait3A_922] : memref<3x256x128xf32, #tpu.memory_space<vmem>> -> memref<1x256x64xf32, #tpu.memory_space<vmem>>
    %dma_wait3A_924 = tpu.memref_squeeze %dma_wait3A_923 : memref<1x256x64xf32, #tpu.memory_space<vmem>> -> memref<256x64xf32, #tpu.memory_space<vmem>>
    %dma_wait3A_925 = arith.constant 0 : i32
    %dma_wait3A_926 = tpu.memref_slice %arg5[%add3A_918, %dma_wait3A_925] : memref<327680x64xf32, #tpu.memory_space<hbm>> -> memref<256x64xf32, #tpu.memory_space<hbm>>
    %dma_wait3A_927 = tpu.memref_slice %arg11[%dma_wait3A_920] : memref<3x!tpu.dma_semaphore, #tpu.memory_space<semaphore_mem>> -> memref<1x!tpu.dma_semaphore, #tpu.memory_space<semaphore_mem>>
    %dma_wait3A_928 = tpu.memref_squeeze %dma_wait3A_927 : memref<1x!tpu.dma_semaphore, #tpu.memory_space<semaphore_mem>> -> memref<!tpu.dma_semaphore, #tpu.memory_space<semaphore_mem>>
    %dma_wait3A_929 = arith.constant 0 : i32
    %dma_wait3A_930 = tpu.memref_slice %arg5[%add3A_918, %dma_wait3A_929] : memref<327680x64xf32, #tpu.memory_space<hbm>> -> memref<256x64xf32, #tpu.memory_space<hbm>>
    %dma_wait3A_931 = arith.constant 0 : i32
    %dma_wait3A_932 = arith.constant 0 : i32
    %dma_wait3A_933 = tpu.memref_slice %arg8[%dma_wait3A_919, %dma_wait3A_931, %dma_wait3A_932] : memref<3x256x128xf32, #tpu.memory_space<vmem>> -> memref<1x256x64xf32, #tpu.memory_space<vmem>>
    %dma_wait3A_934 = tpu.memref_squeeze %dma_wait3A_933 : memref<1x256x64xf32, #tpu.memory_space<vmem>> -> memref<256x64xf32, #tpu.memory_space<vmem>>
    tpu.wait_dma2 semaphore(%dma_wait3A_928 : memref<!tpu.dma_semaphore, #tpu.memory_space<semaphore_mem>>) src(%dma_wait3A_934 : memref<256x64xf32, #tpu.memory_space<vmem>>) dst(%dma_wait3A_930 : memref<256x64xf32, #tpu.memory_space<hbm>>)
    %dma_start3A_935 = arith.constant 1 : i32
    %dma_start3A_936 = arith.constant 1 : i32
    %dma_start3A_937 = arith.constant 0 : i32
    %dma_start3A_938 = arith.constant 0 : i32
    %dma_start3A_939 = tpu.memref_slice %arg8[%dma_start3A_935, %dma_start3A_937, %dma_start3A_938] : memref<3x256x128xf32, #tpu.memory_space<vmem>> -> memref<1x256x128xf32, #tpu.memory_space<vmem>>
    %dma_start3A_940 = tpu.memref_squeeze %dma_start3A_939 : memref<1x256x128xf32, #tpu.memory_space<vmem>> -> memref<256x128xf32, #tpu.memory_space<vmem>>
    %dma_start3A_941 = arith.constant 4096 : i32
    %dma_start3A_942 = tpu.memref_slice %arg7[%dma_start3A_941] : memref<10240xi32, #tpu.memory_space<vmem>> -> memref<256xi32, #tpu.memory_space<vmem>>
    %dma_start3A_943 = arith.constant 0 : i32
    %dma_start3A_944 = arith.constant 0 : i32
    %dma_start3A_945 = tpu.memref_slice %arg3[%dma_start3A_943, %dma_start3A_944] : memref<1000000x128xf32, #tpu.memory_space<hbm>> -> memref<1000000x128xf32, #tpu.memory_space<hbm>>
    %dma_start3A_946 = tpu.memref_slice %arg10[%dma_start3A_936] : memref<3x!tpu.dma_semaphore, #tpu.memory_space<semaphore_mem>> -> memref<1x!tpu.dma_semaphore, #tpu.memory_space<semaphore_mem>>
    %dma_start3A_947 = tpu.memref_squeeze %dma_start3A_946 : memref<1x!tpu.dma_semaphore, #tpu.memory_space<semaphore_mem>> -> memref<!tpu.dma_semaphore, #tpu.memory_space<semaphore_mem>>
    tpu.enqueue_indirect_dma source(%dma_start3A_945 : memref<1000000x128xf32, #tpu.memory_space<hbm>>) target(%dma_start3A_940 : memref<256x128xf32, #tpu.memory_space<vmem>>) offsets(%dma_start3A_942 : memref<256xi32, #tpu.memory_space<vmem>>) semaphore(%dma_start3A_947 : memref<!tpu.dma_semaphore, #tpu.memory_space<semaphore_mem>>)
    %dma_wait3A_948 = arith.constant 0 : i32
    %dma_wait3A_949 = arith.constant 0 : i32
    %dma_wait3A_950 = arith.constant 0 : i32
    %dma_wait3A_951 = arith.constant 0 : i32
    %dma_wait3A_952 = tpu.memref_slice %arg8[%dma_wait3A_948, %dma_wait3A_950, %dma_wait3A_951] : memref<3x256x128xf32, #tpu.memory_space<vmem>> -> memref<1x256x128xf32, #tpu.memory_space<vmem>>
    %dma_wait3A_953 = tpu.memref_squeeze %dma_wait3A_952 : memref<1x256x128xf32, #tpu.memory_space<vmem>> -> memref<256x128xf32, #tpu.memory_space<vmem>>
    %dma_wait3A_954 = arith.constant 3840 : i32
    %dma_wait3A_955 = tpu.memref_slice %arg7[%dma_wait3A_954] : memref<10240xi32, #tpu.memory_space<vmem>> -> memref<256xi32, #tpu.memory_space<vmem>>
    %dma_wait3A_956 = arith.constant 0 : i32
    %dma_wait3A_957 = arith.constant 0 : i32
    %dma_wait3A_958 = tpu.memref_slice %arg3[%dma_wait3A_956, %dma_wait3A_957] : memref<1000000x128xf32, #tpu.memory_space<hbm>> -> memref<1000000x128xf32, #tpu.memory_space<hbm>>
    %dma_wait3A_959 = tpu.memref_slice %arg10[%dma_wait3A_949] : memref<3x!tpu.dma_semaphore, #tpu.memory_space<semaphore_mem>> -> memref<1x!tpu.dma_semaphore, #tpu.memory_space<semaphore_mem>>
    %dma_wait3A_960 = tpu.memref_squeeze %dma_wait3A_959 : memref<1x!tpu.dma_semaphore, #tpu.memory_space<semaphore_mem>> -> memref<!tpu.dma_semaphore, #tpu.memory_space<semaphore_mem>>
    tpu.wait_indirect_dma semaphore(%dma_wait3A_960 : memref<!tpu.dma_semaphore, #tpu.memory_space<semaphore_mem>>) src(%dma_wait3A_958 : memref<1000000x128xf32, #tpu.memory_space<hbm>>) dst(%dma_wait3A_953 : memref<256x128xf32, #tpu.memory_space<vmem>>)
    %add3A_961 = arith.constant 3840 : i32
    %add3A_962 = arith.addi %mul3A_2, %add3A_961 : i32
    %dma_start3A_963 = arith.constant 0 : i32
    %dma_start3A_964 = arith.constant 0 : i32
    %dma_start3A_965 = arith.constant 0 : i32
    %dma_start3A_966 = arith.constant 0 : i32
    %dma_start3A_967 = tpu.memref_slice %arg8[%dma_start3A_963, %dma_start3A_965, %dma_start3A_966] : memref<3x256x128xf32, #tpu.memory_space<vmem>> -> memref<1x256x64xf32, #tpu.memory_space<vmem>>
    %dma_start3A_968 = tpu.memref_squeeze %dma_start3A_967 : memref<1x256x64xf32, #tpu.memory_space<vmem>> -> memref<256x64xf32, #tpu.memory_space<vmem>>
    %dma_start3A_969 = arith.constant 0 : i32
    %dma_start3A_970 = tpu.memref_slice %arg5[%add3A_962, %dma_start3A_969] : memref<327680x64xf32, #tpu.memory_space<hbm>> -> memref<256x64xf32, #tpu.memory_space<hbm>>
    %dma_start3A_971 = tpu.memref_slice %arg11[%dma_start3A_964] : memref<3x!tpu.dma_semaphore, #tpu.memory_space<semaphore_mem>> -> memref<1x!tpu.dma_semaphore, #tpu.memory_space<semaphore_mem>>
    %dma_start3A_972 = tpu.memref_squeeze %dma_start3A_971 : memref<1x!tpu.dma_semaphore, #tpu.memory_space<semaphore_mem>> -> memref<!tpu.dma_semaphore, #tpu.memory_space<semaphore_mem>>
    %dma_start3A_973 = arith.constant 0 : i32
    %dma_start3A_974 = tpu.memref_slice %arg5[%add3A_962, %dma_start3A_973] : memref<327680x64xf32, #tpu.memory_space<hbm>> -> memref<256x64xf32, #tpu.memory_space<hbm>>
    %dma_start3A_975 = arith.constant 0 : i32
    %dma_start3A_976 = arith.constant 0 : i32
    %dma_start3A_977 = tpu.memref_slice %arg8[%dma_start3A_963, %dma_start3A_975, %dma_start3A_976] : memref<3x256x128xf32, #tpu.memory_space<vmem>> -> memref<1x256x64xf32, #tpu.memory_space<vmem>>
    %dma_start3A_978 = tpu.memref_squeeze %dma_start3A_977 : memref<1x256x64xf32, #tpu.memory_space<vmem>> -> memref<256x64xf32, #tpu.memory_space<vmem>>
    tpu.enqueue_dma source(%dma_start3A_978 : memref<256x64xf32, #tpu.memory_space<vmem>>) target(%dma_start3A_974 : memref<256x64xf32, #tpu.memory_space<hbm>>) target_semaphore(%dma_start3A_972 : memref<!tpu.dma_semaphore, #tpu.memory_space<semaphore_mem>>)
    %add3A_979 = arith.constant 3584 : i32
    %add3A_980 = arith.addi %mul3A_2, %add3A_979 : i32
    %dma_wait3A_981 = arith.constant 2 : i32
    %dma_wait3A_982 = arith.constant 2 : i32
    %dma_wait3A_983 = arith.constant 0 : i32
    %dma_wait3A_984 = arith.constant 0 : i32
    %dma_wait3A_985 = tpu.memref_slice %arg8[%dma_wait3A_981, %dma_wait3A_983, %dma_wait3A_984] : memref<3x256x128xf32, #tpu.memory_space<vmem>> -> memref<1x256x64xf32, #tpu.memory_space<vmem>>
    %dma_wait3A_986 = tpu.memref_squeeze %dma_wait3A_985 : memref<1x256x64xf32, #tpu.memory_space<vmem>> -> memref<256x64xf32, #tpu.memory_space<vmem>>
    %dma_wait3A_987 = arith.constant 0 : i32
    %dma_wait3A_988 = tpu.memref_slice %arg5[%add3A_980, %dma_wait3A_987] : memref<327680x64xf32, #tpu.memory_space<hbm>> -> memref<256x64xf32, #tpu.memory_space<hbm>>
    %dma_wait3A_989 = tpu.memref_slice %arg11[%dma_wait3A_982] : memref<3x!tpu.dma_semaphore, #tpu.memory_space<semaphore_mem>> -> memref<1x!tpu.dma_semaphore, #tpu.memory_space<semaphore_mem>>
    %dma_wait3A_990 = tpu.memref_squeeze %dma_wait3A_989 : memref<1x!tpu.dma_semaphore, #tpu.memory_space<semaphore_mem>> -> memref<!tpu.dma_semaphore, #tpu.memory_space<semaphore_mem>>
    %dma_wait3A_991 = arith.constant 0 : i32
    %dma_wait3A_992 = tpu.memref_slice %arg5[%add3A_980, %dma_wait3A_991] : memref<327680x64xf32, #tpu.memory_space<hbm>> -> memref<256x64xf32, #tpu.memory_space<hbm>>
    %dma_wait3A_993 = arith.constant 0 : i32
    %dma_wait3A_994 = arith.constant 0 : i32
    %dma_wait3A_995 = tpu.memref_slice %arg8[%dma_wait3A_981, %dma_wait3A_993, %dma_wait3A_994] : memref<3x256x128xf32, #tpu.memory_space<vmem>> -> memref<1x256x64xf32, #tpu.memory_space<vmem>>
    %dma_wait3A_996 = tpu.memref_squeeze %dma_wait3A_995 : memref<1x256x64xf32, #tpu.memory_space<vmem>> -> memref<256x64xf32, #tpu.memory_space<vmem>>
    tpu.wait_dma2 semaphore(%dma_wait3A_990 : memref<!tpu.dma_semaphore, #tpu.memory_space<semaphore_mem>>) src(%dma_wait3A_996 : memref<256x64xf32, #tpu.memory_space<vmem>>) dst(%dma_wait3A_992 : memref<256x64xf32, #tpu.memory_space<hbm>>)
    %dma_start3A_997 = arith.constant 2 : i32
    %dma_start3A_998 = arith.constant 2 : i32
    %dma_start3A_999 = arith.constant 0 : i32
    %dma_start3A_1000 = arith.constant 0 : i32
    %dma_start3A_1001 = tpu.memref_slice %arg8[%dma_start3A_997, %dma_start3A_999, %dma_start3A_1000] : memref<3x256x128xf32, #tpu.memory_space<vmem>> -> memref<1x256x128xf32, #tpu.memory_space<vmem>>
    %dma_start3A_1002 = tpu.memref_squeeze %dma_start3A_1001 : memref<1x256x128xf32, #tpu.memory_space<vmem>> -> memref<256x128xf32, #tpu.memory_space<vmem>>
    %dma_start3A_1003 = arith.constant 4352 : i32
    %dma_start3A_1004 = tpu.memref_slice %arg7[%dma_start3A_1003] : memref<10240xi32, #tpu.memory_space<vmem>> -> memref<256xi32, #tpu.memory_space<vmem>>
    %dma_start3A_1005 = arith.constant 0 : i32
    %dma_start3A_1006 = arith.constant 0 : i32
    %dma_start3A_1007 = tpu.memref_slice %arg3[%dma_start3A_1005, %dma_start3A_1006] : memref<1000000x128xf32, #tpu.memory_space<hbm>> -> memref<1000000x128xf32, #tpu.memory_space<hbm>>
    %dma_start3A_1008 = tpu.memref_slice %arg10[%dma_start3A_998] : memref<3x!tpu.dma_semaphore, #tpu.memory_space<semaphore_mem>> -> memref<1x!tpu.dma_semaphore, #tpu.memory_space<semaphore_mem>>
    %dma_start3A_1009 = tpu.memref_squeeze %dma_start3A_1008 : memref<1x!tpu.dma_semaphore, #tpu.memory_space<semaphore_mem>> -> memref<!tpu.dma_semaphore, #tpu.memory_space<semaphore_mem>>
    tpu.enqueue_indirect_dma source(%dma_start3A_1007 : memref<1000000x128xf32, #tpu.memory_space<hbm>>) target(%dma_start3A_1002 : memref<256x128xf32, #tpu.memory_space<vmem>>) offsets(%dma_start3A_1004 : memref<256xi32, #tpu.memory_space<vmem>>) semaphore(%dma_start3A_1009 : memref<!tpu.dma_semaphore, #tpu.memory_space<semaphore_mem>>)
    %dma_wait3A_1010 = arith.constant 1 : i32
    %dma_wait3A_1011 = arith.constant 1 : i32
    %dma_wait3A_1012 = arith.constant 0 : i32
    %dma_wait3A_1013 = arith.constant 0 : i32
    %dma_wait3A_1014 = tpu.memref_slice %arg8[%dma_wait3A_1010, %dma_wait3A_1012, %dma_wait3A_1013] : memref<3x256x128xf32, #tpu.memory_space<vmem>> -> memref<1x256x128xf32, #tpu.memory_space<vmem>>
    %dma_wait3A_1015 = tpu.memref_squeeze %dma_wait3A_1014 : memref<1x256x128xf32, #tpu.memory_space<vmem>> -> memref<256x128xf32, #tpu.memory_space<vmem>>
    %dma_wait3A_1016 = arith.constant 4096 : i32
    %dma_wait3A_1017 = tpu.memref_slice %arg7[%dma_wait3A_1016] : memref<10240xi32, #tpu.memory_space<vmem>> -> memref<256xi32, #tpu.memory_space<vmem>>
    %dma_wait3A_1018 = arith.constant 0 : i32
    %dma_wait3A_1019 = arith.constant 0 : i32
    %dma_wait3A_1020 = tpu.memref_slice %arg3[%dma_wait3A_1018, %dma_wait3A_1019] : memref<1000000x128xf32, #tpu.memory_space<hbm>> -> memref<1000000x128xf32, #tpu.memory_space<hbm>>
    %dma_wait3A_1021 = tpu.memref_slice %arg10[%dma_wait3A_1011] : memref<3x!tpu.dma_semaphore, #tpu.memory_space<semaphore_mem>> -> memref<1x!tpu.dma_semaphore, #tpu.memory_space<semaphore_mem>>
    %dma_wait3A_1022 = tpu.memref_squeeze %dma_wait3A_1021 : memref<1x!tpu.dma_semaphore, #tpu.memory_space<semaphore_mem>> -> memref<!tpu.dma_semaphore, #tpu.memory_space<semaphore_mem>>
    tpu.wait_indirect_dma semaphore(%dma_wait3A_1022 : memref<!tpu.dma_semaphore, #tpu.memory_space<semaphore_mem>>) src(%dma_wait3A_1020 : memref<1000000x128xf32, #tpu.memory_space<hbm>>) dst(%dma_wait3A_1015 : memref<256x128xf32, #tpu.memory_space<vmem>>)
    %add3A_1023 = arith.constant 4096 : i32
    %add3A_1024 = arith.addi %mul3A_2, %add3A_1023 : i32
    %dma_start3A_1025 = arith.constant 1 : i32
    %dma_start3A_1026 = arith.constant 1 : i32
    %dma_start3A_1027 = arith.constant 0 : i32
    %dma_start3A_1028 = arith.constant 0 : i32
    %dma_start3A_1029 = tpu.memref_slice %arg8[%dma_start3A_1025, %dma_start3A_1027, %dma_start3A_1028] : memref<3x256x128xf32, #tpu.memory_space<vmem>> -> memref<1x256x64xf32, #tpu.memory_space<vmem>>
    %dma_start3A_1030 = tpu.memref_squeeze %dma_start3A_1029 : memref<1x256x64xf32, #tpu.memory_space<vmem>> -> memref<256x64xf32, #tpu.memory_space<vmem>>
    %dma_start3A_1031 = arith.constant 0 : i32
    %dma_start3A_1032 = tpu.memref_slice %arg5[%add3A_1024, %dma_start3A_1031] : memref<327680x64xf32, #tpu.memory_space<hbm>> -> memref<256x64xf32, #tpu.memory_space<hbm>>
    %dma_start3A_1033 = tpu.memref_slice %arg11[%dma_start3A_1026] : memref<3x!tpu.dma_semaphore, #tpu.memory_space<semaphore_mem>> -> memref<1x!tpu.dma_semaphore, #tpu.memory_space<semaphore_mem>>
    %dma_start3A_1034 = tpu.memref_squeeze %dma_start3A_1033 : memref<1x!tpu.dma_semaphore, #tpu.memory_space<semaphore_mem>> -> memref<!tpu.dma_semaphore, #tpu.memory_space<semaphore_mem>>
    %dma_start3A_1035 = arith.constant 0 : i32
    %dma_start3A_1036 = tpu.memref_slice %arg5[%add3A_1024, %dma_start3A_1035] : memref<327680x64xf32, #tpu.memory_space<hbm>> -> memref<256x64xf32, #tpu.memory_space<hbm>>
    %dma_start3A_1037 = arith.constant 0 : i32
    %dma_start3A_1038 = arith.constant 0 : i32
    %dma_start3A_1039 = tpu.memref_slice %arg8[%dma_start3A_1025, %dma_start3A_1037, %dma_start3A_1038] : memref<3x256x128xf32, #tpu.memory_space<vmem>> -> memref<1x256x64xf32, #tpu.memory_space<vmem>>
    %dma_start3A_1040 = tpu.memref_squeeze %dma_start3A_1039 : memref<1x256x64xf32, #tpu.memory_space<vmem>> -> memref<256x64xf32, #tpu.memory_space<vmem>>
    tpu.enqueue_dma source(%dma_start3A_1040 : memref<256x64xf32, #tpu.memory_space<vmem>>) target(%dma_start3A_1036 : memref<256x64xf32, #tpu.memory_space<hbm>>) target_semaphore(%dma_start3A_1034 : memref<!tpu.dma_semaphore, #tpu.memory_space<semaphore_mem>>)
    %add3A_1041 = arith.constant 3840 : i32
    %add3A_1042 = arith.addi %mul3A_2, %add3A_1041 : i32
    %dma_wait3A_1043 = arith.constant 0 : i32
    %dma_wait3A_1044 = arith.constant 0 : i32
    %dma_wait3A_1045 = arith.constant 0 : i32
    %dma_wait3A_1046 = arith.constant 0 : i32
    %dma_wait3A_1047 = tpu.memref_slice %arg8[%dma_wait3A_1043, %dma_wait3A_1045, %dma_wait3A_1046] : memref<3x256x128xf32, #tpu.memory_space<vmem>> -> memref<1x256x64xf32, #tpu.memory_space<vmem>>
    %dma_wait3A_1048 = tpu.memref_squeeze %dma_wait3A_1047 : memref<1x256x64xf32, #tpu.memory_space<vmem>> -> memref<256x64xf32, #tpu.memory_space<vmem>>
    %dma_wait3A_1049 = arith.constant 0 : i32
    %dma_wait3A_1050 = tpu.memref_slice %arg5[%add3A_1042, %dma_wait3A_1049] : memref<327680x64xf32, #tpu.memory_space<hbm>> -> memref<256x64xf32, #tpu.memory_space<hbm>>
    %dma_wait3A_1051 = tpu.memref_slice %arg11[%dma_wait3A_1044] : memref<3x!tpu.dma_semaphore, #tpu.memory_space<semaphore_mem>> -> memref<1x!tpu.dma_semaphore, #tpu.memory_space<semaphore_mem>>
    %dma_wait3A_1052 = tpu.memref_squeeze %dma_wait3A_1051 : memref<1x!tpu.dma_semaphore, #tpu.memory_space<semaphore_mem>> -> memref<!tpu.dma_semaphore, #tpu.memory_space<semaphore_mem>>
    %dma_wait3A_1053 = arith.constant 0 : i32
    %dma_wait3A_1054 = tpu.memref_slice %arg5[%add3A_1042, %dma_wait3A_1053] : memref<327680x64xf32, #tpu.memory_space<hbm>> -> memref<256x64xf32, #tpu.memory_space<hbm>>
    %dma_wait3A_1055 = arith.constant 0 : i32
    %dma_wait3A_1056 = arith.constant 0 : i32
    %dma_wait3A_1057 = tpu.memref_slice %arg8[%dma_wait3A_1043, %dma_wait3A_1055, %dma_wait3A_1056] : memref<3x256x128xf32, #tpu.memory_space<vmem>> -> memref<1x256x64xf32, #tpu.memory_space<vmem>>
    %dma_wait3A_1058 = tpu.memref_squeeze %dma_wait3A_1057 : memref<1x256x64xf32, #tpu.memory_space<vmem>> -> memref<256x64xf32, #tpu.memory_space<vmem>>
    tpu.wait_dma2 semaphore(%dma_wait3A_1052 : memref<!tpu.dma_semaphore, #tpu.memory_space<semaphore_mem>>) src(%dma_wait3A_1058 : memref<256x64xf32, #tpu.memory_space<vmem>>) dst(%dma_wait3A_1054 : memref<256x64xf32, #tpu.memory_space<hbm>>)
    %dma_start3A_1059 = arith.constant 0 : i32
    %dma_start3A_1060 = arith.constant 0 : i32
    %dma_start3A_1061 = arith.constant 0 : i32
    %dma_start3A_1062 = arith.constant 0 : i32
    %dma_start3A_1063 = tpu.memref_slice %arg8[%dma_start3A_1059, %dma_start3A_1061, %dma_start3A_1062] : memref<3x256x128xf32, #tpu.memory_space<vmem>> -> memref<1x256x128xf32, #tpu.memory_space<vmem>>
    %dma_start3A_1064 = tpu.memref_squeeze %dma_start3A_1063 : memref<1x256x128xf32, #tpu.memory_space<vmem>> -> memref<256x128xf32, #tpu.memory_space<vmem>>
    %dma_start3A_1065 = arith.constant 4608 : i32
    %dma_start3A_1066 = tpu.memref_slice %arg7[%dma_start3A_1065] : memref<10240xi32, #tpu.memory_space<vmem>> -> memref<256xi32, #tpu.memory_space<vmem>>
    %dma_start3A_1067 = arith.constant 0 : i32
    %dma_start3A_1068 = arith.constant 0 : i32
    %dma_start3A_1069 = tpu.memref_slice %arg3[%dma_start3A_1067, %dma_start3A_1068] : memref<1000000x128xf32, #tpu.memory_space<hbm>> -> memref<1000000x128xf32, #tpu.memory_space<hbm>>
    %dma_start3A_1070 = tpu.memref_slice %arg10[%dma_start3A_1060] : memref<3x!tpu.dma_semaphore, #tpu.memory_space<semaphore_mem>> -> memref<1x!tpu.dma_semaphore, #tpu.memory_space<semaphore_mem>>
    %dma_start3A_1071 = tpu.memref_squeeze %dma_start3A_1070 : memref<1x!tpu.dma_semaphore, #tpu.memory_space<semaphore_mem>> -> memref<!tpu.dma_semaphore, #tpu.memory_space<semaphore_mem>>
    tpu.enqueue_indirect_dma source(%dma_start3A_1069 : memref<1000000x128xf32, #tpu.memory_space<hbm>>) target(%dma_start3A_1064 : memref<256x128xf32, #tpu.memory_space<vmem>>) offsets(%dma_start3A_1066 : memref<256xi32, #tpu.memory_space<vmem>>) semaphore(%dma_start3A_1071 : memref<!tpu.dma_semaphore, #tpu.memory_space<semaphore_mem>>)
    %dma_wait3A_1072 = arith.constant 2 : i32
    %dma_wait3A_1073 = arith.constant 2 : i32
    %dma_wait3A_1074 = arith.constant 0 : i32
    %dma_wait3A_1075 = arith.constant 0 : i32
    %dma_wait3A_1076 = tpu.memref_slice %arg8[%dma_wait3A_1072, %dma_wait3A_1074, %dma_wait3A_1075] : memref<3x256x128xf32, #tpu.memory_space<vmem>> -> memref<1x256x128xf32, #tpu.memory_space<vmem>>
    %dma_wait3A_1077 = tpu.memref_squeeze %dma_wait3A_1076 : memref<1x256x128xf32, #tpu.memory_space<vmem>> -> memref<256x128xf32, #tpu.memory_space<vmem>>
    %dma_wait3A_1078 = arith.constant 4352 : i32
    %dma_wait3A_1079 = tpu.memref_slice %arg7[%dma_wait3A_1078] : memref<10240xi32, #tpu.memory_space<vmem>> -> memref<256xi32, #tpu.memory_space<vmem>>
    %dma_wait3A_1080 = arith.constant 0 : i32
    %dma_wait3A_1081 = arith.constant 0 : i32
    %dma_wait3A_1082 = tpu.memref_slice %arg3[%dma_wait3A_1080, %dma_wait3A_1081] : memref<1000000x128xf32, #tpu.memory_space<hbm>> -> memref<1000000x128xf32, #tpu.memory_space<hbm>>
    %dma_wait3A_1083 = tpu.memref_slice %arg10[%dma_wait3A_1073] : memref<3x!tpu.dma_semaphore, #tpu.memory_space<semaphore_mem>> -> memref<1x!tpu.dma_semaphore, #tpu.memory_space<semaphore_mem>>
    %dma_wait3A_1084 = tpu.memref_squeeze %dma_wait3A_1083 : memref<1x!tpu.dma_semaphore, #tpu.memory_space<semaphore_mem>> -> memref<!tpu.dma_semaphore, #tpu.memory_space<semaphore_mem>>
    tpu.wait_indirect_dma semaphore(%dma_wait3A_1084 : memref<!tpu.dma_semaphore, #tpu.memory_space<semaphore_mem>>) src(%dma_wait3A_1082 : memref<1000000x128xf32, #tpu.memory_space<hbm>>) dst(%dma_wait3A_1077 : memref<256x128xf32, #tpu.memory_space<vmem>>)
    %add3A_1085 = arith.constant 4352 : i32
    %add3A_1086 = arith.addi %mul3A_2, %add3A_1085 : i32
    %dma_start3A_1087 = arith.constant 2 : i32
    %dma_start3A_1088 = arith.constant 2 : i32
    %dma_start3A_1089 = arith.constant 0 : i32
    %dma_start3A_1090 = arith.constant 0 : i32
    %dma_start3A_1091 = tpu.memref_slice %arg8[%dma_start3A_1087, %dma_start3A_1089, %dma_start3A_1090] : memref<3x256x128xf32, #tpu.memory_space<vmem>> -> memref<1x256x64xf32, #tpu.memory_space<vmem>>
    %dma_start3A_1092 = tpu.memref_squeeze %dma_start3A_1091 : memref<1x256x64xf32, #tpu.memory_space<vmem>> -> memref<256x64xf32, #tpu.memory_space<vmem>>
    %dma_start3A_1093 = arith.constant 0 : i32
    %dma_start3A_1094 = tpu.memref_slice %arg5[%add3A_1086, %dma_start3A_1093] : memref<327680x64xf32, #tpu.memory_space<hbm>> -> memref<256x64xf32, #tpu.memory_space<hbm>>
    %dma_start3A_1095 = tpu.memref_slice %arg11[%dma_start3A_1088] : memref<3x!tpu.dma_semaphore, #tpu.memory_space<semaphore_mem>> -> memref<1x!tpu.dma_semaphore, #tpu.memory_space<semaphore_mem>>
    %dma_start3A_1096 = tpu.memref_squeeze %dma_start3A_1095 : memref<1x!tpu.dma_semaphore, #tpu.memory_space<semaphore_mem>> -> memref<!tpu.dma_semaphore, #tpu.memory_space<semaphore_mem>>
    %dma_start3A_1097 = arith.constant 0 : i32
    %dma_start3A_1098 = tpu.memref_slice %arg5[%add3A_1086, %dma_start3A_1097] : memref<327680x64xf32, #tpu.memory_space<hbm>> -> memref<256x64xf32, #tpu.memory_space<hbm>>
    %dma_start3A_1099 = arith.constant 0 : i32
    %dma_start3A_1100 = arith.constant 0 : i32
    %dma_start3A_1101 = tpu.memref_slice %arg8[%dma_start3A_1087, %dma_start3A_1099, %dma_start3A_1100] : memref<3x256x128xf32, #tpu.memory_space<vmem>> -> memref<1x256x64xf32, #tpu.memory_space<vmem>>
    %dma_start3A_1102 = tpu.memref_squeeze %dma_start3A_1101 : memref<1x256x64xf32, #tpu.memory_space<vmem>> -> memref<256x64xf32, #tpu.memory_space<vmem>>
    tpu.enqueue_dma source(%dma_start3A_1102 : memref<256x64xf32, #tpu.memory_space<vmem>>) target(%dma_start3A_1098 : memref<256x64xf32, #tpu.memory_space<hbm>>) target_semaphore(%dma_start3A_1096 : memref<!tpu.dma_semaphore, #tpu.memory_space<semaphore_mem>>)
    %add3A_1103 = arith.constant 4096 : i32
    %add3A_1104 = arith.addi %mul3A_2, %add3A_1103 : i32
    %dma_wait3A_1105 = arith.constant 1 : i32
    %dma_wait3A_1106 = arith.constant 1 : i32
    %dma_wait3A_1107 = arith.constant 0 : i32
    %dma_wait3A_1108 = arith.constant 0 : i32
    %dma_wait3A_1109 = tpu.memref_slice %arg8[%dma_wait3A_1105, %dma_wait3A_1107, %dma_wait3A_1108] : memref<3x256x128xf32, #tpu.memory_space<vmem>> -> memref<1x256x64xf32, #tpu.memory_space<vmem>>
    %dma_wait3A_1110 = tpu.memref_squeeze %dma_wait3A_1109 : memref<1x256x64xf32, #tpu.memory_space<vmem>> -> memref<256x64xf32, #tpu.memory_space<vmem>>
    %dma_wait3A_1111 = arith.constant 0 : i32
    %dma_wait3A_1112 = tpu.memref_slice %arg5[%add3A_1104, %dma_wait3A_1111] : memref<327680x64xf32, #tpu.memory_space<hbm>> -> memref<256x64xf32, #tpu.memory_space<hbm>>
    %dma_wait3A_1113 = tpu.memref_slice %arg11[%dma_wait3A_1106] : memref<3x!tpu.dma_semaphore, #tpu.memory_space<semaphore_mem>> -> memref<1x!tpu.dma_semaphore, #tpu.memory_space<semaphore_mem>>
    %dma_wait3A_1114 = tpu.memref_squeeze %dma_wait3A_1113 : memref<1x!tpu.dma_semaphore, #tpu.memory_space<semaphore_mem>> -> memref<!tpu.dma_semaphore, #tpu.memory_space<semaphore_mem>>
    %dma_wait3A_1115 = arith.constant 0 : i32
    %dma_wait3A_1116 = tpu.memref_slice %arg5[%add3A_1104, %dma_wait3A_1115] : memref<327680x64xf32, #tpu.memory_space<hbm>> -> memref<256x64xf32, #tpu.memory_space<hbm>>
    %dma_wait3A_1117 = arith.constant 0 : i32
    %dma_wait3A_1118 = arith.constant 0 : i32
    %dma_wait3A_1119 = tpu.memref_slice %arg8[%dma_wait3A_1105, %dma_wait3A_1117, %dma_wait3A_1118] : memref<3x256x128xf32, #tpu.memory_space<vmem>> -> memref<1x256x64xf32, #tpu.memory_space<vmem>>
    %dma_wait3A_1120 = tpu.memref_squeeze %dma_wait3A_1119 : memref<1x256x64xf32, #tpu.memory_space<vmem>> -> memref<256x64xf32, #tpu.memory_space<vmem>>
    tpu.wait_dma2 semaphore(%dma_wait3A_1114 : memref<!tpu.dma_semaphore, #tpu.memory_space<semaphore_mem>>) src(%dma_wait3A_1120 : memref<256x64xf32, #tpu.memory_space<vmem>>) dst(%dma_wait3A_1116 : memref<256x64xf32, #tpu.memory_space<hbm>>)
    %dma_start3A_1121 = arith.constant 1 : i32
    %dma_start3A_1122 = arith.constant 1 : i32
    %dma_start3A_1123 = arith.constant 0 : i32
    %dma_start3A_1124 = arith.constant 0 : i32
    %dma_start3A_1125 = tpu.memref_slice %arg8[%dma_start3A_1121, %dma_start3A_1123, %dma_start3A_1124] : memref<3x256x128xf32, #tpu.memory_space<vmem>> -> memref<1x256x128xf32, #tpu.memory_space<vmem>>
    %dma_start3A_1126 = tpu.memref_squeeze %dma_start3A_1125 : memref<1x256x128xf32, #tpu.memory_space<vmem>> -> memref<256x128xf32, #tpu.memory_space<vmem>>
    %dma_start3A_1127 = arith.constant 4864 : i32
    %dma_start3A_1128 = tpu.memref_slice %arg7[%dma_start3A_1127] : memref<10240xi32, #tpu.memory_space<vmem>> -> memref<256xi32, #tpu.memory_space<vmem>>
    %dma_start3A_1129 = arith.constant 0 : i32
    %dma_start3A_1130 = arith.constant 0 : i32
    %dma_start3A_1131 = tpu.memref_slice %arg3[%dma_start3A_1129, %dma_start3A_1130] : memref<1000000x128xf32, #tpu.memory_space<hbm>> -> memref<1000000x128xf32, #tpu.memory_space<hbm>>
    %dma_start3A_1132 = tpu.memref_slice %arg10[%dma_start3A_1122] : memref<3x!tpu.dma_semaphore, #tpu.memory_space<semaphore_mem>> -> memref<1x!tpu.dma_semaphore, #tpu.memory_space<semaphore_mem>>
    %dma_start3A_1133 = tpu.memref_squeeze %dma_start3A_1132 : memref<1x!tpu.dma_semaphore, #tpu.memory_space<semaphore_mem>> -> memref<!tpu.dma_semaphore, #tpu.memory_space<semaphore_mem>>
    tpu.enqueue_indirect_dma source(%dma_start3A_1131 : memref<1000000x128xf32, #tpu.memory_space<hbm>>) target(%dma_start3A_1126 : memref<256x128xf32, #tpu.memory_space<vmem>>) offsets(%dma_start3A_1128 : memref<256xi32, #tpu.memory_space<vmem>>) semaphore(%dma_start3A_1133 : memref<!tpu.dma_semaphore, #tpu.memory_space<semaphore_mem>>)
    %dma_wait3A_1134 = arith.constant 0 : i32
    %dma_wait3A_1135 = arith.constant 0 : i32
    %dma_wait3A_1136 = arith.constant 0 : i32
    %dma_wait3A_1137 = arith.constant 0 : i32
    %dma_wait3A_1138 = tpu.memref_slice %arg8[%dma_wait3A_1134, %dma_wait3A_1136, %dma_wait3A_1137] : memref<3x256x128xf32, #tpu.memory_space<vmem>> -> memref<1x256x128xf32, #tpu.memory_space<vmem>>
    %dma_wait3A_1139 = tpu.memref_squeeze %dma_wait3A_1138 : memref<1x256x128xf32, #tpu.memory_space<vmem>> -> memref<256x128xf32, #tpu.memory_space<vmem>>
    %dma_wait3A_1140 = arith.constant 4608 : i32
    %dma_wait3A_1141 = tpu.memref_slice %arg7[%dma_wait3A_1140] : memref<10240xi32, #tpu.memory_space<vmem>> -> memref<256xi32, #tpu.memory_space<vmem>>
    %dma_wait3A_1142 = arith.constant 0 : i32
    %dma_wait3A_1143 = arith.constant 0 : i32
    %dma_wait3A_1144 = tpu.memref_slice %arg3[%dma_wait3A_1142, %dma_wait3A_1143] : memref<1000000x128xf32, #tpu.memory_space<hbm>> -> memref<1000000x128xf32, #tpu.memory_space<hbm>>
    %dma_wait3A_1145 = tpu.memref_slice %arg10[%dma_wait3A_1135] : memref<3x!tpu.dma_semaphore, #tpu.memory_space<semaphore_mem>> -> memref<1x!tpu.dma_semaphore, #tpu.memory_space<semaphore_mem>>
    %dma_wait3A_1146 = tpu.memref_squeeze %dma_wait3A_1145 : memref<1x!tpu.dma_semaphore, #tpu.memory_space<semaphore_mem>> -> memref<!tpu.dma_semaphore, #tpu.memory_space<semaphore_mem>>
    tpu.wait_indirect_dma semaphore(%dma_wait3A_1146 : memref<!tpu.dma_semaphore, #tpu.memory_space<semaphore_mem>>) src(%dma_wait3A_1144 : memref<1000000x128xf32, #tpu.memory_space<hbm>>) dst(%dma_wait3A_1139 : memref<256x128xf32, #tpu.memory_space<vmem>>)
    %add3A_1147 = arith.constant 4608 : i32
    %add3A_1148 = arith.addi %mul3A_2, %add3A_1147 : i32
    %dma_start3A_1149 = arith.constant 0 : i32
    %dma_start3A_1150 = arith.constant 0 : i32
    %dma_start3A_1151 = arith.constant 0 : i32
    %dma_start3A_1152 = arith.constant 0 : i32
    %dma_start3A_1153 = tpu.memref_slice %arg8[%dma_start3A_1149, %dma_start3A_1151, %dma_start3A_1152] : memref<3x256x128xf32, #tpu.memory_space<vmem>> -> memref<1x256x64xf32, #tpu.memory_space<vmem>>
    %dma_start3A_1154 = tpu.memref_squeeze %dma_start3A_1153 : memref<1x256x64xf32, #tpu.memory_space<vmem>> -> memref<256x64xf32, #tpu.memory_space<vmem>>
    %dma_start3A_1155 = arith.constant 0 : i32
    %dma_start3A_1156 = tpu.memref_slice %arg5[%add3A_1148, %dma_start3A_1155] : memref<327680x64xf32, #tpu.memory_space<hbm>> -> memref<256x64xf32, #tpu.memory_space<hbm>>
    %dma_start3A_1157 = tpu.memref_slice %arg11[%dma_start3A_1150] : memref<3x!tpu.dma_semaphore, #tpu.memory_space<semaphore_mem>> -> memref<1x!tpu.dma_semaphore, #tpu.memory_space<semaphore_mem>>
    %dma_start3A_1158 = tpu.memref_squeeze %dma_start3A_1157 : memref<1x!tpu.dma_semaphore, #tpu.memory_space<semaphore_mem>> -> memref<!tpu.dma_semaphore, #tpu.memory_space<semaphore_mem>>
    %dma_start3A_1159 = arith.constant 0 : i32
    %dma_start3A_1160 = tpu.memref_slice %arg5[%add3A_1148, %dma_start3A_1159] : memref<327680x64xf32, #tpu.memory_space<hbm>> -> memref<256x64xf32, #tpu.memory_space<hbm>>
    %dma_start3A_1161 = arith.constant 0 : i32
    %dma_start3A_1162 = arith.constant 0 : i32
    %dma_start3A_1163 = tpu.memref_slice %arg8[%dma_start3A_1149, %dma_start3A_1161, %dma_start3A_1162] : memref<3x256x128xf32, #tpu.memory_space<vmem>> -> memref<1x256x64xf32, #tpu.memory_space<vmem>>
    %dma_start3A_1164 = tpu.memref_squeeze %dma_start3A_1163 : memref<1x256x64xf32, #tpu.memory_space<vmem>> -> memref<256x64xf32, #tpu.memory_space<vmem>>
    tpu.enqueue_dma source(%dma_start3A_1164 : memref<256x64xf32, #tpu.memory_space<vmem>>) target(%dma_start3A_1160 : memref<256x64xf32, #tpu.memory_space<hbm>>) target_semaphore(%dma_start3A_1158 : memref<!tpu.dma_semaphore, #tpu.memory_space<semaphore_mem>>)
    %add3A_1165 = arith.constant 4352 : i32
    %add3A_1166 = arith.addi %mul3A_2, %add3A_1165 : i32
    %dma_wait3A_1167 = arith.constant 2 : i32
    %dma_wait3A_1168 = arith.constant 2 : i32
    %dma_wait3A_1169 = arith.constant 0 : i32
    %dma_wait3A_1170 = arith.constant 0 : i32
    %dma_wait3A_1171 = tpu.memref_slice %arg8[%dma_wait3A_1167, %dma_wait3A_1169, %dma_wait3A_1170] : memref<3x256x128xf32, #tpu.memory_space<vmem>> -> memref<1x256x64xf32, #tpu.memory_space<vmem>>
    %dma_wait3A_1172 = tpu.memref_squeeze %dma_wait3A_1171 : memref<1x256x64xf32, #tpu.memory_space<vmem>> -> memref<256x64xf32, #tpu.memory_space<vmem>>
    %dma_wait3A_1173 = arith.constant 0 : i32
    %dma_wait3A_1174 = tpu.memref_slice %arg5[%add3A_1166, %dma_wait3A_1173] : memref<327680x64xf32, #tpu.memory_space<hbm>> -> memref<256x64xf32, #tpu.memory_space<hbm>>
    %dma_wait3A_1175 = tpu.memref_slice %arg11[%dma_wait3A_1168] : memref<3x!tpu.dma_semaphore, #tpu.memory_space<semaphore_mem>> -> memref<1x!tpu.dma_semaphore, #tpu.memory_space<semaphore_mem>>
    %dma_wait3A_1176 = tpu.memref_squeeze %dma_wait3A_1175 : memref<1x!tpu.dma_semaphore, #tpu.memory_space<semaphore_mem>> -> memref<!tpu.dma_semaphore, #tpu.memory_space<semaphore_mem>>
    %dma_wait3A_1177 = arith.constant 0 : i32
    %dma_wait3A_1178 = tpu.memref_slice %arg5[%add3A_1166, %dma_wait3A_1177] : memref<327680x64xf32, #tpu.memory_space<hbm>> -> memref<256x64xf32, #tpu.memory_space<hbm>>
    %dma_wait3A_1179 = arith.constant 0 : i32
    %dma_wait3A_1180 = arith.constant 0 : i32
    %dma_wait3A_1181 = tpu.memref_slice %arg8[%dma_wait3A_1167, %dma_wait3A_1179, %dma_wait3A_1180] : memref<3x256x128xf32, #tpu.memory_space<vmem>> -> memref<1x256x64xf32, #tpu.memory_space<vmem>>
    %dma_wait3A_1182 = tpu.memref_squeeze %dma_wait3A_1181 : memref<1x256x64xf32, #tpu.memory_space<vmem>> -> memref<256x64xf32, #tpu.memory_space<vmem>>
    tpu.wait_dma2 semaphore(%dma_wait3A_1176 : memref<!tpu.dma_semaphore, #tpu.memory_space<semaphore_mem>>) src(%dma_wait3A_1182 : memref<256x64xf32, #tpu.memory_space<vmem>>) dst(%dma_wait3A_1178 : memref<256x64xf32, #tpu.memory_space<hbm>>)
    %dma_start3A_1183 = arith.constant 2 : i32
    %dma_start3A_1184 = arith.constant 2 : i32
    %dma_start3A_1185 = arith.constant 0 : i32
    %dma_start3A_1186 = arith.constant 0 : i32
    %dma_start3A_1187 = tpu.memref_slice %arg8[%dma_start3A_1183, %dma_start3A_1185, %dma_start3A_1186] : memref<3x256x128xf32, #tpu.memory_space<vmem>> -> memref<1x256x128xf32, #tpu.memory_space<vmem>>
    %dma_start3A_1188 = tpu.memref_squeeze %dma_start3A_1187 : memref<1x256x128xf32, #tpu.memory_space<vmem>> -> memref<256x128xf32, #tpu.memory_space<vmem>>
    %dma_start3A_1189 = arith.constant 5120 : i32
    %dma_start3A_1190 = tpu.memref_slice %arg7[%dma_start3A_1189] : memref<10240xi32, #tpu.memory_space<vmem>> -> memref<256xi32, #tpu.memory_space<vmem>>
    %dma_start3A_1191 = arith.constant 0 : i32
    %dma_start3A_1192 = arith.constant 0 : i32
    %dma_start3A_1193 = tpu.memref_slice %arg3[%dma_start3A_1191, %dma_start3A_1192] : memref<1000000x128xf32, #tpu.memory_space<hbm>> -> memref<1000000x128xf32, #tpu.memory_space<hbm>>
    %dma_start3A_1194 = tpu.memref_slice %arg10[%dma_start3A_1184] : memref<3x!tpu.dma_semaphore, #tpu.memory_space<semaphore_mem>> -> memref<1x!tpu.dma_semaphore, #tpu.memory_space<semaphore_mem>>
    %dma_start3A_1195 = tpu.memref_squeeze %dma_start3A_1194 : memref<1x!tpu.dma_semaphore, #tpu.memory_space<semaphore_mem>> -> memref<!tpu.dma_semaphore, #tpu.memory_space<semaphore_mem>>
    tpu.enqueue_indirect_dma source(%dma_start3A_1193 : memref<1000000x128xf32, #tpu.memory_space<hbm>>) target(%dma_start3A_1188 : memref<256x128xf32, #tpu.memory_space<vmem>>) offsets(%dma_start3A_1190 : memref<256xi32, #tpu.memory_space<vmem>>) semaphore(%dma_start3A_1195 : memref<!tpu.dma_semaphore, #tpu.memory_space<semaphore_mem>>)
    %dma_wait3A_1196 = arith.constant 1 : i32
    %dma_wait3A_1197 = arith.constant 1 : i32
    %dma_wait3A_1198 = arith.constant 0 : i32
    %dma_wait3A_1199 = arith.constant 0 : i32
    %dma_wait3A_1200 = tpu.memref_slice %arg8[%dma_wait3A_1196, %dma_wait3A_1198, %dma_wait3A_1199] : memref<3x256x128xf32, #tpu.memory_space<vmem>> -> memref<1x256x128xf32, #tpu.memory_space<vmem>>
    %dma_wait3A_1201 = tpu.memref_squeeze %dma_wait3A_1200 : memref<1x256x128xf32, #tpu.memory_space<vmem>> -> memref<256x128xf32, #tpu.memory_space<vmem>>
    %dma_wait3A_1202 = arith.constant 4864 : i32
    %dma_wait3A_1203 = tpu.memref_slice %arg7[%dma_wait3A_1202] : memref<10240xi32, #tpu.memory_space<vmem>> -> memref<256xi32, #tpu.memory_space<vmem>>
    %dma_wait3A_1204 = arith.constant 0 : i32
    %dma_wait3A_1205 = arith.constant 0 : i32
    %dma_wait3A_1206 = tpu.memref_slice %arg3[%dma_wait3A_1204, %dma_wait3A_1205] : memref<1000000x128xf32, #tpu.memory_space<hbm>> -> memref<1000000x128xf32, #tpu.memory_space<hbm>>
    %dma_wait3A_1207 = tpu.memref_slice %arg10[%dma_wait3A_1197] : memref<3x!tpu.dma_semaphore, #tpu.memory_space<semaphore_mem>> -> memref<1x!tpu.dma_semaphore, #tpu.memory_space<semaphore_mem>>
    %dma_wait3A_1208 = tpu.memref_squeeze %dma_wait3A_1207 : memref<1x!tpu.dma_semaphore, #tpu.memory_space<semaphore_mem>> -> memref<!tpu.dma_semaphore, #tpu.memory_space<semaphore_mem>>
    tpu.wait_indirect_dma semaphore(%dma_wait3A_1208 : memref<!tpu.dma_semaphore, #tpu.memory_space<semaphore_mem>>) src(%dma_wait3A_1206 : memref<1000000x128xf32, #tpu.memory_space<hbm>>) dst(%dma_wait3A_1201 : memref<256x128xf32, #tpu.memory_space<vmem>>)
    %add3A_1209 = arith.constant 4864 : i32
    %add3A_1210 = arith.addi %mul3A_2, %add3A_1209 : i32
    %dma_start3A_1211 = arith.constant 1 : i32
    %dma_start3A_1212 = arith.constant 1 : i32
    %dma_start3A_1213 = arith.constant 0 : i32
    %dma_start3A_1214 = arith.constant 0 : i32
    %dma_start3A_1215 = tpu.memref_slice %arg8[%dma_start3A_1211, %dma_start3A_1213, %dma_start3A_1214] : memref<3x256x128xf32, #tpu.memory_space<vmem>> -> memref<1x256x64xf32, #tpu.memory_space<vmem>>
    %dma_start3A_1216 = tpu.memref_squeeze %dma_start3A_1215 : memref<1x256x64xf32, #tpu.memory_space<vmem>> -> memref<256x64xf32, #tpu.memory_space<vmem>>
    %dma_start3A_1217 = arith.constant 0 : i32
    %dma_start3A_1218 = tpu.memref_slice %arg5[%add3A_1210, %dma_start3A_1217] : memref<327680x64xf32, #tpu.memory_space<hbm>> -> memref<256x64xf32, #tpu.memory_space<hbm>>
    %dma_start3A_1219 = tpu.memref_slice %arg11[%dma_start3A_1212] : memref<3x!tpu.dma_semaphore, #tpu.memory_space<semaphore_mem>> -> memref<1x!tpu.dma_semaphore, #tpu.memory_space<semaphore_mem>>
    %dma_start3A_1220 = tpu.memref_squeeze %dma_start3A_1219 : memref<1x!tpu.dma_semaphore, #tpu.memory_space<semaphore_mem>> -> memref<!tpu.dma_semaphore, #tpu.memory_space<semaphore_mem>>
    %dma_start3A_1221 = arith.constant 0 : i32
    %dma_start3A_1222 = tpu.memref_slice %arg5[%add3A_1210, %dma_start3A_1221] : memref<327680x64xf32, #tpu.memory_space<hbm>> -> memref<256x64xf32, #tpu.memory_space<hbm>>
    %dma_start3A_1223 = arith.constant 0 : i32
    %dma_start3A_1224 = arith.constant 0 : i32
    %dma_start3A_1225 = tpu.memref_slice %arg8[%dma_start3A_1211, %dma_start3A_1223, %dma_start3A_1224] : memref<3x256x128xf32, #tpu.memory_space<vmem>> -> memref<1x256x64xf32, #tpu.memory_space<vmem>>
    %dma_start3A_1226 = tpu.memref_squeeze %dma_start3A_1225 : memref<1x256x64xf32, #tpu.memory_space<vmem>> -> memref<256x64xf32, #tpu.memory_space<vmem>>
    tpu.enqueue_dma source(%dma_start3A_1226 : memref<256x64xf32, #tpu.memory_space<vmem>>) target(%dma_start3A_1222 : memref<256x64xf32, #tpu.memory_space<hbm>>) target_semaphore(%dma_start3A_1220 : memref<!tpu.dma_semaphore, #tpu.memory_space<semaphore_mem>>)
    %add3A_1227 = arith.constant 4608 : i32
    %add3A_1228 = arith.addi %mul3A_2, %add3A_1227 : i32
    %dma_wait3A_1229 = arith.constant 0 : i32
    %dma_wait3A_1230 = arith.constant 0 : i32
    %dma_wait3A_1231 = arith.constant 0 : i32
    %dma_wait3A_1232 = arith.constant 0 : i32
    %dma_wait3A_1233 = tpu.memref_slice %arg8[%dma_wait3A_1229, %dma_wait3A_1231, %dma_wait3A_1232] : memref<3x256x128xf32, #tpu.memory_space<vmem>> -> memref<1x256x64xf32, #tpu.memory_space<vmem>>
    %dma_wait3A_1234 = tpu.memref_squeeze %dma_wait3A_1233 : memref<1x256x64xf32, #tpu.memory_space<vmem>> -> memref<256x64xf32, #tpu.memory_space<vmem>>
    %dma_wait3A_1235 = arith.constant 0 : i32
    %dma_wait3A_1236 = tpu.memref_slice %arg5[%add3A_1228, %dma_wait3A_1235] : memref<327680x64xf32, #tpu.memory_space<hbm>> -> memref<256x64xf32, #tpu.memory_space<hbm>>
    %dma_wait3A_1237 = tpu.memref_slice %arg11[%dma_wait3A_1230] : memref<3x!tpu.dma_semaphore, #tpu.memory_space<semaphore_mem>> -> memref<1x!tpu.dma_semaphore, #tpu.memory_space<semaphore_mem>>
    %dma_wait3A_1238 = tpu.memref_squeeze %dma_wait3A_1237 : memref<1x!tpu.dma_semaphore, #tpu.memory_space<semaphore_mem>> -> memref<!tpu.dma_semaphore, #tpu.memory_space<semaphore_mem>>
    %dma_wait3A_1239 = arith.constant 0 : i32
    %dma_wait3A_1240 = tpu.memref_slice %arg5[%add3A_1228, %dma_wait3A_1239] : memref<327680x64xf32, #tpu.memory_space<hbm>> -> memref<256x64xf32, #tpu.memory_space<hbm>>
    %dma_wait3A_1241 = arith.constant 0 : i32
    %dma_wait3A_1242 = arith.constant 0 : i32
    %dma_wait3A_1243 = tpu.memref_slice %arg8[%dma_wait3A_1229, %dma_wait3A_1241, %dma_wait3A_1242] : memref<3x256x128xf32, #tpu.memory_space<vmem>> -> memref<1x256x64xf32, #tpu.memory_space<vmem>>
    %dma_wait3A_1244 = tpu.memref_squeeze %dma_wait3A_1243 : memref<1x256x64xf32, #tpu.memory_space<vmem>> -> memref<256x64xf32, #tpu.memory_space<vmem>>
    tpu.wait_dma2 semaphore(%dma_wait3A_1238 : memref<!tpu.dma_semaphore, #tpu.memory_space<semaphore_mem>>) src(%dma_wait3A_1244 : memref<256x64xf32, #tpu.memory_space<vmem>>) dst(%dma_wait3A_1240 : memref<256x64xf32, #tpu.memory_space<hbm>>)
    %dma_start3A_1245 = arith.constant 0 : i32
    %dma_start3A_1246 = arith.constant 0 : i32
    %dma_start3A_1247 = arith.constant 0 : i32
    %dma_start3A_1248 = arith.constant 0 : i32
    %dma_start3A_1249 = tpu.memref_slice %arg8[%dma_start3A_1245, %dma_start3A_1247, %dma_start3A_1248] : memref<3x256x128xf32, #tpu.memory_space<vmem>> -> memref<1x256x128xf32, #tpu.memory_space<vmem>>
    %dma_start3A_1250 = tpu.memref_squeeze %dma_start3A_1249 : memref<1x256x128xf32, #tpu.memory_space<vmem>> -> memref<256x128xf32, #tpu.memory_space<vmem>>
    %dma_start3A_1251 = arith.constant 5376 : i32
    %dma_start3A_1252 = tpu.memref_slice %arg7[%dma_start3A_1251] : memref<10240xi32, #tpu.memory_space<vmem>> -> memref<256xi32, #tpu.memory_space<vmem>>
    %dma_start3A_1253 = arith.constant 0 : i32
    %dma_start3A_1254 = arith.constant 0 : i32
    %dma_start3A_1255 = tpu.memref_slice %arg3[%dma_start3A_1253, %dma_start3A_1254] : memref<1000000x128xf32, #tpu.memory_space<hbm>> -> memref<1000000x128xf32, #tpu.memory_space<hbm>>
    %dma_start3A_1256 = tpu.memref_slice %arg10[%dma_start3A_1246] : memref<3x!tpu.dma_semaphore, #tpu.memory_space<semaphore_mem>> -> memref<1x!tpu.dma_semaphore, #tpu.memory_space<semaphore_mem>>
    %dma_start3A_1257 = tpu.memref_squeeze %dma_start3A_1256 : memref<1x!tpu.dma_semaphore, #tpu.memory_space<semaphore_mem>> -> memref<!tpu.dma_semaphore, #tpu.memory_space<semaphore_mem>>
    tpu.enqueue_indirect_dma source(%dma_start3A_1255 : memref<1000000x128xf32, #tpu.memory_space<hbm>>) target(%dma_start3A_1250 : memref<256x128xf32, #tpu.memory_space<vmem>>) offsets(%dma_start3A_1252 : memref<256xi32, #tpu.memory_space<vmem>>) semaphore(%dma_start3A_1257 : memref<!tpu.dma_semaphore, #tpu.memory_space<semaphore_mem>>)
    %dma_wait3A_1258 = arith.constant 2 : i32
    %dma_wait3A_1259 = arith.constant 2 : i32
    %dma_wait3A_1260 = arith.constant 0 : i32
    %dma_wait3A_1261 = arith.constant 0 : i32
    %dma_wait3A_1262 = tpu.memref_slice %arg8[%dma_wait3A_1258, %dma_wait3A_1260, %dma_wait3A_1261] : memref<3x256x128xf32, #tpu.memory_space<vmem>> -> memref<1x256x128xf32, #tpu.memory_space<vmem>>
    %dma_wait3A_1263 = tpu.memref_squeeze %dma_wait3A_1262 : memref<1x256x128xf32, #tpu.memory_space<vmem>> -> memref<256x128xf32, #tpu.memory_space<vmem>>
    %dma_wait3A_1264 = arith.constant 5120 : i32
    %dma_wait3A_1265 = tpu.memref_slice %arg7[%dma_wait3A_1264] : memref<10240xi32, #tpu.memory_space<vmem>> -> memref<256xi32, #tpu.memory_space<vmem>>
    %dma_wait3A_1266 = arith.constant 0 : i32
    %dma_wait3A_1267 = arith.constant 0 : i32
    %dma_wait3A_1268 = tpu.memref_slice %arg3[%dma_wait3A_1266, %dma_wait3A_1267] : memref<1000000x128xf32, #tpu.memory_space<hbm>> -> memref<1000000x128xf32, #tpu.memory_space<hbm>>
    %dma_wait3A_1269 = tpu.memref_slice %arg10[%dma_wait3A_1259] : memref<3x!tpu.dma_semaphore, #tpu.memory_space<semaphore_mem>> -> memref<1x!tpu.dma_semaphore, #tpu.memory_space<semaphore_mem>>
    %dma_wait3A_1270 = tpu.memref_squeeze %dma_wait3A_1269 : memref<1x!tpu.dma_semaphore, #tpu.memory_space<semaphore_mem>> -> memref<!tpu.dma_semaphore, #tpu.memory_space<semaphore_mem>>
    tpu.wait_indirect_dma semaphore(%dma_wait3A_1270 : memref<!tpu.dma_semaphore, #tpu.memory_space<semaphore_mem>>) src(%dma_wait3A_1268 : memref<1000000x128xf32, #tpu.memory_space<hbm>>) dst(%dma_wait3A_1263 : memref<256x128xf32, #tpu.memory_space<vmem>>)
    %add3A_1271 = arith.constant 5120 : i32
    %add3A_1272 = arith.addi %mul3A_2, %add3A_1271 : i32
    %dma_start3A_1273 = arith.constant 2 : i32
    %dma_start3A_1274 = arith.constant 2 : i32
    %dma_start3A_1275 = arith.constant 0 : i32
    %dma_start3A_1276 = arith.constant 0 : i32
    %dma_start3A_1277 = tpu.memref_slice %arg8[%dma_start3A_1273, %dma_start3A_1275, %dma_start3A_1276] : memref<3x256x128xf32, #tpu.memory_space<vmem>> -> memref<1x256x64xf32, #tpu.memory_space<vmem>>
    %dma_start3A_1278 = tpu.memref_squeeze %dma_start3A_1277 : memref<1x256x64xf32, #tpu.memory_space<vmem>> -> memref<256x64xf32, #tpu.memory_space<vmem>>
    %dma_start3A_1279 = arith.constant 0 : i32
    %dma_start3A_1280 = tpu.memref_slice %arg5[%add3A_1272, %dma_start3A_1279] : memref<327680x64xf32, #tpu.memory_space<hbm>> -> memref<256x64xf32, #tpu.memory_space<hbm>>
    %dma_start3A_1281 = tpu.memref_slice %arg11[%dma_start3A_1274] : memref<3x!tpu.dma_semaphore, #tpu.memory_space<semaphore_mem>> -> memref<1x!tpu.dma_semaphore, #tpu.memory_space<semaphore_mem>>
    %dma_start3A_1282 = tpu.memref_squeeze %dma_start3A_1281 : memref<1x!tpu.dma_semaphore, #tpu.memory_space<semaphore_mem>> -> memref<!tpu.dma_semaphore, #tpu.memory_space<semaphore_mem>>
    %dma_start3A_1283 = arith.constant 0 : i32
    %dma_start3A_1284 = tpu.memref_slice %arg5[%add3A_1272, %dma_start3A_1283] : memref<327680x64xf32, #tpu.memory_space<hbm>> -> memref<256x64xf32, #tpu.memory_space<hbm>>
    %dma_start3A_1285 = arith.constant 0 : i32
    %dma_start3A_1286 = arith.constant 0 : i32
    %dma_start3A_1287 = tpu.memref_slice %arg8[%dma_start3A_1273, %dma_start3A_1285, %dma_start3A_1286] : memref<3x256x128xf32, #tpu.memory_space<vmem>> -> memref<1x256x64xf32, #tpu.memory_space<vmem>>
    %dma_start3A_1288 = tpu.memref_squeeze %dma_start3A_1287 : memref<1x256x64xf32, #tpu.memory_space<vmem>> -> memref<256x64xf32, #tpu.memory_space<vmem>>
    tpu.enqueue_dma source(%dma_start3A_1288 : memref<256x64xf32, #tpu.memory_space<vmem>>) target(%dma_start3A_1284 : memref<256x64xf32, #tpu.memory_space<hbm>>) target_semaphore(%dma_start3A_1282 : memref<!tpu.dma_semaphore, #tpu.memory_space<semaphore_mem>>)
    %add3A_1289 = arith.constant 4864 : i32
    %add3A_1290 = arith.addi %mul3A_2, %add3A_1289 : i32
    %dma_wait3A_1291 = arith.constant 1 : i32
    %dma_wait3A_1292 = arith.constant 1 : i32
    %dma_wait3A_1293 = arith.constant 0 : i32
    %dma_wait3A_1294 = arith.constant 0 : i32
    %dma_wait3A_1295 = tpu.memref_slice %arg8[%dma_wait3A_1291, %dma_wait3A_1293, %dma_wait3A_1294] : memref<3x256x128xf32, #tpu.memory_space<vmem>> -> memref<1x256x64xf32, #tpu.memory_space<vmem>>
    %dma_wait3A_1296 = tpu.memref_squeeze %dma_wait3A_1295 : memref<1x256x64xf32, #tpu.memory_space<vmem>> -> memref<256x64xf32, #tpu.memory_space<vmem>>
    %dma_wait3A_1297 = arith.constant 0 : i32
    %dma_wait3A_1298 = tpu.memref_slice %arg5[%add3A_1290, %dma_wait3A_1297] : memref<327680x64xf32, #tpu.memory_space<hbm>> -> memref<256x64xf32, #tpu.memory_space<hbm>>
    %dma_wait3A_1299 = tpu.memref_slice %arg11[%dma_wait3A_1292] : memref<3x!tpu.dma_semaphore, #tpu.memory_space<semaphore_mem>> -> memref<1x!tpu.dma_semaphore, #tpu.memory_space<semaphore_mem>>
    %dma_wait3A_1300 = tpu.memref_squeeze %dma_wait3A_1299 : memref<1x!tpu.dma_semaphore, #tpu.memory_space<semaphore_mem>> -> memref<!tpu.dma_semaphore, #tpu.memory_space<semaphore_mem>>
    %dma_wait3A_1301 = arith.constant 0 : i32
    %dma_wait3A_1302 = tpu.memref_slice %arg5[%add3A_1290, %dma_wait3A_1301] : memref<327680x64xf32, #tpu.memory_space<hbm>> -> memref<256x64xf32, #tpu.memory_space<hbm>>
    %dma_wait3A_1303 = arith.constant 0 : i32
    %dma_wait3A_1304 = arith.constant 0 : i32
    %dma_wait3A_1305 = tpu.memref_slice %arg8[%dma_wait3A_1291, %dma_wait3A_1303, %dma_wait3A_1304] : memref<3x256x128xf32, #tpu.memory_space<vmem>> -> memref<1x256x64xf32, #tpu.memory_space<vmem>>
    %dma_wait3A_1306 = tpu.memref_squeeze %dma_wait3A_1305 : memref<1x256x64xf32, #tpu.memory_space<vmem>> -> memref<256x64xf32, #tpu.memory_space<vmem>>
    tpu.wait_dma2 semaphore(%dma_wait3A_1300 : memref<!tpu.dma_semaphore, #tpu.memory_space<semaphore_mem>>) src(%dma_wait3A_1306 : memref<256x64xf32, #tpu.memory_space<vmem>>) dst(%dma_wait3A_1302 : memref<256x64xf32, #tpu.memory_space<hbm>>)
    %dma_start3A_1307 = arith.constant 1 : i32
    %dma_start3A_1308 = arith.constant 1 : i32
    %dma_start3A_1309 = arith.constant 0 : i32
    %dma_start3A_1310 = arith.constant 0 : i32
    %dma_start3A_1311 = tpu.memref_slice %arg8[%dma_start3A_1307, %dma_start3A_1309, %dma_start3A_1310] : memref<3x256x128xf32, #tpu.memory_space<vmem>> -> memref<1x256x128xf32, #tpu.memory_space<vmem>>
    %dma_start3A_1312 = tpu.memref_squeeze %dma_start3A_1311 : memref<1x256x128xf32, #tpu.memory_space<vmem>> -> memref<256x128xf32, #tpu.memory_space<vmem>>
    %dma_start3A_1313 = arith.constant 5632 : i32
    %dma_start3A_1314 = tpu.memref_slice %arg7[%dma_start3A_1313] : memref<10240xi32, #tpu.memory_space<vmem>> -> memref<256xi32, #tpu.memory_space<vmem>>
    %dma_start3A_1315 = arith.constant 0 : i32
    %dma_start3A_1316 = arith.constant 0 : i32
    %dma_start3A_1317 = tpu.memref_slice %arg3[%dma_start3A_1315, %dma_start3A_1316] : memref<1000000x128xf32, #tpu.memory_space<hbm>> -> memref<1000000x128xf32, #tpu.memory_space<hbm>>
    %dma_start3A_1318 = tpu.memref_slice %arg10[%dma_start3A_1308] : memref<3x!tpu.dma_semaphore, #tpu.memory_space<semaphore_mem>> -> memref<1x!tpu.dma_semaphore, #tpu.memory_space<semaphore_mem>>
    %dma_start3A_1319 = tpu.memref_squeeze %dma_start3A_1318 : memref<1x!tpu.dma_semaphore, #tpu.memory_space<semaphore_mem>> -> memref<!tpu.dma_semaphore, #tpu.memory_space<semaphore_mem>>
    tpu.enqueue_indirect_dma source(%dma_start3A_1317 : memref<1000000x128xf32, #tpu.memory_space<hbm>>) target(%dma_start3A_1312 : memref<256x128xf32, #tpu.memory_space<vmem>>) offsets(%dma_start3A_1314 : memref<256xi32, #tpu.memory_space<vmem>>) semaphore(%dma_start3A_1319 : memref<!tpu.dma_semaphore, #tpu.memory_space<semaphore_mem>>)
    %dma_wait3A_1320 = arith.constant 0 : i32
    %dma_wait3A_1321 = arith.constant 0 : i32
    %dma_wait3A_1322 = arith.constant 0 : i32
    %dma_wait3A_1323 = arith.constant 0 : i32
    %dma_wait3A_1324 = tpu.memref_slice %arg8[%dma_wait3A_1320, %dma_wait3A_1322, %dma_wait3A_1323] : memref<3x256x128xf32, #tpu.memory_space<vmem>> -> memref<1x256x128xf32, #tpu.memory_space<vmem>>
    %dma_wait3A_1325 = tpu.memref_squeeze %dma_wait3A_1324 : memref<1x256x128xf32, #tpu.memory_space<vmem>> -> memref<256x128xf32, #tpu.memory_space<vmem>>
    %dma_wait3A_1326 = arith.constant 5376 : i32
    %dma_wait3A_1327 = tpu.memref_slice %arg7[%dma_wait3A_1326] : memref<10240xi32, #tpu.memory_space<vmem>> -> memref<256xi32, #tpu.memory_space<vmem>>
    %dma_wait3A_1328 = arith.constant 0 : i32
    %dma_wait3A_1329 = arith.constant 0 : i32
    %dma_wait3A_1330 = tpu.memref_slice %arg3[%dma_wait3A_1328, %dma_wait3A_1329] : memref<1000000x128xf32, #tpu.memory_space<hbm>> -> memref<1000000x128xf32, #tpu.memory_space<hbm>>
    %dma_wait3A_1331 = tpu.memref_slice %arg10[%dma_wait3A_1321] : memref<3x!tpu.dma_semaphore, #tpu.memory_space<semaphore_mem>> -> memref<1x!tpu.dma_semaphore, #tpu.memory_space<semaphore_mem>>
    %dma_wait3A_1332 = tpu.memref_squeeze %dma_wait3A_1331 : memref<1x!tpu.dma_semaphore, #tpu.memory_space<semaphore_mem>> -> memref<!tpu.dma_semaphore, #tpu.memory_space<semaphore_mem>>
    tpu.wait_indirect_dma semaphore(%dma_wait3A_1332 : memref<!tpu.dma_semaphore, #tpu.memory_space<semaphore_mem>>) src(%dma_wait3A_1330 : memref<1000000x128xf32, #tpu.memory_space<hbm>>) dst(%dma_wait3A_1325 : memref<256x128xf32, #tpu.memory_space<vmem>>)
    %add3A_1333 = arith.constant 5376 : i32
    %add3A_1334 = arith.addi %mul3A_2, %add3A_1333 : i32
    %dma_start3A_1335 = arith.constant 0 : i32
    %dma_start3A_1336 = arith.constant 0 : i32
    %dma_start3A_1337 = arith.constant 0 : i32
    %dma_start3A_1338 = arith.constant 0 : i32
    %dma_start3A_1339 = tpu.memref_slice %arg8[%dma_start3A_1335, %dma_start3A_1337, %dma_start3A_1338] : memref<3x256x128xf32, #tpu.memory_space<vmem>> -> memref<1x256x64xf32, #tpu.memory_space<vmem>>
    %dma_start3A_1340 = tpu.memref_squeeze %dma_start3A_1339 : memref<1x256x64xf32, #tpu.memory_space<vmem>> -> memref<256x64xf32, #tpu.memory_space<vmem>>
    %dma_start3A_1341 = arith.constant 0 : i32
    %dma_start3A_1342 = tpu.memref_slice %arg5[%add3A_1334, %dma_start3A_1341] : memref<327680x64xf32, #tpu.memory_space<hbm>> -> memref<256x64xf32, #tpu.memory_space<hbm>>
    %dma_start3A_1343 = tpu.memref_slice %arg11[%dma_start3A_1336] : memref<3x!tpu.dma_semaphore, #tpu.memory_space<semaphore_mem>> -> memref<1x!tpu.dma_semaphore, #tpu.memory_space<semaphore_mem>>
    %dma_start3A_1344 = tpu.memref_squeeze %dma_start3A_1343 : memref<1x!tpu.dma_semaphore, #tpu.memory_space<semaphore_mem>> -> memref<!tpu.dma_semaphore, #tpu.memory_space<semaphore_mem>>
    %dma_start3A_1345 = arith.constant 0 : i32
    %dma_start3A_1346 = tpu.memref_slice %arg5[%add3A_1334, %dma_start3A_1345] : memref<327680x64xf32, #tpu.memory_space<hbm>> -> memref<256x64xf32, #tpu.memory_space<hbm>>
    %dma_start3A_1347 = arith.constant 0 : i32
    %dma_start3A_1348 = arith.constant 0 : i32
    %dma_start3A_1349 = tpu.memref_slice %arg8[%dma_start3A_1335, %dma_start3A_1347, %dma_start3A_1348] : memref<3x256x128xf32, #tpu.memory_space<vmem>> -> memref<1x256x64xf32, #tpu.memory_space<vmem>>
    %dma_start3A_1350 = tpu.memref_squeeze %dma_start3A_1349 : memref<1x256x64xf32, #tpu.memory_space<vmem>> -> memref<256x64xf32, #tpu.memory_space<vmem>>
    tpu.enqueue_dma source(%dma_start3A_1350 : memref<256x64xf32, #tpu.memory_space<vmem>>) target(%dma_start3A_1346 : memref<256x64xf32, #tpu.memory_space<hbm>>) target_semaphore(%dma_start3A_1344 : memref<!tpu.dma_semaphore, #tpu.memory_space<semaphore_mem>>)
    %add3A_1351 = arith.constant 5120 : i32
    %add3A_1352 = arith.addi %mul3A_2, %add3A_1351 : i32
    %dma_wait3A_1353 = arith.constant 2 : i32
    %dma_wait3A_1354 = arith.constant 2 : i32
    %dma_wait3A_1355 = arith.constant 0 : i32
    %dma_wait3A_1356 = arith.constant 0 : i32
    %dma_wait3A_1357 = tpu.memref_slice %arg8[%dma_wait3A_1353, %dma_wait3A_1355, %dma_wait3A_1356] : memref<3x256x128xf32, #tpu.memory_space<vmem>> -> memref<1x256x64xf32, #tpu.memory_space<vmem>>
    %dma_wait3A_1358 = tpu.memref_squeeze %dma_wait3A_1357 : memref<1x256x64xf32, #tpu.memory_space<vmem>> -> memref<256x64xf32, #tpu.memory_space<vmem>>
    %dma_wait3A_1359 = arith.constant 0 : i32
    %dma_wait3A_1360 = tpu.memref_slice %arg5[%add3A_1352, %dma_wait3A_1359] : memref<327680x64xf32, #tpu.memory_space<hbm>> -> memref<256x64xf32, #tpu.memory_space<hbm>>
    %dma_wait3A_1361 = tpu.memref_slice %arg11[%dma_wait3A_1354] : memref<3x!tpu.dma_semaphore, #tpu.memory_space<semaphore_mem>> -> memref<1x!tpu.dma_semaphore, #tpu.memory_space<semaphore_mem>>
    %dma_wait3A_1362 = tpu.memref_squeeze %dma_wait3A_1361 : memref<1x!tpu.dma_semaphore, #tpu.memory_space<semaphore_mem>> -> memref<!tpu.dma_semaphore, #tpu.memory_space<semaphore_mem>>
    %dma_wait3A_1363 = arith.constant 0 : i32
    %dma_wait3A_1364 = tpu.memref_slice %arg5[%add3A_1352, %dma_wait3A_1363] : memref<327680x64xf32, #tpu.memory_space<hbm>> -> memref<256x64xf32, #tpu.memory_space<hbm>>
    %dma_wait3A_1365 = arith.constant 0 : i32
    %dma_wait3A_1366 = arith.constant 0 : i32
    %dma_wait3A_1367 = tpu.memref_slice %arg8[%dma_wait3A_1353, %dma_wait3A_1365, %dma_wait3A_1366] : memref<3x256x128xf32, #tpu.memory_space<vmem>> -> memref<1x256x64xf32, #tpu.memory_space<vmem>>
    %dma_wait3A_1368 = tpu.memref_squeeze %dma_wait3A_1367 : memref<1x256x64xf32, #tpu.memory_space<vmem>> -> memref<256x64xf32, #tpu.memory_space<vmem>>
    tpu.wait_dma2 semaphore(%dma_wait3A_1362 : memref<!tpu.dma_semaphore, #tpu.memory_space<semaphore_mem>>) src(%dma_wait3A_1368 : memref<256x64xf32, #tpu.memory_space<vmem>>) dst(%dma_wait3A_1364 : memref<256x64xf32, #tpu.memory_space<hbm>>)
    %dma_start3A_1369 = arith.constant 2 : i32
    %dma_start3A_1370 = arith.constant 2 : i32
    %dma_start3A_1371 = arith.constant 0 : i32
    %dma_start3A_1372 = arith.constant 0 : i32
    %dma_start3A_1373 = tpu.memref_slice %arg8[%dma_start3A_1369, %dma_start3A_1371, %dma_start3A_1372] : memref<3x256x128xf32, #tpu.memory_space<vmem>> -> memref<1x256x128xf32, #tpu.memory_space<vmem>>
    %dma_start3A_1374 = tpu.memref_squeeze %dma_start3A_1373 : memref<1x256x128xf32, #tpu.memory_space<vmem>> -> memref<256x128xf32, #tpu.memory_space<vmem>>
    %dma_start3A_1375 = arith.constant 5888 : i32
    %dma_start3A_1376 = tpu.memref_slice %arg7[%dma_start3A_1375] : memref<10240xi32, #tpu.memory_space<vmem>> -> memref<256xi32, #tpu.memory_space<vmem>>
    %dma_start3A_1377 = arith.constant 0 : i32
    %dma_start3A_1378 = arith.constant 0 : i32
    %dma_start3A_1379 = tpu.memref_slice %arg3[%dma_start3A_1377, %dma_start3A_1378] : memref<1000000x128xf32, #tpu.memory_space<hbm>> -> memref<1000000x128xf32, #tpu.memory_space<hbm>>
    %dma_start3A_1380 = tpu.memref_slice %arg10[%dma_start3A_1370] : memref<3x!tpu.dma_semaphore, #tpu.memory_space<semaphore_mem>> -> memref<1x!tpu.dma_semaphore, #tpu.memory_space<semaphore_mem>>
    %dma_start3A_1381 = tpu.memref_squeeze %dma_start3A_1380 : memref<1x!tpu.dma_semaphore, #tpu.memory_space<semaphore_mem>> -> memref<!tpu.dma_semaphore, #tpu.memory_space<semaphore_mem>>
    tpu.enqueue_indirect_dma source(%dma_start3A_1379 : memref<1000000x128xf32, #tpu.memory_space<hbm>>) target(%dma_start3A_1374 : memref<256x128xf32, #tpu.memory_space<vmem>>) offsets(%dma_start3A_1376 : memref<256xi32, #tpu.memory_space<vmem>>) semaphore(%dma_start3A_1381 : memref<!tpu.dma_semaphore, #tpu.memory_space<semaphore_mem>>)
    %dma_wait3A_1382 = arith.constant 1 : i32
    %dma_wait3A_1383 = arith.constant 1 : i32
    %dma_wait3A_1384 = arith.constant 0 : i32
    %dma_wait3A_1385 = arith.constant 0 : i32
    %dma_wait3A_1386 = tpu.memref_slice %arg8[%dma_wait3A_1382, %dma_wait3A_1384, %dma_wait3A_1385] : memref<3x256x128xf32, #tpu.memory_space<vmem>> -> memref<1x256x128xf32, #tpu.memory_space<vmem>>
    %dma_wait3A_1387 = tpu.memref_squeeze %dma_wait3A_1386 : memref<1x256x128xf32, #tpu.memory_space<vmem>> -> memref<256x128xf32, #tpu.memory_space<vmem>>
    %dma_wait3A_1388 = arith.constant 5632 : i32
    %dma_wait3A_1389 = tpu.memref_slice %arg7[%dma_wait3A_1388] : memref<10240xi32, #tpu.memory_space<vmem>> -> memref<256xi32, #tpu.memory_space<vmem>>
    %dma_wait3A_1390 = arith.constant 0 : i32
    %dma_wait3A_1391 = arith.constant 0 : i32
    %dma_wait3A_1392 = tpu.memref_slice %arg3[%dma_wait3A_1390, %dma_wait3A_1391] : memref<1000000x128xf32, #tpu.memory_space<hbm>> -> memref<1000000x128xf32, #tpu.memory_space<hbm>>
    %dma_wait3A_1393 = tpu.memref_slice %arg10[%dma_wait3A_1383] : memref<3x!tpu.dma_semaphore, #tpu.memory_space<semaphore_mem>> -> memref<1x!tpu.dma_semaphore, #tpu.memory_space<semaphore_mem>>
    %dma_wait3A_1394 = tpu.memref_squeeze %dma_wait3A_1393 : memref<1x!tpu.dma_semaphore, #tpu.memory_space<semaphore_mem>> -> memref<!tpu.dma_semaphore, #tpu.memory_space<semaphore_mem>>
    tpu.wait_indirect_dma semaphore(%dma_wait3A_1394 : memref<!tpu.dma_semaphore, #tpu.memory_space<semaphore_mem>>) src(%dma_wait3A_1392 : memref<1000000x128xf32, #tpu.memory_space<hbm>>) dst(%dma_wait3A_1387 : memref<256x128xf32, #tpu.memory_space<vmem>>)
    %add3A_1395 = arith.constant 5632 : i32
    %add3A_1396 = arith.addi %mul3A_2, %add3A_1395 : i32
    %dma_start3A_1397 = arith.constant 1 : i32
    %dma_start3A_1398 = arith.constant 1 : i32
    %dma_start3A_1399 = arith.constant 0 : i32
    %dma_start3A_1400 = arith.constant 0 : i32
    %dma_start3A_1401 = tpu.memref_slice %arg8[%dma_start3A_1397, %dma_start3A_1399, %dma_start3A_1400] : memref<3x256x128xf32, #tpu.memory_space<vmem>> -> memref<1x256x64xf32, #tpu.memory_space<vmem>>
    %dma_start3A_1402 = tpu.memref_squeeze %dma_start3A_1401 : memref<1x256x64xf32, #tpu.memory_space<vmem>> -> memref<256x64xf32, #tpu.memory_space<vmem>>
    %dma_start3A_1403 = arith.constant 0 : i32
    %dma_start3A_1404 = tpu.memref_slice %arg5[%add3A_1396, %dma_start3A_1403] : memref<327680x64xf32, #tpu.memory_space<hbm>> -> memref<256x64xf32, #tpu.memory_space<hbm>>
    %dma_start3A_1405 = tpu.memref_slice %arg11[%dma_start3A_1398] : memref<3x!tpu.dma_semaphore, #tpu.memory_space<semaphore_mem>> -> memref<1x!tpu.dma_semaphore, #tpu.memory_space<semaphore_mem>>
    %dma_start3A_1406 = tpu.memref_squeeze %dma_start3A_1405 : memref<1x!tpu.dma_semaphore, #tpu.memory_space<semaphore_mem>> -> memref<!tpu.dma_semaphore, #tpu.memory_space<semaphore_mem>>
    %dma_start3A_1407 = arith.constant 0 : i32
    %dma_start3A_1408 = tpu.memref_slice %arg5[%add3A_1396, %dma_start3A_1407] : memref<327680x64xf32, #tpu.memory_space<hbm>> -> memref<256x64xf32, #tpu.memory_space<hbm>>
    %dma_start3A_1409 = arith.constant 0 : i32
    %dma_start3A_1410 = arith.constant 0 : i32
    %dma_start3A_1411 = tpu.memref_slice %arg8[%dma_start3A_1397, %dma_start3A_1409, %dma_start3A_1410] : memref<3x256x128xf32, #tpu.memory_space<vmem>> -> memref<1x256x64xf32, #tpu.memory_space<vmem>>
    %dma_start3A_1412 = tpu.memref_squeeze %dma_start3A_1411 : memref<1x256x64xf32, #tpu.memory_space<vmem>> -> memref<256x64xf32, #tpu.memory_space<vmem>>
    tpu.enqueue_dma source(%dma_start3A_1412 : memref<256x64xf32, #tpu.memory_space<vmem>>) target(%dma_start3A_1408 : memref<256x64xf32, #tpu.memory_space<hbm>>) target_semaphore(%dma_start3A_1406 : memref<!tpu.dma_semaphore, #tpu.memory_space<semaphore_mem>>)
    %add3A_1413 = arith.constant 5376 : i32
    %add3A_1414 = arith.addi %mul3A_2, %add3A_1413 : i32
    %dma_wait3A_1415 = arith.constant 0 : i32
    %dma_wait3A_1416 = arith.constant 0 : i32
    %dma_wait3A_1417 = arith.constant 0 : i32
    %dma_wait3A_1418 = arith.constant 0 : i32
    %dma_wait3A_1419 = tpu.memref_slice %arg8[%dma_wait3A_1415, %dma_wait3A_1417, %dma_wait3A_1418] : memref<3x256x128xf32, #tpu.memory_space<vmem>> -> memref<1x256x64xf32, #tpu.memory_space<vmem>>
    %dma_wait3A_1420 = tpu.memref_squeeze %dma_wait3A_1419 : memref<1x256x64xf32, #tpu.memory_space<vmem>> -> memref<256x64xf32, #tpu.memory_space<vmem>>
    %dma_wait3A_1421 = arith.constant 0 : i32
    %dma_wait3A_1422 = tpu.memref_slice %arg5[%add3A_1414, %dma_wait3A_1421] : memref<327680x64xf32, #tpu.memory_space<hbm>> -> memref<256x64xf32, #tpu.memory_space<hbm>>
    %dma_wait3A_1423 = tpu.memref_slice %arg11[%dma_wait3A_1416] : memref<3x!tpu.dma_semaphore, #tpu.memory_space<semaphore_mem>> -> memref<1x!tpu.dma_semaphore, #tpu.memory_space<semaphore_mem>>
    %dma_wait3A_1424 = tpu.memref_squeeze %dma_wait3A_1423 : memref<1x!tpu.dma_semaphore, #tpu.memory_space<semaphore_mem>> -> memref<!tpu.dma_semaphore, #tpu.memory_space<semaphore_mem>>
    %dma_wait3A_1425 = arith.constant 0 : i32
    %dma_wait3A_1426 = tpu.memref_slice %arg5[%add3A_1414, %dma_wait3A_1425] : memref<327680x64xf32, #tpu.memory_space<hbm>> -> memref<256x64xf32, #tpu.memory_space<hbm>>
    %dma_wait3A_1427 = arith.constant 0 : i32
    %dma_wait3A_1428 = arith.constant 0 : i32
    %dma_wait3A_1429 = tpu.memref_slice %arg8[%dma_wait3A_1415, %dma_wait3A_1427, %dma_wait3A_1428] : memref<3x256x128xf32, #tpu.memory_space<vmem>> -> memref<1x256x64xf32, #tpu.memory_space<vmem>>
    %dma_wait3A_1430 = tpu.memref_squeeze %dma_wait3A_1429 : memref<1x256x64xf32, #tpu.memory_space<vmem>> -> memref<256x64xf32, #tpu.memory_space<vmem>>
    tpu.wait_dma2 semaphore(%dma_wait3A_1424 : memref<!tpu.dma_semaphore, #tpu.memory_space<semaphore_mem>>) src(%dma_wait3A_1430 : memref<256x64xf32, #tpu.memory_space<vmem>>) dst(%dma_wait3A_1426 : memref<256x64xf32, #tpu.memory_space<hbm>>)
    %dma_start3A_1431 = arith.constant 0 : i32
    %dma_start3A_1432 = arith.constant 0 : i32
    %dma_start3A_1433 = arith.constant 0 : i32
    %dma_start3A_1434 = arith.constant 0 : i32
    %dma_start3A_1435 = tpu.memref_slice %arg8[%dma_start3A_1431, %dma_start3A_1433, %dma_start3A_1434] : memref<3x256x128xf32, #tpu.memory_space<vmem>> -> memref<1x256x128xf32, #tpu.memory_space<vmem>>
    %dma_start3A_1436 = tpu.memref_squeeze %dma_start3A_1435 : memref<1x256x128xf32, #tpu.memory_space<vmem>> -> memref<256x128xf32, #tpu.memory_space<vmem>>
    %dma_start3A_1437 = arith.constant 6144 : i32
    %dma_start3A_1438 = tpu.memref_slice %arg7[%dma_start3A_1437] : memref<10240xi32, #tpu.memory_space<vmem>> -> memref<256xi32, #tpu.memory_space<vmem>>
    %dma_start3A_1439 = arith.constant 0 : i32
    %dma_start3A_1440 = arith.constant 0 : i32
    %dma_start3A_1441 = tpu.memref_slice %arg3[%dma_start3A_1439, %dma_start3A_1440] : memref<1000000x128xf32, #tpu.memory_space<hbm>> -> memref<1000000x128xf32, #tpu.memory_space<hbm>>
    %dma_start3A_1442 = tpu.memref_slice %arg10[%dma_start3A_1432] : memref<3x!tpu.dma_semaphore, #tpu.memory_space<semaphore_mem>> -> memref<1x!tpu.dma_semaphore, #tpu.memory_space<semaphore_mem>>
    %dma_start3A_1443 = tpu.memref_squeeze %dma_start3A_1442 : memref<1x!tpu.dma_semaphore, #tpu.memory_space<semaphore_mem>> -> memref<!tpu.dma_semaphore, #tpu.memory_space<semaphore_mem>>
    tpu.enqueue_indirect_dma source(%dma_start3A_1441 : memref<1000000x128xf32, #tpu.memory_space<hbm>>) target(%dma_start3A_1436 : memref<256x128xf32, #tpu.memory_space<vmem>>) offsets(%dma_start3A_1438 : memref<256xi32, #tpu.memory_space<vmem>>) semaphore(%dma_start3A_1443 : memref<!tpu.dma_semaphore, #tpu.memory_space<semaphore_mem>>)
    %dma_wait3A_1444 = arith.constant 2 : i32
    %dma_wait3A_1445 = arith.constant 2 : i32
    %dma_wait3A_1446 = arith.constant 0 : i32
    %dma_wait3A_1447 = arith.constant 0 : i32
    %dma_wait3A_1448 = tpu.memref_slice %arg8[%dma_wait3A_1444, %dma_wait3A_1446, %dma_wait3A_1447] : memref<3x256x128xf32, #tpu.memory_space<vmem>> -> memref<1x256x128xf32, #tpu.memory_space<vmem>>
    %dma_wait3A_1449 = tpu.memref_squeeze %dma_wait3A_1448 : memref<1x256x128xf32, #tpu.memory_space<vmem>> -> memref<256x128xf32, #tpu.memory_space<vmem>>
    %dma_wait3A_1450 = arith.constant 5888 : i32
    %dma_wait3A_1451 = tpu.memref_slice %arg7[%dma_wait3A_1450] : memref<10240xi32, #tpu.memory_space<vmem>> -> memref<256xi32, #tpu.memory_space<vmem>>
    %dma_wait3A_1452 = arith.constant 0 : i32
    %dma_wait3A_1453 = arith.constant 0 : i32
    %dma_wait3A_1454 = tpu.memref_slice %arg3[%dma_wait3A_1452, %dma_wait3A_1453] : memref<1000000x128xf32, #tpu.memory_space<hbm>> -> memref<1000000x128xf32, #tpu.memory_space<hbm>>
    %dma_wait3A_1455 = tpu.memref_slice %arg10[%dma_wait3A_1445] : memref<3x!tpu.dma_semaphore, #tpu.memory_space<semaphore_mem>> -> memref<1x!tpu.dma_semaphore, #tpu.memory_space<semaphore_mem>>
    %dma_wait3A_1456 = tpu.memref_squeeze %dma_wait3A_1455 : memref<1x!tpu.dma_semaphore, #tpu.memory_space<semaphore_mem>> -> memref<!tpu.dma_semaphore, #tpu.memory_space<semaphore_mem>>
    tpu.wait_indirect_dma semaphore(%dma_wait3A_1456 : memref<!tpu.dma_semaphore, #tpu.memory_space<semaphore_mem>>) src(%dma_wait3A_1454 : memref<1000000x128xf32, #tpu.memory_space<hbm>>) dst(%dma_wait3A_1449 : memref<256x128xf32, #tpu.memory_space<vmem>>)
    %add3A_1457 = arith.constant 5888 : i32
    %add3A_1458 = arith.addi %mul3A_2, %add3A_1457 : i32
    %dma_start3A_1459 = arith.constant 2 : i32
    %dma_start3A_1460 = arith.constant 2 : i32
    %dma_start3A_1461 = arith.constant 0 : i32
    %dma_start3A_1462 = arith.constant 0 : i32
    %dma_start3A_1463 = tpu.memref_slice %arg8[%dma_start3A_1459, %dma_start3A_1461, %dma_start3A_1462] : memref<3x256x128xf32, #tpu.memory_space<vmem>> -> memref<1x256x64xf32, #tpu.memory_space<vmem>>
    %dma_start3A_1464 = tpu.memref_squeeze %dma_start3A_1463 : memref<1x256x64xf32, #tpu.memory_space<vmem>> -> memref<256x64xf32, #tpu.memory_space<vmem>>
    %dma_start3A_1465 = arith.constant 0 : i32
    %dma_start3A_1466 = tpu.memref_slice %arg5[%add3A_1458, %dma_start3A_1465] : memref<327680x64xf32, #tpu.memory_space<hbm>> -> memref<256x64xf32, #tpu.memory_space<hbm>>
    %dma_start3A_1467 = tpu.memref_slice %arg11[%dma_start3A_1460] : memref<3x!tpu.dma_semaphore, #tpu.memory_space<semaphore_mem>> -> memref<1x!tpu.dma_semaphore, #tpu.memory_space<semaphore_mem>>
    %dma_start3A_1468 = tpu.memref_squeeze %dma_start3A_1467 : memref<1x!tpu.dma_semaphore, #tpu.memory_space<semaphore_mem>> -> memref<!tpu.dma_semaphore, #tpu.memory_space<semaphore_mem>>
    %dma_start3A_1469 = arith.constant 0 : i32
    %dma_start3A_1470 = tpu.memref_slice %arg5[%add3A_1458, %dma_start3A_1469] : memref<327680x64xf32, #tpu.memory_space<hbm>> -> memref<256x64xf32, #tpu.memory_space<hbm>>
    %dma_start3A_1471 = arith.constant 0 : i32
    %dma_start3A_1472 = arith.constant 0 : i32
    %dma_start3A_1473 = tpu.memref_slice %arg8[%dma_start3A_1459, %dma_start3A_1471, %dma_start3A_1472] : memref<3x256x128xf32, #tpu.memory_space<vmem>> -> memref<1x256x64xf32, #tpu.memory_space<vmem>>
    %dma_start3A_1474 = tpu.memref_squeeze %dma_start3A_1473 : memref<1x256x64xf32, #tpu.memory_space<vmem>> -> memref<256x64xf32, #tpu.memory_space<vmem>>
    tpu.enqueue_dma source(%dma_start3A_1474 : memref<256x64xf32, #tpu.memory_space<vmem>>) target(%dma_start3A_1470 : memref<256x64xf32, #tpu.memory_space<hbm>>) target_semaphore(%dma_start3A_1468 : memref<!tpu.dma_semaphore, #tpu.memory_space<semaphore_mem>>)
    %add3A_1475 = arith.constant 5632 : i32
    %add3A_1476 = arith.addi %mul3A_2, %add3A_1475 : i32
    %dma_wait3A_1477 = arith.constant 1 : i32
    %dma_wait3A_1478 = arith.constant 1 : i32
    %dma_wait3A_1479 = arith.constant 0 : i32
    %dma_wait3A_1480 = arith.constant 0 : i32
    %dma_wait3A_1481 = tpu.memref_slice %arg8[%dma_wait3A_1477, %dma_wait3A_1479, %dma_wait3A_1480] : memref<3x256x128xf32, #tpu.memory_space<vmem>> -> memref<1x256x64xf32, #tpu.memory_space<vmem>>
    %dma_wait3A_1482 = tpu.memref_squeeze %dma_wait3A_1481 : memref<1x256x64xf32, #tpu.memory_space<vmem>> -> memref<256x64xf32, #tpu.memory_space<vmem>>
    %dma_wait3A_1483 = arith.constant 0 : i32
    %dma_wait3A_1484 = tpu.memref_slice %arg5[%add3A_1476, %dma_wait3A_1483] : memref<327680x64xf32, #tpu.memory_space<hbm>> -> memref<256x64xf32, #tpu.memory_space<hbm>>
    %dma_wait3A_1485 = tpu.memref_slice %arg11[%dma_wait3A_1478] : memref<3x!tpu.dma_semaphore, #tpu.memory_space<semaphore_mem>> -> memref<1x!tpu.dma_semaphore, #tpu.memory_space<semaphore_mem>>
    %dma_wait3A_1486 = tpu.memref_squeeze %dma_wait3A_1485 : memref<1x!tpu.dma_semaphore, #tpu.memory_space<semaphore_mem>> -> memref<!tpu.dma_semaphore, #tpu.memory_space<semaphore_mem>>
    %dma_wait3A_1487 = arith.constant 0 : i32
    %dma_wait3A_1488 = tpu.memref_slice %arg5[%add3A_1476, %dma_wait3A_1487] : memref<327680x64xf32, #tpu.memory_space<hbm>> -> memref<256x64xf32, #tpu.memory_space<hbm>>
    %dma_wait3A_1489 = arith.constant 0 : i32
    %dma_wait3A_1490 = arith.constant 0 : i32
    %dma_wait3A_1491 = tpu.memref_slice %arg8[%dma_wait3A_1477, %dma_wait3A_1489, %dma_wait3A_1490] : memref<3x256x128xf32, #tpu.memory_space<vmem>> -> memref<1x256x64xf32, #tpu.memory_space<vmem>>
    %dma_wait3A_1492 = tpu.memref_squeeze %dma_wait3A_1491 : memref<1x256x64xf32, #tpu.memory_space<vmem>> -> memref<256x64xf32, #tpu.memory_space<vmem>>
    tpu.wait_dma2 semaphore(%dma_wait3A_1486 : memref<!tpu.dma_semaphore, #tpu.memory_space<semaphore_mem>>) src(%dma_wait3A_1492 : memref<256x64xf32, #tpu.memory_space<vmem>>) dst(%dma_wait3A_1488 : memref<256x64xf32, #tpu.memory_space<hbm>>)
    %dma_start3A_1493 = arith.constant 1 : i32
    %dma_start3A_1494 = arith.constant 1 : i32
    %dma_start3A_1495 = arith.constant 0 : i32
    %dma_start3A_1496 = arith.constant 0 : i32
    %dma_start3A_1497 = tpu.memref_slice %arg8[%dma_start3A_1493, %dma_start3A_1495, %dma_start3A_1496] : memref<3x256x128xf32, #tpu.memory_space<vmem>> -> memref<1x256x128xf32, #tpu.memory_space<vmem>>
    %dma_start3A_1498 = tpu.memref_squeeze %dma_start3A_1497 : memref<1x256x128xf32, #tpu.memory_space<vmem>> -> memref<256x128xf32, #tpu.memory_space<vmem>>
    %dma_start3A_1499 = arith.constant 6400 : i32
    %dma_start3A_1500 = tpu.memref_slice %arg7[%dma_start3A_1499] : memref<10240xi32, #tpu.memory_space<vmem>> -> memref<256xi32, #tpu.memory_space<vmem>>
    %dma_start3A_1501 = arith.constant 0 : i32
    %dma_start3A_1502 = arith.constant 0 : i32
    %dma_start3A_1503 = tpu.memref_slice %arg3[%dma_start3A_1501, %dma_start3A_1502] : memref<1000000x128xf32, #tpu.memory_space<hbm>> -> memref<1000000x128xf32, #tpu.memory_space<hbm>>
    %dma_start3A_1504 = tpu.memref_slice %arg10[%dma_start3A_1494] : memref<3x!tpu.dma_semaphore, #tpu.memory_space<semaphore_mem>> -> memref<1x!tpu.dma_semaphore, #tpu.memory_space<semaphore_mem>>
    %dma_start3A_1505 = tpu.memref_squeeze %dma_start3A_1504 : memref<1x!tpu.dma_semaphore, #tpu.memory_space<semaphore_mem>> -> memref<!tpu.dma_semaphore, #tpu.memory_space<semaphore_mem>>
    tpu.enqueue_indirect_dma source(%dma_start3A_1503 : memref<1000000x128xf32, #tpu.memory_space<hbm>>) target(%dma_start3A_1498 : memref<256x128xf32, #tpu.memory_space<vmem>>) offsets(%dma_start3A_1500 : memref<256xi32, #tpu.memory_space<vmem>>) semaphore(%dma_start3A_1505 : memref<!tpu.dma_semaphore, #tpu.memory_space<semaphore_mem>>)
    %dma_wait3A_1506 = arith.constant 0 : i32
    %dma_wait3A_1507 = arith.constant 0 : i32
    %dma_wait3A_1508 = arith.constant 0 : i32
    %dma_wait3A_1509 = arith.constant 0 : i32
    %dma_wait3A_1510 = tpu.memref_slice %arg8[%dma_wait3A_1506, %dma_wait3A_1508, %dma_wait3A_1509] : memref<3x256x128xf32, #tpu.memory_space<vmem>> -> memref<1x256x128xf32, #tpu.memory_space<vmem>>
    %dma_wait3A_1511 = tpu.memref_squeeze %dma_wait3A_1510 : memref<1x256x128xf32, #tpu.memory_space<vmem>> -> memref<256x128xf32, #tpu.memory_space<vmem>>
    %dma_wait3A_1512 = arith.constant 6144 : i32
    %dma_wait3A_1513 = tpu.memref_slice %arg7[%dma_wait3A_1512] : memref<10240xi32, #tpu.memory_space<vmem>> -> memref<256xi32, #tpu.memory_space<vmem>>
    %dma_wait3A_1514 = arith.constant 0 : i32
    %dma_wait3A_1515 = arith.constant 0 : i32
    %dma_wait3A_1516 = tpu.memref_slice %arg3[%dma_wait3A_1514, %dma_wait3A_1515] : memref<1000000x128xf32, #tpu.memory_space<hbm>> -> memref<1000000x128xf32, #tpu.memory_space<hbm>>
    %dma_wait3A_1517 = tpu.memref_slice %arg10[%dma_wait3A_1507] : memref<3x!tpu.dma_semaphore, #tpu.memory_space<semaphore_mem>> -> memref<1x!tpu.dma_semaphore, #tpu.memory_space<semaphore_mem>>
    %dma_wait3A_1518 = tpu.memref_squeeze %dma_wait3A_1517 : memref<1x!tpu.dma_semaphore, #tpu.memory_space<semaphore_mem>> -> memref<!tpu.dma_semaphore, #tpu.memory_space<semaphore_mem>>
    tpu.wait_indirect_dma semaphore(%dma_wait3A_1518 : memref<!tpu.dma_semaphore, #tpu.memory_space<semaphore_mem>>) src(%dma_wait3A_1516 : memref<1000000x128xf32, #tpu.memory_space<hbm>>) dst(%dma_wait3A_1511 : memref<256x128xf32, #tpu.memory_space<vmem>>)
    %add3A_1519 = arith.constant 6144 : i32
    %add3A_1520 = arith.addi %mul3A_2, %add3A_1519 : i32
    %dma_start3A_1521 = arith.constant 0 : i32
    %dma_start3A_1522 = arith.constant 0 : i32
    %dma_start3A_1523 = arith.constant 0 : i32
    %dma_start3A_1524 = arith.constant 0 : i32
    %dma_start3A_1525 = tpu.memref_slice %arg8[%dma_start3A_1521, %dma_start3A_1523, %dma_start3A_1524] : memref<3x256x128xf32, #tpu.memory_space<vmem>> -> memref<1x256x64xf32, #tpu.memory_space<vmem>>
    %dma_start3A_1526 = tpu.memref_squeeze %dma_start3A_1525 : memref<1x256x64xf32, #tpu.memory_space<vmem>> -> memref<256x64xf32, #tpu.memory_space<vmem>>
    %dma_start3A_1527 = arith.constant 0 : i32
    %dma_start3A_1528 = tpu.memref_slice %arg5[%add3A_1520, %dma_start3A_1527] : memref<327680x64xf32, #tpu.memory_space<hbm>> -> memref<256x64xf32, #tpu.memory_space<hbm>>
    %dma_start3A_1529 = tpu.memref_slice %arg11[%dma_start3A_1522] : memref<3x!tpu.dma_semaphore, #tpu.memory_space<semaphore_mem>> -> memref<1x!tpu.dma_semaphore, #tpu.memory_space<semaphore_mem>>
    %dma_start3A_1530 = tpu.memref_squeeze %dma_start3A_1529 : memref<1x!tpu.dma_semaphore, #tpu.memory_space<semaphore_mem>> -> memref<!tpu.dma_semaphore, #tpu.memory_space<semaphore_mem>>
    %dma_start3A_1531 = arith.constant 0 : i32
    %dma_start3A_1532 = tpu.memref_slice %arg5[%add3A_1520, %dma_start3A_1531] : memref<327680x64xf32, #tpu.memory_space<hbm>> -> memref<256x64xf32, #tpu.memory_space<hbm>>
    %dma_start3A_1533 = arith.constant 0 : i32
    %dma_start3A_1534 = arith.constant 0 : i32
    %dma_start3A_1535 = tpu.memref_slice %arg8[%dma_start3A_1521, %dma_start3A_1533, %dma_start3A_1534] : memref<3x256x128xf32, #tpu.memory_space<vmem>> -> memref<1x256x64xf32, #tpu.memory_space<vmem>>
    %dma_start3A_1536 = tpu.memref_squeeze %dma_start3A_1535 : memref<1x256x64xf32, #tpu.memory_space<vmem>> -> memref<256x64xf32, #tpu.memory_space<vmem>>
    tpu.enqueue_dma source(%dma_start3A_1536 : memref<256x64xf32, #tpu.memory_space<vmem>>) target(%dma_start3A_1532 : memref<256x64xf32, #tpu.memory_space<hbm>>) target_semaphore(%dma_start3A_1530 : memref<!tpu.dma_semaphore, #tpu.memory_space<semaphore_mem>>)
    %add3A_1537 = arith.constant 5888 : i32
    %add3A_1538 = arith.addi %mul3A_2, %add3A_1537 : i32
    %dma_wait3A_1539 = arith.constant 2 : i32
    %dma_wait3A_1540 = arith.constant 2 : i32
    %dma_wait3A_1541 = arith.constant 0 : i32
    %dma_wait3A_1542 = arith.constant 0 : i32
    %dma_wait3A_1543 = tpu.memref_slice %arg8[%dma_wait3A_1539, %dma_wait3A_1541, %dma_wait3A_1542] : memref<3x256x128xf32, #tpu.memory_space<vmem>> -> memref<1x256x64xf32, #tpu.memory_space<vmem>>
    %dma_wait3A_1544 = tpu.memref_squeeze %dma_wait3A_1543 : memref<1x256x64xf32, #tpu.memory_space<vmem>> -> memref<256x64xf32, #tpu.memory_space<vmem>>
    %dma_wait3A_1545 = arith.constant 0 : i32
    %dma_wait3A_1546 = tpu.memref_slice %arg5[%add3A_1538, %dma_wait3A_1545] : memref<327680x64xf32, #tpu.memory_space<hbm>> -> memref<256x64xf32, #tpu.memory_space<hbm>>
    %dma_wait3A_1547 = tpu.memref_slice %arg11[%dma_wait3A_1540] : memref<3x!tpu.dma_semaphore, #tpu.memory_space<semaphore_mem>> -> memref<1x!tpu.dma_semaphore, #tpu.memory_space<semaphore_mem>>
    %dma_wait3A_1548 = tpu.memref_squeeze %dma_wait3A_1547 : memref<1x!tpu.dma_semaphore, #tpu.memory_space<semaphore_mem>> -> memref<!tpu.dma_semaphore, #tpu.memory_space<semaphore_mem>>
    %dma_wait3A_1549 = arith.constant 0 : i32
    %dma_wait3A_1550 = tpu.memref_slice %arg5[%add3A_1538, %dma_wait3A_1549] : memref<327680x64xf32, #tpu.memory_space<hbm>> -> memref<256x64xf32, #tpu.memory_space<hbm>>
    %dma_wait3A_1551 = arith.constant 0 : i32
    %dma_wait3A_1552 = arith.constant 0 : i32
    %dma_wait3A_1553 = tpu.memref_slice %arg8[%dma_wait3A_1539, %dma_wait3A_1551, %dma_wait3A_1552] : memref<3x256x128xf32, #tpu.memory_space<vmem>> -> memref<1x256x64xf32, #tpu.memory_space<vmem>>
    %dma_wait3A_1554 = tpu.memref_squeeze %dma_wait3A_1553 : memref<1x256x64xf32, #tpu.memory_space<vmem>> -> memref<256x64xf32, #tpu.memory_space<vmem>>
    tpu.wait_dma2 semaphore(%dma_wait3A_1548 : memref<!tpu.dma_semaphore, #tpu.memory_space<semaphore_mem>>) src(%dma_wait3A_1554 : memref<256x64xf32, #tpu.memory_space<vmem>>) dst(%dma_wait3A_1550 : memref<256x64xf32, #tpu.memory_space<hbm>>)
    %dma_start3A_1555 = arith.constant 2 : i32
    %dma_start3A_1556 = arith.constant 2 : i32
    %dma_start3A_1557 = arith.constant 0 : i32
    %dma_start3A_1558 = arith.constant 0 : i32
    %dma_start3A_1559 = tpu.memref_slice %arg8[%dma_start3A_1555, %dma_start3A_1557, %dma_start3A_1558] : memref<3x256x128xf32, #tpu.memory_space<vmem>> -> memref<1x256x128xf32, #tpu.memory_space<vmem>>
    %dma_start3A_1560 = tpu.memref_squeeze %dma_start3A_1559 : memref<1x256x128xf32, #tpu.memory_space<vmem>> -> memref<256x128xf32, #tpu.memory_space<vmem>>
    %dma_start3A_1561 = arith.constant 6656 : i32
    %dma_start3A_1562 = tpu.memref_slice %arg7[%dma_start3A_1561] : memref<10240xi32, #tpu.memory_space<vmem>> -> memref<256xi32, #tpu.memory_space<vmem>>
    %dma_start3A_1563 = arith.constant 0 : i32
    %dma_start3A_1564 = arith.constant 0 : i32
    %dma_start3A_1565 = tpu.memref_slice %arg3[%dma_start3A_1563, %dma_start3A_1564] : memref<1000000x128xf32, #tpu.memory_space<hbm>> -> memref<1000000x128xf32, #tpu.memory_space<hbm>>
    %dma_start3A_1566 = tpu.memref_slice %arg10[%dma_start3A_1556] : memref<3x!tpu.dma_semaphore, #tpu.memory_space<semaphore_mem>> -> memref<1x!tpu.dma_semaphore, #tpu.memory_space<semaphore_mem>>
    %dma_start3A_1567 = tpu.memref_squeeze %dma_start3A_1566 : memref<1x!tpu.dma_semaphore, #tpu.memory_space<semaphore_mem>> -> memref<!tpu.dma_semaphore, #tpu.memory_space<semaphore_mem>>
    tpu.enqueue_indirect_dma source(%dma_start3A_1565 : memref<1000000x128xf32, #tpu.memory_space<hbm>>) target(%dma_start3A_1560 : memref<256x128xf32, #tpu.memory_space<vmem>>) offsets(%dma_start3A_1562 : memref<256xi32, #tpu.memory_space<vmem>>) semaphore(%dma_start3A_1567 : memref<!tpu.dma_semaphore, #tpu.memory_space<semaphore_mem>>)
    %dma_wait3A_1568 = arith.constant 1 : i32
    %dma_wait3A_1569 = arith.constant 1 : i32
    %dma_wait3A_1570 = arith.constant 0 : i32
    %dma_wait3A_1571 = arith.constant 0 : i32
    %dma_wait3A_1572 = tpu.memref_slice %arg8[%dma_wait3A_1568, %dma_wait3A_1570, %dma_wait3A_1571] : memref<3x256x128xf32, #tpu.memory_space<vmem>> -> memref<1x256x128xf32, #tpu.memory_space<vmem>>
    %dma_wait3A_1573 = tpu.memref_squeeze %dma_wait3A_1572 : memref<1x256x128xf32, #tpu.memory_space<vmem>> -> memref<256x128xf32, #tpu.memory_space<vmem>>
    %dma_wait3A_1574 = arith.constant 6400 : i32
    %dma_wait3A_1575 = tpu.memref_slice %arg7[%dma_wait3A_1574] : memref<10240xi32, #tpu.memory_space<vmem>> -> memref<256xi32, #tpu.memory_space<vmem>>
    %dma_wait3A_1576 = arith.constant 0 : i32
    %dma_wait3A_1577 = arith.constant 0 : i32
    %dma_wait3A_1578 = tpu.memref_slice %arg3[%dma_wait3A_1576, %dma_wait3A_1577] : memref<1000000x128xf32, #tpu.memory_space<hbm>> -> memref<1000000x128xf32, #tpu.memory_space<hbm>>
    %dma_wait3A_1579 = tpu.memref_slice %arg10[%dma_wait3A_1569] : memref<3x!tpu.dma_semaphore, #tpu.memory_space<semaphore_mem>> -> memref<1x!tpu.dma_semaphore, #tpu.memory_space<semaphore_mem>>
    %dma_wait3A_1580 = tpu.memref_squeeze %dma_wait3A_1579 : memref<1x!tpu.dma_semaphore, #tpu.memory_space<semaphore_mem>> -> memref<!tpu.dma_semaphore, #tpu.memory_space<semaphore_mem>>
    tpu.wait_indirect_dma semaphore(%dma_wait3A_1580 : memref<!tpu.dma_semaphore, #tpu.memory_space<semaphore_mem>>) src(%dma_wait3A_1578 : memref<1000000x128xf32, #tpu.memory_space<hbm>>) dst(%dma_wait3A_1573 : memref<256x128xf32, #tpu.memory_space<vmem>>)
    %add3A_1581 = arith.constant 6400 : i32
    %add3A_1582 = arith.addi %mul3A_2, %add3A_1581 : i32
    %dma_start3A_1583 = arith.constant 1 : i32
    %dma_start3A_1584 = arith.constant 1 : i32
    %dma_start3A_1585 = arith.constant 0 : i32
    %dma_start3A_1586 = arith.constant 0 : i32
    %dma_start3A_1587 = tpu.memref_slice %arg8[%dma_start3A_1583, %dma_start3A_1585, %dma_start3A_1586] : memref<3x256x128xf32, #tpu.memory_space<vmem>> -> memref<1x256x64xf32, #tpu.memory_space<vmem>>
    %dma_start3A_1588 = tpu.memref_squeeze %dma_start3A_1587 : memref<1x256x64xf32, #tpu.memory_space<vmem>> -> memref<256x64xf32, #tpu.memory_space<vmem>>
    %dma_start3A_1589 = arith.constant 0 : i32
    %dma_start3A_1590 = tpu.memref_slice %arg5[%add3A_1582, %dma_start3A_1589] : memref<327680x64xf32, #tpu.memory_space<hbm>> -> memref<256x64xf32, #tpu.memory_space<hbm>>
    %dma_start3A_1591 = tpu.memref_slice %arg11[%dma_start3A_1584] : memref<3x!tpu.dma_semaphore, #tpu.memory_space<semaphore_mem>> -> memref<1x!tpu.dma_semaphore, #tpu.memory_space<semaphore_mem>>
    %dma_start3A_1592 = tpu.memref_squeeze %dma_start3A_1591 : memref<1x!tpu.dma_semaphore, #tpu.memory_space<semaphore_mem>> -> memref<!tpu.dma_semaphore, #tpu.memory_space<semaphore_mem>>
    %dma_start3A_1593 = arith.constant 0 : i32
    %dma_start3A_1594 = tpu.memref_slice %arg5[%add3A_1582, %dma_start3A_1593] : memref<327680x64xf32, #tpu.memory_space<hbm>> -> memref<256x64xf32, #tpu.memory_space<hbm>>
    %dma_start3A_1595 = arith.constant 0 : i32
    %dma_start3A_1596 = arith.constant 0 : i32
    %dma_start3A_1597 = tpu.memref_slice %arg8[%dma_start3A_1583, %dma_start3A_1595, %dma_start3A_1596] : memref<3x256x128xf32, #tpu.memory_space<vmem>> -> memref<1x256x64xf32, #tpu.memory_space<vmem>>
    %dma_start3A_1598 = tpu.memref_squeeze %dma_start3A_1597 : memref<1x256x64xf32, #tpu.memory_space<vmem>> -> memref<256x64xf32, #tpu.memory_space<vmem>>
    tpu.enqueue_dma source(%dma_start3A_1598 : memref<256x64xf32, #tpu.memory_space<vmem>>) target(%dma_start3A_1594 : memref<256x64xf32, #tpu.memory_space<hbm>>) target_semaphore(%dma_start3A_1592 : memref<!tpu.dma_semaphore, #tpu.memory_space<semaphore_mem>>)
    %add3A_1599 = arith.constant 6144 : i32
    %add3A_1600 = arith.addi %mul3A_2, %add3A_1599 : i32
    %dma_wait3A_1601 = arith.constant 0 : i32
    %dma_wait3A_1602 = arith.constant 0 : i32
    %dma_wait3A_1603 = arith.constant 0 : i32
    %dma_wait3A_1604 = arith.constant 0 : i32
    %dma_wait3A_1605 = tpu.memref_slice %arg8[%dma_wait3A_1601, %dma_wait3A_1603, %dma_wait3A_1604] : memref<3x256x128xf32, #tpu.memory_space<vmem>> -> memref<1x256x64xf32, #tpu.memory_space<vmem>>
    %dma_wait3A_1606 = tpu.memref_squeeze %dma_wait3A_1605 : memref<1x256x64xf32, #tpu.memory_space<vmem>> -> memref<256x64xf32, #tpu.memory_space<vmem>>
    %dma_wait3A_1607 = arith.constant 0 : i32
    %dma_wait3A_1608 = tpu.memref_slice %arg5[%add3A_1600, %dma_wait3A_1607] : memref<327680x64xf32, #tpu.memory_space<hbm>> -> memref<256x64xf32, #tpu.memory_space<hbm>>
    %dma_wait3A_1609 = tpu.memref_slice %arg11[%dma_wait3A_1602] : memref<3x!tpu.dma_semaphore, #tpu.memory_space<semaphore_mem>> -> memref<1x!tpu.dma_semaphore, #tpu.memory_space<semaphore_mem>>
    %dma_wait3A_1610 = tpu.memref_squeeze %dma_wait3A_1609 : memref<1x!tpu.dma_semaphore, #tpu.memory_space<semaphore_mem>> -> memref<!tpu.dma_semaphore, #tpu.memory_space<semaphore_mem>>
    %dma_wait3A_1611 = arith.constant 0 : i32
    %dma_wait3A_1612 = tpu.memref_slice %arg5[%add3A_1600, %dma_wait3A_1611] : memref<327680x64xf32, #tpu.memory_space<hbm>> -> memref<256x64xf32, #tpu.memory_space<hbm>>
    %dma_wait3A_1613 = arith.constant 0 : i32
    %dma_wait3A_1614 = arith.constant 0 : i32
    %dma_wait3A_1615 = tpu.memref_slice %arg8[%dma_wait3A_1601, %dma_wait3A_1613, %dma_wait3A_1614] : memref<3x256x128xf32, #tpu.memory_space<vmem>> -> memref<1x256x64xf32, #tpu.memory_space<vmem>>
    %dma_wait3A_1616 = tpu.memref_squeeze %dma_wait3A_1615 : memref<1x256x64xf32, #tpu.memory_space<vmem>> -> memref<256x64xf32, #tpu.memory_space<vmem>>
    tpu.wait_dma2 semaphore(%dma_wait3A_1610 : memref<!tpu.dma_semaphore, #tpu.memory_space<semaphore_mem>>) src(%dma_wait3A_1616 : memref<256x64xf32, #tpu.memory_space<vmem>>) dst(%dma_wait3A_1612 : memref<256x64xf32, #tpu.memory_space<hbm>>)
    %dma_start3A_1617 = arith.constant 0 : i32
    %dma_start3A_1618 = arith.constant 0 : i32
    %dma_start3A_1619 = arith.constant 0 : i32
    %dma_start3A_1620 = arith.constant 0 : i32
    %dma_start3A_1621 = tpu.memref_slice %arg8[%dma_start3A_1617, %dma_start3A_1619, %dma_start3A_1620] : memref<3x256x128xf32, #tpu.memory_space<vmem>> -> memref<1x256x128xf32, #tpu.memory_space<vmem>>
    %dma_start3A_1622 = tpu.memref_squeeze %dma_start3A_1621 : memref<1x256x128xf32, #tpu.memory_space<vmem>> -> memref<256x128xf32, #tpu.memory_space<vmem>>
    %dma_start3A_1623 = arith.constant 6912 : i32
    %dma_start3A_1624 = tpu.memref_slice %arg7[%dma_start3A_1623] : memref<10240xi32, #tpu.memory_space<vmem>> -> memref<256xi32, #tpu.memory_space<vmem>>
    %dma_start3A_1625 = arith.constant 0 : i32
    %dma_start3A_1626 = arith.constant 0 : i32
    %dma_start3A_1627 = tpu.memref_slice %arg3[%dma_start3A_1625, %dma_start3A_1626] : memref<1000000x128xf32, #tpu.memory_space<hbm>> -> memref<1000000x128xf32, #tpu.memory_space<hbm>>
    %dma_start3A_1628 = tpu.memref_slice %arg10[%dma_start3A_1618] : memref<3x!tpu.dma_semaphore, #tpu.memory_space<semaphore_mem>> -> memref<1x!tpu.dma_semaphore, #tpu.memory_space<semaphore_mem>>
    %dma_start3A_1629 = tpu.memref_squeeze %dma_start3A_1628 : memref<1x!tpu.dma_semaphore, #tpu.memory_space<semaphore_mem>> -> memref<!tpu.dma_semaphore, #tpu.memory_space<semaphore_mem>>
    tpu.enqueue_indirect_dma source(%dma_start3A_1627 : memref<1000000x128xf32, #tpu.memory_space<hbm>>) target(%dma_start3A_1622 : memref<256x128xf32, #tpu.memory_space<vmem>>) offsets(%dma_start3A_1624 : memref<256xi32, #tpu.memory_space<vmem>>) semaphore(%dma_start3A_1629 : memref<!tpu.dma_semaphore, #tpu.memory_space<semaphore_mem>>)
    %dma_wait3A_1630 = arith.constant 2 : i32
    %dma_wait3A_1631 = arith.constant 2 : i32
    %dma_wait3A_1632 = arith.constant 0 : i32
    %dma_wait3A_1633 = arith.constant 0 : i32
    %dma_wait3A_1634 = tpu.memref_slice %arg8[%dma_wait3A_1630, %dma_wait3A_1632, %dma_wait3A_1633] : memref<3x256x128xf32, #tpu.memory_space<vmem>> -> memref<1x256x128xf32, #tpu.memory_space<vmem>>
    %dma_wait3A_1635 = tpu.memref_squeeze %dma_wait3A_1634 : memref<1x256x128xf32, #tpu.memory_space<vmem>> -> memref<256x128xf32, #tpu.memory_space<vmem>>
    %dma_wait3A_1636 = arith.constant 6656 : i32
    %dma_wait3A_1637 = tpu.memref_slice %arg7[%dma_wait3A_1636] : memref<10240xi32, #tpu.memory_space<vmem>> -> memref<256xi32, #tpu.memory_space<vmem>>
    %dma_wait3A_1638 = arith.constant 0 : i32
    %dma_wait3A_1639 = arith.constant 0 : i32
    %dma_wait3A_1640 = tpu.memref_slice %arg3[%dma_wait3A_1638, %dma_wait3A_1639] : memref<1000000x128xf32, #tpu.memory_space<hbm>> -> memref<1000000x128xf32, #tpu.memory_space<hbm>>
    %dma_wait3A_1641 = tpu.memref_slice %arg10[%dma_wait3A_1631] : memref<3x!tpu.dma_semaphore, #tpu.memory_space<semaphore_mem>> -> memref<1x!tpu.dma_semaphore, #tpu.memory_space<semaphore_mem>>
    %dma_wait3A_1642 = tpu.memref_squeeze %dma_wait3A_1641 : memref<1x!tpu.dma_semaphore, #tpu.memory_space<semaphore_mem>> -> memref<!tpu.dma_semaphore, #tpu.memory_space<semaphore_mem>>
    tpu.wait_indirect_dma semaphore(%dma_wait3A_1642 : memref<!tpu.dma_semaphore, #tpu.memory_space<semaphore_mem>>) src(%dma_wait3A_1640 : memref<1000000x128xf32, #tpu.memory_space<hbm>>) dst(%dma_wait3A_1635 : memref<256x128xf32, #tpu.memory_space<vmem>>)
    %add3A_1643 = arith.constant 6656 : i32
    %add3A_1644 = arith.addi %mul3A_2, %add3A_1643 : i32
    %dma_start3A_1645 = arith.constant 2 : i32
    %dma_start3A_1646 = arith.constant 2 : i32
    %dma_start3A_1647 = arith.constant 0 : i32
    %dma_start3A_1648 = arith.constant 0 : i32
    %dma_start3A_1649 = tpu.memref_slice %arg8[%dma_start3A_1645, %dma_start3A_1647, %dma_start3A_1648] : memref<3x256x128xf32, #tpu.memory_space<vmem>> -> memref<1x256x64xf32, #tpu.memory_space<vmem>>
    %dma_start3A_1650 = tpu.memref_squeeze %dma_start3A_1649 : memref<1x256x64xf32, #tpu.memory_space<vmem>> -> memref<256x64xf32, #tpu.memory_space<vmem>>
    %dma_start3A_1651 = arith.constant 0 : i32
    %dma_start3A_1652 = tpu.memref_slice %arg5[%add3A_1644, %dma_start3A_1651] : memref<327680x64xf32, #tpu.memory_space<hbm>> -> memref<256x64xf32, #tpu.memory_space<hbm>>
    %dma_start3A_1653 = tpu.memref_slice %arg11[%dma_start3A_1646] : memref<3x!tpu.dma_semaphore, #tpu.memory_space<semaphore_mem>> -> memref<1x!tpu.dma_semaphore, #tpu.memory_space<semaphore_mem>>
    %dma_start3A_1654 = tpu.memref_squeeze %dma_start3A_1653 : memref<1x!tpu.dma_semaphore, #tpu.memory_space<semaphore_mem>> -> memref<!tpu.dma_semaphore, #tpu.memory_space<semaphore_mem>>
    %dma_start3A_1655 = arith.constant 0 : i32
    %dma_start3A_1656 = tpu.memref_slice %arg5[%add3A_1644, %dma_start3A_1655] : memref<327680x64xf32, #tpu.memory_space<hbm>> -> memref<256x64xf32, #tpu.memory_space<hbm>>
    %dma_start3A_1657 = arith.constant 0 : i32
    %dma_start3A_1658 = arith.constant 0 : i32
    %dma_start3A_1659 = tpu.memref_slice %arg8[%dma_start3A_1645, %dma_start3A_1657, %dma_start3A_1658] : memref<3x256x128xf32, #tpu.memory_space<vmem>> -> memref<1x256x64xf32, #tpu.memory_space<vmem>>
    %dma_start3A_1660 = tpu.memref_squeeze %dma_start3A_1659 : memref<1x256x64xf32, #tpu.memory_space<vmem>> -> memref<256x64xf32, #tpu.memory_space<vmem>>
    tpu.enqueue_dma source(%dma_start3A_1660 : memref<256x64xf32, #tpu.memory_space<vmem>>) target(%dma_start3A_1656 : memref<256x64xf32, #tpu.memory_space<hbm>>) target_semaphore(%dma_start3A_1654 : memref<!tpu.dma_semaphore, #tpu.memory_space<semaphore_mem>>)
    %add3A_1661 = arith.constant 6400 : i32
    %add3A_1662 = arith.addi %mul3A_2, %add3A_1661 : i32
    %dma_wait3A_1663 = arith.constant 1 : i32
    %dma_wait3A_1664 = arith.constant 1 : i32
    %dma_wait3A_1665 = arith.constant 0 : i32
    %dma_wait3A_1666 = arith.constant 0 : i32
    %dma_wait3A_1667 = tpu.memref_slice %arg8[%dma_wait3A_1663, %dma_wait3A_1665, %dma_wait3A_1666] : memref<3x256x128xf32, #tpu.memory_space<vmem>> -> memref<1x256x64xf32, #tpu.memory_space<vmem>>
    %dma_wait3A_1668 = tpu.memref_squeeze %dma_wait3A_1667 : memref<1x256x64xf32, #tpu.memory_space<vmem>> -> memref<256x64xf32, #tpu.memory_space<vmem>>
    %dma_wait3A_1669 = arith.constant 0 : i32
    %dma_wait3A_1670 = tpu.memref_slice %arg5[%add3A_1662, %dma_wait3A_1669] : memref<327680x64xf32, #tpu.memory_space<hbm>> -> memref<256x64xf32, #tpu.memory_space<hbm>>
    %dma_wait3A_1671 = tpu.memref_slice %arg11[%dma_wait3A_1664] : memref<3x!tpu.dma_semaphore, #tpu.memory_space<semaphore_mem>> -> memref<1x!tpu.dma_semaphore, #tpu.memory_space<semaphore_mem>>
    %dma_wait3A_1672 = tpu.memref_squeeze %dma_wait3A_1671 : memref<1x!tpu.dma_semaphore, #tpu.memory_space<semaphore_mem>> -> memref<!tpu.dma_semaphore, #tpu.memory_space<semaphore_mem>>
    %dma_wait3A_1673 = arith.constant 0 : i32
    %dma_wait3A_1674 = tpu.memref_slice %arg5[%add3A_1662, %dma_wait3A_1673] : memref<327680x64xf32, #tpu.memory_space<hbm>> -> memref<256x64xf32, #tpu.memory_space<hbm>>
    %dma_wait3A_1675 = arith.constant 0 : i32
    %dma_wait3A_1676 = arith.constant 0 : i32
    %dma_wait3A_1677 = tpu.memref_slice %arg8[%dma_wait3A_1663, %dma_wait3A_1675, %dma_wait3A_1676] : memref<3x256x128xf32, #tpu.memory_space<vmem>> -> memref<1x256x64xf32, #tpu.memory_space<vmem>>
    %dma_wait3A_1678 = tpu.memref_squeeze %dma_wait3A_1677 : memref<1x256x64xf32, #tpu.memory_space<vmem>> -> memref<256x64xf32, #tpu.memory_space<vmem>>
    tpu.wait_dma2 semaphore(%dma_wait3A_1672 : memref<!tpu.dma_semaphore, #tpu.memory_space<semaphore_mem>>) src(%dma_wait3A_1678 : memref<256x64xf32, #tpu.memory_space<vmem>>) dst(%dma_wait3A_1674 : memref<256x64xf32, #tpu.memory_space<hbm>>)
    %dma_start3A_1679 = arith.constant 1 : i32
    %dma_start3A_1680 = arith.constant 1 : i32
    %dma_start3A_1681 = arith.constant 0 : i32
    %dma_start3A_1682 = arith.constant 0 : i32
    %dma_start3A_1683 = tpu.memref_slice %arg8[%dma_start3A_1679, %dma_start3A_1681, %dma_start3A_1682] : memref<3x256x128xf32, #tpu.memory_space<vmem>> -> memref<1x256x128xf32, #tpu.memory_space<vmem>>
    %dma_start3A_1684 = tpu.memref_squeeze %dma_start3A_1683 : memref<1x256x128xf32, #tpu.memory_space<vmem>> -> memref<256x128xf32, #tpu.memory_space<vmem>>
    %dma_start3A_1685 = arith.constant 7168 : i32
    %dma_start3A_1686 = tpu.memref_slice %arg7[%dma_start3A_1685] : memref<10240xi32, #tpu.memory_space<vmem>> -> memref<256xi32, #tpu.memory_space<vmem>>
    %dma_start3A_1687 = arith.constant 0 : i32
    %dma_start3A_1688 = arith.constant 0 : i32
    %dma_start3A_1689 = tpu.memref_slice %arg3[%dma_start3A_1687, %dma_start3A_1688] : memref<1000000x128xf32, #tpu.memory_space<hbm>> -> memref<1000000x128xf32, #tpu.memory_space<hbm>>
    %dma_start3A_1690 = tpu.memref_slice %arg10[%dma_start3A_1680] : memref<3x!tpu.dma_semaphore, #tpu.memory_space<semaphore_mem>> -> memref<1x!tpu.dma_semaphore, #tpu.memory_space<semaphore_mem>>
    %dma_start3A_1691 = tpu.memref_squeeze %dma_start3A_1690 : memref<1x!tpu.dma_semaphore, #tpu.memory_space<semaphore_mem>> -> memref<!tpu.dma_semaphore, #tpu.memory_space<semaphore_mem>>
    tpu.enqueue_indirect_dma source(%dma_start3A_1689 : memref<1000000x128xf32, #tpu.memory_space<hbm>>) target(%dma_start3A_1684 : memref<256x128xf32, #tpu.memory_space<vmem>>) offsets(%dma_start3A_1686 : memref<256xi32, #tpu.memory_space<vmem>>) semaphore(%dma_start3A_1691 : memref<!tpu.dma_semaphore, #tpu.memory_space<semaphore_mem>>)
    %dma_wait3A_1692 = arith.constant 0 : i32
    %dma_wait3A_1693 = arith.constant 0 : i32
    %dma_wait3A_1694 = arith.constant 0 : i32
    %dma_wait3A_1695 = arith.constant 0 : i32
    %dma_wait3A_1696 = tpu.memref_slice %arg8[%dma_wait3A_1692, %dma_wait3A_1694, %dma_wait3A_1695] : memref<3x256x128xf32, #tpu.memory_space<vmem>> -> memref<1x256x128xf32, #tpu.memory_space<vmem>>
    %dma_wait3A_1697 = tpu.memref_squeeze %dma_wait3A_1696 : memref<1x256x128xf32, #tpu.memory_space<vmem>> -> memref<256x128xf32, #tpu.memory_space<vmem>>
    %dma_wait3A_1698 = arith.constant 6912 : i32
    %dma_wait3A_1699 = tpu.memref_slice %arg7[%dma_wait3A_1698] : memref<10240xi32, #tpu.memory_space<vmem>> -> memref<256xi32, #tpu.memory_space<vmem>>
    %dma_wait3A_1700 = arith.constant 0 : i32
    %dma_wait3A_1701 = arith.constant 0 : i32
    %dma_wait3A_1702 = tpu.memref_slice %arg3[%dma_wait3A_1700, %dma_wait3A_1701] : memref<1000000x128xf32, #tpu.memory_space<hbm>> -> memref<1000000x128xf32, #tpu.memory_space<hbm>>
    %dma_wait3A_1703 = tpu.memref_slice %arg10[%dma_wait3A_1693] : memref<3x!tpu.dma_semaphore, #tpu.memory_space<semaphore_mem>> -> memref<1x!tpu.dma_semaphore, #tpu.memory_space<semaphore_mem>>
    %dma_wait3A_1704 = tpu.memref_squeeze %dma_wait3A_1703 : memref<1x!tpu.dma_semaphore, #tpu.memory_space<semaphore_mem>> -> memref<!tpu.dma_semaphore, #tpu.memory_space<semaphore_mem>>
    tpu.wait_indirect_dma semaphore(%dma_wait3A_1704 : memref<!tpu.dma_semaphore, #tpu.memory_space<semaphore_mem>>) src(%dma_wait3A_1702 : memref<1000000x128xf32, #tpu.memory_space<hbm>>) dst(%dma_wait3A_1697 : memref<256x128xf32, #tpu.memory_space<vmem>>)
    %add3A_1705 = arith.constant 6912 : i32
    %add3A_1706 = arith.addi %mul3A_2, %add3A_1705 : i32
    %dma_start3A_1707 = arith.constant 0 : i32
    %dma_start3A_1708 = arith.constant 0 : i32
    %dma_start3A_1709 = arith.constant 0 : i32
    %dma_start3A_1710 = arith.constant 0 : i32
    %dma_start3A_1711 = tpu.memref_slice %arg8[%dma_start3A_1707, %dma_start3A_1709, %dma_start3A_1710] : memref<3x256x128xf32, #tpu.memory_space<vmem>> -> memref<1x256x64xf32, #tpu.memory_space<vmem>>
    %dma_start3A_1712 = tpu.memref_squeeze %dma_start3A_1711 : memref<1x256x64xf32, #tpu.memory_space<vmem>> -> memref<256x64xf32, #tpu.memory_space<vmem>>
    %dma_start3A_1713 = arith.constant 0 : i32
    %dma_start3A_1714 = tpu.memref_slice %arg5[%add3A_1706, %dma_start3A_1713] : memref<327680x64xf32, #tpu.memory_space<hbm>> -> memref<256x64xf32, #tpu.memory_space<hbm>>
    %dma_start3A_1715 = tpu.memref_slice %arg11[%dma_start3A_1708] : memref<3x!tpu.dma_semaphore, #tpu.memory_space<semaphore_mem>> -> memref<1x!tpu.dma_semaphore, #tpu.memory_space<semaphore_mem>>
    %dma_start3A_1716 = tpu.memref_squeeze %dma_start3A_1715 : memref<1x!tpu.dma_semaphore, #tpu.memory_space<semaphore_mem>> -> memref<!tpu.dma_semaphore, #tpu.memory_space<semaphore_mem>>
    %dma_start3A_1717 = arith.constant 0 : i32
    %dma_start3A_1718 = tpu.memref_slice %arg5[%add3A_1706, %dma_start3A_1717] : memref<327680x64xf32, #tpu.memory_space<hbm>> -> memref<256x64xf32, #tpu.memory_space<hbm>>
    %dma_start3A_1719 = arith.constant 0 : i32
    %dma_start3A_1720 = arith.constant 0 : i32
    %dma_start3A_1721 = tpu.memref_slice %arg8[%dma_start3A_1707, %dma_start3A_1719, %dma_start3A_1720] : memref<3x256x128xf32, #tpu.memory_space<vmem>> -> memref<1x256x64xf32, #tpu.memory_space<vmem>>
    %dma_start3A_1722 = tpu.memref_squeeze %dma_start3A_1721 : memref<1x256x64xf32, #tpu.memory_space<vmem>> -> memref<256x64xf32, #tpu.memory_space<vmem>>
    tpu.enqueue_dma source(%dma_start3A_1722 : memref<256x64xf32, #tpu.memory_space<vmem>>) target(%dma_start3A_1718 : memref<256x64xf32, #tpu.memory_space<hbm>>) target_semaphore(%dma_start3A_1716 : memref<!tpu.dma_semaphore, #tpu.memory_space<semaphore_mem>>)
    %add3A_1723 = arith.constant 6656 : i32
    %add3A_1724 = arith.addi %mul3A_2, %add3A_1723 : i32
    %dma_wait3A_1725 = arith.constant 2 : i32
    %dma_wait3A_1726 = arith.constant 2 : i32
    %dma_wait3A_1727 = arith.constant 0 : i32
    %dma_wait3A_1728 = arith.constant 0 : i32
    %dma_wait3A_1729 = tpu.memref_slice %arg8[%dma_wait3A_1725, %dma_wait3A_1727, %dma_wait3A_1728] : memref<3x256x128xf32, #tpu.memory_space<vmem>> -> memref<1x256x64xf32, #tpu.memory_space<vmem>>
    %dma_wait3A_1730 = tpu.memref_squeeze %dma_wait3A_1729 : memref<1x256x64xf32, #tpu.memory_space<vmem>> -> memref<256x64xf32, #tpu.memory_space<vmem>>
    %dma_wait3A_1731 = arith.constant 0 : i32
    %dma_wait3A_1732 = tpu.memref_slice %arg5[%add3A_1724, %dma_wait3A_1731] : memref<327680x64xf32, #tpu.memory_space<hbm>> -> memref<256x64xf32, #tpu.memory_space<hbm>>
    %dma_wait3A_1733 = tpu.memref_slice %arg11[%dma_wait3A_1726] : memref<3x!tpu.dma_semaphore, #tpu.memory_space<semaphore_mem>> -> memref<1x!tpu.dma_semaphore, #tpu.memory_space<semaphore_mem>>
    %dma_wait3A_1734 = tpu.memref_squeeze %dma_wait3A_1733 : memref<1x!tpu.dma_semaphore, #tpu.memory_space<semaphore_mem>> -> memref<!tpu.dma_semaphore, #tpu.memory_space<semaphore_mem>>
    %dma_wait3A_1735 = arith.constant 0 : i32
    %dma_wait3A_1736 = tpu.memref_slice %arg5[%add3A_1724, %dma_wait3A_1735] : memref<327680x64xf32, #tpu.memory_space<hbm>> -> memref<256x64xf32, #tpu.memory_space<hbm>>
    %dma_wait3A_1737 = arith.constant 0 : i32
    %dma_wait3A_1738 = arith.constant 0 : i32
    %dma_wait3A_1739 = tpu.memref_slice %arg8[%dma_wait3A_1725, %dma_wait3A_1737, %dma_wait3A_1738] : memref<3x256x128xf32, #tpu.memory_space<vmem>> -> memref<1x256x64xf32, #tpu.memory_space<vmem>>
    %dma_wait3A_1740 = tpu.memref_squeeze %dma_wait3A_1739 : memref<1x256x64xf32, #tpu.memory_space<vmem>> -> memref<256x64xf32, #tpu.memory_space<vmem>>
    tpu.wait_dma2 semaphore(%dma_wait3A_1734 : memref<!tpu.dma_semaphore, #tpu.memory_space<semaphore_mem>>) src(%dma_wait3A_1740 : memref<256x64xf32, #tpu.memory_space<vmem>>) dst(%dma_wait3A_1736 : memref<256x64xf32, #tpu.memory_space<hbm>>)
    %dma_start3A_1741 = arith.constant 2 : i32
    %dma_start3A_1742 = arith.constant 2 : i32
    %dma_start3A_1743 = arith.constant 0 : i32
    %dma_start3A_1744 = arith.constant 0 : i32
    %dma_start3A_1745 = tpu.memref_slice %arg8[%dma_start3A_1741, %dma_start3A_1743, %dma_start3A_1744] : memref<3x256x128xf32, #tpu.memory_space<vmem>> -> memref<1x256x128xf32, #tpu.memory_space<vmem>>
    %dma_start3A_1746 = tpu.memref_squeeze %dma_start3A_1745 : memref<1x256x128xf32, #tpu.memory_space<vmem>> -> memref<256x128xf32, #tpu.memory_space<vmem>>
    %dma_start3A_1747 = arith.constant 7424 : i32
    %dma_start3A_1748 = tpu.memref_slice %arg7[%dma_start3A_1747] : memref<10240xi32, #tpu.memory_space<vmem>> -> memref<256xi32, #tpu.memory_space<vmem>>
    %dma_start3A_1749 = arith.constant 0 : i32
    %dma_start3A_1750 = arith.constant 0 : i32
    %dma_start3A_1751 = tpu.memref_slice %arg3[%dma_start3A_1749, %dma_start3A_1750] : memref<1000000x128xf32, #tpu.memory_space<hbm>> -> memref<1000000x128xf32, #tpu.memory_space<hbm>>
    %dma_start3A_1752 = tpu.memref_slice %arg10[%dma_start3A_1742] : memref<3x!tpu.dma_semaphore, #tpu.memory_space<semaphore_mem>> -> memref<1x!tpu.dma_semaphore, #tpu.memory_space<semaphore_mem>>
    %dma_start3A_1753 = tpu.memref_squeeze %dma_start3A_1752 : memref<1x!tpu.dma_semaphore, #tpu.memory_space<semaphore_mem>> -> memref<!tpu.dma_semaphore, #tpu.memory_space<semaphore_mem>>
    tpu.enqueue_indirect_dma source(%dma_start3A_1751 : memref<1000000x128xf32, #tpu.memory_space<hbm>>) target(%dma_start3A_1746 : memref<256x128xf32, #tpu.memory_space<vmem>>) offsets(%dma_start3A_1748 : memref<256xi32, #tpu.memory_space<vmem>>) semaphore(%dma_start3A_1753 : memref<!tpu.dma_semaphore, #tpu.memory_space<semaphore_mem>>)
    %dma_wait3A_1754 = arith.constant 1 : i32
    %dma_wait3A_1755 = arith.constant 1 : i32
    %dma_wait3A_1756 = arith.constant 0 : i32
    %dma_wait3A_1757 = arith.constant 0 : i32
    %dma_wait3A_1758 = tpu.memref_slice %arg8[%dma_wait3A_1754, %dma_wait3A_1756, %dma_wait3A_1757] : memref<3x256x128xf32, #tpu.memory_space<vmem>> -> memref<1x256x128xf32, #tpu.memory_space<vmem>>
    %dma_wait3A_1759 = tpu.memref_squeeze %dma_wait3A_1758 : memref<1x256x128xf32, #tpu.memory_space<vmem>> -> memref<256x128xf32, #tpu.memory_space<vmem>>
    %dma_wait3A_1760 = arith.constant 7168 : i32
    %dma_wait3A_1761 = tpu.memref_slice %arg7[%dma_wait3A_1760] : memref<10240xi32, #tpu.memory_space<vmem>> -> memref<256xi32, #tpu.memory_space<vmem>>
    %dma_wait3A_1762 = arith.constant 0 : i32
    %dma_wait3A_1763 = arith.constant 0 : i32
    %dma_wait3A_1764 = tpu.memref_slice %arg3[%dma_wait3A_1762, %dma_wait3A_1763] : memref<1000000x128xf32, #tpu.memory_space<hbm>> -> memref<1000000x128xf32, #tpu.memory_space<hbm>>
    %dma_wait3A_1765 = tpu.memref_slice %arg10[%dma_wait3A_1755] : memref<3x!tpu.dma_semaphore, #tpu.memory_space<semaphore_mem>> -> memref<1x!tpu.dma_semaphore, #tpu.memory_space<semaphore_mem>>
    %dma_wait3A_1766 = tpu.memref_squeeze %dma_wait3A_1765 : memref<1x!tpu.dma_semaphore, #tpu.memory_space<semaphore_mem>> -> memref<!tpu.dma_semaphore, #tpu.memory_space<semaphore_mem>>
    tpu.wait_indirect_dma semaphore(%dma_wait3A_1766 : memref<!tpu.dma_semaphore, #tpu.memory_space<semaphore_mem>>) src(%dma_wait3A_1764 : memref<1000000x128xf32, #tpu.memory_space<hbm>>) dst(%dma_wait3A_1759 : memref<256x128xf32, #tpu.memory_space<vmem>>)
    %add3A_1767 = arith.constant 7168 : i32
    %add3A_1768 = arith.addi %mul3A_2, %add3A_1767 : i32
    %dma_start3A_1769 = arith.constant 1 : i32
    %dma_start3A_1770 = arith.constant 1 : i32
    %dma_start3A_1771 = arith.constant 0 : i32
    %dma_start3A_1772 = arith.constant 0 : i32
    %dma_start3A_1773 = tpu.memref_slice %arg8[%dma_start3A_1769, %dma_start3A_1771, %dma_start3A_1772] : memref<3x256x128xf32, #tpu.memory_space<vmem>> -> memref<1x256x64xf32, #tpu.memory_space<vmem>>
    %dma_start3A_1774 = tpu.memref_squeeze %dma_start3A_1773 : memref<1x256x64xf32, #tpu.memory_space<vmem>> -> memref<256x64xf32, #tpu.memory_space<vmem>>
    %dma_start3A_1775 = arith.constant 0 : i32
    %dma_start3A_1776 = tpu.memref_slice %arg5[%add3A_1768, %dma_start3A_1775] : memref<327680x64xf32, #tpu.memory_space<hbm>> -> memref<256x64xf32, #tpu.memory_space<hbm>>
    %dma_start3A_1777 = tpu.memref_slice %arg11[%dma_start3A_1770] : memref<3x!tpu.dma_semaphore, #tpu.memory_space<semaphore_mem>> -> memref<1x!tpu.dma_semaphore, #tpu.memory_space<semaphore_mem>>
    %dma_start3A_1778 = tpu.memref_squeeze %dma_start3A_1777 : memref<1x!tpu.dma_semaphore, #tpu.memory_space<semaphore_mem>> -> memref<!tpu.dma_semaphore, #tpu.memory_space<semaphore_mem>>
    %dma_start3A_1779 = arith.constant 0 : i32
    %dma_start3A_1780 = tpu.memref_slice %arg5[%add3A_1768, %dma_start3A_1779] : memref<327680x64xf32, #tpu.memory_space<hbm>> -> memref<256x64xf32, #tpu.memory_space<hbm>>
    %dma_start3A_1781 = arith.constant 0 : i32
    %dma_start3A_1782 = arith.constant 0 : i32
    %dma_start3A_1783 = tpu.memref_slice %arg8[%dma_start3A_1769, %dma_start3A_1781, %dma_start3A_1782] : memref<3x256x128xf32, #tpu.memory_space<vmem>> -> memref<1x256x64xf32, #tpu.memory_space<vmem>>
    %dma_start3A_1784 = tpu.memref_squeeze %dma_start3A_1783 : memref<1x256x64xf32, #tpu.memory_space<vmem>> -> memref<256x64xf32, #tpu.memory_space<vmem>>
    tpu.enqueue_dma source(%dma_start3A_1784 : memref<256x64xf32, #tpu.memory_space<vmem>>) target(%dma_start3A_1780 : memref<256x64xf32, #tpu.memory_space<hbm>>) target_semaphore(%dma_start3A_1778 : memref<!tpu.dma_semaphore, #tpu.memory_space<semaphore_mem>>)
    %add3A_1785 = arith.constant 6912 : i32
    %add3A_1786 = arith.addi %mul3A_2, %add3A_1785 : i32
    %dma_wait3A_1787 = arith.constant 0 : i32
    %dma_wait3A_1788 = arith.constant 0 : i32
    %dma_wait3A_1789 = arith.constant 0 : i32
    %dma_wait3A_1790 = arith.constant 0 : i32
    %dma_wait3A_1791 = tpu.memref_slice %arg8[%dma_wait3A_1787, %dma_wait3A_1789, %dma_wait3A_1790] : memref<3x256x128xf32, #tpu.memory_space<vmem>> -> memref<1x256x64xf32, #tpu.memory_space<vmem>>
    %dma_wait3A_1792 = tpu.memref_squeeze %dma_wait3A_1791 : memref<1x256x64xf32, #tpu.memory_space<vmem>> -> memref<256x64xf32, #tpu.memory_space<vmem>>
    %dma_wait3A_1793 = arith.constant 0 : i32
    %dma_wait3A_1794 = tpu.memref_slice %arg5[%add3A_1786, %dma_wait3A_1793] : memref<327680x64xf32, #tpu.memory_space<hbm>> -> memref<256x64xf32, #tpu.memory_space<hbm>>
    %dma_wait3A_1795 = tpu.memref_slice %arg11[%dma_wait3A_1788] : memref<3x!tpu.dma_semaphore, #tpu.memory_space<semaphore_mem>> -> memref<1x!tpu.dma_semaphore, #tpu.memory_space<semaphore_mem>>
    %dma_wait3A_1796 = tpu.memref_squeeze %dma_wait3A_1795 : memref<1x!tpu.dma_semaphore, #tpu.memory_space<semaphore_mem>> -> memref<!tpu.dma_semaphore, #tpu.memory_space<semaphore_mem>>
    %dma_wait3A_1797 = arith.constant 0 : i32
    %dma_wait3A_1798 = tpu.memref_slice %arg5[%add3A_1786, %dma_wait3A_1797] : memref<327680x64xf32, #tpu.memory_space<hbm>> -> memref<256x64xf32, #tpu.memory_space<hbm>>
    %dma_wait3A_1799 = arith.constant 0 : i32
    %dma_wait3A_1800 = arith.constant 0 : i32
    %dma_wait3A_1801 = tpu.memref_slice %arg8[%dma_wait3A_1787, %dma_wait3A_1799, %dma_wait3A_1800] : memref<3x256x128xf32, #tpu.memory_space<vmem>> -> memref<1x256x64xf32, #tpu.memory_space<vmem>>
    %dma_wait3A_1802 = tpu.memref_squeeze %dma_wait3A_1801 : memref<1x256x64xf32, #tpu.memory_space<vmem>> -> memref<256x64xf32, #tpu.memory_space<vmem>>
    tpu.wait_dma2 semaphore(%dma_wait3A_1796 : memref<!tpu.dma_semaphore, #tpu.memory_space<semaphore_mem>>) src(%dma_wait3A_1802 : memref<256x64xf32, #tpu.memory_space<vmem>>) dst(%dma_wait3A_1798 : memref<256x64xf32, #tpu.memory_space<hbm>>)
    %dma_start3A_1803 = arith.constant 0 : i32
    %dma_start3A_1804 = arith.constant 0 : i32
    %dma_start3A_1805 = arith.constant 0 : i32
    %dma_start3A_1806 = arith.constant 0 : i32
    %dma_start3A_1807 = tpu.memref_slice %arg8[%dma_start3A_1803, %dma_start3A_1805, %dma_start3A_1806] : memref<3x256x128xf32, #tpu.memory_space<vmem>> -> memref<1x256x128xf32, #tpu.memory_space<vmem>>
    %dma_start3A_1808 = tpu.memref_squeeze %dma_start3A_1807 : memref<1x256x128xf32, #tpu.memory_space<vmem>> -> memref<256x128xf32, #tpu.memory_space<vmem>>
    %dma_start3A_1809 = arith.constant 7680 : i32
    %dma_start3A_1810 = tpu.memref_slice %arg7[%dma_start3A_1809] : memref<10240xi32, #tpu.memory_space<vmem>> -> memref<256xi32, #tpu.memory_space<vmem>>
    %dma_start3A_1811 = arith.constant 0 : i32
    %dma_start3A_1812 = arith.constant 0 : i32
    %dma_start3A_1813 = tpu.memref_slice %arg3[%dma_start3A_1811, %dma_start3A_1812] : memref<1000000x128xf32, #tpu.memory_space<hbm>> -> memref<1000000x128xf32, #tpu.memory_space<hbm>>
    %dma_start3A_1814 = tpu.memref_slice %arg10[%dma_start3A_1804] : memref<3x!tpu.dma_semaphore, #tpu.memory_space<semaphore_mem>> -> memref<1x!tpu.dma_semaphore, #tpu.memory_space<semaphore_mem>>
    %dma_start3A_1815 = tpu.memref_squeeze %dma_start3A_1814 : memref<1x!tpu.dma_semaphore, #tpu.memory_space<semaphore_mem>> -> memref<!tpu.dma_semaphore, #tpu.memory_space<semaphore_mem>>
    tpu.enqueue_indirect_dma source(%dma_start3A_1813 : memref<1000000x128xf32, #tpu.memory_space<hbm>>) target(%dma_start3A_1808 : memref<256x128xf32, #tpu.memory_space<vmem>>) offsets(%dma_start3A_1810 : memref<256xi32, #tpu.memory_space<vmem>>) semaphore(%dma_start3A_1815 : memref<!tpu.dma_semaphore, #tpu.memory_space<semaphore_mem>>)
    %dma_wait3A_1816 = arith.constant 2 : i32
    %dma_wait3A_1817 = arith.constant 2 : i32
    %dma_wait3A_1818 = arith.constant 0 : i32
    %dma_wait3A_1819 = arith.constant 0 : i32
    %dma_wait3A_1820 = tpu.memref_slice %arg8[%dma_wait3A_1816, %dma_wait3A_1818, %dma_wait3A_1819] : memref<3x256x128xf32, #tpu.memory_space<vmem>> -> memref<1x256x128xf32, #tpu.memory_space<vmem>>
    %dma_wait3A_1821 = tpu.memref_squeeze %dma_wait3A_1820 : memref<1x256x128xf32, #tpu.memory_space<vmem>> -> memref<256x128xf32, #tpu.memory_space<vmem>>
    %dma_wait3A_1822 = arith.constant 7424 : i32
    %dma_wait3A_1823 = tpu.memref_slice %arg7[%dma_wait3A_1822] : memref<10240xi32, #tpu.memory_space<vmem>> -> memref<256xi32, #tpu.memory_space<vmem>>
    %dma_wait3A_1824 = arith.constant 0 : i32
    %dma_wait3A_1825 = arith.constant 0 : i32
    %dma_wait3A_1826 = tpu.memref_slice %arg3[%dma_wait3A_1824, %dma_wait3A_1825] : memref<1000000x128xf32, #tpu.memory_space<hbm>> -> memref<1000000x128xf32, #tpu.memory_space<hbm>>
    %dma_wait3A_1827 = tpu.memref_slice %arg10[%dma_wait3A_1817] : memref<3x!tpu.dma_semaphore, #tpu.memory_space<semaphore_mem>> -> memref<1x!tpu.dma_semaphore, #tpu.memory_space<semaphore_mem>>
    %dma_wait3A_1828 = tpu.memref_squeeze %dma_wait3A_1827 : memref<1x!tpu.dma_semaphore, #tpu.memory_space<semaphore_mem>> -> memref<!tpu.dma_semaphore, #tpu.memory_space<semaphore_mem>>
    tpu.wait_indirect_dma semaphore(%dma_wait3A_1828 : memref<!tpu.dma_semaphore, #tpu.memory_space<semaphore_mem>>) src(%dma_wait3A_1826 : memref<1000000x128xf32, #tpu.memory_space<hbm>>) dst(%dma_wait3A_1821 : memref<256x128xf32, #tpu.memory_space<vmem>>)
    %add3A_1829 = arith.constant 7424 : i32
    %add3A_1830 = arith.addi %mul3A_2, %add3A_1829 : i32
    %dma_start3A_1831 = arith.constant 2 : i32
    %dma_start3A_1832 = arith.constant 2 : i32
    %dma_start3A_1833 = arith.constant 0 : i32
    %dma_start3A_1834 = arith.constant 0 : i32
    %dma_start3A_1835 = tpu.memref_slice %arg8[%dma_start3A_1831, %dma_start3A_1833, %dma_start3A_1834] : memref<3x256x128xf32, #tpu.memory_space<vmem>> -> memref<1x256x64xf32, #tpu.memory_space<vmem>>
    %dma_start3A_1836 = tpu.memref_squeeze %dma_start3A_1835 : memref<1x256x64xf32, #tpu.memory_space<vmem>> -> memref<256x64xf32, #tpu.memory_space<vmem>>
    %dma_start3A_1837 = arith.constant 0 : i32
    %dma_start3A_1838 = tpu.memref_slice %arg5[%add3A_1830, %dma_start3A_1837] : memref<327680x64xf32, #tpu.memory_space<hbm>> -> memref<256x64xf32, #tpu.memory_space<hbm>>
    %dma_start3A_1839 = tpu.memref_slice %arg11[%dma_start3A_1832] : memref<3x!tpu.dma_semaphore, #tpu.memory_space<semaphore_mem>> -> memref<1x!tpu.dma_semaphore, #tpu.memory_space<semaphore_mem>>
    %dma_start3A_1840 = tpu.memref_squeeze %dma_start3A_1839 : memref<1x!tpu.dma_semaphore, #tpu.memory_space<semaphore_mem>> -> memref<!tpu.dma_semaphore, #tpu.memory_space<semaphore_mem>>
    %dma_start3A_1841 = arith.constant 0 : i32
    %dma_start3A_1842 = tpu.memref_slice %arg5[%add3A_1830, %dma_start3A_1841] : memref<327680x64xf32, #tpu.memory_space<hbm>> -> memref<256x64xf32, #tpu.memory_space<hbm>>
    %dma_start3A_1843 = arith.constant 0 : i32
    %dma_start3A_1844 = arith.constant 0 : i32
    %dma_start3A_1845 = tpu.memref_slice %arg8[%dma_start3A_1831, %dma_start3A_1843, %dma_start3A_1844] : memref<3x256x128xf32, #tpu.memory_space<vmem>> -> memref<1x256x64xf32, #tpu.memory_space<vmem>>
    %dma_start3A_1846 = tpu.memref_squeeze %dma_start3A_1845 : memref<1x256x64xf32, #tpu.memory_space<vmem>> -> memref<256x64xf32, #tpu.memory_space<vmem>>
    tpu.enqueue_dma source(%dma_start3A_1846 : memref<256x64xf32, #tpu.memory_space<vmem>>) target(%dma_start3A_1842 : memref<256x64xf32, #tpu.memory_space<hbm>>) target_semaphore(%dma_start3A_1840 : memref<!tpu.dma_semaphore, #tpu.memory_space<semaphore_mem>>)
    %add3A_1847 = arith.constant 7168 : i32
    %add3A_1848 = arith.addi %mul3A_2, %add3A_1847 : i32
    %dma_wait3A_1849 = arith.constant 1 : i32
    %dma_wait3A_1850 = arith.constant 1 : i32
    %dma_wait3A_1851 = arith.constant 0 : i32
    %dma_wait3A_1852 = arith.constant 0 : i32
    %dma_wait3A_1853 = tpu.memref_slice %arg8[%dma_wait3A_1849, %dma_wait3A_1851, %dma_wait3A_1852] : memref<3x256x128xf32, #tpu.memory_space<vmem>> -> memref<1x256x64xf32, #tpu.memory_space<vmem>>
    %dma_wait3A_1854 = tpu.memref_squeeze %dma_wait3A_1853 : memref<1x256x64xf32, #tpu.memory_space<vmem>> -> memref<256x64xf32, #tpu.memory_space<vmem>>
    %dma_wait3A_1855 = arith.constant 0 : i32
    %dma_wait3A_1856 = tpu.memref_slice %arg5[%add3A_1848, %dma_wait3A_1855] : memref<327680x64xf32, #tpu.memory_space<hbm>> -> memref<256x64xf32, #tpu.memory_space<hbm>>
    %dma_wait3A_1857 = tpu.memref_slice %arg11[%dma_wait3A_1850] : memref<3x!tpu.dma_semaphore, #tpu.memory_space<semaphore_mem>> -> memref<1x!tpu.dma_semaphore, #tpu.memory_space<semaphore_mem>>
    %dma_wait3A_1858 = tpu.memref_squeeze %dma_wait3A_1857 : memref<1x!tpu.dma_semaphore, #tpu.memory_space<semaphore_mem>> -> memref<!tpu.dma_semaphore, #tpu.memory_space<semaphore_mem>>
    %dma_wait3A_1859 = arith.constant 0 : i32
    %dma_wait3A_1860 = tpu.memref_slice %arg5[%add3A_1848, %dma_wait3A_1859] : memref<327680x64xf32, #tpu.memory_space<hbm>> -> memref<256x64xf32, #tpu.memory_space<hbm>>
    %dma_wait3A_1861 = arith.constant 0 : i32
    %dma_wait3A_1862 = arith.constant 0 : i32
    %dma_wait3A_1863 = tpu.memref_slice %arg8[%dma_wait3A_1849, %dma_wait3A_1861, %dma_wait3A_1862] : memref<3x256x128xf32, #tpu.memory_space<vmem>> -> memref<1x256x64xf32, #tpu.memory_space<vmem>>
    %dma_wait3A_1864 = tpu.memref_squeeze %dma_wait3A_1863 : memref<1x256x64xf32, #tpu.memory_space<vmem>> -> memref<256x64xf32, #tpu.memory_space<vmem>>
    tpu.wait_dma2 semaphore(%dma_wait3A_1858 : memref<!tpu.dma_semaphore, #tpu.memory_space<semaphore_mem>>) src(%dma_wait3A_1864 : memref<256x64xf32, #tpu.memory_space<vmem>>) dst(%dma_wait3A_1860 : memref<256x64xf32, #tpu.memory_space<hbm>>)
    %dma_start3A_1865 = arith.constant 1 : i32
    %dma_start3A_1866 = arith.constant 1 : i32
    %dma_start3A_1867 = arith.constant 0 : i32
    %dma_start3A_1868 = arith.constant 0 : i32
    %dma_start3A_1869 = tpu.memref_slice %arg8[%dma_start3A_1865, %dma_start3A_1867, %dma_start3A_1868] : memref<3x256x128xf32, #tpu.memory_space<vmem>> -> memref<1x256x128xf32, #tpu.memory_space<vmem>>
    %dma_start3A_1870 = tpu.memref_squeeze %dma_start3A_1869 : memref<1x256x128xf32, #tpu.memory_space<vmem>> -> memref<256x128xf32, #tpu.memory_space<vmem>>
    %dma_start3A_1871 = arith.constant 7936 : i32
    %dma_start3A_1872 = tpu.memref_slice %arg7[%dma_start3A_1871] : memref<10240xi32, #tpu.memory_space<vmem>> -> memref<256xi32, #tpu.memory_space<vmem>>
    %dma_start3A_1873 = arith.constant 0 : i32
    %dma_start3A_1874 = arith.constant 0 : i32
    %dma_start3A_1875 = tpu.memref_slice %arg3[%dma_start3A_1873, %dma_start3A_1874] : memref<1000000x128xf32, #tpu.memory_space<hbm>> -> memref<1000000x128xf32, #tpu.memory_space<hbm>>
    %dma_start3A_1876 = tpu.memref_slice %arg10[%dma_start3A_1866] : memref<3x!tpu.dma_semaphore, #tpu.memory_space<semaphore_mem>> -> memref<1x!tpu.dma_semaphore, #tpu.memory_space<semaphore_mem>>
    %dma_start3A_1877 = tpu.memref_squeeze %dma_start3A_1876 : memref<1x!tpu.dma_semaphore, #tpu.memory_space<semaphore_mem>> -> memref<!tpu.dma_semaphore, #tpu.memory_space<semaphore_mem>>
    tpu.enqueue_indirect_dma source(%dma_start3A_1875 : memref<1000000x128xf32, #tpu.memory_space<hbm>>) target(%dma_start3A_1870 : memref<256x128xf32, #tpu.memory_space<vmem>>) offsets(%dma_start3A_1872 : memref<256xi32, #tpu.memory_space<vmem>>) semaphore(%dma_start3A_1877 : memref<!tpu.dma_semaphore, #tpu.memory_space<semaphore_mem>>)
    %dma_wait3A_1878 = arith.constant 0 : i32
    %dma_wait3A_1879 = arith.constant 0 : i32
    %dma_wait3A_1880 = arith.constant 0 : i32
    %dma_wait3A_1881 = arith.constant 0 : i32
    %dma_wait3A_1882 = tpu.memref_slice %arg8[%dma_wait3A_1878, %dma_wait3A_1880, %dma_wait3A_1881] : memref<3x256x128xf32, #tpu.memory_space<vmem>> -> memref<1x256x128xf32, #tpu.memory_space<vmem>>
    %dma_wait3A_1883 = tpu.memref_squeeze %dma_wait3A_1882 : memref<1x256x128xf32, #tpu.memory_space<vmem>> -> memref<256x128xf32, #tpu.memory_space<vmem>>
    %dma_wait3A_1884 = arith.constant 7680 : i32
    %dma_wait3A_1885 = tpu.memref_slice %arg7[%dma_wait3A_1884] : memref<10240xi32, #tpu.memory_space<vmem>> -> memref<256xi32, #tpu.memory_space<vmem>>
    %dma_wait3A_1886 = arith.constant 0 : i32
    %dma_wait3A_1887 = arith.constant 0 : i32
    %dma_wait3A_1888 = tpu.memref_slice %arg3[%dma_wait3A_1886, %dma_wait3A_1887] : memref<1000000x128xf32, #tpu.memory_space<hbm>> -> memref<1000000x128xf32, #tpu.memory_space<hbm>>
    %dma_wait3A_1889 = tpu.memref_slice %arg10[%dma_wait3A_1879] : memref<3x!tpu.dma_semaphore, #tpu.memory_space<semaphore_mem>> -> memref<1x!tpu.dma_semaphore, #tpu.memory_space<semaphore_mem>>
    %dma_wait3A_1890 = tpu.memref_squeeze %dma_wait3A_1889 : memref<1x!tpu.dma_semaphore, #tpu.memory_space<semaphore_mem>> -> memref<!tpu.dma_semaphore, #tpu.memory_space<semaphore_mem>>
    tpu.wait_indirect_dma semaphore(%dma_wait3A_1890 : memref<!tpu.dma_semaphore, #tpu.memory_space<semaphore_mem>>) src(%dma_wait3A_1888 : memref<1000000x128xf32, #tpu.memory_space<hbm>>) dst(%dma_wait3A_1883 : memref<256x128xf32, #tpu.memory_space<vmem>>)
    %add3A_1891 = arith.constant 7680 : i32
    %add3A_1892 = arith.addi %mul3A_2, %add3A_1891 : i32
    %dma_start3A_1893 = arith.constant 0 : i32
    %dma_start3A_1894 = arith.constant 0 : i32
    %dma_start3A_1895 = arith.constant 0 : i32
    %dma_start3A_1896 = arith.constant 0 : i32
    %dma_start3A_1897 = tpu.memref_slice %arg8[%dma_start3A_1893, %dma_start3A_1895, %dma_start3A_1896] : memref<3x256x128xf32, #tpu.memory_space<vmem>> -> memref<1x256x64xf32, #tpu.memory_space<vmem>>
    %dma_start3A_1898 = tpu.memref_squeeze %dma_start3A_1897 : memref<1x256x64xf32, #tpu.memory_space<vmem>> -> memref<256x64xf32, #tpu.memory_space<vmem>>
    %dma_start3A_1899 = arith.constant 0 : i32
    %dma_start3A_1900 = tpu.memref_slice %arg5[%add3A_1892, %dma_start3A_1899] : memref<327680x64xf32, #tpu.memory_space<hbm>> -> memref<256x64xf32, #tpu.memory_space<hbm>>
    %dma_start3A_1901 = tpu.memref_slice %arg11[%dma_start3A_1894] : memref<3x!tpu.dma_semaphore, #tpu.memory_space<semaphore_mem>> -> memref<1x!tpu.dma_semaphore, #tpu.memory_space<semaphore_mem>>
    %dma_start3A_1902 = tpu.memref_squeeze %dma_start3A_1901 : memref<1x!tpu.dma_semaphore, #tpu.memory_space<semaphore_mem>> -> memref<!tpu.dma_semaphore, #tpu.memory_space<semaphore_mem>>
    %dma_start3A_1903 = arith.constant 0 : i32
    %dma_start3A_1904 = tpu.memref_slice %arg5[%add3A_1892, %dma_start3A_1903] : memref<327680x64xf32, #tpu.memory_space<hbm>> -> memref<256x64xf32, #tpu.memory_space<hbm>>
    %dma_start3A_1905 = arith.constant 0 : i32
    %dma_start3A_1906 = arith.constant 0 : i32
    %dma_start3A_1907 = tpu.memref_slice %arg8[%dma_start3A_1893, %dma_start3A_1905, %dma_start3A_1906] : memref<3x256x128xf32, #tpu.memory_space<vmem>> -> memref<1x256x64xf32, #tpu.memory_space<vmem>>
    %dma_start3A_1908 = tpu.memref_squeeze %dma_start3A_1907 : memref<1x256x64xf32, #tpu.memory_space<vmem>> -> memref<256x64xf32, #tpu.memory_space<vmem>>
    tpu.enqueue_dma source(%dma_start3A_1908 : memref<256x64xf32, #tpu.memory_space<vmem>>) target(%dma_start3A_1904 : memref<256x64xf32, #tpu.memory_space<hbm>>) target_semaphore(%dma_start3A_1902 : memref<!tpu.dma_semaphore, #tpu.memory_space<semaphore_mem>>)
    %add3A_1909 = arith.constant 7424 : i32
    %add3A_1910 = arith.addi %mul3A_2, %add3A_1909 : i32
    %dma_wait3A_1911 = arith.constant 2 : i32
    %dma_wait3A_1912 = arith.constant 2 : i32
    %dma_wait3A_1913 = arith.constant 0 : i32
    %dma_wait3A_1914 = arith.constant 0 : i32
    %dma_wait3A_1915 = tpu.memref_slice %arg8[%dma_wait3A_1911, %dma_wait3A_1913, %dma_wait3A_1914] : memref<3x256x128xf32, #tpu.memory_space<vmem>> -> memref<1x256x64xf32, #tpu.memory_space<vmem>>
    %dma_wait3A_1916 = tpu.memref_squeeze %dma_wait3A_1915 : memref<1x256x64xf32, #tpu.memory_space<vmem>> -> memref<256x64xf32, #tpu.memory_space<vmem>>
    %dma_wait3A_1917 = arith.constant 0 : i32
    %dma_wait3A_1918 = tpu.memref_slice %arg5[%add3A_1910, %dma_wait3A_1917] : memref<327680x64xf32, #tpu.memory_space<hbm>> -> memref<256x64xf32, #tpu.memory_space<hbm>>
    %dma_wait3A_1919 = tpu.memref_slice %arg11[%dma_wait3A_1912] : memref<3x!tpu.dma_semaphore, #tpu.memory_space<semaphore_mem>> -> memref<1x!tpu.dma_semaphore, #tpu.memory_space<semaphore_mem>>
    %dma_wait3A_1920 = tpu.memref_squeeze %dma_wait3A_1919 : memref<1x!tpu.dma_semaphore, #tpu.memory_space<semaphore_mem>> -> memref<!tpu.dma_semaphore, #tpu.memory_space<semaphore_mem>>
    %dma_wait3A_1921 = arith.constant 0 : i32
    %dma_wait3A_1922 = tpu.memref_slice %arg5[%add3A_1910, %dma_wait3A_1921] : memref<327680x64xf32, #tpu.memory_space<hbm>> -> memref<256x64xf32, #tpu.memory_space<hbm>>
    %dma_wait3A_1923 = arith.constant 0 : i32
    %dma_wait3A_1924 = arith.constant 0 : i32
    %dma_wait3A_1925 = tpu.memref_slice %arg8[%dma_wait3A_1911, %dma_wait3A_1923, %dma_wait3A_1924] : memref<3x256x128xf32, #tpu.memory_space<vmem>> -> memref<1x256x64xf32, #tpu.memory_space<vmem>>
    %dma_wait3A_1926 = tpu.memref_squeeze %dma_wait3A_1925 : memref<1x256x64xf32, #tpu.memory_space<vmem>> -> memref<256x64xf32, #tpu.memory_space<vmem>>
    tpu.wait_dma2 semaphore(%dma_wait3A_1920 : memref<!tpu.dma_semaphore, #tpu.memory_space<semaphore_mem>>) src(%dma_wait3A_1926 : memref<256x64xf32, #tpu.memory_space<vmem>>) dst(%dma_wait3A_1922 : memref<256x64xf32, #tpu.memory_space<hbm>>)
    %dma_start3A_1927 = arith.constant 2 : i32
    %dma_start3A_1928 = arith.constant 2 : i32
    %dma_start3A_1929 = arith.constant 0 : i32
    %dma_start3A_1930 = arith.constant 0 : i32
    %dma_start3A_1931 = tpu.memref_slice %arg8[%dma_start3A_1927, %dma_start3A_1929, %dma_start3A_1930] : memref<3x256x128xf32, #tpu.memory_space<vmem>> -> memref<1x256x128xf32, #tpu.memory_space<vmem>>
    %dma_start3A_1932 = tpu.memref_squeeze %dma_start3A_1931 : memref<1x256x128xf32, #tpu.memory_space<vmem>> -> memref<256x128xf32, #tpu.memory_space<vmem>>
    %dma_start3A_1933 = arith.constant 8192 : i32
    %dma_start3A_1934 = tpu.memref_slice %arg7[%dma_start3A_1933] : memref<10240xi32, #tpu.memory_space<vmem>> -> memref<256xi32, #tpu.memory_space<vmem>>
    %dma_start3A_1935 = arith.constant 0 : i32
    %dma_start3A_1936 = arith.constant 0 : i32
    %dma_start3A_1937 = tpu.memref_slice %arg3[%dma_start3A_1935, %dma_start3A_1936] : memref<1000000x128xf32, #tpu.memory_space<hbm>> -> memref<1000000x128xf32, #tpu.memory_space<hbm>>
    %dma_start3A_1938 = tpu.memref_slice %arg10[%dma_start3A_1928] : memref<3x!tpu.dma_semaphore, #tpu.memory_space<semaphore_mem>> -> memref<1x!tpu.dma_semaphore, #tpu.memory_space<semaphore_mem>>
    %dma_start3A_1939 = tpu.memref_squeeze %dma_start3A_1938 : memref<1x!tpu.dma_semaphore, #tpu.memory_space<semaphore_mem>> -> memref<!tpu.dma_semaphore, #tpu.memory_space<semaphore_mem>>
    tpu.enqueue_indirect_dma source(%dma_start3A_1937 : memref<1000000x128xf32, #tpu.memory_space<hbm>>) target(%dma_start3A_1932 : memref<256x128xf32, #tpu.memory_space<vmem>>) offsets(%dma_start3A_1934 : memref<256xi32, #tpu.memory_space<vmem>>) semaphore(%dma_start3A_1939 : memref<!tpu.dma_semaphore, #tpu.memory_space<semaphore_mem>>)
    %dma_wait3A_1940 = arith.constant 1 : i32
    %dma_wait3A_1941 = arith.constant 1 : i32
    %dma_wait3A_1942 = arith.constant 0 : i32
    %dma_wait3A_1943 = arith.constant 0 : i32
    %dma_wait3A_1944 = tpu.memref_slice %arg8[%dma_wait3A_1940, %dma_wait3A_1942, %dma_wait3A_1943] : memref<3x256x128xf32, #tpu.memory_space<vmem>> -> memref<1x256x128xf32, #tpu.memory_space<vmem>>
    %dma_wait3A_1945 = tpu.memref_squeeze %dma_wait3A_1944 : memref<1x256x128xf32, #tpu.memory_space<vmem>> -> memref<256x128xf32, #tpu.memory_space<vmem>>
    %dma_wait3A_1946 = arith.constant 7936 : i32
    %dma_wait3A_1947 = tpu.memref_slice %arg7[%dma_wait3A_1946] : memref<10240xi32, #tpu.memory_space<vmem>> -> memref<256xi32, #tpu.memory_space<vmem>>
    %dma_wait3A_1948 = arith.constant 0 : i32
    %dma_wait3A_1949 = arith.constant 0 : i32
    %dma_wait3A_1950 = tpu.memref_slice %arg3[%dma_wait3A_1948, %dma_wait3A_1949] : memref<1000000x128xf32, #tpu.memory_space<hbm>> -> memref<1000000x128xf32, #tpu.memory_space<hbm>>
    %dma_wait3A_1951 = tpu.memref_slice %arg10[%dma_wait3A_1941] : memref<3x!tpu.dma_semaphore, #tpu.memory_space<semaphore_mem>> -> memref<1x!tpu.dma_semaphore, #tpu.memory_space<semaphore_mem>>
    %dma_wait3A_1952 = tpu.memref_squeeze %dma_wait3A_1951 : memref<1x!tpu.dma_semaphore, #tpu.memory_space<semaphore_mem>> -> memref<!tpu.dma_semaphore, #tpu.memory_space<semaphore_mem>>
    tpu.wait_indirect_dma semaphore(%dma_wait3A_1952 : memref<!tpu.dma_semaphore, #tpu.memory_space<semaphore_mem>>) src(%dma_wait3A_1950 : memref<1000000x128xf32, #tpu.memory_space<hbm>>) dst(%dma_wait3A_1945 : memref<256x128xf32, #tpu.memory_space<vmem>>)
    %add3A_1953 = arith.constant 7936 : i32
    %add3A_1954 = arith.addi %mul3A_2, %add3A_1953 : i32
    %dma_start3A_1955 = arith.constant 1 : i32
    %dma_start3A_1956 = arith.constant 1 : i32
    %dma_start3A_1957 = arith.constant 0 : i32
    %dma_start3A_1958 = arith.constant 0 : i32
    %dma_start3A_1959 = tpu.memref_slice %arg8[%dma_start3A_1955, %dma_start3A_1957, %dma_start3A_1958] : memref<3x256x128xf32, #tpu.memory_space<vmem>> -> memref<1x256x64xf32, #tpu.memory_space<vmem>>
    %dma_start3A_1960 = tpu.memref_squeeze %dma_start3A_1959 : memref<1x256x64xf32, #tpu.memory_space<vmem>> -> memref<256x64xf32, #tpu.memory_space<vmem>>
    %dma_start3A_1961 = arith.constant 0 : i32
    %dma_start3A_1962 = tpu.memref_slice %arg5[%add3A_1954, %dma_start3A_1961] : memref<327680x64xf32, #tpu.memory_space<hbm>> -> memref<256x64xf32, #tpu.memory_space<hbm>>
    %dma_start3A_1963 = tpu.memref_slice %arg11[%dma_start3A_1956] : memref<3x!tpu.dma_semaphore, #tpu.memory_space<semaphore_mem>> -> memref<1x!tpu.dma_semaphore, #tpu.memory_space<semaphore_mem>>
    %dma_start3A_1964 = tpu.memref_squeeze %dma_start3A_1963 : memref<1x!tpu.dma_semaphore, #tpu.memory_space<semaphore_mem>> -> memref<!tpu.dma_semaphore, #tpu.memory_space<semaphore_mem>>
    %dma_start3A_1965 = arith.constant 0 : i32
    %dma_start3A_1966 = tpu.memref_slice %arg5[%add3A_1954, %dma_start3A_1965] : memref<327680x64xf32, #tpu.memory_space<hbm>> -> memref<256x64xf32, #tpu.memory_space<hbm>>
    %dma_start3A_1967 = arith.constant 0 : i32
    %dma_start3A_1968 = arith.constant 0 : i32
    %dma_start3A_1969 = tpu.memref_slice %arg8[%dma_start3A_1955, %dma_start3A_1967, %dma_start3A_1968] : memref<3x256x128xf32, #tpu.memory_space<vmem>> -> memref<1x256x64xf32, #tpu.memory_space<vmem>>
    %dma_start3A_1970 = tpu.memref_squeeze %dma_start3A_1969 : memref<1x256x64xf32, #tpu.memory_space<vmem>> -> memref<256x64xf32, #tpu.memory_space<vmem>>
    tpu.enqueue_dma source(%dma_start3A_1970 : memref<256x64xf32, #tpu.memory_space<vmem>>) target(%dma_start3A_1966 : memref<256x64xf32, #tpu.memory_space<hbm>>) target_semaphore(%dma_start3A_1964 : memref<!tpu.dma_semaphore, #tpu.memory_space<semaphore_mem>>)
    %add3A_1971 = arith.constant 7680 : i32
    %add3A_1972 = arith.addi %mul3A_2, %add3A_1971 : i32
    %dma_wait3A_1973 = arith.constant 0 : i32
    %dma_wait3A_1974 = arith.constant 0 : i32
    %dma_wait3A_1975 = arith.constant 0 : i32
    %dma_wait3A_1976 = arith.constant 0 : i32
    %dma_wait3A_1977 = tpu.memref_slice %arg8[%dma_wait3A_1973, %dma_wait3A_1975, %dma_wait3A_1976] : memref<3x256x128xf32, #tpu.memory_space<vmem>> -> memref<1x256x64xf32, #tpu.memory_space<vmem>>
    %dma_wait3A_1978 = tpu.memref_squeeze %dma_wait3A_1977 : memref<1x256x64xf32, #tpu.memory_space<vmem>> -> memref<256x64xf32, #tpu.memory_space<vmem>>
    %dma_wait3A_1979 = arith.constant 0 : i32
    %dma_wait3A_1980 = tpu.memref_slice %arg5[%add3A_1972, %dma_wait3A_1979] : memref<327680x64xf32, #tpu.memory_space<hbm>> -> memref<256x64xf32, #tpu.memory_space<hbm>>
    %dma_wait3A_1981 = tpu.memref_slice %arg11[%dma_wait3A_1974] : memref<3x!tpu.dma_semaphore, #tpu.memory_space<semaphore_mem>> -> memref<1x!tpu.dma_semaphore, #tpu.memory_space<semaphore_mem>>
    %dma_wait3A_1982 = tpu.memref_squeeze %dma_wait3A_1981 : memref<1x!tpu.dma_semaphore, #tpu.memory_space<semaphore_mem>> -> memref<!tpu.dma_semaphore, #tpu.memory_space<semaphore_mem>>
    %dma_wait3A_1983 = arith.constant 0 : i32
    %dma_wait3A_1984 = tpu.memref_slice %arg5[%add3A_1972, %dma_wait3A_1983] : memref<327680x64xf32, #tpu.memory_space<hbm>> -> memref<256x64xf32, #tpu.memory_space<hbm>>
    %dma_wait3A_1985 = arith.constant 0 : i32
    %dma_wait3A_1986 = arith.constant 0 : i32
    %dma_wait3A_1987 = tpu.memref_slice %arg8[%dma_wait3A_1973, %dma_wait3A_1985, %dma_wait3A_1986] : memref<3x256x128xf32, #tpu.memory_space<vmem>> -> memref<1x256x64xf32, #tpu.memory_space<vmem>>
    %dma_wait3A_1988 = tpu.memref_squeeze %dma_wait3A_1987 : memref<1x256x64xf32, #tpu.memory_space<vmem>> -> memref<256x64xf32, #tpu.memory_space<vmem>>
    tpu.wait_dma2 semaphore(%dma_wait3A_1982 : memref<!tpu.dma_semaphore, #tpu.memory_space<semaphore_mem>>) src(%dma_wait3A_1988 : memref<256x64xf32, #tpu.memory_space<vmem>>) dst(%dma_wait3A_1984 : memref<256x64xf32, #tpu.memory_space<hbm>>)
    %dma_start3A_1989 = arith.constant 0 : i32
    %dma_start3A_1990 = arith.constant 0 : i32
    %dma_start3A_1991 = arith.constant 0 : i32
    %dma_start3A_1992 = arith.constant 0 : i32
    %dma_start3A_1993 = tpu.memref_slice %arg8[%dma_start3A_1989, %dma_start3A_1991, %dma_start3A_1992] : memref<3x256x128xf32, #tpu.memory_space<vmem>> -> memref<1x256x128xf32, #tpu.memory_space<vmem>>
    %dma_start3A_1994 = tpu.memref_squeeze %dma_start3A_1993 : memref<1x256x128xf32, #tpu.memory_space<vmem>> -> memref<256x128xf32, #tpu.memory_space<vmem>>
    %dma_start3A_1995 = arith.constant 8448 : i32
    %dma_start3A_1996 = tpu.memref_slice %arg7[%dma_start3A_1995] : memref<10240xi32, #tpu.memory_space<vmem>> -> memref<256xi32, #tpu.memory_space<vmem>>
    %dma_start3A_1997 = arith.constant 0 : i32
    %dma_start3A_1998 = arith.constant 0 : i32
    %dma_start3A_1999 = tpu.memref_slice %arg3[%dma_start3A_1997, %dma_start3A_1998] : memref<1000000x128xf32, #tpu.memory_space<hbm>> -> memref<1000000x128xf32, #tpu.memory_space<hbm>>
    %dma_start3A_2000 = tpu.memref_slice %arg10[%dma_start3A_1990] : memref<3x!tpu.dma_semaphore, #tpu.memory_space<semaphore_mem>> -> memref<1x!tpu.dma_semaphore, #tpu.memory_space<semaphore_mem>>
    %dma_start3A_2001 = tpu.memref_squeeze %dma_start3A_2000 : memref<1x!tpu.dma_semaphore, #tpu.memory_space<semaphore_mem>> -> memref<!tpu.dma_semaphore, #tpu.memory_space<semaphore_mem>>
    tpu.enqueue_indirect_dma source(%dma_start3A_1999 : memref<1000000x128xf32, #tpu.memory_space<hbm>>) target(%dma_start3A_1994 : memref<256x128xf32, #tpu.memory_space<vmem>>) offsets(%dma_start3A_1996 : memref<256xi32, #tpu.memory_space<vmem>>) semaphore(%dma_start3A_2001 : memref<!tpu.dma_semaphore, #tpu.memory_space<semaphore_mem>>)
    %dma_wait3A_2002 = arith.constant 2 : i32
    %dma_wait3A_2003 = arith.constant 2 : i32
    %dma_wait3A_2004 = arith.constant 0 : i32
    %dma_wait3A_2005 = arith.constant 0 : i32
    %dma_wait3A_2006 = tpu.memref_slice %arg8[%dma_wait3A_2002, %dma_wait3A_2004, %dma_wait3A_2005] : memref<3x256x128xf32, #tpu.memory_space<vmem>> -> memref<1x256x128xf32, #tpu.memory_space<vmem>>
    %dma_wait3A_2007 = tpu.memref_squeeze %dma_wait3A_2006 : memref<1x256x128xf32, #tpu.memory_space<vmem>> -> memref<256x128xf32, #tpu.memory_space<vmem>>
    %dma_wait3A_2008 = arith.constant 8192 : i32
    %dma_wait3A_2009 = tpu.memref_slice %arg7[%dma_wait3A_2008] : memref<10240xi32, #tpu.memory_space<vmem>> -> memref<256xi32, #tpu.memory_space<vmem>>
    %dma_wait3A_2010 = arith.constant 0 : i32
    %dma_wait3A_2011 = arith.constant 0 : i32
    %dma_wait3A_2012 = tpu.memref_slice %arg3[%dma_wait3A_2010, %dma_wait3A_2011] : memref<1000000x128xf32, #tpu.memory_space<hbm>> -> memref<1000000x128xf32, #tpu.memory_space<hbm>>
    %dma_wait3A_2013 = tpu.memref_slice %arg10[%dma_wait3A_2003] : memref<3x!tpu.dma_semaphore, #tpu.memory_space<semaphore_mem>> -> memref<1x!tpu.dma_semaphore, #tpu.memory_space<semaphore_mem>>
    %dma_wait3A_2014 = tpu.memref_squeeze %dma_wait3A_2013 : memref<1x!tpu.dma_semaphore, #tpu.memory_space<semaphore_mem>> -> memref<!tpu.dma_semaphore, #tpu.memory_space<semaphore_mem>>
    tpu.wait_indirect_dma semaphore(%dma_wait3A_2014 : memref<!tpu.dma_semaphore, #tpu.memory_space<semaphore_mem>>) src(%dma_wait3A_2012 : memref<1000000x128xf32, #tpu.memory_space<hbm>>) dst(%dma_wait3A_2007 : memref<256x128xf32, #tpu.memory_space<vmem>>)
    %add3A_2015 = arith.constant 8192 : i32
    %add3A_2016 = arith.addi %mul3A_2, %add3A_2015 : i32
    %dma_start3A_2017 = arith.constant 2 : i32
    %dma_start3A_2018 = arith.constant 2 : i32
    %dma_start3A_2019 = arith.constant 0 : i32
    %dma_start3A_2020 = arith.constant 0 : i32
    %dma_start3A_2021 = tpu.memref_slice %arg8[%dma_start3A_2017, %dma_start3A_2019, %dma_start3A_2020] : memref<3x256x128xf32, #tpu.memory_space<vmem>> -> memref<1x256x64xf32, #tpu.memory_space<vmem>>
    %dma_start3A_2022 = tpu.memref_squeeze %dma_start3A_2021 : memref<1x256x64xf32, #tpu.memory_space<vmem>> -> memref<256x64xf32, #tpu.memory_space<vmem>>
    %dma_start3A_2023 = arith.constant 0 : i32
    %dma_start3A_2024 = tpu.memref_slice %arg5[%add3A_2016, %dma_start3A_2023] : memref<327680x64xf32, #tpu.memory_space<hbm>> -> memref<256x64xf32, #tpu.memory_space<hbm>>
    %dma_start3A_2025 = tpu.memref_slice %arg11[%dma_start3A_2018] : memref<3x!tpu.dma_semaphore, #tpu.memory_space<semaphore_mem>> -> memref<1x!tpu.dma_semaphore, #tpu.memory_space<semaphore_mem>>
    %dma_start3A_2026 = tpu.memref_squeeze %dma_start3A_2025 : memref<1x!tpu.dma_semaphore, #tpu.memory_space<semaphore_mem>> -> memref<!tpu.dma_semaphore, #tpu.memory_space<semaphore_mem>>
    %dma_start3A_2027 = arith.constant 0 : i32
    %dma_start3A_2028 = tpu.memref_slice %arg5[%add3A_2016, %dma_start3A_2027] : memref<327680x64xf32, #tpu.memory_space<hbm>> -> memref<256x64xf32, #tpu.memory_space<hbm>>
    %dma_start3A_2029 = arith.constant 0 : i32
    %dma_start3A_2030 = arith.constant 0 : i32
    %dma_start3A_2031 = tpu.memref_slice %arg8[%dma_start3A_2017, %dma_start3A_2029, %dma_start3A_2030] : memref<3x256x128xf32, #tpu.memory_space<vmem>> -> memref<1x256x64xf32, #tpu.memory_space<vmem>>
    %dma_start3A_2032 = tpu.memref_squeeze %dma_start3A_2031 : memref<1x256x64xf32, #tpu.memory_space<vmem>> -> memref<256x64xf32, #tpu.memory_space<vmem>>
    tpu.enqueue_dma source(%dma_start3A_2032 : memref<256x64xf32, #tpu.memory_space<vmem>>) target(%dma_start3A_2028 : memref<256x64xf32, #tpu.memory_space<hbm>>) target_semaphore(%dma_start3A_2026 : memref<!tpu.dma_semaphore, #tpu.memory_space<semaphore_mem>>)
    %add3A_2033 = arith.constant 7936 : i32
    %add3A_2034 = arith.addi %mul3A_2, %add3A_2033 : i32
    %dma_wait3A_2035 = arith.constant 1 : i32
    %dma_wait3A_2036 = arith.constant 1 : i32
    %dma_wait3A_2037 = arith.constant 0 : i32
    %dma_wait3A_2038 = arith.constant 0 : i32
    %dma_wait3A_2039 = tpu.memref_slice %arg8[%dma_wait3A_2035, %dma_wait3A_2037, %dma_wait3A_2038] : memref<3x256x128xf32, #tpu.memory_space<vmem>> -> memref<1x256x64xf32, #tpu.memory_space<vmem>>
    %dma_wait3A_2040 = tpu.memref_squeeze %dma_wait3A_2039 : memref<1x256x64xf32, #tpu.memory_space<vmem>> -> memref<256x64xf32, #tpu.memory_space<vmem>>
    %dma_wait3A_2041 = arith.constant 0 : i32
    %dma_wait3A_2042 = tpu.memref_slice %arg5[%add3A_2034, %dma_wait3A_2041] : memref<327680x64xf32, #tpu.memory_space<hbm>> -> memref<256x64xf32, #tpu.memory_space<hbm>>
    %dma_wait3A_2043 = tpu.memref_slice %arg11[%dma_wait3A_2036] : memref<3x!tpu.dma_semaphore, #tpu.memory_space<semaphore_mem>> -> memref<1x!tpu.dma_semaphore, #tpu.memory_space<semaphore_mem>>
    %dma_wait3A_2044 = tpu.memref_squeeze %dma_wait3A_2043 : memref<1x!tpu.dma_semaphore, #tpu.memory_space<semaphore_mem>> -> memref<!tpu.dma_semaphore, #tpu.memory_space<semaphore_mem>>
    %dma_wait3A_2045 = arith.constant 0 : i32
    %dma_wait3A_2046 = tpu.memref_slice %arg5[%add3A_2034, %dma_wait3A_2045] : memref<327680x64xf32, #tpu.memory_space<hbm>> -> memref<256x64xf32, #tpu.memory_space<hbm>>
    %dma_wait3A_2047 = arith.constant 0 : i32
    %dma_wait3A_2048 = arith.constant 0 : i32
    %dma_wait3A_2049 = tpu.memref_slice %arg8[%dma_wait3A_2035, %dma_wait3A_2047, %dma_wait3A_2048] : memref<3x256x128xf32, #tpu.memory_space<vmem>> -> memref<1x256x64xf32, #tpu.memory_space<vmem>>
    %dma_wait3A_2050 = tpu.memref_squeeze %dma_wait3A_2049 : memref<1x256x64xf32, #tpu.memory_space<vmem>> -> memref<256x64xf32, #tpu.memory_space<vmem>>
    tpu.wait_dma2 semaphore(%dma_wait3A_2044 : memref<!tpu.dma_semaphore, #tpu.memory_space<semaphore_mem>>) src(%dma_wait3A_2050 : memref<256x64xf32, #tpu.memory_space<vmem>>) dst(%dma_wait3A_2046 : memref<256x64xf32, #tpu.memory_space<hbm>>)
    %dma_start3A_2051 = arith.constant 1 : i32
    %dma_start3A_2052 = arith.constant 1 : i32
    %dma_start3A_2053 = arith.constant 0 : i32
    %dma_start3A_2054 = arith.constant 0 : i32
    %dma_start3A_2055 = tpu.memref_slice %arg8[%dma_start3A_2051, %dma_start3A_2053, %dma_start3A_2054] : memref<3x256x128xf32, #tpu.memory_space<vmem>> -> memref<1x256x128xf32, #tpu.memory_space<vmem>>
    %dma_start3A_2056 = tpu.memref_squeeze %dma_start3A_2055 : memref<1x256x128xf32, #tpu.memory_space<vmem>> -> memref<256x128xf32, #tpu.memory_space<vmem>>
    %dma_start3A_2057 = arith.constant 8704 : i32
    %dma_start3A_2058 = tpu.memref_slice %arg7[%dma_start3A_2057] : memref<10240xi32, #tpu.memory_space<vmem>> -> memref<256xi32, #tpu.memory_space<vmem>>
    %dma_start3A_2059 = arith.constant 0 : i32
    %dma_start3A_2060 = arith.constant 0 : i32
    %dma_start3A_2061 = tpu.memref_slice %arg3[%dma_start3A_2059, %dma_start3A_2060] : memref<1000000x128xf32, #tpu.memory_space<hbm>> -> memref<1000000x128xf32, #tpu.memory_space<hbm>>
    %dma_start3A_2062 = tpu.memref_slice %arg10[%dma_start3A_2052] : memref<3x!tpu.dma_semaphore, #tpu.memory_space<semaphore_mem>> -> memref<1x!tpu.dma_semaphore, #tpu.memory_space<semaphore_mem>>
    %dma_start3A_2063 = tpu.memref_squeeze %dma_start3A_2062 : memref<1x!tpu.dma_semaphore, #tpu.memory_space<semaphore_mem>> -> memref<!tpu.dma_semaphore, #tpu.memory_space<semaphore_mem>>
    tpu.enqueue_indirect_dma source(%dma_start3A_2061 : memref<1000000x128xf32, #tpu.memory_space<hbm>>) target(%dma_start3A_2056 : memref<256x128xf32, #tpu.memory_space<vmem>>) offsets(%dma_start3A_2058 : memref<256xi32, #tpu.memory_space<vmem>>) semaphore(%dma_start3A_2063 : memref<!tpu.dma_semaphore, #tpu.memory_space<semaphore_mem>>)
    %dma_wait3A_2064 = arith.constant 0 : i32
    %dma_wait3A_2065 = arith.constant 0 : i32
    %dma_wait3A_2066 = arith.constant 0 : i32
    %dma_wait3A_2067 = arith.constant 0 : i32
    %dma_wait3A_2068 = tpu.memref_slice %arg8[%dma_wait3A_2064, %dma_wait3A_2066, %dma_wait3A_2067] : memref<3x256x128xf32, #tpu.memory_space<vmem>> -> memref<1x256x128xf32, #tpu.memory_space<vmem>>
    %dma_wait3A_2069 = tpu.memref_squeeze %dma_wait3A_2068 : memref<1x256x128xf32, #tpu.memory_space<vmem>> -> memref<256x128xf32, #tpu.memory_space<vmem>>
    %dma_wait3A_2070 = arith.constant 8448 : i32
    %dma_wait3A_2071 = tpu.memref_slice %arg7[%dma_wait3A_2070] : memref<10240xi32, #tpu.memory_space<vmem>> -> memref<256xi32, #tpu.memory_space<vmem>>
    %dma_wait3A_2072 = arith.constant 0 : i32
    %dma_wait3A_2073 = arith.constant 0 : i32
    %dma_wait3A_2074 = tpu.memref_slice %arg3[%dma_wait3A_2072, %dma_wait3A_2073] : memref<1000000x128xf32, #tpu.memory_space<hbm>> -> memref<1000000x128xf32, #tpu.memory_space<hbm>>
    %dma_wait3A_2075 = tpu.memref_slice %arg10[%dma_wait3A_2065] : memref<3x!tpu.dma_semaphore, #tpu.memory_space<semaphore_mem>> -> memref<1x!tpu.dma_semaphore, #tpu.memory_space<semaphore_mem>>
    %dma_wait3A_2076 = tpu.memref_squeeze %dma_wait3A_2075 : memref<1x!tpu.dma_semaphore, #tpu.memory_space<semaphore_mem>> -> memref<!tpu.dma_semaphore, #tpu.memory_space<semaphore_mem>>
    tpu.wait_indirect_dma semaphore(%dma_wait3A_2076 : memref<!tpu.dma_semaphore, #tpu.memory_space<semaphore_mem>>) src(%dma_wait3A_2074 : memref<1000000x128xf32, #tpu.memory_space<hbm>>) dst(%dma_wait3A_2069 : memref<256x128xf32, #tpu.memory_space<vmem>>)
    %add3A_2077 = arith.constant 8448 : i32
    %add3A_2078 = arith.addi %mul3A_2, %add3A_2077 : i32
    %dma_start3A_2079 = arith.constant 0 : i32
    %dma_start3A_2080 = arith.constant 0 : i32
    %dma_start3A_2081 = arith.constant 0 : i32
    %dma_start3A_2082 = arith.constant 0 : i32
    %dma_start3A_2083 = tpu.memref_slice %arg8[%dma_start3A_2079, %dma_start3A_2081, %dma_start3A_2082] : memref<3x256x128xf32, #tpu.memory_space<vmem>> -> memref<1x256x64xf32, #tpu.memory_space<vmem>>
    %dma_start3A_2084 = tpu.memref_squeeze %dma_start3A_2083 : memref<1x256x64xf32, #tpu.memory_space<vmem>> -> memref<256x64xf32, #tpu.memory_space<vmem>>
    %dma_start3A_2085 = arith.constant 0 : i32
    %dma_start3A_2086 = tpu.memref_slice %arg5[%add3A_2078, %dma_start3A_2085] : memref<327680x64xf32, #tpu.memory_space<hbm>> -> memref<256x64xf32, #tpu.memory_space<hbm>>
    %dma_start3A_2087 = tpu.memref_slice %arg11[%dma_start3A_2080] : memref<3x!tpu.dma_semaphore, #tpu.memory_space<semaphore_mem>> -> memref<1x!tpu.dma_semaphore, #tpu.memory_space<semaphore_mem>>
    %dma_start3A_2088 = tpu.memref_squeeze %dma_start3A_2087 : memref<1x!tpu.dma_semaphore, #tpu.memory_space<semaphore_mem>> -> memref<!tpu.dma_semaphore, #tpu.memory_space<semaphore_mem>>
    %dma_start3A_2089 = arith.constant 0 : i32
    %dma_start3A_2090 = tpu.memref_slice %arg5[%add3A_2078, %dma_start3A_2089] : memref<327680x64xf32, #tpu.memory_space<hbm>> -> memref<256x64xf32, #tpu.memory_space<hbm>>
    %dma_start3A_2091 = arith.constant 0 : i32
    %dma_start3A_2092 = arith.constant 0 : i32
    %dma_start3A_2093 = tpu.memref_slice %arg8[%dma_start3A_2079, %dma_start3A_2091, %dma_start3A_2092] : memref<3x256x128xf32, #tpu.memory_space<vmem>> -> memref<1x256x64xf32, #tpu.memory_space<vmem>>
    %dma_start3A_2094 = tpu.memref_squeeze %dma_start3A_2093 : memref<1x256x64xf32, #tpu.memory_space<vmem>> -> memref<256x64xf32, #tpu.memory_space<vmem>>
    tpu.enqueue_dma source(%dma_start3A_2094 : memref<256x64xf32, #tpu.memory_space<vmem>>) target(%dma_start3A_2090 : memref<256x64xf32, #tpu.memory_space<hbm>>) target_semaphore(%dma_start3A_2088 : memref<!tpu.dma_semaphore, #tpu.memory_space<semaphore_mem>>)
    %add3A_2095 = arith.constant 8192 : i32
    %add3A_2096 = arith.addi %mul3A_2, %add3A_2095 : i32
    %dma_wait3A_2097 = arith.constant 2 : i32
    %dma_wait3A_2098 = arith.constant 2 : i32
    %dma_wait3A_2099 = arith.constant 0 : i32
    %dma_wait3A_2100 = arith.constant 0 : i32
    %dma_wait3A_2101 = tpu.memref_slice %arg8[%dma_wait3A_2097, %dma_wait3A_2099, %dma_wait3A_2100] : memref<3x256x128xf32, #tpu.memory_space<vmem>> -> memref<1x256x64xf32, #tpu.memory_space<vmem>>
    %dma_wait3A_2102 = tpu.memref_squeeze %dma_wait3A_2101 : memref<1x256x64xf32, #tpu.memory_space<vmem>> -> memref<256x64xf32, #tpu.memory_space<vmem>>
    %dma_wait3A_2103 = arith.constant 0 : i32
    %dma_wait3A_2104 = tpu.memref_slice %arg5[%add3A_2096, %dma_wait3A_2103] : memref<327680x64xf32, #tpu.memory_space<hbm>> -> memref<256x64xf32, #tpu.memory_space<hbm>>
    %dma_wait3A_2105 = tpu.memref_slice %arg11[%dma_wait3A_2098] : memref<3x!tpu.dma_semaphore, #tpu.memory_space<semaphore_mem>> -> memref<1x!tpu.dma_semaphore, #tpu.memory_space<semaphore_mem>>
    %dma_wait3A_2106 = tpu.memref_squeeze %dma_wait3A_2105 : memref<1x!tpu.dma_semaphore, #tpu.memory_space<semaphore_mem>> -> memref<!tpu.dma_semaphore, #tpu.memory_space<semaphore_mem>>
    %dma_wait3A_2107 = arith.constant 0 : i32
    %dma_wait3A_2108 = tpu.memref_slice %arg5[%add3A_2096, %dma_wait3A_2107] : memref<327680x64xf32, #tpu.memory_space<hbm>> -> memref<256x64xf32, #tpu.memory_space<hbm>>
    %dma_wait3A_2109 = arith.constant 0 : i32
    %dma_wait3A_2110 = arith.constant 0 : i32
    %dma_wait3A_2111 = tpu.memref_slice %arg8[%dma_wait3A_2097, %dma_wait3A_2109, %dma_wait3A_2110] : memref<3x256x128xf32, #tpu.memory_space<vmem>> -> memref<1x256x64xf32, #tpu.memory_space<vmem>>
    %dma_wait3A_2112 = tpu.memref_squeeze %dma_wait3A_2111 : memref<1x256x64xf32, #tpu.memory_space<vmem>> -> memref<256x64xf32, #tpu.memory_space<vmem>>
    tpu.wait_dma2 semaphore(%dma_wait3A_2106 : memref<!tpu.dma_semaphore, #tpu.memory_space<semaphore_mem>>) src(%dma_wait3A_2112 : memref<256x64xf32, #tpu.memory_space<vmem>>) dst(%dma_wait3A_2108 : memref<256x64xf32, #tpu.memory_space<hbm>>)
    %dma_start3A_2113 = arith.constant 2 : i32
    %dma_start3A_2114 = arith.constant 2 : i32
    %dma_start3A_2115 = arith.constant 0 : i32
    %dma_start3A_2116 = arith.constant 0 : i32
    %dma_start3A_2117 = tpu.memref_slice %arg8[%dma_start3A_2113, %dma_start3A_2115, %dma_start3A_2116] : memref<3x256x128xf32, #tpu.memory_space<vmem>> -> memref<1x256x128xf32, #tpu.memory_space<vmem>>
    %dma_start3A_2118 = tpu.memref_squeeze %dma_start3A_2117 : memref<1x256x128xf32, #tpu.memory_space<vmem>> -> memref<256x128xf32, #tpu.memory_space<vmem>>
    %dma_start3A_2119 = arith.constant 8960 : i32
    %dma_start3A_2120 = tpu.memref_slice %arg7[%dma_start3A_2119] : memref<10240xi32, #tpu.memory_space<vmem>> -> memref<256xi32, #tpu.memory_space<vmem>>
    %dma_start3A_2121 = arith.constant 0 : i32
    %dma_start3A_2122 = arith.constant 0 : i32
    %dma_start3A_2123 = tpu.memref_slice %arg3[%dma_start3A_2121, %dma_start3A_2122] : memref<1000000x128xf32, #tpu.memory_space<hbm>> -> memref<1000000x128xf32, #tpu.memory_space<hbm>>
    %dma_start3A_2124 = tpu.memref_slice %arg10[%dma_start3A_2114] : memref<3x!tpu.dma_semaphore, #tpu.memory_space<semaphore_mem>> -> memref<1x!tpu.dma_semaphore, #tpu.memory_space<semaphore_mem>>
    %dma_start3A_2125 = tpu.memref_squeeze %dma_start3A_2124 : memref<1x!tpu.dma_semaphore, #tpu.memory_space<semaphore_mem>> -> memref<!tpu.dma_semaphore, #tpu.memory_space<semaphore_mem>>
    tpu.enqueue_indirect_dma source(%dma_start3A_2123 : memref<1000000x128xf32, #tpu.memory_space<hbm>>) target(%dma_start3A_2118 : memref<256x128xf32, #tpu.memory_space<vmem>>) offsets(%dma_start3A_2120 : memref<256xi32, #tpu.memory_space<vmem>>) semaphore(%dma_start3A_2125 : memref<!tpu.dma_semaphore, #tpu.memory_space<semaphore_mem>>)
    %dma_wait3A_2126 = arith.constant 1 : i32
    %dma_wait3A_2127 = arith.constant 1 : i32
    %dma_wait3A_2128 = arith.constant 0 : i32
    %dma_wait3A_2129 = arith.constant 0 : i32
    %dma_wait3A_2130 = tpu.memref_slice %arg8[%dma_wait3A_2126, %dma_wait3A_2128, %dma_wait3A_2129] : memref<3x256x128xf32, #tpu.memory_space<vmem>> -> memref<1x256x128xf32, #tpu.memory_space<vmem>>
    %dma_wait3A_2131 = tpu.memref_squeeze %dma_wait3A_2130 : memref<1x256x128xf32, #tpu.memory_space<vmem>> -> memref<256x128xf32, #tpu.memory_space<vmem>>
    %dma_wait3A_2132 = arith.constant 8704 : i32
    %dma_wait3A_2133 = tpu.memref_slice %arg7[%dma_wait3A_2132] : memref<10240xi32, #tpu.memory_space<vmem>> -> memref<256xi32, #tpu.memory_space<vmem>>
    %dma_wait3A_2134 = arith.constant 0 : i32
    %dma_wait3A_2135 = arith.constant 0 : i32
    %dma_wait3A_2136 = tpu.memref_slice %arg3[%dma_wait3A_2134, %dma_wait3A_2135] : memref<1000000x128xf32, #tpu.memory_space<hbm>> -> memref<1000000x128xf32, #tpu.memory_space<hbm>>
    %dma_wait3A_2137 = tpu.memref_slice %arg10[%dma_wait3A_2127] : memref<3x!tpu.dma_semaphore, #tpu.memory_space<semaphore_mem>> -> memref<1x!tpu.dma_semaphore, #tpu.memory_space<semaphore_mem>>
    %dma_wait3A_2138 = tpu.memref_squeeze %dma_wait3A_2137 : memref<1x!tpu.dma_semaphore, #tpu.memory_space<semaphore_mem>> -> memref<!tpu.dma_semaphore, #tpu.memory_space<semaphore_mem>>
    tpu.wait_indirect_dma semaphore(%dma_wait3A_2138 : memref<!tpu.dma_semaphore, #tpu.memory_space<semaphore_mem>>) src(%dma_wait3A_2136 : memref<1000000x128xf32, #tpu.memory_space<hbm>>) dst(%dma_wait3A_2131 : memref<256x128xf32, #tpu.memory_space<vmem>>)
    %add3A_2139 = arith.constant 8704 : i32
    %add3A_2140 = arith.addi %mul3A_2, %add3A_2139 : i32
    %dma_start3A_2141 = arith.constant 1 : i32
    %dma_start3A_2142 = arith.constant 1 : i32
    %dma_start3A_2143 = arith.constant 0 : i32
    %dma_start3A_2144 = arith.constant 0 : i32
    %dma_start3A_2145 = tpu.memref_slice %arg8[%dma_start3A_2141, %dma_start3A_2143, %dma_start3A_2144] : memref<3x256x128xf32, #tpu.memory_space<vmem>> -> memref<1x256x64xf32, #tpu.memory_space<vmem>>
    %dma_start3A_2146 = tpu.memref_squeeze %dma_start3A_2145 : memref<1x256x64xf32, #tpu.memory_space<vmem>> -> memref<256x64xf32, #tpu.memory_space<vmem>>
    %dma_start3A_2147 = arith.constant 0 : i32
    %dma_start3A_2148 = tpu.memref_slice %arg5[%add3A_2140, %dma_start3A_2147] : memref<327680x64xf32, #tpu.memory_space<hbm>> -> memref<256x64xf32, #tpu.memory_space<hbm>>
    %dma_start3A_2149 = tpu.memref_slice %arg11[%dma_start3A_2142] : memref<3x!tpu.dma_semaphore, #tpu.memory_space<semaphore_mem>> -> memref<1x!tpu.dma_semaphore, #tpu.memory_space<semaphore_mem>>
    %dma_start3A_2150 = tpu.memref_squeeze %dma_start3A_2149 : memref<1x!tpu.dma_semaphore, #tpu.memory_space<semaphore_mem>> -> memref<!tpu.dma_semaphore, #tpu.memory_space<semaphore_mem>>
    %dma_start3A_2151 = arith.constant 0 : i32
    %dma_start3A_2152 = tpu.memref_slice %arg5[%add3A_2140, %dma_start3A_2151] : memref<327680x64xf32, #tpu.memory_space<hbm>> -> memref<256x64xf32, #tpu.memory_space<hbm>>
    %dma_start3A_2153 = arith.constant 0 : i32
    %dma_start3A_2154 = arith.constant 0 : i32
    %dma_start3A_2155 = tpu.memref_slice %arg8[%dma_start3A_2141, %dma_start3A_2153, %dma_start3A_2154] : memref<3x256x128xf32, #tpu.memory_space<vmem>> -> memref<1x256x64xf32, #tpu.memory_space<vmem>>
    %dma_start3A_2156 = tpu.memref_squeeze %dma_start3A_2155 : memref<1x256x64xf32, #tpu.memory_space<vmem>> -> memref<256x64xf32, #tpu.memory_space<vmem>>
    tpu.enqueue_dma source(%dma_start3A_2156 : memref<256x64xf32, #tpu.memory_space<vmem>>) target(%dma_start3A_2152 : memref<256x64xf32, #tpu.memory_space<hbm>>) target_semaphore(%dma_start3A_2150 : memref<!tpu.dma_semaphore, #tpu.memory_space<semaphore_mem>>)
    %add3A_2157 = arith.constant 8448 : i32
    %add3A_2158 = arith.addi %mul3A_2, %add3A_2157 : i32
    %dma_wait3A_2159 = arith.constant 0 : i32
    %dma_wait3A_2160 = arith.constant 0 : i32
    %dma_wait3A_2161 = arith.constant 0 : i32
    %dma_wait3A_2162 = arith.constant 0 : i32
    %dma_wait3A_2163 = tpu.memref_slice %arg8[%dma_wait3A_2159, %dma_wait3A_2161, %dma_wait3A_2162] : memref<3x256x128xf32, #tpu.memory_space<vmem>> -> memref<1x256x64xf32, #tpu.memory_space<vmem>>
    %dma_wait3A_2164 = tpu.memref_squeeze %dma_wait3A_2163 : memref<1x256x64xf32, #tpu.memory_space<vmem>> -> memref<256x64xf32, #tpu.memory_space<vmem>>
    %dma_wait3A_2165 = arith.constant 0 : i32
    %dma_wait3A_2166 = tpu.memref_slice %arg5[%add3A_2158, %dma_wait3A_2165] : memref<327680x64xf32, #tpu.memory_space<hbm>> -> memref<256x64xf32, #tpu.memory_space<hbm>>
    %dma_wait3A_2167 = tpu.memref_slice %arg11[%dma_wait3A_2160] : memref<3x!tpu.dma_semaphore, #tpu.memory_space<semaphore_mem>> -> memref<1x!tpu.dma_semaphore, #tpu.memory_space<semaphore_mem>>
    %dma_wait3A_2168 = tpu.memref_squeeze %dma_wait3A_2167 : memref<1x!tpu.dma_semaphore, #tpu.memory_space<semaphore_mem>> -> memref<!tpu.dma_semaphore, #tpu.memory_space<semaphore_mem>>
    %dma_wait3A_2169 = arith.constant 0 : i32
    %dma_wait3A_2170 = tpu.memref_slice %arg5[%add3A_2158, %dma_wait3A_2169] : memref<327680x64xf32, #tpu.memory_space<hbm>> -> memref<256x64xf32, #tpu.memory_space<hbm>>
    %dma_wait3A_2171 = arith.constant 0 : i32
    %dma_wait3A_2172 = arith.constant 0 : i32
    %dma_wait3A_2173 = tpu.memref_slice %arg8[%dma_wait3A_2159, %dma_wait3A_2171, %dma_wait3A_2172] : memref<3x256x128xf32, #tpu.memory_space<vmem>> -> memref<1x256x64xf32, #tpu.memory_space<vmem>>
    %dma_wait3A_2174 = tpu.memref_squeeze %dma_wait3A_2173 : memref<1x256x64xf32, #tpu.memory_space<vmem>> -> memref<256x64xf32, #tpu.memory_space<vmem>>
    tpu.wait_dma2 semaphore(%dma_wait3A_2168 : memref<!tpu.dma_semaphore, #tpu.memory_space<semaphore_mem>>) src(%dma_wait3A_2174 : memref<256x64xf32, #tpu.memory_space<vmem>>) dst(%dma_wait3A_2170 : memref<256x64xf32, #tpu.memory_space<hbm>>)
    %dma_start3A_2175 = arith.constant 0 : i32
    %dma_start3A_2176 = arith.constant 0 : i32
    %dma_start3A_2177 = arith.constant 0 : i32
    %dma_start3A_2178 = arith.constant 0 : i32
    %dma_start3A_2179 = tpu.memref_slice %arg8[%dma_start3A_2175, %dma_start3A_2177, %dma_start3A_2178] : memref<3x256x128xf32, #tpu.memory_space<vmem>> -> memref<1x256x128xf32, #tpu.memory_space<vmem>>
    %dma_start3A_2180 = tpu.memref_squeeze %dma_start3A_2179 : memref<1x256x128xf32, #tpu.memory_space<vmem>> -> memref<256x128xf32, #tpu.memory_space<vmem>>
    %dma_start3A_2181 = arith.constant 9216 : i32
    %dma_start3A_2182 = tpu.memref_slice %arg7[%dma_start3A_2181] : memref<10240xi32, #tpu.memory_space<vmem>> -> memref<256xi32, #tpu.memory_space<vmem>>
    %dma_start3A_2183 = arith.constant 0 : i32
    %dma_start3A_2184 = arith.constant 0 : i32
    %dma_start3A_2185 = tpu.memref_slice %arg3[%dma_start3A_2183, %dma_start3A_2184] : memref<1000000x128xf32, #tpu.memory_space<hbm>> -> memref<1000000x128xf32, #tpu.memory_space<hbm>>
    %dma_start3A_2186 = tpu.memref_slice %arg10[%dma_start3A_2176] : memref<3x!tpu.dma_semaphore, #tpu.memory_space<semaphore_mem>> -> memref<1x!tpu.dma_semaphore, #tpu.memory_space<semaphore_mem>>
    %dma_start3A_2187 = tpu.memref_squeeze %dma_start3A_2186 : memref<1x!tpu.dma_semaphore, #tpu.memory_space<semaphore_mem>> -> memref<!tpu.dma_semaphore, #tpu.memory_space<semaphore_mem>>
    tpu.enqueue_indirect_dma source(%dma_start3A_2185 : memref<1000000x128xf32, #tpu.memory_space<hbm>>) target(%dma_start3A_2180 : memref<256x128xf32, #tpu.memory_space<vmem>>) offsets(%dma_start3A_2182 : memref<256xi32, #tpu.memory_space<vmem>>) semaphore(%dma_start3A_2187 : memref<!tpu.dma_semaphore, #tpu.memory_space<semaphore_mem>>)
    %dma_wait3A_2188 = arith.constant 2 : i32
    %dma_wait3A_2189 = arith.constant 2 : i32
    %dma_wait3A_2190 = arith.constant 0 : i32
    %dma_wait3A_2191 = arith.constant 0 : i32
    %dma_wait3A_2192 = tpu.memref_slice %arg8[%dma_wait3A_2188, %dma_wait3A_2190, %dma_wait3A_2191] : memref<3x256x128xf32, #tpu.memory_space<vmem>> -> memref<1x256x128xf32, #tpu.memory_space<vmem>>
    %dma_wait3A_2193 = tpu.memref_squeeze %dma_wait3A_2192 : memref<1x256x128xf32, #tpu.memory_space<vmem>> -> memref<256x128xf32, #tpu.memory_space<vmem>>
    %dma_wait3A_2194 = arith.constant 8960 : i32
    %dma_wait3A_2195 = tpu.memref_slice %arg7[%dma_wait3A_2194] : memref<10240xi32, #tpu.memory_space<vmem>> -> memref<256xi32, #tpu.memory_space<vmem>>
    %dma_wait3A_2196 = arith.constant 0 : i32
    %dma_wait3A_2197 = arith.constant 0 : i32
    %dma_wait3A_2198 = tpu.memref_slice %arg3[%dma_wait3A_2196, %dma_wait3A_2197] : memref<1000000x128xf32, #tpu.memory_space<hbm>> -> memref<1000000x128xf32, #tpu.memory_space<hbm>>
    %dma_wait3A_2199 = tpu.memref_slice %arg10[%dma_wait3A_2189] : memref<3x!tpu.dma_semaphore, #tpu.memory_space<semaphore_mem>> -> memref<1x!tpu.dma_semaphore, #tpu.memory_space<semaphore_mem>>
    %dma_wait3A_2200 = tpu.memref_squeeze %dma_wait3A_2199 : memref<1x!tpu.dma_semaphore, #tpu.memory_space<semaphore_mem>> -> memref<!tpu.dma_semaphore, #tpu.memory_space<semaphore_mem>>
    tpu.wait_indirect_dma semaphore(%dma_wait3A_2200 : memref<!tpu.dma_semaphore, #tpu.memory_space<semaphore_mem>>) src(%dma_wait3A_2198 : memref<1000000x128xf32, #tpu.memory_space<hbm>>) dst(%dma_wait3A_2193 : memref<256x128xf32, #tpu.memory_space<vmem>>)
    %add3A_2201 = arith.constant 8960 : i32
    %add3A_2202 = arith.addi %mul3A_2, %add3A_2201 : i32
    %dma_start3A_2203 = arith.constant 2 : i32
    %dma_start3A_2204 = arith.constant 2 : i32
    %dma_start3A_2205 = arith.constant 0 : i32
    %dma_start3A_2206 = arith.constant 0 : i32
    %dma_start3A_2207 = tpu.memref_slice %arg8[%dma_start3A_2203, %dma_start3A_2205, %dma_start3A_2206] : memref<3x256x128xf32, #tpu.memory_space<vmem>> -> memref<1x256x64xf32, #tpu.memory_space<vmem>>
    %dma_start3A_2208 = tpu.memref_squeeze %dma_start3A_2207 : memref<1x256x64xf32, #tpu.memory_space<vmem>> -> memref<256x64xf32, #tpu.memory_space<vmem>>
    %dma_start3A_2209 = arith.constant 0 : i32
    %dma_start3A_2210 = tpu.memref_slice %arg5[%add3A_2202, %dma_start3A_2209] : memref<327680x64xf32, #tpu.memory_space<hbm>> -> memref<256x64xf32, #tpu.memory_space<hbm>>
    %dma_start3A_2211 = tpu.memref_slice %arg11[%dma_start3A_2204] : memref<3x!tpu.dma_semaphore, #tpu.memory_space<semaphore_mem>> -> memref<1x!tpu.dma_semaphore, #tpu.memory_space<semaphore_mem>>
    %dma_start3A_2212 = tpu.memref_squeeze %dma_start3A_2211 : memref<1x!tpu.dma_semaphore, #tpu.memory_space<semaphore_mem>> -> memref<!tpu.dma_semaphore, #tpu.memory_space<semaphore_mem>>
    %dma_start3A_2213 = arith.constant 0 : i32
    %dma_start3A_2214 = tpu.memref_slice %arg5[%add3A_2202, %dma_start3A_2213] : memref<327680x64xf32, #tpu.memory_space<hbm>> -> memref<256x64xf32, #tpu.memory_space<hbm>>
    %dma_start3A_2215 = arith.constant 0 : i32
    %dma_start3A_2216 = arith.constant 0 : i32
    %dma_start3A_2217 = tpu.memref_slice %arg8[%dma_start3A_2203, %dma_start3A_2215, %dma_start3A_2216] : memref<3x256x128xf32, #tpu.memory_space<vmem>> -> memref<1x256x64xf32, #tpu.memory_space<vmem>>
    %dma_start3A_2218 = tpu.memref_squeeze %dma_start3A_2217 : memref<1x256x64xf32, #tpu.memory_space<vmem>> -> memref<256x64xf32, #tpu.memory_space<vmem>>
    tpu.enqueue_dma source(%dma_start3A_2218 : memref<256x64xf32, #tpu.memory_space<vmem>>) target(%dma_start3A_2214 : memref<256x64xf32, #tpu.memory_space<hbm>>) target_semaphore(%dma_start3A_2212 : memref<!tpu.dma_semaphore, #tpu.memory_space<semaphore_mem>>)
    %add3A_2219 = arith.constant 8704 : i32
    %add3A_2220 = arith.addi %mul3A_2, %add3A_2219 : i32
    %dma_wait3A_2221 = arith.constant 1 : i32
    %dma_wait3A_2222 = arith.constant 1 : i32
    %dma_wait3A_2223 = arith.constant 0 : i32
    %dma_wait3A_2224 = arith.constant 0 : i32
    %dma_wait3A_2225 = tpu.memref_slice %arg8[%dma_wait3A_2221, %dma_wait3A_2223, %dma_wait3A_2224] : memref<3x256x128xf32, #tpu.memory_space<vmem>> -> memref<1x256x64xf32, #tpu.memory_space<vmem>>
    %dma_wait3A_2226 = tpu.memref_squeeze %dma_wait3A_2225 : memref<1x256x64xf32, #tpu.memory_space<vmem>> -> memref<256x64xf32, #tpu.memory_space<vmem>>
    %dma_wait3A_2227 = arith.constant 0 : i32
    %dma_wait3A_2228 = tpu.memref_slice %arg5[%add3A_2220, %dma_wait3A_2227] : memref<327680x64xf32, #tpu.memory_space<hbm>> -> memref<256x64xf32, #tpu.memory_space<hbm>>
    %dma_wait3A_2229 = tpu.memref_slice %arg11[%dma_wait3A_2222] : memref<3x!tpu.dma_semaphore, #tpu.memory_space<semaphore_mem>> -> memref<1x!tpu.dma_semaphore, #tpu.memory_space<semaphore_mem>>
    %dma_wait3A_2230 = tpu.memref_squeeze %dma_wait3A_2229 : memref<1x!tpu.dma_semaphore, #tpu.memory_space<semaphore_mem>> -> memref<!tpu.dma_semaphore, #tpu.memory_space<semaphore_mem>>
    %dma_wait3A_2231 = arith.constant 0 : i32
    %dma_wait3A_2232 = tpu.memref_slice %arg5[%add3A_2220, %dma_wait3A_2231] : memref<327680x64xf32, #tpu.memory_space<hbm>> -> memref<256x64xf32, #tpu.memory_space<hbm>>
    %dma_wait3A_2233 = arith.constant 0 : i32
    %dma_wait3A_2234 = arith.constant 0 : i32
    %dma_wait3A_2235 = tpu.memref_slice %arg8[%dma_wait3A_2221, %dma_wait3A_2233, %dma_wait3A_2234] : memref<3x256x128xf32, #tpu.memory_space<vmem>> -> memref<1x256x64xf32, #tpu.memory_space<vmem>>
    %dma_wait3A_2236 = tpu.memref_squeeze %dma_wait3A_2235 : memref<1x256x64xf32, #tpu.memory_space<vmem>> -> memref<256x64xf32, #tpu.memory_space<vmem>>
    tpu.wait_dma2 semaphore(%dma_wait3A_2230 : memref<!tpu.dma_semaphore, #tpu.memory_space<semaphore_mem>>) src(%dma_wait3A_2236 : memref<256x64xf32, #tpu.memory_space<vmem>>) dst(%dma_wait3A_2232 : memref<256x64xf32, #tpu.memory_space<hbm>>)
    %dma_start3A_2237 = arith.constant 1 : i32
    %dma_start3A_2238 = arith.constant 1 : i32
    %dma_start3A_2239 = arith.constant 0 : i32
    %dma_start3A_2240 = arith.constant 0 : i32
    %dma_start3A_2241 = tpu.memref_slice %arg8[%dma_start3A_2237, %dma_start3A_2239, %dma_start3A_2240] : memref<3x256x128xf32, #tpu.memory_space<vmem>> -> memref<1x256x128xf32, #tpu.memory_space<vmem>>
    %dma_start3A_2242 = tpu.memref_squeeze %dma_start3A_2241 : memref<1x256x128xf32, #tpu.memory_space<vmem>> -> memref<256x128xf32, #tpu.memory_space<vmem>>
    %dma_start3A_2243 = arith.constant 9472 : i32
    %dma_start3A_2244 = tpu.memref_slice %arg7[%dma_start3A_2243] : memref<10240xi32, #tpu.memory_space<vmem>> -> memref<256xi32, #tpu.memory_space<vmem>>
    %dma_start3A_2245 = arith.constant 0 : i32
    %dma_start3A_2246 = arith.constant 0 : i32
    %dma_start3A_2247 = tpu.memref_slice %arg3[%dma_start3A_2245, %dma_start3A_2246] : memref<1000000x128xf32, #tpu.memory_space<hbm>> -> memref<1000000x128xf32, #tpu.memory_space<hbm>>
    %dma_start3A_2248 = tpu.memref_slice %arg10[%dma_start3A_2238] : memref<3x!tpu.dma_semaphore, #tpu.memory_space<semaphore_mem>> -> memref<1x!tpu.dma_semaphore, #tpu.memory_space<semaphore_mem>>
    %dma_start3A_2249 = tpu.memref_squeeze %dma_start3A_2248 : memref<1x!tpu.dma_semaphore, #tpu.memory_space<semaphore_mem>> -> memref<!tpu.dma_semaphore, #tpu.memory_space<semaphore_mem>>
    tpu.enqueue_indirect_dma source(%dma_start3A_2247 : memref<1000000x128xf32, #tpu.memory_space<hbm>>) target(%dma_start3A_2242 : memref<256x128xf32, #tpu.memory_space<vmem>>) offsets(%dma_start3A_2244 : memref<256xi32, #tpu.memory_space<vmem>>) semaphore(%dma_start3A_2249 : memref<!tpu.dma_semaphore, #tpu.memory_space<semaphore_mem>>)
    %dma_wait3A_2250 = arith.constant 0 : i32
    %dma_wait3A_2251 = arith.constant 0 : i32
    %dma_wait3A_2252 = arith.constant 0 : i32
    %dma_wait3A_2253 = arith.constant 0 : i32
    %dma_wait3A_2254 = tpu.memref_slice %arg8[%dma_wait3A_2250, %dma_wait3A_2252, %dma_wait3A_2253] : memref<3x256x128xf32, #tpu.memory_space<vmem>> -> memref<1x256x128xf32, #tpu.memory_space<vmem>>
    %dma_wait3A_2255 = tpu.memref_squeeze %dma_wait3A_2254 : memref<1x256x128xf32, #tpu.memory_space<vmem>> -> memref<256x128xf32, #tpu.memory_space<vmem>>
    %dma_wait3A_2256 = arith.constant 9216 : i32
    %dma_wait3A_2257 = tpu.memref_slice %arg7[%dma_wait3A_2256] : memref<10240xi32, #tpu.memory_space<vmem>> -> memref<256xi32, #tpu.memory_space<vmem>>
    %dma_wait3A_2258 = arith.constant 0 : i32
    %dma_wait3A_2259 = arith.constant 0 : i32
    %dma_wait3A_2260 = tpu.memref_slice %arg3[%dma_wait3A_2258, %dma_wait3A_2259] : memref<1000000x128xf32, #tpu.memory_space<hbm>> -> memref<1000000x128xf32, #tpu.memory_space<hbm>>
    %dma_wait3A_2261 = tpu.memref_slice %arg10[%dma_wait3A_2251] : memref<3x!tpu.dma_semaphore, #tpu.memory_space<semaphore_mem>> -> memref<1x!tpu.dma_semaphore, #tpu.memory_space<semaphore_mem>>
    %dma_wait3A_2262 = tpu.memref_squeeze %dma_wait3A_2261 : memref<1x!tpu.dma_semaphore, #tpu.memory_space<semaphore_mem>> -> memref<!tpu.dma_semaphore, #tpu.memory_space<semaphore_mem>>
    tpu.wait_indirect_dma semaphore(%dma_wait3A_2262 : memref<!tpu.dma_semaphore, #tpu.memory_space<semaphore_mem>>) src(%dma_wait3A_2260 : memref<1000000x128xf32, #tpu.memory_space<hbm>>) dst(%dma_wait3A_2255 : memref<256x128xf32, #tpu.memory_space<vmem>>)
    %add3A_2263 = arith.constant 9216 : i32
    %add3A_2264 = arith.addi %mul3A_2, %add3A_2263 : i32
    %dma_start3A_2265 = arith.constant 0 : i32
    %dma_start3A_2266 = arith.constant 0 : i32
    %dma_start3A_2267 = arith.constant 0 : i32
    %dma_start3A_2268 = arith.constant 0 : i32
    %dma_start3A_2269 = tpu.memref_slice %arg8[%dma_start3A_2265, %dma_start3A_2267, %dma_start3A_2268] : memref<3x256x128xf32, #tpu.memory_space<vmem>> -> memref<1x256x64xf32, #tpu.memory_space<vmem>>
    %dma_start3A_2270 = tpu.memref_squeeze %dma_start3A_2269 : memref<1x256x64xf32, #tpu.memory_space<vmem>> -> memref<256x64xf32, #tpu.memory_space<vmem>>
    %dma_start3A_2271 = arith.constant 0 : i32
    %dma_start3A_2272 = tpu.memref_slice %arg5[%add3A_2264, %dma_start3A_2271] : memref<327680x64xf32, #tpu.memory_space<hbm>> -> memref<256x64xf32, #tpu.memory_space<hbm>>
    %dma_start3A_2273 = tpu.memref_slice %arg11[%dma_start3A_2266] : memref<3x!tpu.dma_semaphore, #tpu.memory_space<semaphore_mem>> -> memref<1x!tpu.dma_semaphore, #tpu.memory_space<semaphore_mem>>
    %dma_start3A_2274 = tpu.memref_squeeze %dma_start3A_2273 : memref<1x!tpu.dma_semaphore, #tpu.memory_space<semaphore_mem>> -> memref<!tpu.dma_semaphore, #tpu.memory_space<semaphore_mem>>
    %dma_start3A_2275 = arith.constant 0 : i32
    %dma_start3A_2276 = tpu.memref_slice %arg5[%add3A_2264, %dma_start3A_2275] : memref<327680x64xf32, #tpu.memory_space<hbm>> -> memref<256x64xf32, #tpu.memory_space<hbm>>
    %dma_start3A_2277 = arith.constant 0 : i32
    %dma_start3A_2278 = arith.constant 0 : i32
    %dma_start3A_2279 = tpu.memref_slice %arg8[%dma_start3A_2265, %dma_start3A_2277, %dma_start3A_2278] : memref<3x256x128xf32, #tpu.memory_space<vmem>> -> memref<1x256x64xf32, #tpu.memory_space<vmem>>
    %dma_start3A_2280 = tpu.memref_squeeze %dma_start3A_2279 : memref<1x256x64xf32, #tpu.memory_space<vmem>> -> memref<256x64xf32, #tpu.memory_space<vmem>>
    tpu.enqueue_dma source(%dma_start3A_2280 : memref<256x64xf32, #tpu.memory_space<vmem>>) target(%dma_start3A_2276 : memref<256x64xf32, #tpu.memory_space<hbm>>) target_semaphore(%dma_start3A_2274 : memref<!tpu.dma_semaphore, #tpu.memory_space<semaphore_mem>>)
    %add3A_2281 = arith.constant 8960 : i32
    %add3A_2282 = arith.addi %mul3A_2, %add3A_2281 : i32
    %dma_wait3A_2283 = arith.constant 2 : i32
    %dma_wait3A_2284 = arith.constant 2 : i32
    %dma_wait3A_2285 = arith.constant 0 : i32
    %dma_wait3A_2286 = arith.constant 0 : i32
    %dma_wait3A_2287 = tpu.memref_slice %arg8[%dma_wait3A_2283, %dma_wait3A_2285, %dma_wait3A_2286] : memref<3x256x128xf32, #tpu.memory_space<vmem>> -> memref<1x256x64xf32, #tpu.memory_space<vmem>>
    %dma_wait3A_2288 = tpu.memref_squeeze %dma_wait3A_2287 : memref<1x256x64xf32, #tpu.memory_space<vmem>> -> memref<256x64xf32, #tpu.memory_space<vmem>>
    %dma_wait3A_2289 = arith.constant 0 : i32
    %dma_wait3A_2290 = tpu.memref_slice %arg5[%add3A_2282, %dma_wait3A_2289] : memref<327680x64xf32, #tpu.memory_space<hbm>> -> memref<256x64xf32, #tpu.memory_space<hbm>>
    %dma_wait3A_2291 = tpu.memref_slice %arg11[%dma_wait3A_2284] : memref<3x!tpu.dma_semaphore, #tpu.memory_space<semaphore_mem>> -> memref<1x!tpu.dma_semaphore, #tpu.memory_space<semaphore_mem>>
    %dma_wait3A_2292 = tpu.memref_squeeze %dma_wait3A_2291 : memref<1x!tpu.dma_semaphore, #tpu.memory_space<semaphore_mem>> -> memref<!tpu.dma_semaphore, #tpu.memory_space<semaphore_mem>>
    %dma_wait3A_2293 = arith.constant 0 : i32
    %dma_wait3A_2294 = tpu.memref_slice %arg5[%add3A_2282, %dma_wait3A_2293] : memref<327680x64xf32, #tpu.memory_space<hbm>> -> memref<256x64xf32, #tpu.memory_space<hbm>>
    %dma_wait3A_2295 = arith.constant 0 : i32
    %dma_wait3A_2296 = arith.constant 0 : i32
    %dma_wait3A_2297 = tpu.memref_slice %arg8[%dma_wait3A_2283, %dma_wait3A_2295, %dma_wait3A_2296] : memref<3x256x128xf32, #tpu.memory_space<vmem>> -> memref<1x256x64xf32, #tpu.memory_space<vmem>>
    %dma_wait3A_2298 = tpu.memref_squeeze %dma_wait3A_2297 : memref<1x256x64xf32, #tpu.memory_space<vmem>> -> memref<256x64xf32, #tpu.memory_space<vmem>>
    tpu.wait_dma2 semaphore(%dma_wait3A_2292 : memref<!tpu.dma_semaphore, #tpu.memory_space<semaphore_mem>>) src(%dma_wait3A_2298 : memref<256x64xf32, #tpu.memory_space<vmem>>) dst(%dma_wait3A_2294 : memref<256x64xf32, #tpu.memory_space<hbm>>)
    %dma_start3A_2299 = arith.constant 2 : i32
    %dma_start3A_2300 = arith.constant 2 : i32
    %dma_start3A_2301 = arith.constant 0 : i32
    %dma_start3A_2302 = arith.constant 0 : i32
    %dma_start3A_2303 = tpu.memref_slice %arg8[%dma_start3A_2299, %dma_start3A_2301, %dma_start3A_2302] : memref<3x256x128xf32, #tpu.memory_space<vmem>> -> memref<1x256x128xf32, #tpu.memory_space<vmem>>
    %dma_start3A_2304 = tpu.memref_squeeze %dma_start3A_2303 : memref<1x256x128xf32, #tpu.memory_space<vmem>> -> memref<256x128xf32, #tpu.memory_space<vmem>>
    %dma_start3A_2305 = arith.constant 9728 : i32
    %dma_start3A_2306 = tpu.memref_slice %arg7[%dma_start3A_2305] : memref<10240xi32, #tpu.memory_space<vmem>> -> memref<256xi32, #tpu.memory_space<vmem>>
    %dma_start3A_2307 = arith.constant 0 : i32
    %dma_start3A_2308 = arith.constant 0 : i32
    %dma_start3A_2309 = tpu.memref_slice %arg3[%dma_start3A_2307, %dma_start3A_2308] : memref<1000000x128xf32, #tpu.memory_space<hbm>> -> memref<1000000x128xf32, #tpu.memory_space<hbm>>
    %dma_start3A_2310 = tpu.memref_slice %arg10[%dma_start3A_2300] : memref<3x!tpu.dma_semaphore, #tpu.memory_space<semaphore_mem>> -> memref<1x!tpu.dma_semaphore, #tpu.memory_space<semaphore_mem>>
    %dma_start3A_2311 = tpu.memref_squeeze %dma_start3A_2310 : memref<1x!tpu.dma_semaphore, #tpu.memory_space<semaphore_mem>> -> memref<!tpu.dma_semaphore, #tpu.memory_space<semaphore_mem>>
    tpu.enqueue_indirect_dma source(%dma_start3A_2309 : memref<1000000x128xf32, #tpu.memory_space<hbm>>) target(%dma_start3A_2304 : memref<256x128xf32, #tpu.memory_space<vmem>>) offsets(%dma_start3A_2306 : memref<256xi32, #tpu.memory_space<vmem>>) semaphore(%dma_start3A_2311 : memref<!tpu.dma_semaphore, #tpu.memory_space<semaphore_mem>>)
    %dma_wait3A_2312 = arith.constant 1 : i32
    %dma_wait3A_2313 = arith.constant 1 : i32
    %dma_wait3A_2314 = arith.constant 0 : i32
    %dma_wait3A_2315 = arith.constant 0 : i32
    %dma_wait3A_2316 = tpu.memref_slice %arg8[%dma_wait3A_2312, %dma_wait3A_2314, %dma_wait3A_2315] : memref<3x256x128xf32, #tpu.memory_space<vmem>> -> memref<1x256x128xf32, #tpu.memory_space<vmem>>
    %dma_wait3A_2317 = tpu.memref_squeeze %dma_wait3A_2316 : memref<1x256x128xf32, #tpu.memory_space<vmem>> -> memref<256x128xf32, #tpu.memory_space<vmem>>
    %dma_wait3A_2318 = arith.constant 9472 : i32
    %dma_wait3A_2319 = tpu.memref_slice %arg7[%dma_wait3A_2318] : memref<10240xi32, #tpu.memory_space<vmem>> -> memref<256xi32, #tpu.memory_space<vmem>>
    %dma_wait3A_2320 = arith.constant 0 : i32
    %dma_wait3A_2321 = arith.constant 0 : i32
    %dma_wait3A_2322 = tpu.memref_slice %arg3[%dma_wait3A_2320, %dma_wait3A_2321] : memref<1000000x128xf32, #tpu.memory_space<hbm>> -> memref<1000000x128xf32, #tpu.memory_space<hbm>>
    %dma_wait3A_2323 = tpu.memref_slice %arg10[%dma_wait3A_2313] : memref<3x!tpu.dma_semaphore, #tpu.memory_space<semaphore_mem>> -> memref<1x!tpu.dma_semaphore, #tpu.memory_space<semaphore_mem>>
    %dma_wait3A_2324 = tpu.memref_squeeze %dma_wait3A_2323 : memref<1x!tpu.dma_semaphore, #tpu.memory_space<semaphore_mem>> -> memref<!tpu.dma_semaphore, #tpu.memory_space<semaphore_mem>>
    tpu.wait_indirect_dma semaphore(%dma_wait3A_2324 : memref<!tpu.dma_semaphore, #tpu.memory_space<semaphore_mem>>) src(%dma_wait3A_2322 : memref<1000000x128xf32, #tpu.memory_space<hbm>>) dst(%dma_wait3A_2317 : memref<256x128xf32, #tpu.memory_space<vmem>>)
    %add3A_2325 = arith.constant 9472 : i32
    %add3A_2326 = arith.addi %mul3A_2, %add3A_2325 : i32
    %dma_start3A_2327 = arith.constant 1 : i32
    %dma_start3A_2328 = arith.constant 1 : i32
    %dma_start3A_2329 = arith.constant 0 : i32
    %dma_start3A_2330 = arith.constant 0 : i32
    %dma_start3A_2331 = tpu.memref_slice %arg8[%dma_start3A_2327, %dma_start3A_2329, %dma_start3A_2330] : memref<3x256x128xf32, #tpu.memory_space<vmem>> -> memref<1x256x64xf32, #tpu.memory_space<vmem>>
    %dma_start3A_2332 = tpu.memref_squeeze %dma_start3A_2331 : memref<1x256x64xf32, #tpu.memory_space<vmem>> -> memref<256x64xf32, #tpu.memory_space<vmem>>
    %dma_start3A_2333 = arith.constant 0 : i32
    %dma_start3A_2334 = tpu.memref_slice %arg5[%add3A_2326, %dma_start3A_2333] : memref<327680x64xf32, #tpu.memory_space<hbm>> -> memref<256x64xf32, #tpu.memory_space<hbm>>
    %dma_start3A_2335 = tpu.memref_slice %arg11[%dma_start3A_2328] : memref<3x!tpu.dma_semaphore, #tpu.memory_space<semaphore_mem>> -> memref<1x!tpu.dma_semaphore, #tpu.memory_space<semaphore_mem>>
    %dma_start3A_2336 = tpu.memref_squeeze %dma_start3A_2335 : memref<1x!tpu.dma_semaphore, #tpu.memory_space<semaphore_mem>> -> memref<!tpu.dma_semaphore, #tpu.memory_space<semaphore_mem>>
    %dma_start3A_2337 = arith.constant 0 : i32
    %dma_start3A_2338 = tpu.memref_slice %arg5[%add3A_2326, %dma_start3A_2337] : memref<327680x64xf32, #tpu.memory_space<hbm>> -> memref<256x64xf32, #tpu.memory_space<hbm>>
    %dma_start3A_2339 = arith.constant 0 : i32
    %dma_start3A_2340 = arith.constant 0 : i32
    %dma_start3A_2341 = tpu.memref_slice %arg8[%dma_start3A_2327, %dma_start3A_2339, %dma_start3A_2340] : memref<3x256x128xf32, #tpu.memory_space<vmem>> -> memref<1x256x64xf32, #tpu.memory_space<vmem>>
    %dma_start3A_2342 = tpu.memref_squeeze %dma_start3A_2341 : memref<1x256x64xf32, #tpu.memory_space<vmem>> -> memref<256x64xf32, #tpu.memory_space<vmem>>
    tpu.enqueue_dma source(%dma_start3A_2342 : memref<256x64xf32, #tpu.memory_space<vmem>>) target(%dma_start3A_2338 : memref<256x64xf32, #tpu.memory_space<hbm>>) target_semaphore(%dma_start3A_2336 : memref<!tpu.dma_semaphore, #tpu.memory_space<semaphore_mem>>)
    %add3A_2343 = arith.constant 9216 : i32
    %add3A_2344 = arith.addi %mul3A_2, %add3A_2343 : i32
    %dma_wait3A_2345 = arith.constant 0 : i32
    %dma_wait3A_2346 = arith.constant 0 : i32
    %dma_wait3A_2347 = arith.constant 0 : i32
    %dma_wait3A_2348 = arith.constant 0 : i32
    %dma_wait3A_2349 = tpu.memref_slice %arg8[%dma_wait3A_2345, %dma_wait3A_2347, %dma_wait3A_2348] : memref<3x256x128xf32, #tpu.memory_space<vmem>> -> memref<1x256x64xf32, #tpu.memory_space<vmem>>
    %dma_wait3A_2350 = tpu.memref_squeeze %dma_wait3A_2349 : memref<1x256x64xf32, #tpu.memory_space<vmem>> -> memref<256x64xf32, #tpu.memory_space<vmem>>
    %dma_wait3A_2351 = arith.constant 0 : i32
    %dma_wait3A_2352 = tpu.memref_slice %arg5[%add3A_2344, %dma_wait3A_2351] : memref<327680x64xf32, #tpu.memory_space<hbm>> -> memref<256x64xf32, #tpu.memory_space<hbm>>
    %dma_wait3A_2353 = tpu.memref_slice %arg11[%dma_wait3A_2346] : memref<3x!tpu.dma_semaphore, #tpu.memory_space<semaphore_mem>> -> memref<1x!tpu.dma_semaphore, #tpu.memory_space<semaphore_mem>>
    %dma_wait3A_2354 = tpu.memref_squeeze %dma_wait3A_2353 : memref<1x!tpu.dma_semaphore, #tpu.memory_space<semaphore_mem>> -> memref<!tpu.dma_semaphore, #tpu.memory_space<semaphore_mem>>
    %dma_wait3A_2355 = arith.constant 0 : i32
    %dma_wait3A_2356 = tpu.memref_slice %arg5[%add3A_2344, %dma_wait3A_2355] : memref<327680x64xf32, #tpu.memory_space<hbm>> -> memref<256x64xf32, #tpu.memory_space<hbm>>
    %dma_wait3A_2357 = arith.constant 0 : i32
    %dma_wait3A_2358 = arith.constant 0 : i32
    %dma_wait3A_2359 = tpu.memref_slice %arg8[%dma_wait3A_2345, %dma_wait3A_2357, %dma_wait3A_2358] : memref<3x256x128xf32, #tpu.memory_space<vmem>> -> memref<1x256x64xf32, #tpu.memory_space<vmem>>
    %dma_wait3A_2360 = tpu.memref_squeeze %dma_wait3A_2359 : memref<1x256x64xf32, #tpu.memory_space<vmem>> -> memref<256x64xf32, #tpu.memory_space<vmem>>
    tpu.wait_dma2 semaphore(%dma_wait3A_2354 : memref<!tpu.dma_semaphore, #tpu.memory_space<semaphore_mem>>) src(%dma_wait3A_2360 : memref<256x64xf32, #tpu.memory_space<vmem>>) dst(%dma_wait3A_2356 : memref<256x64xf32, #tpu.memory_space<hbm>>)
    %dma_start3A_2361 = arith.constant 0 : i32
    %dma_start3A_2362 = arith.constant 0 : i32
    %dma_start3A_2363 = arith.constant 0 : i32
    %dma_start3A_2364 = arith.constant 0 : i32
    %dma_start3A_2365 = tpu.memref_slice %arg8[%dma_start3A_2361, %dma_start3A_2363, %dma_start3A_2364] : memref<3x256x128xf32, #tpu.memory_space<vmem>> -> memref<1x256x128xf32, #tpu.memory_space<vmem>>
    %dma_start3A_2366 = tpu.memref_squeeze %dma_start3A_2365 : memref<1x256x128xf32, #tpu.memory_space<vmem>> -> memref<256x128xf32, #tpu.memory_space<vmem>>
    %dma_start3A_2367 = arith.constant 9984 : i32
    %dma_start3A_2368 = tpu.memref_slice %arg7[%dma_start3A_2367] : memref<10240xi32, #tpu.memory_space<vmem>> -> memref<256xi32, #tpu.memory_space<vmem>>
    %dma_start3A_2369 = arith.constant 0 : i32
    %dma_start3A_2370 = arith.constant 0 : i32
    %dma_start3A_2371 = tpu.memref_slice %arg3[%dma_start3A_2369, %dma_start3A_2370] : memref<1000000x128xf32, #tpu.memory_space<hbm>> -> memref<1000000x128xf32, #tpu.memory_space<hbm>>
    %dma_start3A_2372 = tpu.memref_slice %arg10[%dma_start3A_2362] : memref<3x!tpu.dma_semaphore, #tpu.memory_space<semaphore_mem>> -> memref<1x!tpu.dma_semaphore, #tpu.memory_space<semaphore_mem>>
    %dma_start3A_2373 = tpu.memref_squeeze %dma_start3A_2372 : memref<1x!tpu.dma_semaphore, #tpu.memory_space<semaphore_mem>> -> memref<!tpu.dma_semaphore, #tpu.memory_space<semaphore_mem>>
    tpu.enqueue_indirect_dma source(%dma_start3A_2371 : memref<1000000x128xf32, #tpu.memory_space<hbm>>) target(%dma_start3A_2366 : memref<256x128xf32, #tpu.memory_space<vmem>>) offsets(%dma_start3A_2368 : memref<256xi32, #tpu.memory_space<vmem>>) semaphore(%dma_start3A_2373 : memref<!tpu.dma_semaphore, #tpu.memory_space<semaphore_mem>>)
    %dma_wait3A_2374 = arith.constant 2 : i32
    %dma_wait3A_2375 = arith.constant 2 : i32
    %dma_wait3A_2376 = arith.constant 0 : i32
    %dma_wait3A_2377 = arith.constant 0 : i32
    %dma_wait3A_2378 = tpu.memref_slice %arg8[%dma_wait3A_2374, %dma_wait3A_2376, %dma_wait3A_2377] : memref<3x256x128xf32, #tpu.memory_space<vmem>> -> memref<1x256x128xf32, #tpu.memory_space<vmem>>
    %dma_wait3A_2379 = tpu.memref_squeeze %dma_wait3A_2378 : memref<1x256x128xf32, #tpu.memory_space<vmem>> -> memref<256x128xf32, #tpu.memory_space<vmem>>
    %dma_wait3A_2380 = arith.constant 9728 : i32
    %dma_wait3A_2381 = tpu.memref_slice %arg7[%dma_wait3A_2380] : memref<10240xi32, #tpu.memory_space<vmem>> -> memref<256xi32, #tpu.memory_space<vmem>>
    %dma_wait3A_2382 = arith.constant 0 : i32
    %dma_wait3A_2383 = arith.constant 0 : i32
    %dma_wait3A_2384 = tpu.memref_slice %arg3[%dma_wait3A_2382, %dma_wait3A_2383] : memref<1000000x128xf32, #tpu.memory_space<hbm>> -> memref<1000000x128xf32, #tpu.memory_space<hbm>>
    %dma_wait3A_2385 = tpu.memref_slice %arg10[%dma_wait3A_2375] : memref<3x!tpu.dma_semaphore, #tpu.memory_space<semaphore_mem>> -> memref<1x!tpu.dma_semaphore, #tpu.memory_space<semaphore_mem>>
    %dma_wait3A_2386 = tpu.memref_squeeze %dma_wait3A_2385 : memref<1x!tpu.dma_semaphore, #tpu.memory_space<semaphore_mem>> -> memref<!tpu.dma_semaphore, #tpu.memory_space<semaphore_mem>>
    tpu.wait_indirect_dma semaphore(%dma_wait3A_2386 : memref<!tpu.dma_semaphore, #tpu.memory_space<semaphore_mem>>) src(%dma_wait3A_2384 : memref<1000000x128xf32, #tpu.memory_space<hbm>>) dst(%dma_wait3A_2379 : memref<256x128xf32, #tpu.memory_space<vmem>>)
    %add3A_2387 = arith.constant 9728 : i32
    %add3A_2388 = arith.addi %mul3A_2, %add3A_2387 : i32
    %dma_start3A_2389 = arith.constant 2 : i32
    %dma_start3A_2390 = arith.constant 2 : i32
    %dma_start3A_2391 = arith.constant 0 : i32
    %dma_start3A_2392 = arith.constant 0 : i32
    %dma_start3A_2393 = tpu.memref_slice %arg8[%dma_start3A_2389, %dma_start3A_2391, %dma_start3A_2392] : memref<3x256x128xf32, #tpu.memory_space<vmem>> -> memref<1x256x64xf32, #tpu.memory_space<vmem>>
    %dma_start3A_2394 = tpu.memref_squeeze %dma_start3A_2393 : memref<1x256x64xf32, #tpu.memory_space<vmem>> -> memref<256x64xf32, #tpu.memory_space<vmem>>
    %dma_start3A_2395 = arith.constant 0 : i32
    %dma_start3A_2396 = tpu.memref_slice %arg5[%add3A_2388, %dma_start3A_2395] : memref<327680x64xf32, #tpu.memory_space<hbm>> -> memref<256x64xf32, #tpu.memory_space<hbm>>
    %dma_start3A_2397 = tpu.memref_slice %arg11[%dma_start3A_2390] : memref<3x!tpu.dma_semaphore, #tpu.memory_space<semaphore_mem>> -> memref<1x!tpu.dma_semaphore, #tpu.memory_space<semaphore_mem>>
    %dma_start3A_2398 = tpu.memref_squeeze %dma_start3A_2397 : memref<1x!tpu.dma_semaphore, #tpu.memory_space<semaphore_mem>> -> memref<!tpu.dma_semaphore, #tpu.memory_space<semaphore_mem>>
    %dma_start3A_2399 = arith.constant 0 : i32
    %dma_start3A_2400 = tpu.memref_slice %arg5[%add3A_2388, %dma_start3A_2399] : memref<327680x64xf32, #tpu.memory_space<hbm>> -> memref<256x64xf32, #tpu.memory_space<hbm>>
    %dma_start3A_2401 = arith.constant 0 : i32
    %dma_start3A_2402 = arith.constant 0 : i32
    %dma_start3A_2403 = tpu.memref_slice %arg8[%dma_start3A_2389, %dma_start3A_2401, %dma_start3A_2402] : memref<3x256x128xf32, #tpu.memory_space<vmem>> -> memref<1x256x64xf32, #tpu.memory_space<vmem>>
    %dma_start3A_2404 = tpu.memref_squeeze %dma_start3A_2403 : memref<1x256x64xf32, #tpu.memory_space<vmem>> -> memref<256x64xf32, #tpu.memory_space<vmem>>
    tpu.enqueue_dma source(%dma_start3A_2404 : memref<256x64xf32, #tpu.memory_space<vmem>>) target(%dma_start3A_2400 : memref<256x64xf32, #tpu.memory_space<hbm>>) target_semaphore(%dma_start3A_2398 : memref<!tpu.dma_semaphore, #tpu.memory_space<semaphore_mem>>)
    %dma_wait3A_2405 = arith.constant 0 : i32
    %dma_wait3A_2406 = arith.constant 0 : i32
    %dma_wait3A_2407 = arith.constant 0 : i32
    %dma_wait3A_2408 = arith.constant 0 : i32
    %dma_wait3A_2409 = tpu.memref_slice %arg8[%dma_wait3A_2405, %dma_wait3A_2407, %dma_wait3A_2408] : memref<3x256x128xf32, #tpu.memory_space<vmem>> -> memref<1x256x128xf32, #tpu.memory_space<vmem>>
    %dma_wait3A_2410 = tpu.memref_squeeze %dma_wait3A_2409 : memref<1x256x128xf32, #tpu.memory_space<vmem>> -> memref<256x128xf32, #tpu.memory_space<vmem>>
    %dma_wait3A_2411 = arith.constant 9984 : i32
    %dma_wait3A_2412 = tpu.memref_slice %arg7[%dma_wait3A_2411] : memref<10240xi32, #tpu.memory_space<vmem>> -> memref<256xi32, #tpu.memory_space<vmem>>
    %dma_wait3A_2413 = arith.constant 0 : i32
    %dma_wait3A_2414 = arith.constant 0 : i32
    %dma_wait3A_2415 = tpu.memref_slice %arg3[%dma_wait3A_2413, %dma_wait3A_2414] : memref<1000000x128xf32, #tpu.memory_space<hbm>> -> memref<1000000x128xf32, #tpu.memory_space<hbm>>
    %dma_wait3A_2416 = tpu.memref_slice %arg10[%dma_wait3A_2406] : memref<3x!tpu.dma_semaphore, #tpu.memory_space<semaphore_mem>> -> memref<1x!tpu.dma_semaphore, #tpu.memory_space<semaphore_mem>>
    %dma_wait3A_2417 = tpu.memref_squeeze %dma_wait3A_2416 : memref<1x!tpu.dma_semaphore, #tpu.memory_space<semaphore_mem>> -> memref<!tpu.dma_semaphore, #tpu.memory_space<semaphore_mem>>
    tpu.wait_indirect_dma semaphore(%dma_wait3A_2417 : memref<!tpu.dma_semaphore, #tpu.memory_space<semaphore_mem>>) src(%dma_wait3A_2415 : memref<1000000x128xf32, #tpu.memory_space<hbm>>) dst(%dma_wait3A_2410 : memref<256x128xf32, #tpu.memory_space<vmem>>)
    %add3A_2418 = arith.constant 9984 : i32
    %add3A_2419 = arith.addi %mul3A_2, %add3A_2418 : i32
    %dma_start3A_2420 = arith.constant 0 : i32
    %dma_start3A_2421 = arith.constant 0 : i32
    %dma_start3A_2422 = arith.constant 0 : i32
    %dma_start3A_2423 = arith.constant 0 : i32
    %dma_start3A_2424 = tpu.memref_slice %arg8[%dma_start3A_2420, %dma_start3A_2422, %dma_start3A_2423] : memref<3x256x128xf32, #tpu.memory_space<vmem>> -> memref<1x256x64xf32, #tpu.memory_space<vmem>>
    %dma_start3A_2425 = tpu.memref_squeeze %dma_start3A_2424 : memref<1x256x64xf32, #tpu.memory_space<vmem>> -> memref<256x64xf32, #tpu.memory_space<vmem>>
    %dma_start3A_2426 = arith.constant 0 : i32
    %dma_start3A_2427 = tpu.memref_slice %arg5[%add3A_2419, %dma_start3A_2426] : memref<327680x64xf32, #tpu.memory_space<hbm>> -> memref<256x64xf32, #tpu.memory_space<hbm>>
    %dma_start3A_2428 = tpu.memref_slice %arg11[%dma_start3A_2421] : memref<3x!tpu.dma_semaphore, #tpu.memory_space<semaphore_mem>> -> memref<1x!tpu.dma_semaphore, #tpu.memory_space<semaphore_mem>>
    %dma_start3A_2429 = tpu.memref_squeeze %dma_start3A_2428 : memref<1x!tpu.dma_semaphore, #tpu.memory_space<semaphore_mem>> -> memref<!tpu.dma_semaphore, #tpu.memory_space<semaphore_mem>>
    %dma_start3A_2430 = arith.constant 0 : i32
    %dma_start3A_2431 = tpu.memref_slice %arg5[%add3A_2419, %dma_start3A_2430] : memref<327680x64xf32, #tpu.memory_space<hbm>> -> memref<256x64xf32, #tpu.memory_space<hbm>>
    %dma_start3A_2432 = arith.constant 0 : i32
    %dma_start3A_2433 = arith.constant 0 : i32
    %dma_start3A_2434 = tpu.memref_slice %arg8[%dma_start3A_2420, %dma_start3A_2432, %dma_start3A_2433] : memref<3x256x128xf32, #tpu.memory_space<vmem>> -> memref<1x256x64xf32, #tpu.memory_space<vmem>>
    %dma_start3A_2435 = tpu.memref_squeeze %dma_start3A_2434 : memref<1x256x64xf32, #tpu.memory_space<vmem>> -> memref<256x64xf32, #tpu.memory_space<vmem>>
    tpu.enqueue_dma source(%dma_start3A_2435 : memref<256x64xf32, #tpu.memory_space<vmem>>) target(%dma_start3A_2431 : memref<256x64xf32, #tpu.memory_space<hbm>>) target_semaphore(%dma_start3A_2429 : memref<!tpu.dma_semaphore, #tpu.memory_space<semaphore_mem>>)
    %add3A_2436 = arith.constant 9728 : i32
    %add3A_2437 = arith.addi %mul3A_2, %add3A_2436 : i32
    %dma_wait3A_2438 = arith.constant 2 : i32
    %dma_wait3A_2439 = arith.constant 2 : i32
    %dma_wait3A_2440 = arith.constant 0 : i32
    %dma_wait3A_2441 = arith.constant 0 : i32
    %dma_wait3A_2442 = tpu.memref_slice %arg8[%dma_wait3A_2438, %dma_wait3A_2440, %dma_wait3A_2441] : memref<3x256x128xf32, #tpu.memory_space<vmem>> -> memref<1x256x64xf32, #tpu.memory_space<vmem>>
    %dma_wait3A_2443 = tpu.memref_squeeze %dma_wait3A_2442 : memref<1x256x64xf32, #tpu.memory_space<vmem>> -> memref<256x64xf32, #tpu.memory_space<vmem>>
    %dma_wait3A_2444 = arith.constant 0 : i32
    %dma_wait3A_2445 = tpu.memref_slice %arg5[%add3A_2437, %dma_wait3A_2444] : memref<327680x64xf32, #tpu.memory_space<hbm>> -> memref<256x64xf32, #tpu.memory_space<hbm>>
    %dma_wait3A_2446 = tpu.memref_slice %arg11[%dma_wait3A_2439] : memref<3x!tpu.dma_semaphore, #tpu.memory_space<semaphore_mem>> -> memref<1x!tpu.dma_semaphore, #tpu.memory_space<semaphore_mem>>
    %dma_wait3A_2447 = tpu.memref_squeeze %dma_wait3A_2446 : memref<1x!tpu.dma_semaphore, #tpu.memory_space<semaphore_mem>> -> memref<!tpu.dma_semaphore, #tpu.memory_space<semaphore_mem>>
    %dma_wait3A_2448 = arith.constant 0 : i32
    %dma_wait3A_2449 = tpu.memref_slice %arg5[%add3A_2437, %dma_wait3A_2448] : memref<327680x64xf32, #tpu.memory_space<hbm>> -> memref<256x64xf32, #tpu.memory_space<hbm>>
    %dma_wait3A_2450 = arith.constant 0 : i32
    %dma_wait3A_2451 = arith.constant 0 : i32
    %dma_wait3A_2452 = tpu.memref_slice %arg8[%dma_wait3A_2438, %dma_wait3A_2450, %dma_wait3A_2451] : memref<3x256x128xf32, #tpu.memory_space<vmem>> -> memref<1x256x64xf32, #tpu.memory_space<vmem>>
    %dma_wait3A_2453 = tpu.memref_squeeze %dma_wait3A_2452 : memref<1x256x64xf32, #tpu.memory_space<vmem>> -> memref<256x64xf32, #tpu.memory_space<vmem>>
    tpu.wait_dma2 semaphore(%dma_wait3A_2447 : memref<!tpu.dma_semaphore, #tpu.memory_space<semaphore_mem>>) src(%dma_wait3A_2453 : memref<256x64xf32, #tpu.memory_space<vmem>>) dst(%dma_wait3A_2449 : memref<256x64xf32, #tpu.memory_space<hbm>>)
    %add3A_2454 = arith.constant 9984 : i32
    %add3A_2455 = arith.addi %mul3A_2, %add3A_2454 : i32
    %dma_wait3A_2456 = arith.constant 0 : i32
    %dma_wait3A_2457 = arith.constant 0 : i32
    %dma_wait3A_2458 = arith.constant 0 : i32
    %dma_wait3A_2459 = arith.constant 0 : i32
    %dma_wait3A_2460 = tpu.memref_slice %arg8[%dma_wait3A_2456, %dma_wait3A_2458, %dma_wait3A_2459] : memref<3x256x128xf32, #tpu.memory_space<vmem>> -> memref<1x256x64xf32, #tpu.memory_space<vmem>>
    %dma_wait3A_2461 = tpu.memref_squeeze %dma_wait3A_2460 : memref<1x256x64xf32, #tpu.memory_space<vmem>> -> memref<256x64xf32, #tpu.memory_space<vmem>>
    %dma_wait3A_2462 = arith.constant 0 : i32
    %dma_wait3A_2463 = tpu.memref_slice %arg5[%add3A_2455, %dma_wait3A_2462] : memref<327680x64xf32, #tpu.memory_space<hbm>> -> memref<256x64xf32, #tpu.memory_space<hbm>>
    %dma_wait3A_2464 = tpu.memref_slice %arg11[%dma_wait3A_2457] : memref<3x!tpu.dma_semaphore, #tpu.memory_space<semaphore_mem>> -> memref<1x!tpu.dma_semaphore, #tpu.memory_space<semaphore_mem>>
    %dma_wait3A_2465 = tpu.memref_squeeze %dma_wait3A_2464 : memref<1x!tpu.dma_semaphore, #tpu.memory_space<semaphore_mem>> -> memref<!tpu.dma_semaphore, #tpu.memory_space<semaphore_mem>>
    %dma_wait3A_2466 = arith.constant 0 : i32
    %dma_wait3A_2467 = tpu.memref_slice %arg5[%add3A_2455, %dma_wait3A_2466] : memref<327680x64xf32, #tpu.memory_space<hbm>> -> memref<256x64xf32, #tpu.memory_space<hbm>>
    %dma_wait3A_2468 = arith.constant 0 : i32
    %dma_wait3A_2469 = arith.constant 0 : i32
    %dma_wait3A_2470 = tpu.memref_slice %arg8[%dma_wait3A_2456, %dma_wait3A_2468, %dma_wait3A_2469] : memref<3x256x128xf32, #tpu.memory_space<vmem>> -> memref<1x256x64xf32, #tpu.memory_space<vmem>>
    %dma_wait3A_2471 = tpu.memref_squeeze %dma_wait3A_2470 : memref<1x256x64xf32, #tpu.memory_space<vmem>> -> memref<256x64xf32, #tpu.memory_space<vmem>>
    tpu.wait_dma2 semaphore(%dma_wait3A_2465 : memref<!tpu.dma_semaphore, #tpu.memory_space<semaphore_mem>>) src(%dma_wait3A_2471 : memref<256x64xf32, #tpu.memory_space<vmem>>) dst(%dma_wait3A_2467 : memref<256x64xf32, #tpu.memory_space<hbm>>)
    %add3A_2472 = arith.constant 9472 : i32
    %add3A_2473 = arith.addi %mul3A_2, %add3A_2472 : i32
    %dma_wait3A_2474 = arith.constant 1 : i32
    %dma_wait3A_2475 = arith.constant 1 : i32
    %dma_wait3A_2476 = arith.constant 0 : i32
    %dma_wait3A_2477 = arith.constant 0 : i32
    %dma_wait3A_2478 = tpu.memref_slice %arg8[%dma_wait3A_2474, %dma_wait3A_2476, %dma_wait3A_2477] : memref<3x256x128xf32, #tpu.memory_space<vmem>> -> memref<1x256x64xf32, #tpu.memory_space<vmem>>
    %dma_wait3A_2479 = tpu.memref_squeeze %dma_wait3A_2478 : memref<1x256x64xf32, #tpu.memory_space<vmem>> -> memref<256x64xf32, #tpu.memory_space<vmem>>
    %dma_wait3A_2480 = arith.constant 0 : i32
    %dma_wait3A_2481 = tpu.memref_slice %arg5[%add3A_2473, %dma_wait3A_2480] : memref<327680x64xf32, #tpu.memory_space<hbm>> -> memref<256x64xf32, #tpu.memory_space<hbm>>
    %dma_wait3A_2482 = tpu.memref_slice %arg11[%dma_wait3A_2475] : memref<3x!tpu.dma_semaphore, #tpu.memory_space<semaphore_mem>> -> memref<1x!tpu.dma_semaphore, #tpu.memory_space<semaphore_mem>>
    %dma_wait3A_2483 = tpu.memref_squeeze %dma_wait3A_2482 : memref<1x!tpu.dma_semaphore, #tpu.memory_space<semaphore_mem>> -> memref<!tpu.dma_semaphore, #tpu.memory_space<semaphore_mem>>
    %dma_wait3A_2484 = arith.constant 0 : i32
    %dma_wait3A_2485 = tpu.memref_slice %arg5[%add3A_2473, %dma_wait3A_2484] : memref<327680x64xf32, #tpu.memory_space<hbm>> -> memref<256x64xf32, #tpu.memory_space<hbm>>
    %dma_wait3A_2486 = arith.constant 0 : i32
    %dma_wait3A_2487 = arith.constant 0 : i32
    %dma_wait3A_2488 = tpu.memref_slice %arg8[%dma_wait3A_2474, %dma_wait3A_2486, %dma_wait3A_2487] : memref<3x256x128xf32, #tpu.memory_space<vmem>> -> memref<1x256x64xf32, #tpu.memory_space<vmem>>
    %dma_wait3A_2489 = tpu.memref_squeeze %dma_wait3A_2488 : memref<1x256x64xf32, #tpu.memory_space<vmem>> -> memref<256x64xf32, #tpu.memory_space<vmem>>
    tpu.wait_dma2 semaphore(%dma_wait3A_2483 : memref<!tpu.dma_semaphore, #tpu.memory_space<semaphore_mem>>) src(%dma_wait3A_2489 : memref<256x64xf32, #tpu.memory_space<vmem>>) dst(%dma_wait3A_2485 : memref<256x64xf32, #tpu.memory_space<hbm>>)
    %gt3A = arith.constant 0 : i32
    %gt3A_2490 = arith.cmpi sgt, %reduce_sum3A_11, %gt3A : i32
    %convert_element_type3A = arith.extui %gt3A_2490 : i1 to i32
    %cond3A = arith.constant 0 : i32
    %cond3A_2491 = arith.cmpi ne, %convert_element_type3A, %cond3A : i32
    scf.if %cond3A_2491 {
      %scan3A_2492 = arith.constant 0 : i32
      %scan3A_2493 = arith.constant 640 : i32
      %scan3A_2494 = arith.addi %scan3A_2492, %scan3A_2493 : i32
      %scan3A_2495 = arith.constant 1 : i32
      scf.for %scan3A_2497 = %scan3A_2492 to %scan3A_2494 step %scan3A_2495  : i32 {
        %mul3A_2498 = arith.constant 1 : i32
        %mul3A_2499 = arith.muli %scan3A_2497, %mul3A_2498 : i32
        %add3A_2500 = arith.constant 0 : i32
        %add3A_2501 = arith.addi %add3A_2500, %mul3A_2499 : i32
        %mul3A_2502 = arith.constant 16 : i32
        %mul3A_2503 = arith.muli %add3A_2501, %mul3A_2502 : i32
        %get3A = arith.index_cast %mul3A_2503 : i32 to index
        %get3A_2504 = tpu.vector_load %arg6[%get3A] {strides = array<i32>} : memref<10240xi32, #tpu.memory_space<vmem>>, vector<16xi32>,
        %ge3A = arith.constant 1000000 : i32
        %ge3A_2505 = vector.broadcast %ge3A : i32 to vector<16xi32>
        %ge3A_2506 = arith.cmpi sge, %get3A_2504, %ge3A_2505 : vector<16xi32>
        %convert_element_type3A_2507 = arith.extui %ge3A_2506 : vector<16xi1> to vector<16xi32>
        %reduce_sum3A_2508 = arith.constant true
        %reduce_sum3A_2509 = vector.broadcast %reduce_sum3A_2508 : i1 to vector<16xi1>
        %reduce_sum3A_2510 = tpu.scan <sum>, %convert_element_type3A_2507 masked %reduce_sum3A_2509 : vector<16xi32>, vector<16xi1> -> vector<16xi32>
        %reduce_sum3A_2511 = vector.extract %reduce_sum3A_2510[15] : i32 from vector<16xi32>
        %gt3A_2512 = arith.constant 0 : i32
        %gt3A_2513 = arith.cmpi sgt, %reduce_sum3A_2511, %gt3A_2512 : i32
        %convert_element_type3A_2514 = arith.extui %gt3A_2513 : i1 to i32
        %cond3A_2515 = arith.constant 0 : i32
        %cond3A_2516 = arith.cmpi ne, %convert_element_type3A_2514, %cond3A_2515 : i32
        scf.if %cond3A_2516 {
          %sub3A = arith.constant 1000000 : i32
          %sub3A_2517 = vector.broadcast %sub3A : i32 to vector<16xi32>
          %sub3A_2518 = arith.subi %get3A_2504, %sub3A_2517 : vector<16xi32>
          %min3A = arith.constant 63 : i32
          %min3A_2519 = vector.broadcast %min3A : i32 to vector<16xi32>
          %min3A_2520 = arith.minsi %sub3A_2518, %min3A_2519 : vector<16xi32>
          %mul3A_2521 = arith.constant 16 : i32
          %mul3A_2522 = arith.muli %add3A_2501, %mul3A_2521 : i32
          %add3A_2523 = arith.addi %mul3A_2, %mul3A_2522 : i32
          %add3A_2524 = vector.broadcast %add3A_2523 : i32 to vector<16xi32>
          %add3A_2525 = arith.addi %add3A_2524, %iota3A : vector<16xi32>
          %mul3A_2526 = arith.constant 64 : i32
          %mul3A_2527 = vector.broadcast %mul3A_2526 : i32 to vector<16xi32>
          %mul3A_2528 = arith.muli %add3A_2525, %mul3A_2527 : vector<16xi32>
          %add3A_2529 = arith.addi %mul3A_2528, %min3A_2520 : vector<16xi32>
          %jit3A = arith.constant -1 : i32
          %broadcast_in_dim3A_2530 = vector.broadcast %jit3A : i32 to vector<16xi32>
          %select_n3A = arith.select %ge3A_2506, %add3A_2529, %broadcast_in_dim3A_2530 : vector<16xi1>, vector<16xi32>
          %reduce_max3A = arith.constant true
          %reduce_max3A_2531 = vector.broadcast %reduce_max3A : i1 to vector<16xi1>
          %reduce_max3A_2532 = arith.constant -2147483648 : i32
          %reduce_max3A_2533 = vector.broadcast %reduce_max3A_2532 : i32 to vector<16xi32>
          %reduce_max3A_2534 = arith.xori %select_n3A, %reduce_max3A_2533 : vector<16xi32>
          %reduce_max3A_2535 = tpu.scan <max>, %reduce_max3A_2534 masked %reduce_max3A_2531 : vector<16xi32>, vector<16xi1> -> vector<16xi32>
          %reduce_max3A_2536 = arith.xori %reduce_max3A_2535, %reduce_max3A_2533 : vector<16xi32>
          %reduce_max3A_2537 = vector.extract %reduce_max3A_2536[15] : i32 from vector<16xi32>
          %and3A = arith.constant 63 : i32
          %and3A_2538 = arith.andi %reduce_max3A_2537, %and3A : i32
          %broadcast_in_dim3A_2539 = vector.broadcast %and3A_2538 : i32 to vector<16xi32>
          %select_n3A_2540 = arith.select %ge3A_2506, %min3A_2520, %broadcast_in_dim3A_2539 : vector<16xi1>, vector<16xi32>
          %shift_right_arithmetic3A = arith.constant 6 : i32
          %shift_right_arithmetic3A_2541 = arith.shrsi %reduce_max3A_2537, %shift_right_arithmetic3A : i32
          %broadcast_in_dim3A_2542 = vector.broadcast %shift_right_arithmetic3A_2541 : i32 to vector<16xi32>
          %select_n3A_2543 = arith.select %ge3A_2506, %add3A_2525, %broadcast_in_dim3A_2542 : vector<16xi1>, vector<16xi32>
          %dma_start3A_2544 = arith.constant 0 : i32
          %dma_start3A_2545 = arith.constant 0 : i32
          %dma_start3A_2546 = tpu.memref_slice %arg4[%dma_start3A_2544, %dma_start3A_2545] : memref<64x64xf32, #tpu.memory_space<hbm>> -> memref<64x64xf32, #tpu.memory_space<hbm>>
          tpu.enqueue_indirect_dma source(%dma_start3A_2546 : memref<64x64xf32, #tpu.memory_space<hbm>>) target(%arg9 : memref<16x64xf32, #tpu.memory_space<vmem>>) offsets(%select_n3A_2540 : vector<16xi32>) semaphore(%arg12 : memref<!tpu.dma_semaphore, #tpu.memory_space<semaphore_mem>>)
          %dma_wait3A_2547 = arith.constant 0 : i32
          %dma_wait3A_2548 = arith.constant 0 : i32
          %dma_wait3A_2549 = tpu.memref_slice %arg4[%dma_wait3A_2547, %dma_wait3A_2548] : memref<64x64xf32, #tpu.memory_space<hbm>> -> memref<64x64xf32, #tpu.memory_space<hbm>>
          tpu.wait_indirect_dma semaphore(%arg12 : memref<!tpu.dma_semaphore, #tpu.memory_space<semaphore_mem>>) src(%dma_wait3A_2549 : memref<64x64xf32, #tpu.memory_space<hbm>>) dst(%arg9 : memref<16x64xf32, #tpu.memory_space<vmem>>)
          %dma_start3A_2550 = arith.constant 0 : i32
          %dma_start3A_2551 = arith.constant 0 : i32
          %dma_start3A_2552 = tpu.memref_slice %arg5[%dma_start3A_2550, %dma_start3A_2551] : memref<327680x64xf32, #tpu.memory_space<hbm>> -> memref<327680x64xf32, #tpu.memory_space<hbm>>
          tpu.enqueue_indirect_dma source(%arg9 : memref<16x64xf32, #tpu.memory_space<vmem>>) target(%dma_start3A_2552 : memref<327680x64xf32, #tpu.memory_space<hbm>>) offsets(%select_n3A_2543 : vector<16xi32>) semaphore(%arg12 : memref<!tpu.dma_semaphore, #tpu.memory_space<semaphore_mem>>)
          %dma_wait3A_2553 = arith.constant 0 : i32
          %dma_wait3A_2554 = arith.constant 0 : i32
          %dma_wait3A_2555 = tpu.memref_slice %arg5[%dma_wait3A_2553, %dma_wait3A_2554] : memref<327680x64xf32, #tpu.memory_space<hbm>> -> memref<327680x64xf32, #tpu.memory_space<hbm>>
          tpu.wait_indirect_dma semaphore(%arg12 : memref<!tpu.dma_semaphore, #tpu.memory_space<semaphore_mem>>) src(%arg9 : memref<16x64xf32, #tpu.memory_space<vmem>>) dst(%dma_wait3A_2555 : memref<327680x64xf32, #tpu.memory_space<hbm>>)
        } else {
        }
      }
      %scan3A_2496 = arith.constant 640 : i32
    } else {
    }
    return
  }
}

</mosaic_0001>

<sc_bundles>
// kernel: kernel.3.cloned.1.call-start
scs
__scs_entry_jumppad:
0x0: {  	(pc) =	sbr.rel $0x88, $3  }
0x1: {  	(tag) =	ssettag $0x0;
	lr =	simm.s32 $0x1  }
0x2: {  	[smem:$0x3F9E] =	sst lr;
	_ =	strace $0xD0000000  }
0x3: {  	_ = 	snop  }
0x4: {  	_ = 	snop  }
0x5: {  	_ = 	snop  }
0x6: {  	_ = 	snop  }
0x7: {  	_ = 	snop  }
__scs_overlays_trampoline_lowered:
0x8: {  	[smem:$0x3FAD] =	sst s0  }
0x9: {  	[smem:$0x3FAE] =	sst s1  }
0xa: {  	[smem:$0x3FAF] =	sst s2  }
0xb: {  	[smem:$0x3FB0] =	sst s3  }
0xc: {  	[smem:$0x3FB1] =	sst s4  }
0xd: {  	[smem:$0x3FB2] =	sst s5  }
0xe: {  	[smem:$0x3FB3] =	sst s6  }
0xf: {  	[smem:$0x3FB4] =	sst s7  }
0x10: {  	[smem:$0x3FB5] =	sst s8  }
0x11: {  	[smem:$0x3FB6] =	sst s9;
	s0 =	simm.s32 @!p0 $0x0  }
0x12: {  	s1 =	sld [smem:$0x3F9C];
	s0 =	simm.s32 @p0 $0x1  }
0x13: {  	[smem:$0x3FB7] =	sst s0;
	s0 =	simm.s32 @!p1 $0x0  }
0x14: {  	s2 =	sld [smem:$0x3F9B];
	s0 =	simm.s32 @p1 $0x1  }
0x15: {  	[smem:$0x3FB8] =	sst s0;
	s0 =	simm.s32 @!p2 $0x0  }
0x16: {  	s3 =	sld [smem:$0x3FDB];
	s0 =	simm.s32 @p2 $0x1  }
0x17: {  	s4 =	simm.s32 $0x1BF5;
	[smem:$0x3FBA] =	sst s0  }
0x18: {  	s0 =	sld [smem:$0x3F9D];
	_ =	swait.ge [sflag:s4], $0x0  }
0x19: {  	s7 =	sld [smem:$0x3F9E]  }
0x1a: {  	s8 =	sadd.s32 $0xFFFFE003, lr  }
0x1b: {  	s9 =	sadd.s32 $0xFFFFFEF7, lr;
	s5 =	simm.s32 $0xFFFFFFFF;
	p2 =	slt.u32 s8, $0xFFFFF086  }
0x1c: {  	p1 =	slt.u32 s9, $0xF7A;
	s5 =	simm.s32 @!p2 $0x0  }
0x1d: {  	s5 =	simm.s32 @p1 $0x1;
	p0 =	seq.s32 s7, s2  }
0x1e: {  	s7 =	smul.u32 @!p0 $0xF7A, s2;
	p2 =	seq.s32 @!p0 s5, $0x0  }
0x1f: {  	s9 =	smul.u32 $0xF7A, s1;
	s8 =	simm.s32 @!p0 $0x1BF5;
	p2 =	por !p2, p0  }
0x20: {  	[sflag:s8] =	ssyncset.s32 @!p0 $0xFFFFF086;
	s6 =	sadd.s32 @!p0 s3, s7;
	s7 =	simm.s32 @!p0 $0x108  }
0x21: {  	s3 =	sadd.s32 s3, s9;
	s6 =	sadd.s32 @!p0 $0x88, s6;
	s7 =	simm.s32 @p2 $0x1082  }
0x22: {  	[simem:s7], [sflag:s8] =	dma.local @!p0 [hbm:s6], $0xF7A  }
0x23: {  	s9 =	sor.u32 $0xD0000000, s2;
	s6 =	simm.s32 $0x108;
	_ =	swait.ge @!p0 [sflag:s8], $0x0  }
0x24: {  	s3 =	sadd.s32 $0x88, s3;
	s6 =	simm.s32 @!p1 $0x1082;
	[sflag:s4] =	ssyncset.s32 $0xFFFFF086  }
0x25: {  	[simem:s6], [sflag:s4] =	dma.local [hbm:s3], $0xF7A  }
0x26: {  	[smem:$0x3F9E] =	sst s1;
	(tag) =	ssettag s2;
	_ =	strace s9  }
0x27: {  	s1 =	sld [smem:$0x3FAE]  }
0x28: {  	s2 =	sld [smem:$0x3FAF]  }
0x29: {  	s4 =	sld [smem:$0x3FB1]  }
0x2a: {  	p0 =	seq.s32 s5, $0x0;
	s5 =	sld [smem:$0x3FB2]  }
0x2b: {  	s6 =	sld [smem:$0x3FB3]  }
0x2c: {  	s7 =	sld [smem:$0x3FB4]  }
0x2d: {  	s3 =	simm.s32 $0x108;
	s8 =	sld [smem:$0x3FB5]  }
0x2e: {  	s3 =	simm.s32 @!p0 $0x1082;
	s9 =	sld [smem:$0x3FB6]  }
0x2f: {  	lr =	sadd.s32 s0, s3;
	s0 =	sld [smem:$0x3FAD]  }
0x30: {  	s3 =	sld [smem:$0x3FB0]  }
0x31: {  	[smem:$0x3FB9] =	sst s10  }
0x32: {  	s10 =	sld [smem:$0x3FB7];
	_ =	sdelay $0x3  }
0x33: {  	p0 =	seq.s32 s10, $0x1;
	s10 =	sld [smem:$0x3FB9];
	_ =	sdelay $0x3  }
0x34: {  	[smem:$0x3FB9] =	sst s10  }
0x35: {  	s10 =	sld [smem:$0x3FB8];
	_ =	sdelay $0x3  }
0x36: {  	p1 =	seq.s32 s10, $0x1;
	s10 =	sld [smem:$0x3FB9];
	_ =	sdelay $0x3  }
0x37: {  	[smem:$0x3FB9] =	sst s10  }
0x38: {  	s10 =	sld [smem:$0x3FBA]  }
0x39: {  	_ = 	snop;
	(pc) =	sbr.ind lr, $3  }
0x3a: {  	_ = 	snop  }
0x3b: {  	_ = 	snop  }
0x3c: {  	p2 =	seq.s32 s10, $0x1;
	s10 =	sld [smem:$0x3FB9]  }
0x3d: {  	_ =	shalt  }
0x3e: {  	_ =	shalt  }
0x3f: {  	_ =	shalt  }
0x40: {  	_ =	shalt  }
0x41: {  	_ =	shalt  }
0x42: {  	_ =	shalt  }
0x43: {  	_ =	shalt  }
0x44: {  	_ =	shalt  }
0x45: {  	_ =	shalt  }
0x46: {  	_ =	shalt  }
0x47: {  	_ =	shalt  }
0x48: {  	_ =	shalt  }
0x49: {  	_ =	shalt  }
0x4a: {  	_ =	shalt  }
0x4b: {  	_ =	shalt  }
0x4c: {  	_ =	shalt  }
0x4d: {  	_ =	shalt  }
0x4e: {  	_ =	shalt  }
0x4f: {  	_ =	shalt  }
0x50: {  	_ =	shalt  }
0x51: {  	_ =	shalt  }
0x52: {  	_ =	shalt  }
0x53: {  	_ =	shalt  }
0x54: {  	_ =	shalt  }
0x55: {  	_ =	shalt  }
0x56: {  	_ =	shalt  }
0x57: {  	_ =	shalt  }
0x58: {  	_ =	shalt  }
0x59: {  	_ =	shalt  }
0x5a: {  	_ =	shalt  }
0x5b: {  	_ =	shalt  }
0x5c: {  	_ =	shalt  }
0x5d: {  	_ =	shalt  }
0x5e: {  	_ =	shalt  }
0x5f: {  	_ =	shalt  }
0x60: {  	_ =	shalt  }
0x61: {  	_ =	shalt  }
0x62: {  	_ =	shalt  }
0x63: {  	_ =	shalt  }
0x64: {  	_ =	shalt  }
0x65: {  	_ =	shalt  }
0x66: {  	_ =	shalt  }
0x67: {  	_ =	shalt  }
0x68: {  	_ =	shalt  }
0x69: {  	_ =	shalt  }
0x6a: {  	_ =	shalt  }
0x6b: {  	_ =	shalt  }
0x6c: {  	_ =	shalt  }
0x6d: {  	_ =	shalt  }
0x6e: {  	_ =	shalt  }
0x6f: {  	_ =	shalt  }
0x70: {  	_ =	shalt  }
0x71: {  	_ =	shalt  }
0x72: {  	_ =	shalt  }
0x73: {  	_ =	shalt  }
0x74: {  	_ =	shalt  }
0x75: {  	_ =	shalt  }
0x76: {  	_ =	shalt  }
0x77: {  	_ =	shalt  }
0x78: {  	_ =	shalt  }
0x79: {  	_ =	shalt  }
0x7a: {  	_ =	shalt  }
0x7b: {  	_ =	shalt  }
0x7c: {  	_ =	shalt  }
0x7d: {  	_ =	shalt  }
0x7e: {  	_ =	shalt  }
0x7f: {  	_ =	shalt  }
0x80: {  	_ =	shalt  }
0x81: {  	_ =	shalt  }
0x82: {  	_ =	shalt  }
0x83: {  	_ =	shalt  }
0x84: {  	_ =	shalt  }
0x85: {  	_ =	shalt  }
0x86: {  	_ =	shalt  }
0x87: {  	_ =	shalt  }
.Lfunc_end0:
.L_simem_size_0:
called_computation.1_lowered:
.L_overlay_start_0:
0x88: {  	s2 =	sld [smem:$0x3FD9]  }
0x89: {  	s3 =	sld [smem:$0x3FFE];
	_ =	sdelay $0x1  }
0x8a: {  	s1 =	srdreg.scid  }
0x8b: {  	s0 =	sand.u32 $0x1, s1  }
0x8c: {  	s17 =	sshll.u32 s0, $0xA;
	s2 =	sadd.s32 s3, s2  }
0x8d: {  	s2 =	sadd.s32 s2, s17  }
0x8e: {  	[smem:$0x3FC5] =	sst s2  }
0x8f: {  	_ = 	snop  }
0x90: {  	s2 =	sld [smem:$0x3FD0];
	(tm) =	ssettm $0x1  }
0x91: {  	s18 =	sld [smem:$0x3FFB];
	_ =	sdelay $0x3  }
0x92: {  	_ =	strace s18  }
0x93: {  	s3 =	sld [smem:$0x3FFC];
	_ =	sdelay $0x3  }
0x94: {  	_ =	strace s3  }
0x95: {  	s3 =	sld [smem:$0x3FFD];
	_ =	sdelay $0x3  }
0x96: {  	_ =	strace s3  }
0x97: {  	_ =	strace $0x8FFFFFFF  }
0x98: {  	s19 =	sld [smem:$0x3FDB];
	_ =	sdelay $0x1  }
0x99: {  	s4 =	simm.s32 $_scs_section_size  }
0x9a: {  	s5 =	simm.s32 $_size__tile_overlayer_lowered;
	s6 =	simm.s32 $_tile_overlayer_lowered  }
0x9b: {  	s22 =	simm.s32 $0x1BFF;
	s21 =	sshll.u32 s6, $0x1;
	s3 =	sadd.s32 s4, s19  }
0x9c: {  	s7 =	simm.s32 $0x0;
	s20 =	sshll.u32 s5, $0x1;
	s5 =	sadd.s32 s21, s3  }
0x9d: {  	[timem:s7], [sflag:s22] =	dma.local [hbm:s5], s20  }
0x9e: {  	_ =	swait.ge [sflag:s22], s20  }
0x9f: {  	s4 =	ssub.s32 $0x0, s20;
	[sflag:s22] =	ssyncset.done $0x0  }
0xa0: {  	[sflag:s22] =	ssyncadd.s32 s4;
	_ =	sdelay $0x1  }
0xa1: {  	s23 =	simm.s32 $0x1B8B  }
0xa2: {  	_ =	swait.ge [sflag:s23], $0x1  }
0xa3: {  	[sflag:s23] =	ssyncset.done $0x0  }
0xa4: {  	s25 =	simm.s32 $0x1B8E;
	s24 =	sld [smem:$0x3FFE];
	[sflag:s23] =	ssyncadd.s32 $0xFFFFFFFF  }
0xa5: {  	s26 =	simm.s32 $execute0_lowered;
	[smem:$0x3FD2] =	sst s25  }
0xa6: {  	s5 =	sshll.u32 s26, $0x1;
	_ =	strace $0x80000046;
	[dreg:$0x1] =	wrdreg $0xFFFFFFFF  }
0xa7: {  	s28 =	simm.s32 $_size_execute0_lowered;
	s3 =	sadd.s32 s3, s5;
	[dreg:$0x0] =	wrdreg $0x0  }
0xa8: {  	s5 =	sshll.u32 s28, $0x1;
	[dreg:$0x2] =	wrdreg s3  }
0xa9: {  	[dreg:$0x3] =	wrdreg s5  }
0xaa: {  	[dreg:$0x4] =	wrdreg $0xC0  }
0xab: {  	_ =	task [dreg:s7], $0x5FFFF  }
0xac: {  	[dreg:$0x1] =	wrdreg $0xFFFFFFFF  }
0xad: {  	[dreg:$0x0] =	wrdreg $0x60  }
0xae: {  	[dreg:$0x2] =	wrdreg s24  }
0xaf: {  	[dreg:$0x3] =	wrdreg s2  }
0xb0: {  	[dreg:$0x4] =	wrdreg $0x9  }
0xb1: {  	_ =	task.clear_ibuf [dreg:s7], $0x5FFFF;
	_ =	strace $0x90000046  }
0xb2: {  	s29 =	simm.s32 $0x9;
	_ =	strace $0x80000048  }
0xb3: {  	_ =	swait.ge [sflag:s29], $0x1  }
0xb4: {  	[sflag:s29] =	ssyncadd.s32 $0xFFFFFFFF  }
0xb5: {  	_ =	strace $0x90000048  }
0xb6: {  	_ =	sfence  }
0xb7: {  	s30 =	sld [smem:$0x0];
	_ =	sdelay $0x2  }
0xb8: {  	s31 =	sshll.u32 s1, $0xD;
	s1 =	sshrl.u32 s1, $0x2  }
0xb9: {  	s3 =	sand.u32 $0x4000, s31;
	s1 =	sadd.s32 s1, s30  }
0xba: {  	s0 =	sor.u32 s3, s0;
	s1 =	sshll.u32 s1, $0x11  }
0xbb: {  	s0 =	sor.u32 s1, s0  }
0xbc: {  	s0 =	sadd.s32 $0x8F2B, s0  }
0xbd: {  	[sflag:s0] =	ssyncadd.remote.s32 $0x1  }
0xbe: {  	_ =	sfence.sel $0xFFFF  }
0xbf: {  	[dreg:$0x0] =	wrdreg $0xFFFFFFFF;
	(pc) =	sbr.abs _section_cstart, $3  }
0xc0: {  	[dreg:$0x1] =	wrdreg $0xFFFFFFFF  }
0xc1: {  	_ =	task.clear_ibuf [dreg:s7], $0x2FFFF;
	_ =	strace $0x9FFFFFFF  }
0xc2: {  	(tm) =	ssettm $0x7FFFFFFF  }
0xc3: {  	_ =	shalt  }
tec
execute0_lowered:
.L_overlay_start_1:
0x0: {  	(tag) =	ssettag $0x1  }
0x1: {  	s0 =	srdreg.scid;
	s7 =	stileid.u32  }
0x2: {  	s2 =	rddreg [dreg:$0x0];
	s0 =	sand.u32 $0x1, s0;
	s1 =	sshll.u32 s7, $0x1  }
0x3: {  	s21 =	rddreg [dreg:$0x1];
	s3 =	simm.s32 $0x0;
	s1 =	sor.u32 s0, s1  }
0x4: {  	[smem:$0x7FF] =	sst s3;
	s26 =	ssub.s32 $0x2, s0;
	s4 =	smul.u32 $0x2800, s1  }
0x5: {  	s6 =	sadd.s32 $0xF4D200, s2;
	s5 =	smul.u32 $0xA0000, s1;
	s28 =	sshrl.u32 s26, $0x1  }
0x6: {  	_ =	strace $0x80000047;
	s1 =	smul.u32 $0x14000, s1;
	s10 =	ssub.s32 s26, s28  }
0x7: {  	[dreg:$0x3] =	wrdreg s6;
	s4 =	sshrl.u32 s4, $0x3;
	s10 =	smax.u32 s10, $0x1  }
0x8: {  	s5 =	sshrl.u32 s5, $0x3;
	s25 =	sadd.s32 s21, s1;
	[smem:$0x7F9] =	sst s10  }
0x9: {  	s4 =	sadd.s32 s4, s2;
	s2 =	sadd.s32 $0xF4D000, s2;
	[dreg:$0x5] =	wrdreg s25  }
0xa: {  	s9 =	sadd.s32 s21, s5;
	[smem:$0x7F6] =	sst s2;
	s29 =	sadd.s32 $0xF43000, s4  }
0xb: {  	s30 =	sadd.s32 $0x4000, s9;
	[dreg:$0x4] =	wrdreg s29  }
0xc: {  	s31 =	sadd.s32 $0x5000, s9;
	[dreg:$0x6] =	wrdreg s30  }
0xd: {  	s2 =	sadd.s32 $0x6000, s9;
	[dreg:$0x8] =	wrdreg s31  }
0xe: {  	s4 =	sadd.s32 $0x7000, s9;
	[dreg:$0xa] =	wrdreg s2  }
0xf: {  	s6 =	sadd.s32 $0x8000, s9;
	[dreg:$0xc] =	wrdreg s4  }
0x10: {  	s5 =	smul.u32 $0x5000, s7;
	s7 =	sadd.s32 $0x9000, s9;
	[dreg:$0xe] =	wrdreg s6  }
0x11: {  	s8 =	sadd.s32 $0xA000, s9;
	[dreg:$0x10] =	wrdreg s7  }
0x12: {  	s11 =	sadd.s32 $0xB000, s9;
	[dreg:$0x12] =	wrdreg s8  }
0x13: {  	s12 =	sadd.s32 $0xC000, s9;
	[dreg:$0x15] =	wrdreg s11  }
0x14: {  	s13 =	sadd.s32 $0xD000, s9;
	[dreg:$0x17] =	wrdreg s12  }
0x15: {  	s14 =	sadd.s32 $0xE000, s9;
	[dreg:$0x19] =	wrdreg s13  }
0x16: {  	s15 =	sadd.s32 $0xF000, s9;
	[dreg:$0x1b] =	wrdreg s14  }
0x17: {  	s16 =	sadd.s32 $0x10000, s9;
	[dreg:$0x1d] =	wrdreg s15  }
0x18: {  	s19 =	sadd.s32 $0x12000, s9;
	[dreg:$0x1f] =	wrdreg s16  }
0x19: {  	s24 =	sadd.s32 $0x4800, s9;
	[smem:$0x7F8] =	sst s19  }
0x1a: {  	s23 =	sadd.s32 $0x5800, s9;
	[dreg:$0x7] =	wrdreg s24  }
0x1b: {  	s26 =	sadd.s32 $0x6800, s9;
	[dreg:$0x9] =	wrdreg s23  }
0x1c: {  	s28 =	sadd.s32 $0x7800, s9;
	[dreg:$0xb] =	wrdreg s26  }
0x1d: {  	s1 =	sadd.s32 $0xB800, s9;
	[dreg:$0xd] =	wrdreg s28  }
0x1e: {  	s22 =	sadd.s32 $0xE800, s9;
	[dreg:$0x16] =	wrdreg s1  }
0x1f: {  	s0 =	smul.u32 $0x2800, s0;
	s17 =	sadd.s32 $0x11800, s9;
	[dreg:$0x1c] =	wrdreg s22  }
0x20: {  	s20 =	sadd.s32 $0x12800, s9;
	[smem:$0x7FB] =	sst s17  }
0x21: {  	s0 =	sadd.s32 s0, s5;
	[smem:$0x7FC] =	sst s20  }
0x22: {  	s5 =	sadd.s32 $0x11000, s9;
	[dreg:$0x14] =	wrdreg s0  }
0x23: {  	s18 =	simm.s32 $0x0;
	s29 =	sadd.s32 $0x8800, s9;
	[smem:$0x7F7] =	sst s5  }
0x24: {  	s10 =	sadd.s32 $0x800, s25;
	s30 =	sadd.s32 $0x9800, s9;
	[dreg:$0xf] =	wrdreg s29  }
0x25: {  	s31 =	sadd.s32 $0xA800, s9;
	s6 =	sadd.s32 $0xD800, s9;
	[dreg:$0x11] =	wrdreg s30  }
0x26: {  	s4 =	sadd.s32 $0xF800, s9;
	s2 =	sadd.s32 $0x10800, s9;
	[dreg:$0x13] =	wrdreg s31  }
.Ltmp0:
0x27: {  	s8 =	sadd.s32 $0x13000, s9;
	[dreg:$0x1a] =	wrdreg s6;
	(pc) =	sbr.rel .LBB2_1-.Ltmp0, $4  }
0x28: {  	s11 =	sadd.s32 $0x1000, s25;
	s12 =	sadd.s32 $0x1800, s25;
	[dreg:$0x1e] =	wrdreg s4  }
0x29: {  	s13 =	sadd.s32 $0x2000, s25;
	s14 =	sadd.s32 $0x2800, s25;
	[smem:$0x7FA] =	sst s2  }
0x2a: {  	s15 =	sadd.s32 $0x3000, s25;
	s0 =	sadd.s32 $0xC800, s9;
	[smem:$0x7FD] =	sst s8  }
0x2b: {  	v0 =	vimm.s32 $0x0;
	s16 =	sadd.s32 $0x3800, s25;
	s9 =	sadd.s32 $0x13800, s9;
	[dreg:$0x18] =	wrdreg s0  }
.LBB2_86:
0x2c: {  	s18 =	sshra.s32 s18, $0x2;
	[sflag:s20] =	ssyncadd.s32 @!p0 $0xFFFFFC00  }
0x2d: {  	v1 =	vld [tilespmem:s18+$0x0];
	_ =	sdelay $0x4  }
0x2e: {  	vm0 =	vgt.s32 v1, $0xF423F  }
0x2f: {  	v2 =	vsel vm0, $0x1, v0  }
0x30: {  	(xrf0) =	vadd.scan.msk.s32 $0xffff, v2;
	_ =	sdelay $0x5  }
0x31: {  	v2, _, _ =	vpop (xrf0)  }
0x32: {  	(v2sf) =	vpush v2, $0xF;
	_ =	sdelay $0xe  }
0x33: {  	s31 =	spop (v2sf)  }
0x34: {  	p0 =	slt.s32 s31, $0x1  }
0x35: {  	v2 =	vadd.s32 @!p0 $0xFFF0BDC0, v1;
	v3 =	vlaneseq.u32 @!p0  }
0x36: {  	vm0 =	vlt.s32 @!p0 v2, $0x3F;
	v3 =	vor.u32 @!p0 s17, v3  }
0x37: {  	v2 =	vnsel @!p0 vm0, $0x3F, v2;
	v4 =	vshll.u32 @!p0 v3, $0x6  }
0x38: {  	v4 =	vadd.s32 @!p0 v4, v2  }
0x39: {  	vm0 =	vgt.s32 @!p0 v1, $0xF423F;
	v1 =	vxor.u32 @!p0 $0x80000000, v4  }
0x3a: {  	v1 =	vnsel @!p0 vm0, $0x7FFFFFFF, v1  }
0x3b: {  	(xrf0) =	vmax.scan.msk.u32 @!p0 $0xffff, v1;
	_ =	sdelay $0x5  }
0x3c: {  	v1, _, _ =	vpop @!p0 (xrf0)  }
0x3d: {  	(v2sf) =	vpush @!p0 v1, $0xF;
	_ =	sdelay $0xe  }
0x3e: {  	s17 =	spop @!p0 (v2sf)  }
0x3f: {  	s18 =	sand.u32 @!p0 $0x3F, s17  }
0x40: {  	v1 =	vnsel @!p0 vm0, s18, v2;
	_ =	sdelay $0x1  }
0x41: {  	s17 =	sshra.s32 @!p0 s17, $0x6  }
0x42: {  	s17 =	sxor.u32 @!p0 $0xFE000000, s17  }
0x43: {  	s19 =	simm.s32 @!p0 $0x7;
	s18 =	simm.s32 @!p0 $0x1D000;
	v2 =	vnsel @!p0 vm0, s17, v3;
	vm0 =	vmmov @!p0 $0xffff;
	s17 =	simm.s32 @!p0 $0x0  }
0x44: {  	[tilespmem:s18], [sflag:$0x7] =	stream.indirect_vreg.gather @!p0 [hbm4b:s25+s17], $0x40, v1, vm0, $0xb8;
	[tilespmem:$0x1D400] =	vst v63  }
0x45: {  	_ =	swait.ge @!p0 [sflag:s19], $0x400  }
0x46: {  	[sflag:s19] =	ssyncset.done @!p0 $0x0  }
0x47: {  	[sflag:s19] =	ssyncadd.s32 @!p0 $0xFFFFFC00  }
0x48: {  	[hbm4b:s21+s17] =	stream.indirect_vreg.scatter @!p0 [tilespmem:s18], [sflag:$0x7], $0x40, v2, vm0, $0xb8;
	[tilespmem:$0x1D400] =	vst v63  }
0x49: {  	_ =	swait.ge @!p0 [sflag:s19], $0x400  }
0x4a: {  	[sflag:s19] =	ssyncset.done @!p0 $0x0;
	s25 =	rddreg [dreg:$0x5]  }
0x4b: {  	s18 =	sld [smem:$0x7F5];
	[sflag:s19] =	ssyncadd.s32 @!p0 $0xFFFFFC00  }
.LBB2_87:
0x4c: {  	s17 =	sld [smem:$0x7F9];
	_ =	sdelay $0x1  }
0x4d: {  	s18 =	sadd.s32 $0x1, s18  }
0x4e: {  	p0 =	sne.s32 s18, s17  }
.Ltmp1:
0x4f: {  	_ = 	snop;
	(pc) =	sbr.rel @!p0 .LBB2_88-.Ltmp1, $1  }
0x50: {  	_ =	sdelay $0x3  }
.LBB2_1:
0x51: {  	[smem:$0x7F5] =	sst s18  }
0x52: {  	s17 =	rddreg [dreg:$0x4];
	s31 =	simm.s32 $0x8  }
0x53: {  	[tilespmem:s3], [sflag:$0x8] =	stream.linear.gather [hbm4b:s17+s3], $0x2800, $0x38;
	[tilespmem:$0x1D400] =	vst v63  }
0x54: {  	_ =	swait.ge [sflag:s31], $0x2800  }
0x55: {  	[sflag:s31] =	ssyncset.done $0x0  }
0x56: {  	s17 =	simm.s32 $0x0;
	[sflag:s31] =	ssyncadd.s32 $0xFFFFD800  }
0x57: {  	v2 =	vld [tilespmem:s17+$0x0]  }
0x58: {  	s18 =	simm.s32 $0x40;
	v1 =	vimm.s32 $0x0  }
.LBB2_2:
0x59: {  	p0 =	sne.s32 s18, $0x9FC0  }
.Ltmp2:
0x5a: {  	_ = 	snop;
	(pc) =	sbr.rel @p0 .LBB2_2-.Ltmp2, $4  }
0x5b: {  	_ = 	snop  }
0x5c: {  	s19 =	sshra.s32 s18, $0x2;
	s18 =	sadd.s32 $0x40, s18;
	vm0 =	vgt.s32 v2, $0xF423F  }
0x5d: {  	v3 =	vsel vm0, $0x0, v2;
	v2 =	vld [tilespmem:s19+$0x0];
	v4 =	vsel vm0, $0x1, v0  }
0x5e: {  	[tilespmem:s17+$0x2800] =	vst v3;
	v1 =	vadd.s32 v4, v1;
	s17 =	smov.u32 s19  }
0x5f: {  	_ =	sdelay $0x2  }
0x60: {  	vm0 =	vgt.s32 v2, $0xF423F  }
0x61: {  	s20 =	simm.s32 $0x100;
	s19 =	simm.s32 $0x2800;
	s8 =	rddreg [dreg:$0x3];
	v2 =	vsel vm0, $0x0, v2  }
0x62: {  	s28 =	simm.s32 $0x2900;
	s29 =	simm.s32 $0xD000;
	[tilespmem:s17+$0x2800] =	vst v2;
	s17 =	simm.s32 $0x5000  }
0x63: {  	[tilespmem:s17], [sflag:$0x1] =	stream.indirect.gather [hbm4b:s8+s20], $0x80, s19, s20, $0xb8;
	[tilespmem:$0x1D400] =	vst v63  }
0x64: {  	s18 =	simm.s32 $0x100;
	s30 =	rddreg [dreg:$0x3];
	s31 =	simm.s32 $0x1  }
0x65: {  	[tilespmem:s29], [sflag:$0x2] =	stream.indirect.gather [hbm4b:s30+s18], $0x80, s28, s18, $0xb8;
	[tilespmem:$0x1D400] =	vst v63  }
0x66: {  	_ =	swait.ge [sflag:s31], $0x8000  }
0x67: {  	v2 =	vsel vm0, $0x1, v0;
	s20 =	sadd.s32 $0x0, s25;
	[sflag:s31] =	ssyncset.done $0x0  }
0x68: {  	v1 =	vadd.s32 v2, v1;
	s19 =	simm.s32 $0x5080;
	s18 =	simm.s32 $0x8;
	[sflag:s31] =	ssyncadd.s32 $0xFFFF8000  }
.LBB2_4:
0x69: {  	[hbm4b:s20+s3] =	stream.linear.scatter [tilespmem:s17], [sflag:$0x4], $0x40, $0x38;
	[tilespmem:$0x1D400] =	vst v63  }
0x6a: {  	s20 =	smov.u32 s18;
	s17 =	smov.u32 s19;
	p0 =	sne.s32 s18, $0x7F8  }
.Ltmp3:
0x6b: {  	s18 =	sadd.s32 $0x8, s18;
	(pc) =	sbr.rel @p0 .LBB2_4-.Ltmp3, $2  }
0x6c: {  	_ =	sdelay $0x2  }
0x6d: {  	s19 =	sadd.s32 $0x80, s19;
	s20 =	sadd.s32 s20, s25  }
0x6e: {  	[hbm4b:s20+s3] =	stream.linear.scatter [tilespmem:s17], [sflag:$0x4], $0x40, $0x38;
	[tilespmem:$0x1D400] =	vst v63  }
0x6f: {  	s29 =	simm.s32 $0x100;
	s18 =	simm.s32 $0x2A00  }
0x70: {  	s19 =	simm.s32 $0x15000;
	s30 =	rddreg [dreg:$0x3];
	s31 =	simm.s32 $0x2  }
0x71: {  	[tilespmem:s19], [sflag:$0x3] =	stream.indirect.gather [hbm4b:s30+s29], $0x80, s18, s29, $0xb8;
	[tilespmem:$0x1D400] =	vst v63  }
0x72: {  	_ =	swait.ge [sflag:s31], $0x8000  }
0x73: {  	s17 =	simm.s32 $0xD000;
	s20 =	sadd.s32 $0x0, s10;
	[sflag:s31] =	ssyncset.done $0x0  }
0x74: {  	s18 =	simm.s32 $0x8;
	s19 =	simm.s32 $0xD080;
	[sflag:s31] =	ssyncadd.s32 $0xFFFF8000  }
.LBB2_6:
0x75: {  	[hbm4b:s20+s3] =	stream.linear.scatter [tilespmem:s17], [sflag:$0x5], $0x40, $0x38;
	[tilespmem:$0x1D400] =	vst v63  }
0x76: {  	s20 =	smov.u32 s18;
	s17 =	smov.u32 s19;
	p0 =	sne.s32 s18, $0x7F8  }
.Ltmp4:
0x77: {  	s18 =	sadd.s32 $0x8, s18;
	(pc) =	sbr.rel @p0 .LBB2_6-.Ltmp4, $2  }
0x78: {  	_ =	sdelay $0x2  }
0x79: {  	s19 =	sadd.s32 $0x80, s19;
	s20 =	sadd.s32 s20, s10  }
0x7a: {  	[hbm4b:s20+s3] =	stream.linear.scatter [tilespmem:s17], [sflag:$0x5], $0x40, $0x38;
	[tilespmem:$0x1D400] =	vst v63  }
0x7b: {  	s28 =	simm.s32 $0x4  }
0x7c: {  	s29 =	simm.s32 $0x100;
	_ =	swait.ge [sflag:s28], $0x4000  }
0x7d: {  	s18 =	simm.s32 $0x2B00;
	s19 =	simm.s32 $0x5000;
	[sflag:s28] =	ssyncset.done $0x0  }
0x7e: {  	s31 =	simm.s32 $0x3;
	s30 =	rddreg [dreg:$0x3];
	[sflag:s28] =	ssyncadd.s32 $0xFFFFC000  }
0x7f: {  	[tilespmem:s19], [sflag:$0x1] =	stream.indirect.gather [hbm4b:s30+s29], $0x80, s18, s29, $0xb8;
	[tilespmem:$0x1D400] =	vst v63  }
0x80: {  	s17 =	simm.s32 $0x15000;
	_ =	swait.ge [sflag:s31], $0x8000  }
0x81: {  	s20 =	sadd.s32 $0x0, s11;
	s18 =	simm.s32 $0x8;
	[sflag:s31] =	ssyncset.done $0x0  }
0x82: {  	s19 =	simm.s32 $0x15080;
	s8 =	sld [smem:$0x7FD];
	[sflag:s31] =	ssyncadd.s32 $0xFFFF8000  }
.LBB2_8:
0x83: {  	[hbm4b:s20+s3] =	stream.linear.scatter [tilespmem:s17], [sflag:$0x6], $0x40, $0x38;
	[tilespmem:$0x1D400] =	vst v63  }
0x84: {  	s20 =	smov.u32 s18;
	s17 =	smov.u32 s19;
	p0 =	sne.s32 s18, $0x7F8  }
.Ltmp5:
0x85: {  	s18 =	sadd.s32 $0x8, s18;
	(pc) =	sbr.rel @p0 .LBB2_8-.Ltmp5, $2  }
0x86: {  	_ =	sdelay $0x2  }
0x87: {  	s19 =	sadd.s32 $0x80, s19;
	s20 =	sadd.s32 s20, s11  }
0x88: {  	[hbm4b:s20+s3] =	stream.linear.scatter [tilespmem:s17], [sflag:$0x6], $0x40, $0x38;
	[tilespmem:$0x1D400] =	vst v63  }
0x89: {  	s28 =	simm.s32 $0x5  }
0x8a: {  	s29 =	simm.s32 $0x100;
	_ =	swait.ge [sflag:s28], $0x4000  }
0x8b: {  	s18 =	simm.s32 $0xD000;
	s19 =	simm.s32 $0x2C00;
	[sflag:s28] =	ssyncset.done $0x0  }
0x8c: {  	s31 =	simm.s32 $0x1;
	s30 =	rddreg [dreg:$0x3];
	[sflag:s28] =	ssyncadd.s32 $0xFFFFC000  }
0x8d: {  	[tilespmem:s18], [sflag:$0x2] =	stream.indirect.gather [hbm4b:s30+s29], $0x80, s19, s29, $0xb8;
	[tilespmem:$0x1D400] =	vst v63  }
0x8e: {  	_ =	swait.ge [sflag:s31], $0x8000  }
0x8f: {  	s17 =	simm.s32 $0x5000;
	s20 =	sadd.s32 $0x0, s12;
	[sflag:s31] =	ssyncset.done $0x0  }
0x90: {  	s18 =	simm.s32 $0x8;
	s19 =	simm.s32 $0x5080;
	[sflag:s31] =	ssyncadd.s32 $0xFFFF8000  }
.LBB2_10:
0x91: {  	[hbm4b:s20+s3] =	stream.linear.scatter [tilespmem:s17], [sflag:$0x4], $0x40, $0x38;
	[tilespmem:$0x1D400] =	vst v63  }
0x92: {  	s20 =	smov.u32 s18;
	s17 =	smov.u32 s19;
	p0 =	sne.s32 s18, $0x7F8  }
.Ltmp6:
0x93: {  	s18 =	sadd.s32 $0x8, s18;
	(pc) =	sbr.rel @p0 .LBB2_10-.Ltmp6, $2  }
0x94: {  	_ =	sdelay $0x2  }
0x95: {  	s19 =	sadd.s32 $0x80, s19;
	s20 =	sadd.s32 s20, s12  }
0x96: {  	[hbm4b:s20+s3] =	stream.linear.scatter [tilespmem:s17], [sflag:$0x4], $0x40, $0x38;
	[tilespmem:$0x1D400] =	vst v63  }
0x97: {  	s28 =	simm.s32 $0x6  }
0x98: {  	s29 =	simm.s32 $0x100;
	_ =	swait.ge [sflag:s28], $0x4000  }
0x99: {  	s18 =	simm.s32 $0x15000;
	s19 =	simm.s32 $0x2D00;
	[sflag:s28] =	ssyncset.done $0x0  }
0x9a: {  	s31 =	simm.s32 $0x2;
	s30 =	rddreg [dreg:$0x3];
	[sflag:s28] =	ssyncadd.s32 $0xFFFFC000  }
0x9b: {  	[tilespmem:s18], [sflag:$0x3] =	stream.indirect.gather [hbm4b:s30+s29], $0x80, s19, s29, $0xb8;
	[tilespmem:$0x1D400] =	vst v63  }
0x9c: {  	_ =	swait.ge [sflag:s31], $0x8000  }
0x9d: {  	s17 =	simm.s32 $0xD000;
	s20 =	sadd.s32 $0x0, s13;
	[sflag:s31] =	ssyncset.done $0x0  }
0x9e: {  	s18 =	simm.s32 $0x8;
	s19 =	simm.s32 $0xD080;
	[sflag:s31] =	ssyncadd.s32 $0xFFFF8000  }
.LBB2_12:
0x9f: {  	[hbm4b:s20+s3] =	stream.linear.scatter [tilespmem:s17], [sflag:$0x5], $0x40, $0x38;
	[tilespmem:$0x1D400] =	vst v63  }
0xa0: {  	s20 =	smov.u32 s18;
	s17 =	smov.u32 s19;
	p0 =	sne.s32 s18, $0x7F8  }
.Ltmp7:
0xa1: {  	s18 =	sadd.s32 $0x8, s18;
	(pc) =	sbr.rel @p0 .LBB2_12-.Ltmp7, $2  }
0xa2: {  	_ =	sdelay $0x2  }
0xa3: {  	s19 =	sadd.s32 $0x80, s19;
	s20 =	sadd.s32 s20, s13  }
0xa4: {  	[hbm4b:s20+s3] =	stream.linear.scatter [tilespmem:s17], [sflag:$0x5], $0x40, $0x38;
	[tilespmem:$0x1D400] =	vst v63  }
0xa5: {  	s28 =	simm.s32 $0x4  }
0xa6: {  	s29 =	simm.s32 $0x100;
	_ =	swait.ge [sflag:s28], $0x4000  }
0xa7: {  	s18 =	simm.s32 $0x5000;
	s19 =	simm.s32 $0x2E00;
	[sflag:s28] =	ssyncset.done $0x0  }
0xa8: {  	s31 =	simm.s32 $0x3;
	s30 =	rddreg [dreg:$0x3];
	[sflag:s28] =	ssyncadd.s32 $0xFFFFC000  }
0xa9: {  	[tilespmem:s18], [sflag:$0x1] =	stream.indirect.gather [hbm4b:s30+s29], $0x80, s19, s29, $0xb8;
	[tilespmem:$0x1D400] =	vst v63  }
0xaa: {  	_ =	swait.ge [sflag:s31], $0x8000  }
0xab: {  	s17 =	simm.s32 $0x15000;
	s20 =	sadd.s32 $0x0, s14;
	[sflag:s31] =	ssyncset.done $0x0  }
0xac: {  	s18 =	simm.s32 $0x8;
	s19 =	simm.s32 $0x15080;
	[sflag:s31] =	ssyncadd.s32 $0xFFFF8000  }
.LBB2_14:
0xad: {  	[hbm4b:s20+s3] =	stream.linear.scatter [tilespmem:s17], [sflag:$0x6], $0x40, $0x38;
	[tilespmem:$0x1D400] =	vst v63  }
0xae: {  	s20 =	smov.u32 s18;
	s17 =	smov.u32 s19;
	p0 =	sne.s32 s18, $0x7F8  }
.Ltmp8:
0xaf: {  	s18 =	sadd.s32 $0x8, s18;
	(pc) =	sbr.rel @p0 .LBB2_14-.Ltmp8, $2  }
0xb0: {  	_ =	sdelay $0x2  }
0xb1: {  	s19 =	sadd.s32 $0x80, s19;
	s20 =	sadd.s32 s20, s14  }
0xb2: {  	[hbm4b:s20+s3] =	stream.linear.scatter [tilespmem:s17], [sflag:$0x6], $0x40, $0x38;
	[tilespmem:$0x1D400] =	vst v63  }
0xb3: {  	s28 =	simm.s32 $0x5  }
0xb4: {  	s29 =	simm.s32 $0x100;
	_ =	swait.ge [sflag:s28], $0x4000  }
0xb5: {  	s18 =	simm.s32 $0xD000;
	s19 =	simm.s32 $0x2F00;
	[sflag:s28] =	ssyncset.done $0x0  }
0xb6: {  	s31 =	simm.s32 $0x1;
	s30 =	rddreg [dreg:$0x3];
	[sflag:s28] =	ssyncadd.s32 $0xFFFFC000  }
0xb7: {  	[tilespmem:s18], [sflag:$0x2] =	stream.indirect.gather [hbm4b:s30+s29], $0x80, s19, s29, $0xb8;
	[tilespmem:$0x1D400] =	vst v63  }
0xb8: {  	_ =	swait.ge [sflag:s31], $0x8000  }
0xb9: {  	s17 =	simm.s32 $0x5000;
	s20 =	sadd.s32 $0x0, s15;
	[sflag:s31] =	ssyncset.done $0x0  }
0xba: {  	s18 =	simm.s32 $0x8;
	s19 =	simm.s32 $0x5080;
	[sflag:s31] =	ssyncadd.s32 $0xFFFF8000  }
.LBB2_16:
0xbb: {  	[hbm4b:s20+s3] =	stream.linear.scatter [tilespmem:s17], [sflag:$0x4], $0x40, $0x38;
	[tilespmem:$0x1D400] =	vst v63  }
0xbc: {  	s20 =	smov.u32 s18;
	s17 =	smov.u32 s19;
	p0 =	sne.s32 s18, $0x7F8  }
.Ltmp9:
0xbd: {  	s18 =	sadd.s32 $0x8, s18;
	(pc) =	sbr.rel @p0 .LBB2_16-.Ltmp9, $2  }
0xbe: {  	_ =	sdelay $0x2  }
0xbf: {  	s19 =	sadd.s32 $0x80, s19;
	s20 =	sadd.s32 s20, s15  }
0xc0: {  	[hbm4b:s20+s3] =	stream.linear.scatter [tilespmem:s17], [sflag:$0x4], $0x40, $0x38;
	[tilespmem:$0x1D400] =	vst v63  }
0xc1: {  	s28 =	simm.s32 $0x6  }
0xc2: {  	s29 =	simm.s32 $0x100;
	_ =	swait.ge [sflag:s28], $0x4000  }
0xc3: {  	s18 =	simm.s32 $0x15000;
	s19 =	simm.s32 $0x3000;
	[sflag:s28] =	ssyncset.done $0x0  }
0xc4: {  	s31 =	simm.s32 $0x2;
	s30 =	rddreg [dreg:$0x3];
	[sflag:s28] =	ssyncadd.s32 $0xFFFFC000  }
0xc5: {  	[tilespmem:s18], [sflag:$0x3] =	stream.indirect.gather [hbm4b:s30+s29], $0x80, s19, s29, $0xb8;
	[tilespmem:$0x1D400] =	vst v63  }
0xc6: {  	_ =	swait.ge [sflag:s31], $0x8000  }
0xc7: {  	s17 =	simm.s32 $0xD000;
	s20 =	sadd.s32 $0x0, s16;
	[sflag:s31] =	ssyncset.done $0x0  }
0xc8: {  	s18 =	simm.s32 $0x8;
	s19 =	simm.s32 $0xD080;
	[sflag:s31] =	ssyncadd.s32 $0xFFFF8000  }
.LBB2_18:
0xc9: {  	[hbm4b:s20+s3] =	stream.linear.scatter [tilespmem:s17], [sflag:$0x5], $0x40, $0x38;
	[tilespmem:$0x1D400] =	vst v63  }
0xca: {  	s20 =	smov.u32 s18;
	s17 =	smov.u32 s19;
	p0 =	sne.s32 s18, $0x7F8  }
.Ltmp10:
0xcb: {  	s18 =	sadd.s32 $0x8, s18;
	(pc) =	sbr.rel @p0 .LBB2_18-.Ltmp10, $2  }
0xcc: {  	_ =	sdelay $0x2  }
0xcd: {  	s19 =	sadd.s32 $0x80, s19;
	s20 =	sadd.s32 s20, s16  }
0xce: {  	[hbm4b:s20+s3] =	stream.linear.scatter [tilespmem:s17], [sflag:$0x5], $0x40, $0x38;
	[tilespmem:$0x1D400] =	vst v63  }
0xcf: {  	s28 =	simm.s32 $0x4  }
0xd0: {  	s29 =	simm.s32 $0x100;
	_ =	swait.ge [sflag:s28], $0x4000  }
0xd1: {  	s18 =	simm.s32 $0x5000;
	s19 =	simm.s32 $0x3100;
	[sflag:s28] =	ssyncset.done $0x0  }
0xd2: {  	s31 =	simm.s32 $0x3;
	s30 =	rddreg [dreg:$0x3];
	[sflag:s28] =	ssyncadd.s32 $0xFFFFC000  }
0xd3: {  	[tilespmem:s18], [sflag:$0x1] =	stream.indirect.gather [hbm4b:s30+s29], $0x80, s19, s29, $0xb8;
	[tilespmem:$0x1D400] =	vst v63  }
0xd4: {  	s17 =	simm.s32 $0x15000;
	_ =	swait.ge [sflag:s31], $0x8000  }
0xd5: {  	s18 =	simm.s32 $0x8;
	[sflag:s31] =	ssyncset.done $0x0;
	s24 =	rddreg [dreg:$0x6]  }
0xd6: {  	s19 =	simm.s32 $0x15080;
	[sflag:s31] =	ssyncadd.s32 $0xFFFF8000;
	s20 =	sadd.s32 $0x0, s24  }
.LBB2_20:
0xd7: {  	[hbm4b:s20+s3] =	stream.linear.scatter [tilespmem:s17], [sflag:$0x6], $0x40, $0x38;
	[tilespmem:$0x1D400] =	vst v63  }
0xd8: {  	s20 =	smov.u32 s18;
	s17 =	smov.u32 s19;
	p0 =	sne.s32 s18, $0x7F8  }
.Ltmp11:
0xd9: {  	s18 =	sadd.s32 $0x8, s18;
	(pc) =	sbr.rel @p0 .LBB2_20-.Ltmp11, $2  }
0xda: {  	_ =	sdelay $0x2  }
0xdb: {  	s19 =	sadd.s32 $0x80, s19;
	s20 =	sadd.s32 s20, s24  }
0xdc: {  	[hbm4b:s20+s3] =	stream.linear.scatter [tilespmem:s17], [sflag:$0x6], $0x40, $0x38;
	[tilespmem:$0x1D400] =	vst v63  }
0xdd: {  	s28 =	simm.s32 $0x5  }
0xde: {  	s29 =	simm.s32 $0x100;
	_ =	swait.ge [sflag:s28], $0x4000  }
0xdf: {  	s18 =	simm.s32 $0xD000;
	s19 =	simm.s32 $0x3200;
	[sflag:s28] =	ssyncset.done $0x0  }
0xe0: {  	s31 =	simm.s32 $0x1;
	s30 =	rddreg [dreg:$0x3];
	[sflag:s28] =	ssyncadd.s32 $0xFFFFC000  }
0xe1: {  	[tilespmem:s18], [sflag:$0x2] =	stream.indirect.gather [hbm4b:s30+s29], $0x80, s19, s29, $0xb8;
	[tilespmem:$0x1D400] =	vst v63  }
0xe2: {  	s17 =	simm.s32 $0x5000;
	_ =	swait.ge [sflag:s31], $0x8000  }
0xe3: {  	s18 =	simm.s32 $0x8;
	[sflag:s31] =	ssyncset.done $0x0;
	s24 =	rddreg [dreg:$0x7]  }
0xe4: {  	s19 =	simm.s32 $0x5080;
	[sflag:s31] =	ssyncadd.s32 $0xFFFF8000;
	s20 =	sadd.s32 $0x0, s24  }
.LBB2_22:
0xe5: {  	[hbm4b:s20+s3] =	stream.linear.scatter [tilespmem:s17], [sflag:$0x4], $0x40, $0x38;
	[tilespmem:$0x1D400] =	vst v63  }
0xe6: {  	s20 =	smov.u32 s18;
	s17 =	smov.u32 s19;
	p0 =	sne.s32 s18, $0x7F8  }
.Ltmp12:
0xe7: {  	s18 =	sadd.s32 $0x8, s18;
	(pc) =	sbr.rel @p0 .LBB2_22-.Ltmp12, $2  }
0xe8: {  	_ =	sdelay $0x2  }
0xe9: {  	s19 =	sadd.s32 $0x80, s19;
	s20 =	sadd.s32 s20, s24  }
0xea: {  	[hbm4b:s20+s3] =	stream.linear.scatter [tilespmem:s17], [sflag:$0x4], $0x40, $0x38;
	[tilespmem:$0x1D400] =	vst v63  }
0xeb: {  	s28 =	simm.s32 $0x6  }
0xec: {  	s29 =	simm.s32 $0x100;
	_ =	swait.ge [sflag:s28], $0x4000  }
0xed: {  	s18 =	simm.s32 $0x15000;
	s19 =	simm.s32 $0x3300;
	[sflag:s28] =	ssyncset.done $0x0  }
0xee: {  	s31 =	simm.s32 $0x2;
	s30 =	rddreg [dreg:$0x3];
	[sflag:s28] =	ssyncadd.s32 $0xFFFFC000  }
0xef: {  	[tilespmem:s18], [sflag:$0x3] =	stream.indirect.gather [hbm4b:s30+s29], $0x80, s19, s29, $0xb8;
	[tilespmem:$0x1D400] =	vst v63  }
0xf0: {  	s17 =	simm.s32 $0xD000;
	_ =	swait.ge [sflag:s31], $0x8000  }
0xf1: {  	s18 =	simm.s32 $0x8;
	[sflag:s31] =	ssyncset.done $0x0;
	s23 =	rddreg [dreg:$0x8]  }
0xf2: {  	s19 =	simm.s32 $0xD080;
	[sflag:s31] =	ssyncadd.s32 $0xFFFF8000;
	s20 =	sadd.s32 $0x0, s23  }
.LBB2_24:
0xf3: {  	[hbm4b:s20+s3] =	stream.linear.scatter [tilespmem:s17], [sflag:$0x5], $0x40, $0x38;
	[tilespmem:$0x1D400] =	vst v63  }
0xf4: {  	s20 =	smov.u32 s18;
	s17 =	smov.u32 s19;
	p0 =	sne.s32 s18, $0x7F8  }
.Ltmp13:
0xf5: {  	s18 =	sadd.s32 $0x8, s18;
	(pc) =	sbr.rel @p0 .LBB2_24-.Ltmp13, $2  }
0xf6: {  	_ =	sdelay $0x2  }
0xf7: {  	s19 =	sadd.s32 $0x80, s19;
	s20 =	sadd.s32 s20, s23  }
0xf8: {  	[hbm4b:s20+s3] =	stream.linear.scatter [tilespmem:s17], [sflag:$0x5], $0x40, $0x38;
	[tilespmem:$0x1D400] =	vst v63  }
0xf9: {  	s28 =	simm.s32 $0x4  }
0xfa: {  	s29 =	simm.s32 $0x100;
	_ =	swait.ge [sflag:s28], $0x4000  }
0xfb: {  	s18 =	simm.s32 $0x5000;
	s19 =	simm.s32 $0x3400;
	[sflag:s28] =	ssyncset.done $0x0  }
0xfc: {  	s31 =	simm.s32 $0x3;
	s30 =	rddreg [dreg:$0x3];
	[sflag:s28] =	ssyncadd.s32 $0xFFFFC000  }
0xfd: {  	[tilespmem:s18], [sflag:$0x1] =	stream.indirect.gather [hbm4b:s30+s29], $0x80, s19, s29, $0xb8;
	[tilespmem:$0x1D400] =	vst v63  }
0xfe: {  	s17 =	simm.s32 $0x15000;
	_ =	swait.ge [sflag:s31], $0x8000  }
0xff: {  	s18 =	simm.s32 $0x8;
	[sflag:s31] =	ssyncset.done $0x0;
	s23 =	rddreg [dreg:$0x9]  }
0x100: {  	s19 =	simm.s32 $0x15080;
	[sflag:s31] =	ssyncadd.s32 $0xFFFF8000;
	s20 =	sadd.s32 $0x0, s23  }
.LBB2_26:
0x101: {  	[hbm4b:s20+s3] =	stream.linear.scatter [tilespmem:s17], [sflag:$0x6], $0x40, $0x38;
	[tilespmem:$0x1D400] =	vst v63  }
0x102: {  	s20 =	smov.u32 s18;
	s17 =	smov.u32 s19;
	p0 =	sne.s32 s18, $0x7F8  }
.Ltmp14:
0x103: {  	s18 =	sadd.s32 $0x8, s18;
	(pc) =	sbr.rel @p0 .LBB2_26-.Ltmp14, $2  }
0x104: {  	_ =	sdelay $0x2  }
0x105: {  	s19 =	sadd.s32 $0x80, s19;
	s20 =	sadd.s32 s20, s23  }
0x106: {  	[hbm4b:s20+s3] =	stream.linear.scatter [tilespmem:s17], [sflag:$0x6], $0x40, $0x38;
	[tilespmem:$0x1D400] =	vst v63  }
0x107: {  	s28 =	simm.s32 $0x5  }
0x108: {  	s29 =	simm.s32 $0x100;
	_ =	swait.ge [sflag:s28], $0x4000  }
0x109: {  	s18 =	simm.s32 $0xD000;
	s19 =	simm.s32 $0x3500;
	[sflag:s28] =	ssyncset.done $0x0  }
0x10a: {  	s31 =	simm.s32 $0x1;
	s30 =	rddreg [dreg:$0x3];
	[sflag:s28] =	ssyncadd.s32 $0xFFFFC000  }
0x10b: {  	[tilespmem:s18], [sflag:$0x2] =	stream.indirect.gather [hbm4b:s30+s29], $0x80, s19, s29, $0xb8;
	[tilespmem:$0x1D400] =	vst v63  }
0x10c: {  	s17 =	simm.s32 $0x5000;
	_ =	swait.ge [sflag:s31], $0x8000  }
0x10d: {  	s18 =	simm.s32 $0x8;
	[sflag:s31] =	ssyncset.done $0x0;
	s26 =	rddreg [dreg:$0xa]  }
0x10e: {  	s19 =	simm.s32 $0x5080;
	[sflag:s31] =	ssyncadd.s32 $0xFFFF8000;
	s20 =	sadd.s32 $0x0, s26  }
.LBB2_28:
0x10f: {  	[hbm4b:s20+s3] =	stream.linear.scatter [tilespmem:s17], [sflag:$0x4], $0x40, $0x38;
	[tilespmem:$0x1D400] =	vst v63  }
0x110: {  	s20 =	smov.u32 s18;
	s17 =	smov.u32 s19;
	p0 =	sne.s32 s18, $0x7F8  }
.Ltmp15:
0x111: {  	s18 =	sadd.s32 $0x8, s18;
	(pc) =	sbr.rel @p0 .LBB2_28-.Ltmp15, $2  }
0x112: {  	_ =	sdelay $0x2  }
0x113: {  	s19 =	sadd.s32 $0x80, s19;
	s20 =	sadd.s32 s20, s26  }
0x114: {  	[hbm4b:s20+s3] =	stream.linear.scatter [tilespmem:s17], [sflag:$0x4], $0x40, $0x38;
	[tilespmem:$0x1D400] =	vst v63  }
0x115: {  	s28 =	simm.s32 $0x6  }
0x116: {  	s29 =	simm.s32 $0x100;
	_ =	swait.ge [sflag:s28], $0x4000  }
0x117: {  	s18 =	simm.s32 $0x15000;
	s19 =	simm.s32 $0x3600;
	[sflag:s28] =	ssyncset.done $0x0  }
0x118: {  	s31 =	simm.s32 $0x2;
	s30 =	rddreg [dreg:$0x3];
	[sflag:s28] =	ssyncadd.s32 $0xFFFFC000  }
0x119: {  	[tilespmem:s18], [sflag:$0x3] =	stream.indirect.gather [hbm4b:s30+s29], $0x80, s19, s29, $0xb8;
	[tilespmem:$0x1D400] =	vst v63  }
0x11a: {  	s17 =	simm.s32 $0xD000;
	_ =	swait.ge [sflag:s31], $0x8000  }
0x11b: {  	s18 =	simm.s32 $0x8;
	[sflag:s31] =	ssyncset.done $0x0;
	s26 =	rddreg [dreg:$0xb]  }
0x11c: {  	s19 =	simm.s32 $0xD080;
	[sflag:s31] =	ssyncadd.s32 $0xFFFF8000;
	s20 =	sadd.s32 $0x0, s26  }
.LBB2_30:
0x11d: {  	[hbm4b:s20+s3] =	stream.linear.scatter [tilespmem:s17], [sflag:$0x5], $0x40, $0x38;
	[tilespmem:$0x1D400] =	vst v63  }
0x11e: {  	s20 =	smov.u32 s18;
	s17 =	smov.u32 s19;
	p0 =	sne.s32 s18, $0x7F8  }
.Ltmp16:
0x11f: {  	s18 =	sadd.s32 $0x8, s18;
	(pc) =	sbr.rel @p0 .LBB2_30-.Ltmp16, $2  }
0x120: {  	_ =	sdelay $0x2  }
0x121: {  	s19 =	sadd.s32 $0x80, s19;
	s20 =	sadd.s32 s20, s26  }
0x122: {  	[hbm4b:s20+s3] =	stream.linear.scatter [tilespmem:s17], [sflag:$0x5], $0x40, $0x38;
	[tilespmem:$0x1D400] =	vst v63  }
0x123: {  	s26 =	simm.s32 $0x4  }
0x124: {  	s29 =	simm.s32 $0x100;
	_ =	swait.ge [sflag:s26], $0x4000  }
0x125: {  	s18 =	simm.s32 $0x5000;
	s19 =	simm.s32 $0x3700;
	[sflag:s26] =	ssyncset.done $0x0  }
0x126: {  	s31 =	simm.s32 $0x3;
	s30 =	rddreg [dreg:$0x3];
	[sflag:s26] =	ssyncadd.s32 $0xFFFFC000  }
0x127: {  	[tilespmem:s18], [sflag:$0x1] =	stream.indirect.gather [hbm4b:s30+s29], $0x80, s19, s29, $0xb8;
	[tilespmem:$0x1D400] =	vst v63  }
0x128: {  	s17 =	simm.s32 $0x15000;
	_ =	swait.ge [sflag:s31], $0x8000  }
0x129: {  	s18 =	simm.s32 $0x8;
	[sflag:s31] =	ssyncset.done $0x0;
	s28 =	rddreg [dreg:$0xc]  }
0x12a: {  	s19 =	simm.s32 $0x15080;
	[sflag:s31] =	ssyncadd.s32 $0xFFFF8000;
	s20 =	sadd.s32 $0x0, s28  }
.LBB2_32:
0x12b: {  	[hbm4b:s20+s3] =	stream.linear.scatter [tilespmem:s17], [sflag:$0x6], $0x40, $0x38;
	[tilespmem:$0x1D400] =	vst v63  }
0x12c: {  	s20 =	smov.u32 s18;
	s17 =	smov.u32 s19;
	p0 =	sne.s32 s18, $0x7F8  }
.Ltmp17:
0x12d: {  	s18 =	sadd.s32 $0x8, s18;
	(pc) =	sbr.rel @p0 .LBB2_32-.Ltmp17, $2  }
0x12e: {  	_ =	sdelay $0x2  }
0x12f: {  	s19 =	sadd.s32 $0x80, s19;
	s20 =	sadd.s32 s20, s28  }
0x130: {  	[hbm4b:s20+s3] =	stream.linear.scatter [tilespmem:s17], [sflag:$0x6], $0x40, $0x38;
	[tilespmem:$0x1D400] =	vst v63  }
0x131: {  	s26 =	simm.s32 $0x5  }
0x132: {  	s29 =	simm.s32 $0x100;
	_ =	swait.ge [sflag:s26], $0x4000  }
0x133: {  	s18 =	simm.s32 $0xD000;
	s19 =	simm.s32 $0x3800;
	[sflag:s26] =	ssyncset.done $0x0  }
0x134: {  	s31 =	simm.s32 $0x1;
	s30 =	rddreg [dreg:$0x3];
	[sflag:s26] =	ssyncadd.s32 $0xFFFFC000  }
0x135: {  	[tilespmem:s18], [sflag:$0x2] =	stream.indirect.gather [hbm4b:s30+s29], $0x80, s19, s29, $0xb8;
	[tilespmem:$0x1D400] =	vst v63  }
0x136: {  	s17 =	simm.s32 $0x5000;
	_ =	swait.ge [sflag:s31], $0x8000  }
0x137: {  	s18 =	simm.s32 $0x8;
	[sflag:s31] =	ssyncset.done $0x0;
	s28 =	rddreg [dreg:$0xd]  }
0x138: {  	s19 =	simm.s32 $0x5080;
	[sflag:s31] =	ssyncadd.s32 $0xFFFF8000;
	s20 =	sadd.s32 $0x0, s28  }
.LBB2_34:
0x139: {  	[hbm4b:s20+s3] =	stream.linear.scatter [tilespmem:s17], [sflag:$0x4], $0x40, $0x38;
	[tilespmem:$0x1D400] =	vst v63  }
0x13a: {  	s20 =	smov.u32 s18;
	s17 =	smov.u32 s19;
	p0 =	sne.s32 s18, $0x7F8  }
.Ltmp18:
0x13b: {  	s18 =	sadd.s32 $0x8, s18;
	(pc) =	sbr.rel @p0 .LBB2_34-.Ltmp18, $2  }
0x13c: {  	_ =	sdelay $0x2  }
0x13d: {  	s19 =	sadd.s32 $0x80, s19;
	s20 =	sadd.s32 s20, s28  }
0x13e: {  	[hbm4b:s20+s3] =	stream.linear.scatter [tilespmem:s17], [sflag:$0x4], $0x40, $0x38;
	[tilespmem:$0x1D400] =	vst v63  }
0x13f: {  	s26 =	simm.s32 $0x6  }
0x140: {  	s28 =	simm.s32 $0x100;
	_ =	swait.ge [sflag:s26], $0x4000  }
0x141: {  	s18 =	simm.s32 $0x15000;
	s19 =	simm.s32 $0x3900;
	[sflag:s26] =	ssyncset.done $0x0  }
0x142: {  	s31 =	simm.s32 $0x2;
	s30 =	rddreg [dreg:$0x3];
	[sflag:s26] =	ssyncadd.s32 $0xFFFFC000  }
0x143: {  	[tilespmem:s18], [sflag:$0x3] =	stream.indirect.gather [hbm4b:s30+s28], $0x80, s19, s28, $0xb8;
	[tilespmem:$0x1D400] =	vst v63  }
0x144: {  	s17 =	simm.s32 $0xD000;
	_ =	swait.ge [sflag:s31], $0x8000  }
0x145: {  	s18 =	simm.s32 $0x8;
	[sflag:s31] =	ssyncset.done $0x0;
	s29 =	rddreg [dreg:$0xe]  }
0x146: {  	s19 =	simm.s32 $0xD080;
	[sflag:s31] =	ssyncadd.s32 $0xFFFF8000;
	s20 =	sadd.s32 $0x0, s29  }
.LBB2_36:
0x147: {  	[hbm4b:s20+s3] =	stream.linear.scatter [tilespmem:s17], [sflag:$0x5], $0x40, $0x38;
	[tilespmem:$0x1D400] =	vst v63  }
0x148: {  	s20 =	smov.u32 s18;
	s17 =	smov.u32 s19;
	p0 =	sne.s32 s18, $0x7F8  }
.Ltmp19:
0x149: {  	s18 =	sadd.s32 $0x8, s18;
	(pc) =	sbr.rel @p0 .LBB2_36-.Ltmp19, $2  }
0x14a: {  	_ =	sdelay $0x2  }
0x14b: {  	s19 =	sadd.s32 $0x80, s19;
	s20 =	sadd.s32 s20, s29  }
0x14c: {  	[hbm4b:s20+s3] =	stream.linear.scatter [tilespmem:s17], [sflag:$0x5], $0x40, $0x38;
	[tilespmem:$0x1D400] =	vst v63  }
0x14d: {  	s26 =	simm.s32 $0x4  }
0x14e: {  	s28 =	simm.s32 $0x100;
	_ =	swait.ge [sflag:s26], $0x4000  }
0x14f: {  	s18 =	simm.s32 $0x5000;
	s19 =	simm.s32 $0x3A00;
	[sflag:s26] =	ssyncset.done $0x0  }
0x150: {  	s31 =	simm.s32 $0x3;
	s30 =	rddreg [dreg:$0x3];
	[sflag:s26] =	ssyncadd.s32 $0xFFFFC000  }
0x151: {  	[tilespmem:s18], [sflag:$0x1] =	stream.indirect.gather [hbm4b:s30+s28], $0x80, s19, s28, $0xb8;
	[tilespmem:$0x1D400] =	vst v63  }
0x152: {  	s17 =	simm.s32 $0x15000;
	_ =	swait.ge [sflag:s31], $0x8000  }
0x153: {  	s18 =	simm.s32 $0x8;
	[sflag:s31] =	ssyncset.done $0x0;
	s29 =	rddreg [dreg:$0xf]  }
0x154: {  	s19 =	simm.s32 $0x15080;
	[sflag:s31] =	ssyncadd.s32 $0xFFFF8000;
	s20 =	sadd.s32 $0x0, s29  }
.LBB2_38:
0x155: {  	[hbm4b:s20+s3] =	stream.linear.scatter [tilespmem:s17], [sflag:$0x6], $0x40, $0x38;
	[tilespmem:$0x1D400] =	vst v63  }
0x156: {  	s20 =	smov.u32 s18;
	s17 =	smov.u32 s19;
	p0 =	sne.s32 s18, $0x7F8  }
.Ltmp20:
0x157: {  	s18 =	sadd.s32 $0x8, s18;
	(pc) =	sbr.rel @p0 .LBB2_38-.Ltmp20, $2  }
0x158: {  	_ =	sdelay $0x2  }
0x159: {  	s19 =	sadd.s32 $0x80, s19;
	s20 =	sadd.s32 s20, s29  }
0x15a: {  	[hbm4b:s20+s3] =	stream.linear.scatter [tilespmem:s17], [sflag:$0x6], $0x40, $0x38;
	[tilespmem:$0x1D400] =	vst v63  }
0x15b: {  	s26 =	simm.s32 $0x5  }
0x15c: {  	s28 =	simm.s32 $0x100;
	_ =	swait.ge [sflag:s26], $0x4000  }
0x15d: {  	s18 =	simm.s32 $0xD000;
	s19 =	simm.s32 $0x3B00;
	[sflag:s26] =	ssyncset.done $0x0  }
0x15e: {  	s31 =	simm.s32 $0x1;
	s29 =	rddreg [dreg:$0x3];
	[sflag:s26] =	ssyncadd.s32 $0xFFFFC000  }
0x15f: {  	[tilespmem:s18], [sflag:$0x2] =	stream.indirect.gather [hbm4b:s29+s28], $0x80, s19, s28, $0xb8;
	[tilespmem:$0x1D400] =	vst v63  }
0x160: {  	s17 =	simm.s32 $0x5000;
	_ =	swait.ge [sflag:s31], $0x8000  }
0x161: {  	s18 =	simm.s32 $0x8;
	[sflag:s31] =	ssyncset.done $0x0;
	s30 =	rddreg [dreg:$0x10]  }
0x162: {  	s19 =	simm.s32 $0x5080;
	[sflag:s31] =	ssyncadd.s32 $0xFFFF8000;
	s20 =	sadd.s32 $0x0, s30  }
.LBB2_40:
0x163: {  	[hbm4b:s20+s3] =	stream.linear.scatter [tilespmem:s17], [sflag:$0x4], $0x40, $0x38;
	[tilespmem:$0x1D400] =	vst v63  }
0x164: {  	s20 =	smov.u32 s18;
	s17 =	smov.u32 s19;
	p0 =	sne.s32 s18, $0x7F8  }
.Ltmp21:
0x165: {  	s18 =	sadd.s32 $0x8, s18;
	(pc) =	sbr.rel @p0 .LBB2_40-.Ltmp21, $2  }
0x166: {  	_ =	sdelay $0x2  }
0x167: {  	s19 =	sadd.s32 $0x80, s19;
	s20 =	sadd.s32 s20, s30  }
0x168: {  	[hbm4b:s20+s3] =	stream.linear.scatter [tilespmem:s17], [sflag:$0x4], $0x40, $0x38;
	[tilespmem:$0x1D400] =	vst v63  }
0x169: {  	s26 =	simm.s32 $0x6  }
0x16a: {  	s28 =	simm.s32 $0x100;
	_ =	swait.ge [sflag:s26], $0x4000  }
0x16b: {  	s18 =	simm.s32 $0x15000;
	s19 =	simm.s32 $0x3C00;
	[sflag:s26] =	ssyncset.done $0x0  }
0x16c: {  	s31 =	simm.s32 $0x2;
	s29 =	rddreg [dreg:$0x3];
	[sflag:s26] =	ssyncadd.s32 $0xFFFFC000  }
0x16d: {  	[tilespmem:s18], [sflag:$0x3] =	stream.indirect.gather [hbm4b:s29+s28], $0x80, s19, s28, $0xb8;
	[tilespmem:$0x1D400] =	vst v63  }
0x16e: {  	s17 =	simm.s32 $0xD000;
	_ =	swait.ge [sflag:s31], $0x8000  }
0x16f: {  	s18 =	simm.s32 $0x8;
	[sflag:s31] =	ssyncset.done $0x0;
	s30 =	rddreg [dreg:$0x11]  }
0x170: {  	s19 =	simm.s32 $0xD080;
	[sflag:s31] =	ssyncadd.s32 $0xFFFF8000;
	s20 =	sadd.s32 $0x0, s30  }
.LBB2_42:
0x171: {  	[hbm4b:s20+s3] =	stream.linear.scatter [tilespmem:s17], [sflag:$0x5], $0x40, $0x38;
	[tilespmem:$0x1D400] =	vst v63  }
0x172: {  	s20 =	smov.u32 s18;
	s17 =	smov.u32 s19;
	p0 =	sne.s32 s18, $0x7F8  }
.Ltmp22:
0x173: {  	s18 =	sadd.s32 $0x8, s18;
	(pc) =	sbr.rel @p0 .LBB2_42-.Ltmp22, $2  }
0x174: {  	_ =	sdelay $0x2  }
0x175: {  	s19 =	sadd.s32 $0x80, s19;
	s20 =	sadd.s32 s20, s30  }
0x176: {  	[hbm4b:s20+s3] =	stream.linear.scatter [tilespmem:s17], [sflag:$0x5], $0x40, $0x38;
	[tilespmem:$0x1D400] =	vst v63  }
0x177: {  	s26 =	simm.s32 $0x4  }
0x178: {  	s28 =	simm.s32 $0x100;
	_ =	swait.ge [sflag:s26], $0x4000  }
0x179: {  	s18 =	simm.s32 $0x5000;
	s19 =	simm.s32 $0x3D00;
	[sflag:s26] =	ssyncset.done $0x0  }
0x17a: {  	s30 =	simm.s32 $0x3;
	s29 =	rddreg [dreg:$0x3];
	[sflag:s26] =	ssyncadd.s32 $0xFFFFC000  }
0x17b: {  	[tilespmem:s18], [sflag:$0x1] =	stream.indirect.gather [hbm4b:s29+s28], $0x80, s19, s28, $0xb8;
	[tilespmem:$0x1D400] =	vst v63  }
0x17c: {  	s17 =	simm.s32 $0x15000;
	_ =	swait.ge [sflag:s30], $0x8000  }
0x17d: {  	s18 =	simm.s32 $0x8;
	[sflag:s30] =	ssyncset.done $0x0;
	s31 =	rddreg [dreg:$0x12]  }
0x17e: {  	s19 =	simm.s32 $0x15080;
	[sflag:s30] =	ssyncadd.s32 $0xFFFF8000;
	s20 =	sadd.s32 $0x0, s31  }
.LBB2_44:
0x17f: {  	[hbm4b:s20+s3] =	stream.linear.scatter [tilespmem:s17], [sflag:$0x6], $0x40, $0x38;
	[tilespmem:$0x1D400] =	vst v63  }
0x180: {  	s20 =	smov.u32 s18;
	s17 =	smov.u32 s19;
	p0 =	sne.s32 s18, $0x7F8  }
.Ltmp23:
0x181: {  	s18 =	sadd.s32 $0x8, s18;
	(pc) =	sbr.rel @p0 .LBB2_44-.Ltmp23, $2  }
0x182: {  	_ =	sdelay $0x2  }
0x183: {  	s19 =	sadd.s32 $0x80, s19;
	s20 =	sadd.s32 s20, s31  }
0x184: {  	[hbm4b:s20+s3] =	stream.linear.scatter [tilespmem:s17], [sflag:$0x6], $0x40, $0x38;
	[tilespmem:$0x1D400] =	vst v63  }
0x185: {  	s1 =	simm.s32 $0x5  }
0x186: {  	s28 =	simm.s32 $0x100;
	_ =	swait.ge [sflag:s1], $0x4000  }
0x187: {  	s29 =	simm.s32 $0xD000;
	s18 =	simm.s32 $0x3E00;
	[sflag:s1] =	ssyncset.done $0x0  }
0x188: {  	s30 =	simm.s32 $0x1;
	s19 =	rddreg [dreg:$0x3];
	[sflag:s1] =	ssyncadd.s32 $0xFFFFC000  }
0x189: {  	[tilespmem:s29], [sflag:$0x2] =	stream.indirect.gather [hbm4b:s19+s28], $0x80, s18, s28, $0xb8;
	[tilespmem:$0x1D400] =	vst v63  }
0x18a: {  	s17 =	simm.s32 $0x5000;
	_ =	swait.ge [sflag:s30], $0x8000  }
0x18b: {  	s18 =	simm.s32 $0x8;
	[sflag:s30] =	ssyncset.done $0x0;
	s31 =	rddreg [dreg:$0x13]  }
0x18c: {  	s19 =	simm.s32 $0x5080;
	[sflag:s30] =	ssyncadd.s32 $0xFFFF8000;
	s20 =	sadd.s32 $0x0, s31  }
.LBB2_46:
0x18d: {  	[hbm4b:s20+s3] =	stream.linear.scatter [tilespmem:s17], [sflag:$0x4], $0x40, $0x38;
	[tilespmem:$0x1D400] =	vst v63  }
0x18e: {  	s20 =	smov.u32 s18;
	s17 =	smov.u32 s19;
	p0 =	sne.s32 s18, $0x7F8  }
.Ltmp24:
0x18f: {  	s18 =	sadd.s32 $0x8, s18;
	(pc) =	sbr.rel @p0 .LBB2_46-.Ltmp24, $2  }
0x190: {  	_ =	sdelay $0x2  }
0x191: {  	s19 =	sadd.s32 $0x80, s19;
	s20 =	sadd.s32 s20, s31  }
0x192: {  	[hbm4b:s20+s3] =	stream.linear.scatter [tilespmem:s17], [sflag:$0x4], $0x40, $0x38;
	[tilespmem:$0x1D400] =	vst v63  }
0x193: {  	s1 =	simm.s32 $0x6  }
0x194: {  	s29 =	simm.s32 $0x100;
	_ =	swait.ge [sflag:s1], $0x4000  }
0x195: {  	s30 =	simm.s32 $0x15000;
	s18 =	simm.s32 $0x3F00;
	[sflag:s1] =	ssyncset.done $0x0  }
0x196: {  	s31 =	simm.s32 $0x2;
	s19 =	rddreg [dreg:$0x3];
	[sflag:s1] =	ssyncadd.s32 $0xFFFFC000  }
0x197: {  	[tilespmem:s30], [sflag:$0x3] =	stream.indirect.gather [hbm4b:s19+s29], $0x80, s18, s29, $0xb8;
	[tilespmem:$0x1D400] =	vst v63  }
0x198: {  	s17 =	simm.s32 $0xD000;
	_ =	swait.ge [sflag:s31], $0x8000  }
0x199: {  	s18 =	simm.s32 $0x8;
	[sflag:s31] =	ssyncset.done $0x0;
	s1 =	rddreg [dreg:$0x15]  }
0x19a: {  	s19 =	simm.s32 $0xD080;
	[sflag:s31] =	ssyncadd.s32 $0xFFFF8000;
	s20 =	sadd.s32 $0x0, s1  }
.LBB2_48:
0x19b: {  	[hbm4b:s20+s3] =	stream.linear.scatter [tilespmem:s17], [sflag:$0x5], $0x40, $0x38;
	[tilespmem:$0x1D400] =	vst v63  }
0x19c: {  	s20 =	smov.u32 s18;
	s17 =	smov.u32 s19;
	p0 =	sne.s32 s18, $0x7F8  }
.Ltmp25:
0x19d: {  	s18 =	sadd.s32 $0x8, s18;
	(pc) =	sbr.rel @p0 .LBB2_48-.Ltmp25, $2  }
0x19e: {  	_ =	sdelay $0x2  }
0x19f: {  	s19 =	sadd.s32 $0x80, s19;
	s20 =	sadd.s32 s20, s1  }
0x1a0: {  	[hbm4b:s20+s3] =	stream.linear.scatter [tilespmem:s17], [sflag:$0x5], $0x40, $0x38;
	[tilespmem:$0x1D400] =	vst v63  }
0x1a1: {  	s0 =	simm.s32 $0x4  }
0x1a2: {  	s29 =	simm.s32 $0x100;
	_ =	swait.ge [sflag:s0], $0x4000  }
0x1a3: {  	s1 =	simm.s32 $0x5000;
	s30 =	simm.s32 $0x4000;
	[sflag:s0] =	ssyncset.done $0x0  }
0x1a4: {  	s31 =	simm.s32 $0x3;
	s18 =	rddreg [dreg:$0x3];
	[sflag:s0] =	ssyncadd.s32 $0xFFFFC000  }
0x1a5: {  	[tilespmem:s1], [sflag:$0x1] =	stream.indirect.gather [hbm4b:s18+s29], $0x80, s30, s29, $0xb8;
	[tilespmem:$0x1D400] =	vst v63  }
0x1a6: {  	s17 =	simm.s32 $0x15000;
	_ =	swait.ge [sflag:s31], $0x8000  }
0x1a7: {  	s19 =	simm.s32 $0x15080;
	[sflag:s31] =	ssyncset.done $0x0;
	s1 =	rddreg [dreg:$0x16]  }
0x1a8: {  	s18 =	simm.s32 $0x8;
	[sflag:s31] =	ssyncadd.s32 $0xFFFF8000;
	s20 =	sadd.s32 $0x0, s1  }
.LBB2_50:
0x1a9: {  	[hbm4b:s20+s3] =	stream.linear.scatter [tilespmem:s17], [sflag:$0x6], $0x40, $0x38;
	[tilespmem:$0x1D400] =	vst v63  }
0x1aa: {  	s20 =	smov.u32 s18;
	s17 =	smov.u32 s19;
	p0 =	sne.s32 s18, $0x7F8  }
.Ltmp26:
0x1ab: {  	s18 =	sadd.s32 $0x8, s18;
	(pc) =	sbr.rel @p0 .LBB2_50-.Ltmp26, $2  }
0x1ac: {  	_ =	sdelay $0x2  }
0x1ad: {  	s19 =	sadd.s32 $0x80, s19;
	s20 =	sadd.s32 s20, s1  }
0x1ae: {  	[hbm4b:s20+s3] =	stream.linear.scatter [tilespmem:s17], [sflag:$0x6], $0x40, $0x38;
	[tilespmem:$0x1D400] =	vst v63  }
0x1af: {  	s0 =	simm.s32 $0x5  }
0x1b0: {  	s29 =	simm.s32 $0x100;
	_ =	swait.ge [sflag:s0], $0x4000  }
0x1b1: {  	s30 =	simm.s32 $0xD000;
	s18 =	simm.s32 $0x4100;
	[sflag:s0] =	ssyncset.done $0x0  }
0x1b2: {  	s31 =	simm.s32 $0x1;
	s19 =	rddreg [dreg:$0x3];
	[sflag:s0] =	ssyncadd.s32 $0xFFFFC000  }
0x1b3: {  	[tilespmem:s30], [sflag:$0x2] =	stream.indirect.gather [hbm4b:s19+s29], $0x80, s18, s29, $0xb8;
	[tilespmem:$0x1D400] =	vst v63  }
0x1b4: {  	s17 =	simm.s32 $0x5000;
	_ =	swait.ge [sflag:s31], $0x8000  }
0x1b5: {  	s18 =	simm.s32 $0x8;
	[sflag:s31] =	ssyncset.done $0x0;
	s0 =	rddreg [dreg:$0x17]  }
0x1b6: {  	s19 =	simm.s32 $0x5080;
	[sflag:s31] =	ssyncadd.s32 $0xFFFF8000;
	s20 =	sadd.s32 $0x0, s0  }
.LBB2_52:
0x1b7: {  	[hbm4b:s20+s3] =	stream.linear.scatter [tilespmem:s17], [sflag:$0x4], $0x40, $0x38;
	[tilespmem:$0x1D400] =	vst v63  }
0x1b8: {  	s20 =	smov.u32 s18;
	s17 =	smov.u32 s19;
	p0 =	sne.s32 s18, $0x7F8  }
.Ltmp27:
0x1b9: {  	s18 =	sadd.s32 $0x8, s18;
	(pc) =	sbr.rel @p0 .LBB2_52-.Ltmp27, $2  }
0x1ba: {  	_ =	sdelay $0x2  }
0x1bb: {  	s19 =	sadd.s32 $0x80, s19;
	s20 =	sadd.s32 s20, s0  }
0x1bc: {  	[hbm4b:s20+s3] =	stream.linear.scatter [tilespmem:s17], [sflag:$0x4], $0x40, $0x38;
	[tilespmem:$0x1D400] =	vst v63  }
0x1bd: {  	s0 =	simm.s32 $0x6  }
0x1be: {  	s29 =	simm.s32 $0x100;
	_ =	swait.ge [sflag:s0], $0x4000  }
0x1bf: {  	s6 =	simm.s32 $0x15000;
	s30 =	simm.s32 $0x4200;
	[sflag:s0] =	ssyncset.done $0x0  }
0x1c0: {  	s31 =	simm.s32 $0x2;
	s18 =	rddreg [dreg:$0x3];
	[sflag:s0] =	ssyncadd.s32 $0xFFFFC000  }
0x1c1: {  	[tilespmem:s6], [sflag:$0x3] =	stream.indirect.gather [hbm4b:s18+s29], $0x80, s30, s29, $0xb8;
	[tilespmem:$0x1D400] =	vst v63  }
0x1c2: {  	s17 =	simm.s32 $0xD000;
	_ =	swait.ge [sflag:s31], $0x8000  }
0x1c3: {  	s19 =	simm.s32 $0xD080;
	[sflag:s31] =	ssyncset.done $0x0;
	s0 =	rddreg [dreg:$0x18]  }
0x1c4: {  	s18 =	simm.s32 $0x8;
	[sflag:s31] =	ssyncadd.s32 $0xFFFF8000;
	s20 =	sadd.s32 $0x0, s0  }
.LBB2_54:
0x1c5: {  	[hbm4b:s20+s3] =	stream.linear.scatter [tilespmem:s17], [sflag:$0x5], $0x40, $0x38;
	[tilespmem:$0x1D400] =	vst v63  }
0x1c6: {  	s20 =	smov.u32 s18;
	s17 =	smov.u32 s19;
	p0 =	sne.s32 s18, $0x7F8  }
.Ltmp28:
0x1c7: {  	s18 =	sadd.s32 $0x8, s18;
	(pc) =	sbr.rel @p0 .LBB2_54-.Ltmp28, $2  }
0x1c8: {  	_ =	sdelay $0x2  }
0x1c9: {  	s19 =	sadd.s32 $0x80, s19;
	s20 =	sadd.s32 s20, s0  }
0x1ca: {  	[hbm4b:s20+s3] =	stream.linear.scatter [tilespmem:s17], [sflag:$0x5], $0x40, $0x38;
	[tilespmem:$0x1D400] =	vst v63  }
0x1cb: {  	s6 =	simm.s32 $0x4  }
0x1cc: {  	s29 =	simm.s32 $0x100;
	_ =	swait.ge [sflag:s6], $0x4000  }
0x1cd: {  	s30 =	simm.s32 $0x5000;
	s18 =	simm.s32 $0x4300;
	[sflag:s6] =	ssyncset.done $0x0  }
0x1ce: {  	s31 =	simm.s32 $0x3;
	s19 =	rddreg [dreg:$0x3];
	[sflag:s6] =	ssyncadd.s32 $0xFFFFC000  }
0x1cf: {  	[tilespmem:s30], [sflag:$0x1] =	stream.indirect.gather [hbm4b:s19+s29], $0x80, s18, s29, $0xb8;
	[tilespmem:$0x1D400] =	vst v63  }
0x1d0: {  	s17 =	simm.s32 $0x15000;
	_ =	swait.ge [sflag:s31], $0x8000  }
0x1d1: {  	s18 =	simm.s32 $0x8;
	[sflag:s31] =	ssyncset.done $0x0;
	s6 =	rddreg [dreg:$0x19]  }
0x1d2: {  	s19 =	simm.s32 $0x15080;
	[sflag:s31] =	ssyncadd.s32 $0xFFFF8000;
	s20 =	sadd.s32 $0x0, s6  }
.LBB2_56:
0x1d3: {  	[hbm4b:s20+s3] =	stream.linear.scatter [tilespmem:s17], [sflag:$0x6], $0x40, $0x38;
	[tilespmem:$0x1D400] =	vst v63  }
0x1d4: {  	s20 =	smov.u32 s18;
	s17 =	smov.u32 s19;
	p0 =	sne.s32 s18, $0x7F8  }
.Ltmp29:
0x1d5: {  	s18 =	sadd.s32 $0x8, s18;
	(pc) =	sbr.rel @p0 .LBB2_56-.Ltmp29, $2  }
0x1d6: {  	_ =	sdelay $0x2  }
0x1d7: {  	s19 =	sadd.s32 $0x80, s19;
	s20 =	sadd.s32 s20, s6  }
0x1d8: {  	[hbm4b:s20+s3] =	stream.linear.scatter [tilespmem:s17], [sflag:$0x6], $0x40, $0x38;
	[tilespmem:$0x1D400] =	vst v63  }
0x1d9: {  	s6 =	simm.s32 $0x5  }
0x1da: {  	s29 =	simm.s32 $0x100;
	_ =	swait.ge [sflag:s6], $0x4000  }
0x1db: {  	s30 =	simm.s32 $0xD000;
	s18 =	simm.s32 $0x4400;
	[sflag:s6] =	ssyncset.done $0x0  }
0x1dc: {  	s31 =	simm.s32 $0x1;
	s19 =	rddreg [dreg:$0x3];
	[sflag:s6] =	ssyncadd.s32 $0xFFFFC000  }
0x1dd: {  	[tilespmem:s30], [sflag:$0x2] =	stream.indirect.gather [hbm4b:s19+s29], $0x80, s18, s29, $0xb8;
	[tilespmem:$0x1D400] =	vst v63  }
0x1de: {  	s17 =	simm.s32 $0x5000;
	_ =	swait.ge [sflag:s31], $0x8000  }
0x1df: {  	s18 =	simm.s32 $0x8;
	[sflag:s31] =	ssyncset.done $0x0;
	s6 =	rddreg [dreg:$0x1a]  }
0x1e0: {  	s19 =	simm.s32 $0x5080;
	[sflag:s31] =	ssyncadd.s32 $0xFFFF8000;
	s20 =	sadd.s32 $0x0, s6  }
.LBB2_58:
0x1e1: {  	[hbm4b:s20+s3] =	stream.linear.scatter [tilespmem:s17], [sflag:$0x4], $0x40, $0x38;
	[tilespmem:$0x1D400] =	vst v63  }
0x1e2: {  	s20 =	smov.u32 s18;
	s17 =	smov.u32 s19;
	p0 =	sne.s32 s18, $0x7F8  }
.Ltmp30:
0x1e3: {  	s18 =	sadd.s32 $0x8, s18;
	(pc) =	sbr.rel @p0 .LBB2_58-.Ltmp30, $2  }
0x1e4: {  	_ =	sdelay $0x2  }
0x1e5: {  	s19 =	sadd.s32 $0x80, s19;
	s20 =	sadd.s32 s20, s6  }
0x1e6: {  	[hbm4b:s20+s3] =	stream.linear.scatter [tilespmem:s17], [sflag:$0x4], $0x40, $0x38;
	[tilespmem:$0x1D400] =	vst v63  }
0x1e7: {  	s28 =	simm.s32 $0x6  }
0x1e8: {  	s29 =	simm.s32 $0x100;
	_ =	swait.ge [sflag:s28], $0x4000  }
0x1e9: {  	s18 =	simm.s32 $0x15000;
	s19 =	simm.s32 $0x4500;
	[sflag:s28] =	ssyncset.done $0x0  }
0x1ea: {  	s31 =	simm.s32 $0x2;
	s30 =	rddreg [dreg:$0x3];
	[sflag:s28] =	ssyncadd.s32 $0xFFFFC000  }
0x1eb: {  	[tilespmem:s18], [sflag:$0x3] =	stream.indirect.gather [hbm4b:s30+s29], $0x80, s19, s29, $0xb8;
	[tilespmem:$0x1D400] =	vst v63  }
0x1ec: {  	s17 =	simm.s32 $0xD000;
	_ =	swait.ge [sflag:s31], $0x8000  }
0x1ed: {  	s18 =	simm.s32 $0x8;
	[sflag:s31] =	ssyncset.done $0x0;
	s22 =	rddreg [dreg:$0x1b]  }
0x1ee: {  	s19 =	simm.s32 $0xD080;
	[sflag:s31] =	ssyncadd.s32 $0xFFFF8000;
	s20 =	sadd.s32 $0x0, s22  }
.LBB2_60:
0x1ef: {  	[hbm4b:s20+s3] =	stream.linear.scatter [tilespmem:s17], [sflag:$0x5], $0x40, $0x38;
	[tilespmem:$0x1D400] =	vst v63  }
0x1f0: {  	s20 =	smov.u32 s18;
	s17 =	smov.u32 s19;
	p0 =	sne.s32 s18, $0x7F8  }
.Ltmp31:
0x1f1: {  	s18 =	sadd.s32 $0x8, s18;
	(pc) =	sbr.rel @p0 .LBB2_60-.Ltmp31, $2  }
0x1f2: {  	_ =	sdelay $0x2  }
0x1f3: {  	s19 =	sadd.s32 $0x80, s19;
	s20 =	sadd.s32 s20, s22  }
0x1f4: {  	[hbm4b:s20+s3] =	stream.linear.scatter [tilespmem:s17], [sflag:$0x5], $0x40, $0x38;
	[tilespmem:$0x1D400] =	vst v63  }
0x1f5: {  	s4 =	simm.s32 $0x4  }
0x1f6: {  	s29 =	simm.s32 $0x100;
	_ =	swait.ge [sflag:s4], $0x4000  }
0x1f7: {  	s30 =	simm.s32 $0x5000;
	s18 =	simm.s32 $0x4600;
	[sflag:s4] =	ssyncset.done $0x0  }
0x1f8: {  	s31 =	simm.s32 $0x3;
	s19 =	rddreg [dreg:$0x3];
	[sflag:s4] =	ssyncadd.s32 $0xFFFFC000  }
0x1f9: {  	[tilespmem:s30], [sflag:$0x1] =	stream.indirect.gather [hbm4b:s19+s29], $0x80, s18, s29, $0xb8;
	[tilespmem:$0x1D400] =	vst v63  }
0x1fa: {  	s17 =	simm.s32 $0x15000;
	_ =	swait.ge [sflag:s31], $0x8000  }
0x1fb: {  	s18 =	simm.s32 $0x8;
	[sflag:s31] =	ssyncset.done $0x0;
	s22 =	rddreg [dreg:$0x1c]  }
0x1fc: {  	s19 =	simm.s32 $0x15080;
	[sflag:s31] =	ssyncadd.s32 $0xFFFF8000;
	s20 =	sadd.s32 $0x0, s22  }
.LBB2_62:
0x1fd: {  	[hbm4b:s20+s3] =	stream.linear.scatter [tilespmem:s17], [sflag:$0x6], $0x40, $0x38;
	[tilespmem:$0x1D400] =	vst v63  }
0x1fe: {  	s20 =	smov.u32 s18;
	s17 =	smov.u32 s19;
	p0 =	sne.s32 s18, $0x7F8  }
.Ltmp32:
0x1ff: {  	s18 =	sadd.s32 $0x8, s18;
	(pc) =	sbr.rel @p0 .LBB2_62-.Ltmp32, $2  }
0x200: {  	_ =	sdelay $0x2  }
0x201: {  	s19 =	sadd.s32 $0x80, s19;
	s20 =	sadd.s32 s20, s22  }
0x202: {  	[hbm4b:s20+s3] =	stream.linear.scatter [tilespmem:s17], [sflag:$0x6], $0x40, $0x38;
	[tilespmem:$0x1D400] =	vst v63  }
0x203: {  	s4 =	simm.s32 $0x5  }
0x204: {  	s29 =	simm.s32 $0x100;
	_ =	swait.ge [sflag:s4], $0x4000  }
0x205: {  	s30 =	simm.s32 $0xD000;
	s18 =	simm.s32 $0x4700;
	[sflag:s4] =	ssyncset.done $0x0  }
0x206: {  	s31 =	simm.s32 $0x1;
	s19 =	rddreg [dreg:$0x3];
	[sflag:s4] =	ssyncadd.s32 $0xFFFFC000  }
0x207: {  	[tilespmem:s30], [sflag:$0x2] =	stream.indirect.gather [hbm4b:s19+s29], $0x80, s18, s29, $0xb8;
	[tilespmem:$0x1D400] =	vst v63  }
0x208: {  	s17 =	simm.s32 $0x5000;
	_ =	swait.ge [sflag:s31], $0x8000  }
0x209: {  	s18 =	simm.s32 $0x8;
	[sflag:s31] =	ssyncset.done $0x0;
	s4 =	rddreg [dreg:$0x1d]  }
0x20a: {  	s19 =	simm.s32 $0x5080;
	[sflag:s31] =	ssyncadd.s32 $0xFFFF8000;
	s20 =	sadd.s32 $0x0, s4  }
.LBB2_64:
0x20b: {  	[hbm4b:s20+s3] =	stream.linear.scatter [tilespmem:s17], [sflag:$0x4], $0x40, $0x38;
	[tilespmem:$0x1D400] =	vst v63  }
0x20c: {  	s20 =	smov.u32 s18;
	s17 =	smov.u32 s19;
	p0 =	sne.s32 s18, $0x7F8  }
.Ltmp33:
0x20d: {  	s18 =	sadd.s32 $0x8, s18;
	(pc) =	sbr.rel @p0 .LBB2_64-.Ltmp33, $2  }
0x20e: {  	_ =	sdelay $0x2  }
0x20f: {  	s19 =	sadd.s32 $0x80, s19;
	s20 =	sadd.s32 s20, s4  }
0x210: {  	[hbm4b:s20+s3] =	stream.linear.scatter [tilespmem:s17], [sflag:$0x4], $0x40, $0x38;
	[tilespmem:$0x1D400] =	vst v63  }
0x211: {  	s2 =	simm.s32 $0x6  }
0x212: {  	s29 =	simm.s32 $0x100;
	_ =	swait.ge [sflag:s2], $0x4000  }
0x213: {  	s4 =	simm.s32 $0x15000;
	s30 =	simm.s32 $0x4800;
	[sflag:s2] =	ssyncset.done $0x0  }
0x214: {  	s31 =	simm.s32 $0x2;
	s18 =	rddreg [dreg:$0x3];
	[sflag:s2] =	ssyncadd.s32 $0xFFFFC000  }
0x215: {  	[tilespmem:s4], [sflag:$0x3] =	stream.indirect.gather [hbm4b:s18+s29], $0x80, s30, s29, $0xb8;
	[tilespmem:$0x1D400] =	vst v63  }
0x216: {  	s17 =	simm.s32 $0xD000;
	_ =	swait.ge [sflag:s31], $0x8000  }
0x217: {  	s19 =	simm.s32 $0xD080;
	[sflag:s31] =	ssyncset.done $0x0;
	s4 =	rddreg [dreg:$0x1e]  }
0x218: {  	s18 =	simm.s32 $0x8;
	[sflag:s31] =	ssyncadd.s32 $0xFFFF8000;
	s20 =	sadd.s32 $0x0, s4  }
.LBB2_66:
0x219: {  	[hbm4b:s20+s3] =	stream.linear.scatter [tilespmem:s17], [sflag:$0x5], $0x40, $0x38;
	[tilespmem:$0x1D400] =	vst v63  }
0x21a: {  	s20 =	smov.u32 s18;
	s17 =	smov.u32 s19;
	p0 =	sne.s32 s18, $0x7F8  }
.Ltmp34:
0x21b: {  	s18 =	sadd.s32 $0x8, s18;
	(pc) =	sbr.rel @p0 .LBB2_66-.Ltmp34, $2  }
0x21c: {  	_ =	sdelay $0x2  }
0x21d: {  	s19 =	sadd.s32 $0x80, s19;
	s20 =	sadd.s32 s20, s4  }
0x21e: {  	[hbm4b:s20+s3] =	stream.linear.scatter [tilespmem:s17], [sflag:$0x5], $0x40, $0x38;
	[tilespmem:$0x1D400] =	vst v63  }
0x21f: {  	s2 =	simm.s32 $0x4  }
0x220: {  	s29 =	simm.s32 $0x100;
	_ =	swait.ge [sflag:s2], $0x4000  }
0x221: {  	s30 =	simm.s32 $0x5000;
	s18 =	simm.s32 $0x4900;
	[sflag:s2] =	ssyncset.done $0x0  }
0x222: {  	s31 =	simm.s32 $0x3;
	s19 =	rddreg [dreg:$0x3];
	[sflag:s2] =	ssyncadd.s32 $0xFFFFC000  }
0x223: {  	[tilespmem:s30], [sflag:$0x1] =	stream.indirect.gather [hbm4b:s19+s29], $0x80, s18, s29, $0xb8;
	[tilespmem:$0x1D400] =	vst v63  }
0x224: {  	s17 =	simm.s32 $0x15000;
	_ =	swait.ge [sflag:s31], $0x8000  }
0x225: {  	s18 =	simm.s32 $0x8;
	[sflag:s31] =	ssyncset.done $0x0;
	s2 =	rddreg [dreg:$0x1f]  }
0x226: {  	s19 =	simm.s32 $0x15080;
	[sflag:s31] =	ssyncadd.s32 $0xFFFF8000;
	s20 =	sadd.s32 $0x0, s2  }
.LBB2_68:
0x227: {  	[hbm4b:s20+s3] =	stream.linear.scatter [tilespmem:s17], [sflag:$0x6], $0x40, $0x38;
	[tilespmem:$0x1D400] =	vst v63  }
0x228: {  	s20 =	smov.u32 s18;
	s17 =	smov.u32 s19;
	p0 =	sne.s32 s18, $0x7F8  }
.Ltmp35:
0x229: {  	s18 =	sadd.s32 $0x8, s18;
	(pc) =	sbr.rel @p0 .LBB2_68-.Ltmp35, $2  }
0x22a: {  	_ =	sdelay $0x2  }
0x22b: {  	s19 =	sadd.s32 $0x80, s19;
	s20 =	sadd.s32 s20, s2  }
0x22c: {  	[hbm4b:s20+s3] =	stream.linear.scatter [tilespmem:s17], [sflag:$0x6], $0x40, $0x38;
	[tilespmem:$0x1D400] =	vst v63  }
0x22d: {  	s2 =	simm.s32 $0x5  }
0x22e: {  	s29 =	simm.s32 $0x100;
	_ =	swait.ge [sflag:s2], $0x4000  }
0x22f: {  	s5 =	simm.s32 $0xD000;
	s30 =	simm.s32 $0x4A00;
	[sflag:s2] =	ssyncset.done $0x0  }
0x230: {  	s31 =	simm.s32 $0x1;
	s18 =	rddreg [dreg:$0x3];
	[sflag:s2] =	ssyncadd.s32 $0xFFFFC000  }
0x231: {  	[tilespmem:s5], [sflag:$0x2] =	stream.indirect.gather [hbm4b:s18+s29], $0x80, s30, s29, $0xb8;
	[tilespmem:$0x1D400] =	vst v63  }
0x232: {  	_ =	swait.ge [sflag:s31], $0x8000  }
0x233: {  	s2 =	sld [smem:$0x7FA];
	_ =	sdelay $0x1  }
0x234: {  	s17 =	simm.s32 $0x5000;
	s19 =	simm.s32 $0x5080;
	[sflag:s31] =	ssyncset.done $0x0  }
0x235: {  	s18 =	simm.s32 $0x8;
	[sflag:s31] =	ssyncadd.s32 $0xFFFF8000;
	s20 =	sadd.s32 $0x0, s2  }
.LBB2_70:
0x236: {  	[hbm4b:s20+s3] =	stream.linear.scatter [tilespmem:s17], [sflag:$0x4], $0x40, $0x38;
	[tilespmem:$0x1D400] =	vst v63  }
0x237: {  	s20 =	smov.u32 s18;
	s17 =	smov.u32 s19;
	p0 =	sne.s32 s18, $0x7F8  }
.Ltmp36:
0x238: {  	s18 =	sadd.s32 $0x8, s18;
	(pc) =	sbr.rel @p0 .LBB2_70-.Ltmp36, $2  }
0x239: {  	_ =	sdelay $0x2  }
0x23a: {  	s19 =	sadd.s32 $0x80, s19;
	s20 =	sadd.s32 s20, s2  }
0x23b: {  	[hbm4b:s20+s3] =	stream.linear.scatter [tilespmem:s17], [sflag:$0x4], $0x40, $0x38;
	[tilespmem:$0x1D400] =	vst v63  }
0x23c: {  	s5 =	simm.s32 $0x6  }
0x23d: {  	s29 =	simm.s32 $0x100;
	_ =	swait.ge [sflag:s5], $0x4000  }
0x23e: {  	s30 =	simm.s32 $0x15000;
	s18 =	simm.s32 $0x4B00;
	[sflag:s5] =	ssyncset.done $0x0  }
0x23f: {  	s31 =	simm.s32 $0x2;
	s19 =	rddreg [dreg:$0x3];
	[sflag:s5] =	ssyncadd.s32 $0xFFFFC000  }
0x240: {  	[tilespmem:s30], [sflag:$0x3] =	stream.indirect.gather [hbm4b:s19+s29], $0x80, s18, s29, $0xb8;
	[tilespmem:$0x1D400] =	vst v63  }
0x241: {  	_ =	swait.ge [sflag:s31], $0x8000  }
0x242: {  	s5 =	sld [smem:$0x7F7];
	_ =	sdelay $0x1  }
0x243: {  	s17 =	simm.s32 $0xD000;
	s18 =	simm.s32 $0x8;
	[sflag:s31] =	ssyncset.done $0x0  }
0x244: {  	s19 =	simm.s32 $0xD080;
	[sflag:s31] =	ssyncadd.s32 $0xFFFF8000;
	s20 =	sadd.s32 $0x0, s5  }
.LBB2_72:
0x245: {  	[hbm4b:s20+s3] =	stream.linear.scatter [tilespmem:s17], [sflag:$0x5], $0x40, $0x38;
	[tilespmem:$0x1D400] =	vst v63  }
0x246: {  	s20 =	smov.u32 s18;
	s17 =	smov.u32 s19;
	p0 =	sne.s32 s18, $0x7F8  }
.Ltmp37:
0x247: {  	s18 =	sadd.s32 $0x8, s18;
	(pc) =	sbr.rel @p0 .LBB2_72-.Ltmp37, $2  }
0x248: {  	_ =	sdelay $0x2  }
0x249: {  	s19 =	sadd.s32 $0x80, s19;
	s20 =	sadd.s32 s20, s5  }
0x24a: {  	[hbm4b:s20+s3] =	stream.linear.scatter [tilespmem:s17], [sflag:$0x5], $0x40, $0x38;
	[tilespmem:$0x1D400] =	vst v63  }
0x24b: {  	s5 =	simm.s32 $0x4  }
0x24c: {  	s29 =	simm.s32 $0x100;
	_ =	swait.ge [sflag:s5], $0x4000  }
0x24d: {  	s7 =	simm.s32 $0x5000;
	s30 =	simm.s32 $0x4C00;
	[sflag:s5] =	ssyncset.done $0x0  }
0x24e: {  	s31 =	simm.s32 $0x3;
	s18 =	rddreg [dreg:$0x3];
	[sflag:s5] =	ssyncadd.s32 $0xFFFFC000  }
0x24f: {  	[tilespmem:s7], [sflag:$0x1] =	stream.indirect.gather [hbm4b:s18+s29], $0x80, s30, s29, $0xb8;
	[tilespmem:$0x1D400] =	vst v63  }
0x250: {  	_ =	swait.ge [sflag:s31], $0x8000  }
0x251: {  	s5 =	sld [smem:$0x7FB];
	_ =	sdelay $0x1  }
0x252: {  	s17 =	simm.s32 $0x15000;
	s19 =	simm.s32 $0x15080;
	[sflag:s31] =	ssyncset.done $0x0  }
0x253: {  	s18 =	simm.s32 $0x8;
	[sflag:s31] =	ssyncadd.s32 $0xFFFF8000;
	s20 =	sadd.s32 $0x0, s5  }
.LBB2_74:
0x254: {  	[hbm4b:s20+s3] =	stream.linear.scatter [tilespmem:s17], [sflag:$0x6], $0x40, $0x38;
	[tilespmem:$0x1D400] =	vst v63  }
0x255: {  	s20 =	smov.u32 s18;
	s17 =	smov.u32 s19;
	p0 =	sne.s32 s18, $0x7F8  }
.Ltmp38:
0x256: {  	s18 =	sadd.s32 $0x8, s18;
	(pc) =	sbr.rel @p0 .LBB2_74-.Ltmp38, $2  }
0x257: {  	_ =	sdelay $0x2  }
0x258: {  	s19 =	sadd.s32 $0x80, s19;
	s20 =	sadd.s32 s20, s5  }
0x259: {  	[hbm4b:s20+s3] =	stream.linear.scatter [tilespmem:s17], [sflag:$0x6], $0x40, $0x38;
	[tilespmem:$0x1D400] =	vst v63  }
0x25a: {  	s7 =	simm.s32 $0x5  }
0x25b: {  	s29 =	simm.s32 $0x100;
	_ =	swait.ge [sflag:s7], $0x4000  }
0x25c: {  	s30 =	simm.s32 $0xD000;
	s18 =	simm.s32 $0x4D00;
	[sflag:s7] =	ssyncset.done $0x0  }
0x25d: {  	s31 =	simm.s32 $0x1;
	s19 =	rddreg [dreg:$0x3];
	[sflag:s7] =	ssyncadd.s32 $0xFFFFC000  }
0x25e: {  	[tilespmem:s30], [sflag:$0x2] =	stream.indirect.gather [hbm4b:s19+s29], $0x80, s18, s29, $0xb8;
	[tilespmem:$0x1D400] =	vst v63  }
0x25f: {  	_ =	swait.ge [sflag:s31], $0x8000  }
0x260: {  	s7 =	sld [smem:$0x7F8];
	_ =	sdelay $0x1  }
0x261: {  	s17 =	simm.s32 $0x5000;
	s18 =	simm.s32 $0x8;
	[sflag:s31] =	ssyncset.done $0x0  }
0x262: {  	s19 =	simm.s32 $0x5080;
	[sflag:s31] =	ssyncadd.s32 $0xFFFF8000;
	s20 =	sadd.s32 $0x0, s7  }
.LBB2_76:
0x263: {  	[hbm4b:s20+s3] =	stream.linear.scatter [tilespmem:s17], [sflag:$0x4], $0x40, $0x38;
	[tilespmem:$0x1D400] =	vst v63  }
0x264: {  	s20 =	smov.u32 s18;
	s17 =	smov.u32 s19;
	p0 =	sne.s32 s18, $0x7F8  }
.Ltmp39:
0x265: {  	s18 =	sadd.s32 $0x8, s18;
	(pc) =	sbr.rel @p0 .LBB2_76-.Ltmp39, $2  }
0x266: {  	_ =	sdelay $0x2  }
0x267: {  	s19 =	sadd.s32 $0x80, s19;
	s20 =	sadd.s32 s20, s7  }
0x268: {  	[hbm4b:s20+s3] =	stream.linear.scatter [tilespmem:s17], [sflag:$0x4], $0x40, $0x38;
	[tilespmem:$0x1D400] =	vst v63  }
0x269: {  	s7 =	simm.s32 $0x6  }
0x26a: {  	s29 =	simm.s32 $0x100;
	_ =	swait.ge [sflag:s7], $0x4000  }
0x26b: {  	s30 =	simm.s32 $0x15000;
	s18 =	simm.s32 $0x4E00;
	[sflag:s7] =	ssyncset.done $0x0  }
0x26c: {  	s31 =	simm.s32 $0x2;
	s19 =	rddreg [dreg:$0x3];
	[sflag:s7] =	ssyncadd.s32 $0xFFFFC000  }
0x26d: {  	[tilespmem:s30], [sflag:$0x3] =	stream.indirect.gather [hbm4b:s19+s29], $0x80, s18, s29, $0xb8;
	[tilespmem:$0x1D400] =	vst v63  }
0x26e: {  	_ =	swait.ge [sflag:s31], $0x8000  }
0x26f: {  	s7 =	sld [smem:$0x7FC];
	_ =	sdelay $0x1  }
0x270: {  	s17 =	simm.s32 $0xD000;
	s18 =	simm.s32 $0x8;
	[sflag:s31] =	ssyncset.done $0x0  }
0x271: {  	s19 =	simm.s32 $0xD080;
	[sflag:s31] =	ssyncadd.s32 $0xFFFF8000;
	s20 =	sadd.s32 $0x0, s7  }
.LBB2_78:
0x272: {  	[hbm4b:s20+s3] =	stream.linear.scatter [tilespmem:s17], [sflag:$0x5], $0x40, $0x38;
	[tilespmem:$0x1D400] =	vst v63  }
0x273: {  	s20 =	smov.u32 s18;
	s17 =	smov.u32 s19;
	p0 =	sne.s32 s18, $0x7F8  }
.Ltmp40:
0x274: {  	s18 =	sadd.s32 $0x8, s18;
	(pc) =	sbr.rel @p0 .LBB2_78-.Ltmp40, $2  }
0x275: {  	_ =	sdelay $0x2  }
0x276: {  	s19 =	sadd.s32 $0x80, s19;
	s20 =	sadd.s32 s20, s7  }
0x277: {  	[hbm4b:s20+s3] =	stream.linear.scatter [tilespmem:s17], [sflag:$0x5], $0x40, $0x38;
	[tilespmem:$0x1D400] =	vst v63  }
0x278: {  	s28 =	simm.s32 $0x4  }
0x279: {  	s29 =	simm.s32 $0x100;
	_ =	swait.ge [sflag:s28], $0x4000  }
0x27a: {  	s18 =	simm.s32 $0x5000;
	s19 =	simm.s32 $0x4F00;
	[sflag:s28] =	ssyncset.done $0x0  }
0x27b: {  	s31 =	simm.s32 $0x3;
	s30 =	rddreg [dreg:$0x3];
	[sflag:s28] =	ssyncadd.s32 $0xFFFFC000  }
0x27c: {  	[tilespmem:s18], [sflag:$0x1] =	stream.indirect.gather [hbm4b:s30+s29], $0x80, s19, s29, $0xb8;
	[tilespmem:$0x1D400] =	vst v63  }
0x27d: {  	_ =	swait.ge [sflag:s31], $0x8000  }
0x27e: {  	s17 =	simm.s32 $0x15000;
	s20 =	sadd.s32 $0x0, s8;
	[sflag:s31] =	ssyncset.done $0x0  }
0x27f: {  	s18 =	simm.s32 $0x8;
	s19 =	simm.s32 $0x15080;
	[sflag:s31] =	ssyncadd.s32 $0xFFFF8000  }
.LBB2_80:
0x280: {  	[hbm4b:s20+s3] =	stream.linear.scatter [tilespmem:s17], [sflag:$0x6], $0x40, $0x38;
	[tilespmem:$0x1D400] =	vst v63  }
0x281: {  	s20 =	smov.u32 s18;
	s17 =	smov.u32 s19;
	p0 =	sne.s32 s18, $0x7F8  }
.Ltmp41:
0x282: {  	s18 =	sadd.s32 $0x8, s18;
	(pc) =	sbr.rel @p0 .LBB2_80-.Ltmp41, $2  }
0x283: {  	_ =	sdelay $0x2  }
0x284: {  	s19 =	sadd.s32 $0x80, s19;
	s20 =	sadd.s32 s20, s8  }
0x285: {  	[hbm4b:s20+s3] =	stream.linear.scatter [tilespmem:s17], [sflag:$0x6], $0x40, $0x38;
	[tilespmem:$0x1D400] =	vst v63  }
0x286: {  	s31 =	simm.s32 $0x1  }
0x287: {  	_ =	swait.ge [sflag:s31], $0x8000  }
0x288: {  	s17 =	simm.s32 $0x5000;
	s18 =	simm.s32 $0x8;
	[sflag:s31] =	ssyncset.done $0x0  }
0x289: {  	s20 =	sadd.s32 $0x0, s9;
	s19 =	simm.s32 $0x5080;
	[sflag:s31] =	ssyncadd.s32 $0xFFFF8000  }
.LBB2_82:
0x28a: {  	[hbm4b:s20+s3] =	stream.linear.scatter [tilespmem:s17], [sflag:$0x4], $0x40, $0x38;
	[tilespmem:$0x1D400] =	vst v63  }
0x28b: {  	s20 =	smov.u32 s18;
	s17 =	smov.u32 s19;
	p0 =	sne.s32 s18, $0x7F8  }
.Ltmp42:
0x28c: {  	s18 =	sadd.s32 $0x8, s18;
	(pc) =	sbr.rel @p0 .LBB2_82-.Ltmp42, $2  }
0x28d: {  	_ =	sdelay $0x2  }
0x28e: {  	s19 =	sadd.s32 $0x80, s19;
	s20 =	sadd.s32 s20, s9  }
0x28f: {  	(xrf0) =	vadd.scan.msk.s32 $0xffff, v1;
	_ =	sdelay $0x5  }
0x290: {  	v1, _, _ =	vpop (xrf0)  }
0x291: {  	(v2sf) =	vpush v1, $0xF;
	_ =	sdelay $0xd  }
0x292: {  	[hbm4b:s20+s3] =	stream.linear.scatter [tilespmem:s17], [sflag:$0x4], $0x40, $0x38;
	[tilespmem:$0x1D400] =	vst v63  }
0x293: {  	s18 =	simm.s32 $0x6;
	s29 =	spop (v2sf)  }
0x294: {  	_ =	swait.ge [sflag:s18], $0x4000  }
0x295: {  	[sflag:s18] =	ssyncset.done $0x0  }
0x296: {  	s30 =	simm.s32 $0x4;
	[sflag:s18] =	ssyncadd.s32 $0xFFFFC000  }
0x297: {  	p0 =	slt.s32 s29, $0x1;
	_ =	swait.ge [sflag:s30], $0x4000  }
.Ltmp43:
0x298: {  	[sflag:s30] =	ssyncset.done $0x0;
	(pc) =	sbr.rel @p0 .LBB2_87-.Ltmp43, $4  }
0x299: {  	s31 =	simm.s32 $0x5;
	[sflag:s30] =	ssyncadd.s32 $0xFFFFC000  }
0x29a: {  	_ =	swait.ge [sflag:s31], $0x4000  }
0x29b: {  	[sflag:s31] =	ssyncset.done $0x0  }
0x29c: {  	s18 =	sld [smem:$0x7F5];
	[sflag:s31] =	ssyncadd.s32 $0xFFFFC000  }
0x29d: {  	s17 =	simm.s32 $0x0  }
0x29e: {  	v1 =	vld [tilespmem:s17+$0x0];
	_ =	sdelay $0x4  }
0x29f: {  	vm0 =	vgt.s32 v1, $0xF423F  }
0x2a0: {  	v2 =	vsel vm0, $0x1, v0  }
0x2a1: {  	(xrf0) =	vadd.scan.msk.s32 $0xffff, v2;
	_ =	sdelay $0x5  }
0x2a2: {  	v2, _, _ =	vpop (xrf0)  }
0x2a3: {  	(v2sf) =	vpush v2, $0xF;
	_ =	sdelay $0xe  }
0x2a4: {  	s31 =	spop (v2sf)  }
0x2a5: {  	p0 =	slt.s32 s31, $0x1  }
0x2a6: {  	s23 =	rddreg [dreg:$0x14];
	v2 =	vadd.s32 @!p0 $0xFFF0BDC0, v1;
	v3 =	vlaneseq.u32 @!p0  }
0x2a7: {  	vm0 =	vlt.s32 @!p0 v2, $0x3F;
	v3 =	vor.u32 @!p0 s23, v3  }
0x2a8: {  	v2 =	vnsel @!p0 vm0, $0x3F, v2;
	v4 =	vshll.u32 @!p0 v3, $0x6  }
0x2a9: {  	v4 =	vadd.s32 @!p0 v4, v2  }
0x2aa: {  	vm0 =	vgt.s32 @!p0 v1, $0xF423F;
	v1 =	vxor.u32 @!p0 $0x80000000, v4  }
0x2ab: {  	v1 =	vnsel @!p0 vm0, $0x7FFFFFFF, v1  }
0x2ac: {  	(xrf0) =	vmax.scan.msk.u32 @!p0 $0xffff, v1;
	_ =	sdelay $0x5  }
0x2ad: {  	v1, _, _ =	vpop @!p0 (xrf0)  }
0x2ae: {  	(v2sf) =	vpush @!p0 v1, $0xF;
	_ =	sdelay $0xe  }
0x2af: {  	s17 =	spop @!p0 (v2sf)  }
0x2b0: {  	s18 =	sand.u32 @!p0 $0x3F, s17  }
0x2b1: {  	v1 =	vnsel @!p0 vm0, s18, v2;
	_ =	sdelay $0x1  }
0x2b2: {  	s25 =	sld [smem:$0x7F6];
	s17 =	sshra.s32 @!p0 s17, $0x6  }
0x2b3: {  	s17 =	sxor.u32 @!p0 $0xFE000000, s17  }
0x2b4: {  	s20 =	simm.s32 @!p0 $0x7;
	s18 =	simm.s32 @!p0 $0x1D000;
	v2 =	vnsel @!p0 vm0, s17, v3;
	vm0 =	vmmov @!p0 $0xffff;
	s17 =	simm.s32 @!p0 $0x0  }
0x2b5: {  	[tilespmem:s18], [sflag:$0x7] =	stream.indirect_vreg.gather @!p0 [hbm4b:s25+s17], $0x40, v1, vm0, $0xb8;
	[tilespmem:$0x1D400] =	vst v63  }
0x2b6: {  	_ =	swait.ge @!p0 [sflag:s20], $0x400  }
0x2b7: {  	[sflag:s20] =	ssyncset.done @!p0 $0x0  }
0x2b8: {  	[sflag:s20] =	ssyncadd.s32 @!p0 $0xFFFFFC00  }
0x2b9: {  	[hbm4b:s21+s17] =	stream.indirect_vreg.scatter @!p0 [tilespmem:s18], [sflag:$0x7], $0x40, v2, vm0, $0xb8;
	[tilespmem:$0x1D400] =	vst v63  }
0x2ba: {  	s19 =	simm.s32 $0x80;
	_ =	swait.ge @!p0 [sflag:s20], $0x400  }
0x2bb: {  	s18 =	simm.s32 $0x40;
	s17 =	sadd.s32 $0x10, s23;
	[sflag:s20] =	ssyncset.done @!p0 $0x0  }
.LBB2_85:
0x2bc: {  	s24 =	smov.u32 s21;
	s21 =	sshra.s32 s18, $0x2  }
0x2bd: {  	[sflag:s20] =	ssyncadd.s32 @!p0 $0xFFFFFC00;
	s18 =	smov.u32 s19;
	s19 =	sadd.s32 $0x40, s19  }
0x2be: {  	p1 =	sne.s32 s19, $0xA000;
	v1 =	vld [tilespmem:s21+$0x0];
	_ =	sdelay $0x4  }
0x2bf: {  	vm0 =	vgt.s32 v1, $0xF423F  }
0x2c0: {  	v2 =	vsel vm0, $0x1, v0  }
0x2c1: {  	(xrf0) =	vadd.scan.msk.s32 $0xffff, v2;
	_ =	sdelay $0x5  }
0x2c2: {  	v2, _, _ =	vpop (xrf0)  }
0x2c3: {  	(v2sf) =	vpush v2, $0xF;
	_ =	sdelay $0xe  }
0x2c4: {  	s20 =	spop (v2sf)  }
0x2c5: {  	p0 =	slt.s32 s20, $0x1  }
0x2c6: {  	v2 =	vadd.s32 @!p0 $0xFFF0BDC0, v1;
	v3 =	vlaneseq.u32 @!p0  }
0x2c7: {  	vm0 =	vlt.s32 @!p0 v2, $0x3F;
	v3 =	vor.u32 @!p0 s17, v3  }
0x2c8: {  	v2 =	vnsel @!p0 vm0, $0x3F, v2;
	v4 =	vshll.u32 @!p0 v3, $0x6  }
0x2c9: {  	v4 =	vadd.s32 @!p0 v4, v2  }
0x2ca: {  	vm0 =	vgt.s32 @!p0 v1, $0xF423F;
	v1 =	vxor.u32 @!p0 $0x80000000, v4  }
0x2cb: {  	v1 =	vnsel @!p0 vm0, $0x7FFFFFFF, v1  }
0x2cc: {  	(xrf0) =	vmax.scan.msk.u32 @!p0 $0xffff, v1;
	_ =	sdelay $0x5  }
0x2cd: {  	v1, _, _ =	vpop @!p0 (xrf0)  }
0x2ce: {  	(v2sf) =	vpush @!p0 v1, $0xF;
	_ =	sdelay $0xe  }
0x2cf: {  	s20 =	spop @!p0 (v2sf)  }
0x2d0: {  	s21 =	sand.u32 @!p0 $0x3F, s20;
	s20 =	sshra.s32 @!p0 s20, $0x6  }
0x2d1: {  	v1 =	vnsel @!p0 vm0, s21, v2;
	s20 =	sxor.u32 @!p0 $0xFE000000, s20  }
0x2d2: {  	v2 =	vnsel @!p0 vm0, s20, v3;
	_ =	sdelay $0x2  }
0x2d3: {  	s23 =	simm.s32 @!p0 $0x1D000;
	s21 =	simm.s32 @!p0 $0x0;
	vm0 =	vmmov @!p0 $0xffff;
	s20 =	simm.s32 @!p0 $0x7  }
0x2d4: {  	[tilespmem:s23], [sflag:$0x7] =	stream.indirect_vreg.gather @!p0 [hbm4b:s25+s21], $0x40, v1, vm0, $0xb8;
	[tilespmem:$0x1D400] =	vst v63  }
0x2d5: {  	_ =	swait.ge @!p0 [sflag:s20], $0x400  }
0x2d6: {  	[sflag:s20] =	ssyncset.done @!p0 $0x0  }
.Ltmp44:
0x2d7: {  	[sflag:s20] =	ssyncadd.s32 @!p0 $0xFFFFFC00;
	(pc) =	sbr.rel @p1 .LBB2_85-.Ltmp44, $4  }
0x2d8: {  	[hbm4b:s24+s21] =	stream.indirect_vreg.scatter @!p0 [tilespmem:s23], [sflag:$0x7], $0x40, v2, vm0, $0xb8;
	[tilespmem:$0x1D400] =	vst v63  }
0x2d9: {  	s21 =	smov.u32 s24  }
0x2da: {  	_ =	swait.ge @!p0 [sflag:s20], $0x400  }
0x2db: {  	s17 =	sadd.s32 $0x10, s17;
	[sflag:s20] =	ssyncset.done @!p0 $0x0  }
.Ltmp45:
0x2dc: {  	_ = 	snop;
	(pc) =	sbr.rel .LBB2_86-.Ltmp45, $1  }
0x2dd: {  	_ =	sdelay $0x3  }
.LBB2_88:
0x2de: {  	_ =	sfence.sel $0x180000  }
0x2df: {  	[bflag:$0x0] =	sbarrier.arrive $0xFFFF  }
0x2e0: {  	_ =	strace $0x90000047  }
0x2e1: {  	s0 =	stileid.u32;
	[bflag:$0x2] =	sbarrier.arrive $0xFFFF  }
0x2e2: {  	p0 =	sne.s32 s0, $0x0;
	s0 =	rddreg [dreg:$0x2]  }
0x2e3: {  	s0 =	sadd.s32 @!p0 $0x100000, s0  }
0x2e4: {  	[sflag:s0] =	ssyncadd.tile.s32 @!p0 $0x1;
	_ =	shalt  }
.Lfunc_end2:
_tile_overlayer_lowered:
.L_overlay_start_2:
0x2e5: {  	(tag) =	ssettag $0x2  }
0x2e6: {  	s0 =	rddreg [dreg:$0x0];
	s2 =	stileid.u32  }
0x2e7: {  	s1 =	rddreg [dreg:$0x1];
	p0 =	sne.s32 s2, $0x0  }
0x2e8: {  	s3 =	rddreg [dreg:$0x2];
	[bflag:$0x3] =	sbarrier.arrive $0xFFFF;
	s2 =	simm.s32 @!p0 $0x1C08  }
0x2e9: {  	[timem:s3], [sflag:s2] =	dma.local @!p0 [hbm:s0], s1  }
0x2ea: {  	s0 =	simm.s32 @!p0 $0x8  }
0x2eb: {  	_ =	swait.ge @!p0 [sflag:s0], s1  }
0x2ec: {  	s1 =	ssub.s32 @!p0 $0x0, s1;
	[sflag:s0] =	ssyncset.done @!p0 $0x0  }
0x2ed: {  	[sflag:s0] =	ssyncadd.s32 @!p0 s1  }
0x2ee: {  	[bflag:$0x3] =	sbarrier.arrive $0xFFFF  }
0x2ef: {  	_ =	shalt  }

// kernel: sparse-core-data-format-call.cloned.1.call-start
scs
called_computation_lowered:
.L_overlay_start_0:
0x0: {  	s2 =	sld [smem:$0x3FD9]  }
0x1: {  	s3 =	sld [smem:$0x3FFE];
	_ =	sdelay $0x1  }
0x2: {  	s1 =	srdreg.scid  }
0x3: {  	s0 =	sand.u32 $0x1, s1  }
0x4: {  	s18 =	sshll.u32 s0, $0xA;
	s2 =	sadd.s32 s3, s2  }
0x5: {  	s2 =	sadd.s32 s2, s18  }
0x6: {  	[smem:$0x3FC5] =	sst s2  }
0x7: {  	_ = 	snop  }
0x8: {  	s2 =	sld [smem:$0x3FD0];
	(tm) =	ssettm $0x1  }
0x9: {  	s19 =	sld [smem:$0x3FFB];
	_ =	sdelay $0x3  }
0xa: {  	_ =	strace s19  }
0xb: {  	s3 =	sld [smem:$0x3FFC];
	_ =	sdelay $0x3  }
0xc: {  	_ =	strace s3  }
0xd: {  	s3 =	sld [smem:$0x3FFD];
	_ =	sdelay $0x3  }
0xe: {  	_ =	strace s3  }
0xf: {  	_ =	strace $0x8FFFFFFF  }
0x10: {  	s20 =	sld [smem:$0x3FDB];
	_ =	sdelay $0x1  }
0x11: {  	s4 =	simm.s32 $_scs_section_size  }
0x12: {  	s5 =	simm.s32 $_size__tile_overlayer_lowered;
	s6 =	simm.s32 $_tile_overlayer_lowered  }
0x13: {  	s23 =	simm.s32 $0x1BFF;
	s22 =	sshll.u32 s6, $0x1;
	s3 =	sadd.s32 s4, s20  }
0x14: {  	s7 =	simm.s32 $0x0;
	s21 =	sshll.u32 s5, $0x1;
	s5 =	sadd.s32 s22, s3  }
0x15: {  	[timem:s7], [sflag:s23] =	dma.local [hbm:s5], s21  }
0x16: {  	_ =	swait.ge [sflag:s23], s21  }
0x17: {  	s4 =	ssub.s32 $0x0, s21;
	[sflag:s23] =	ssyncset.done $0x0  }
0x18: {  	[sflag:s23] =	ssyncadd.s32 s4;
	_ =	sdelay $0x1  }
0x19: {  	s24 =	simm.s32 $0x1B8B  }
0x1a: {  	_ =	swait.ge [sflag:s24], $0x1  }
0x1b: {  	[sflag:s24] =	ssyncset.done $0x0  }
0x1c: {  	s26 =	simm.s32 $0x1B8E;
	s25 =	sld [smem:$0x3FFE];
	[sflag:s24] =	ssyncadd.s32 $0xFFFFFFFF  }
0x1d: {  	s27 =	simm.s32 $execute0_lowered;
	[smem:$0x3FD2] =	sst s26  }
0x1e: {  	s5 =	sshll.u32 s27, $0x1;
	_ =	strace $0x80000049;
	[dreg:$0x1] =	wrdreg $0xFFFFFFFF  }
0x1f: {  	s28 =	simm.s32 $_size_execute0_lowered;
	s3 =	sadd.s32 s3, s5;
	[dreg:$0x0] =	wrdreg $0x0  }
0x20: {  	s5 =	sshll.u32 s28, $0x1;
	[dreg:$0x2] =	wrdreg s3  }
0x21: {  	[dreg:$0x3] =	wrdreg s5  }
0x22: {  	[dreg:$0x4] =	wrdreg $0xC0  }
0x23: {  	_ =	task [dreg:s7], $0x5FFFF  }
0x24: {  	[dreg:$0x1] =	wrdreg $0xFFFFFFFF  }
0x25: {  	[dreg:$0x0] =	wrdreg $0x60  }
0x26: {  	[dreg:$0x2] =	wrdreg s25  }
0x27: {  	[dreg:$0x3] =	wrdreg s2  }
0x28: {  	[dreg:$0x4] =	wrdreg $0x9  }
0x29: {  	_ =	task.clear_ibuf [dreg:s7], $0x5FFFF;
	_ =	strace $0x90000049  }
0x2a: {  	s29 =	simm.s32 $0x9;
	_ =	strace $0x8000004B  }
0x2b: {  	_ =	swait.ge [sflag:s29], $0x1  }
0x2c: {  	[sflag:s29] =	ssyncadd.s32 $0xFFFFFFFF  }
0x2d: {  	_ =	strace $0x9000004B  }
0x2e: {  	_ =	sfence  }
0x2f: {  	s30 =	sld [smem:$0x0];
	_ =	sdelay $0x2  }
0x30: {  	s31 =	sshll.u32 s1, $0xD;
	s1 =	sshrl.u32 s1, $0x2  }
0x31: {  	s3 =	sand.u32 $0x4000, s31;
	s1 =	sadd.s32 s1, s30  }
0x32: {  	s0 =	sor.u32 s3, s0;
	s1 =	sshll.u32 s1, $0x11  }
0x33: {  	s0 =	sor.u32 s1, s0  }
0x34: {  	s0 =	sadd.s32 $0x8F2B, s0  }
0x35: {  	[sflag:s0] =	ssyncadd.remote.s32 $0x1  }
0x36: {  	_ =	sfence.sel $0xFFFF  }
0x37: {  	[dreg:$0x0] =	wrdreg $0xFFFFFFFF;
	(pc) =	sbr.abs _section_cstart, $3  }
0x38: {  	[dreg:$0x1] =	wrdreg $0xFFFFFFFF  }
0x39: {  	_ =	task.clear_ibuf [dreg:s7], $0x2FFFF;
	_ =	strace $0x9FFFFFFF  }
0x3a: {  	(tm) =	ssettm $0x7FFFFFFF  }
0x3b: {  	_ =	shalt  }
tec
execute0_lowered:
.L_overlay_start_1:
0x0: {  	(tag) =	ssettag $0x1  }
0x1: {  	s0 =	srdreg.scid  }
0x2: {  	s1 =	sshll.u32 s0, $0x4  }
0x3: {  	s0 =	stileid.u32;
	s1 =	sand.u32 $0x10, s1  }
0x4: {  	s1 =	sor.u32 s0, s1  }
0x5: {  	s6 =	rddreg [dreg:$0x0];
	s4 =	simm.s32 $0x1;
	s2 =	sshll.u32 s1, $0x7  }
0x6: {  	s7 =	simm.s32 $0x2;
	s12 =	simm.s32 $0x0;
	s1 =	ssub.s32 $0x4000, s2  }
0x7: {  	s8 =	simm.s32 $0x20000;
	s13 =	simm.s32 $0x0;
	s3 =	sand.u32 $0xF80, s1  }
0x8: {  	s9 =	simm.s32 $0x0;
	s5 =	sshrl.u32 s1, $0xC;
	p0 =	sne.s32 s3, $0x0  }
.Ltmp0:
0x9: {  	s1 =	rddreg [dreg:$0x2];
	s4 =	simm.s32 @!p0 $0x0;
	(pc) =	sbr.rel .LBB1_1-.Ltmp0, $4  }
0xa: {  	s11 =	simm.s32 $0x0;
	s3 =	rddreg [dreg:$0x1];
	s5 =	sadd.s32 s4, s5  }
0xb: {  	_ =	strace $0x8000004A;
	s4 =	simm.s32 $0x1;
	s5 =	smul.u32 $0x14, s5  }
0xc: {  	s6 =	sadd.s32 $0xC00, s6;
	s10 =	smov.u32 s2;
	[sflag:s4] =	ssyncpa.u1 $0x0  }
0xd: {  	p0 =	por $0x0, $0x0;
	[sflag:s7] =	ssyncpa.u1 $0x0;
	s7 =	sor.u32 $0x1, s5  }
.LBB1_4:
0xe: {  	s16 =	sshll.u32 s13, $0x3;
	s17 =	sand.u32 $0x78, s13  }
0xf: {  	s30 =	sand.u32 $0x1F800, s13;
	s12 =	sshll.u32 s12, $0x11;
	s16 =	sand.u32 $0x3C00, s16  }
0x10: {  	[tilespmem:s15+$0x810 ss:$0x81] =	vst.msk $0xffff, v2;
	s31 =	sand.u32 $0x7, s13;
	s16 =	sor.u32 s17, s16;
	s17 =	sadd.s32 s3, s30  }
0x11: {  	[tilespmem:s15+$0x1020 ss:$0x81] =	vst.msk $0xffff, v0;
	s13 =	sshll.u32 s31, $0x12;
	s12 =	sadd.s32 s12, s17;
	s16 =	sshrl.u32 s16, $0x3  }
0x12: {  	[tilespmem:s15+$0x0 ss:$0x81] =	vst.msk $0xffff, v1;
	s13 =	sor.u32 $0x400, s13;
	s12 =	sadd.s32 s16, s12  }
0x13: {  	[hbm4b:s12+s13] =	stream.strided.scatter [tilespmem:s14], [sflag:$0x2], $0x2000, s8, s13, $0x20;
	[tilespmem:$0x8080] =	vst v63  }
.LBB1_5:
0x14: {  	s14 =	sadd.s32 $0x1, s9  }
0x15: {  	s12 =	sadd.s32 $0x1000, s10;
	s16 =	smov.u32 s10;
	p2 =	sgt.s32 s14, $0x13  }
0x16: {  	s16 =	smov.u32 @p2 s12  }
0x17: {  	s14 =	simm.s32 @p2 $0x0;
	p2 =	sgt.s32 s16, $0x3FFF  }
0x18: {  	s16 =	smov.u32 @p2 s2;
	p2 =	sne.s32 s11, s7  }
.Ltmp1:
0x19: {  	p1 =	slt.u32 s11, $0x2;
	(pc) =	sbr.rel @!p2 .LBB1_6-.Ltmp1, $4  }
0x1a: {  	s15 =	simm.s32 @!p1 $0x2  }
0x1b: {  	s13 =	smov.u32 s10;
	p0 =	por !p0, !p0;
	_ =	swait.ge @!p1 [sflag:s15], $0x2000  }
0x1c: {  	s12 =	smov.u32 s9;
	[sflag:s15] =	ssyncset.done @!p1 $0x0;
	s9 =	smov.u32 s14  }
0x1d: {  	s11 =	sadd.s32 $0x1, s11;
	[sflag:s15] =	ssyncadd.s32 @!p1 $0xFFFFE000;
	s10 =	smov.u32 s16  }
.LBB1_1:
0x1e: {  	p1 =	sge.u32 s11, s5  }
0x1f: {  	s14 =	sand.u32 @!p1 $0x1FFFFFF, s9  }
0x20: {  	s15 =	smulhi.u32 @!p1 $0xAAAAAAB, s14;
	_ =	sdelay $0x1  }
0x21: {  	s15 =	smul.u32 @!p1 $0x18, s15  }
0x22: {  	s16 =	sxor.u32 @!p1 $0xFFFFFFFF, s11;
	s17 =	smul.u32 @!p1 $0x180, s10  }
0x23: {  	s31 =	sadd.s32 $0xFFFFFFFF, s11;
	s16 =	sshll.u32 @!p1 s16, $0xD;
	s14 =	ssub.s32 @!p1 s14, s15  }
0x24: {  	s15 =	sand.u32 @!p1 $0x2000, s16;
	s16 =	sadd.s32 @!p1 s6, s17;
	s14 =	sshll.u32 @!p1 s14, $0x4  }
0x25: {  	s17 =	simm.s32 @!p1 $0xC00;
	s14 =	sadd.s32 @!p1 s14, s16;
	s16 =	simm.s32 @!p1 $0x40  }
0x26: {  	[tilespmem:s15], [sflag:$0x1] =	stream.strided.gather @!p1 [hbm4b:s14+s16], $0x2000, s17, s16, $0x38;
	[tilespmem:$0x8080] =	vst v63  }
0x27: {  	p1 =	sge.u32 s31, s5  }
.Ltmp2:
0x28: {  	_ = 	snop;
	(pc) =	sbr.rel @p1 .LBB1_5-.Ltmp2, $1  }
0x29: {  	_ =	sdelay $0x3  }
0x2a: {  	s14 =	simm.s32 $0x1  }
0x2b: {  	_ =	swait.ge [sflag:s4], $0x2000;
	s14 =	simm.s32 @!p0 $0x0  }
0x2c: {  	[sflag:s4] =	ssyncset.done $0x0;
	s15 =	sshll.u32 s14, $0xD  }
0x2d: {  	[sflag:s4] =	ssyncadd.s32 $0xFFFFE000;
	s18 =	sor.u32 $0x20, s15  }
0x2e: {  	s14 =	smul.u32 $0x8100, s14;
	v3 =	vld [tilespmem:s18+$0x10]  }
0x2f: {  	s30 =	sand.u32 $0x1, s11;
	v2 =	vld [tilespmem:s18+$0xFFFFFFF0]  }
0x30: {  	s15 =	smul.u32 $0x8100, s30;
	s14 =	sshrl.u32 s14, $0x2;
	v0 =	vld [tilespmem:s18+$0x0]  }
0x31: {  	v1 =	vld [tilespmem:s18+$0xFFFFFFE0];
	s16 =	sor.u32 $0x4000, s14  }
0x32: {  	s31 =	sshrl.u32 s15, $0x2;
	s15 =	sadd.s32 $0x0, s16  }
0x33: {  	s17 =	simm.s32 $0x4;
	s18 =	sadd.s32 $0x40, s18;
	s14 =	sor.u32 $0x4000, s31;
	[tilespmem:s15+$0x1830 ss:$0x81] =	vst.msk $0xffff, v3  }
.LBB1_3:
0x34: {  	v3 =	vld [tilespmem:s18+$0x10];
	p1 =	sne.s32 s17, $0x1FC;
	[tilespmem:s15+$0x810 ss:$0x81] =	vst.msk $0xffff, v2;
	s19 =	smov.u32 s17;
	s17 =	sadd.s32 $0x4, s17  }
.Ltmp3:
0x35: {  	v2 =	vld [tilespmem:s18+$0xFFFFFFF0];
	[tilespmem:s15+$0x1020 ss:$0x81] =	vst.msk $0xffff, v0;
	(pc) =	sbr.rel @p1 .LBB1_3-.Ltmp3, $4  }
0x36: {  	v0 =	vld [tilespmem:s18+$0x0];
	[tilespmem:s15+$0x0 ss:$0x81] =	vst.msk $0xffff, v1  }
0x37: {  	s15 =	sshra.s32 s19, $0x2;
	v1 =	vld [tilespmem:s18+$0xFFFFFFE0]  }
0x38: {  	s15 =	sadd.s32 s15, s16  }
0x39: {  	s18 =	sadd.s32 $0x40, s18;
	[tilespmem:s15+$0x1830 ss:$0x81] =	vst.msk $0xffff, v3  }
.Ltmp4:
0x3a: {  	_ = 	snop;
	(pc) =	sbr.rel .LBB1_4-.Ltmp4, $1  }
0x3b: {  	_ =	sdelay $0x3  }
.LBB1_6:
0x3c: {  	_ =	sfence.sel $0x180000  }
0x3d: {  	s2 =	simm.s32 $0x1;
	[bflag:$0x0] =	sbarrier.arrive $0xFFFF  }
0x3e: {  	s31 =	simm.s32 $0x2;
	[sflag:s2] =	ssyncpa.u1 $0x1  }
0x3f: {  	[sflag:s31] =	ssyncpa.u1 $0x1  }
0x40: {  	p0 =	sne.s32 s0, $0x0;
	_ =	strace $0x9000004A  }
0x41: {  	s0 =	sadd.s32 @!p0 $0x100000, s1;
	[bflag:$0x2] =	sbarrier.arrive $0xFFFF  }
0x42: {  	[sflag:s0] =	ssyncadd.tile.s32 @!p0 $0x1;
	_ =	shalt  }
.Lfunc_end1:
_tile_overlayer_lowered:
.L_overlay_start_2:
0x43: {  	(tag) =	ssettag $0x2  }
0x44: {  	s0 =	rddreg [dreg:$0x0];
	s2 =	stileid.u32  }
0x45: {  	s1 =	rddreg [dreg:$0x1];
	p0 =	sne.s32 s2, $0x0  }
0x46: {  	s3 =	rddreg [dreg:$0x2];
	[bflag:$0x3] =	sbarrier.arrive $0xFFFF;
	s2 =	simm.s32 @!p0 $0x1C01  }
0x47: {  	[timem:s3], [sflag:s2] =	dma.local @!p0 [hbm:s0], s1  }
0x48: {  	s0 =	simm.s32 @!p0 $0x1  }
0x49: {  	_ =	swait.ge @!p0 [sflag:s0], s1  }
0x4a: {  	s1 =	ssub.s32 @!p0 $0x0, s1;
	[sflag:s0] =	ssyncset.done @!p0 $0x0  }
0x4b: {  	[sflag:s0] =	ssyncadd.s32 @!p0 s1  }
0x4c: {  	[bflag:$0x3] =	sbarrier.arrive $0xFFFF  }
0x4d: {  	_ =	shalt  }

</sc_bundles>
